<compile_context>
chip_gen: v7x
topology: tpu7x:2x2x1
jax: 0.10.2.dev20260603
libtpu: 0.0.44.dev20260713+nightly
codegen_flags: <defaults>
</compile_context>

<pallas_src>
import functools

import jax
import jax.numpy as jnp
from jax import lax
from jax.experimental import pallas as pl
from jax.experimental.pallas import tpu as pltpu
from jax.experimental.pallas import tpu_sc as plsc

_B, _S, _H = 1, 2048, 1024
_E, _K, _I = 64, 2, 512
_T = _B * _S
_NP = _T * _K
_BM = 64
_P = 8192
_NB = _P // _BM
_TB = 256
_NTB = _T // _TB
_NW = 32
_DPW = _P // _NW
_TPW = _T // _NW


def _router_body(x_ref, gw_ref, sel0_ref, sel1_ref, rw0_ref, rw1_ref):
    x = x_ref[...]
    gw = gw_ref[...]
    logits = lax.dot_general(x, gw, (((1,), (1,)), ((), ())),
                             preferred_element_type=jnp.float32)
    col = lax.broadcasted_iota(jnp.int32, logits.shape, 1)
    m1 = jnp.max(logits, axis=1, keepdims=True)
    a1 = jnp.min(jnp.where(logits == m1, col, _E), axis=1, keepdims=True)
    masked = jnp.where(col == a1, -jnp.inf, logits)
    m2 = jnp.max(masked, axis=1, keepdims=True)
    a2 = jnp.min(jnp.where(masked == m2, col, _E), axis=1, keepdims=True)
    e = jnp.exp(m2 - m1)
    r0 = 1.0 / (1.0 + e)
    sel0_ref[0, 0, :] = a1[:, 0]
    sel1_ref[0, 0, :] = a2[:, 0]
    rw0_ref[0, 0, :] = r0[:, 0]
    rw1_ref[0, 0, :] = (e * r0)[:, 0]


def _ffn_body(be_ref, x_ref, w1_ref, w2_ref, ws_ref, out_ref):
    del be_ref
    x = x_ref[...].astype(jnp.bfloat16)
    w1 = w1_ref[0].astype(jnp.bfloat16)
    gu = lax.dot_general(x, w1, (((1,), (1,)), ((), ())),
                         preferred_element_type=jnp.float32)
    g = gu[:, :_I]
    u = gu[:, _I:]
    act = (g * jax.nn.sigmoid(g) * u).astype(jnp.bfloat16)
    w2 = w2_ref[0].astype(jnp.bfloat16)
    out = lax.dot_general(act, w2, (((1,), (1,)), ((), ())),
                          preferred_element_type=jnp.float32)
    out_ref[...] = out * ws_ref[0, 0, :][:, None]


_CH = 32


def _dispatch_body(idx_hbm, src_hbm, out_hbm, idx_v, rows_a, rows_b,
                   sga, sgb, swa, swb):
    wid = lax.axis_index("s") * 2 + lax.axis_index("c")
    base = wid * _DPW
    pltpu.sync_copy(idx_hbm.at[pl.ds(base, _DPW)], idx_v)
    bufs = (rows_a, rows_b)
    gsem = (sga, sgb)
    wsem = (swa, swb)
    nc = _DPW // _CH
    g = [None] * nc
    w = [None] * nc
    for c in range(2):
        g[c] = pltpu.async_copy(
            src_hbm.at[idx_v.at[pl.ds(c * _CH, _CH)]], bufs[c], gsem[c])
    for c in range(nc):
        b = c & 1
        g[c].wait()
        w[c] = pltpu.async_copy(
            bufs[b], out_hbm.at[pl.ds(base + c * _CH, _CH)], wsem[b])
        if c + 2 < nc:
            w[c].wait()
            g[c + 2] = pltpu.async_copy(
                src_hbm.at[idx_v.at[pl.ds((c + 2) * _CH, _CH)]],
                bufs[b], gsem[b])
    w[nc - 2].wait()
    w[nc - 1].wait()


def _combine_body(p0_hbm, p1_hbm, osr_hbm, out_hbm, i0_v, i1_v, b0_v, b1_v,
                  sem):
    wid = lax.axis_index("s") * 2 + lax.axis_index("c")
    base = wid * _TPW
    pltpu.sync_copy(p0_hbm.at[pl.ds(base, _TPW)], i0_v)
    pltpu.sync_copy(p1_hbm.at[pl.ds(base, _TPW)], i1_v)
    for c in range(_TPW // 32):
        pltpu.async_copy(osr_hbm.at[i0_v.at[pl.ds(c * 32, 32)]],
                         b0_v, sem).wait()
        pltpu.async_copy(osr_hbm.at[i1_v.at[pl.ds(c * 32, 32)]],
                         b1_v, sem).wait()

        def row(r, carry):
            for j in range(_H // 16):
                sl = pl.ds(j * 16, 16)
                b0_v[r, sl] = b0_v[r, sl] + b1_v[r, sl]
            return carry

        lax.fori_loop(0, 32, row, None)
        pltpu.sync_copy(b0_v, out_hbm.at[pl.ds(base + c * 32, 32)])


def _routing_meta(sel0, sel1, rw0, rw1):
    sel = jnp.stack([sel0, sel1], axis=1)
    rwf = jnp.stack([rw0, rw1], axis=1).reshape(-1)
    ep = sel.reshape(-1)
    order = jnp.argsort(ep, stable=True).astype(jnp.int32)
    es = ep[order]
    ohb = es[:, None] == jnp.arange(_E, dtype=jnp.int32)[None, :]
    counts = jnp.sum(ohb, axis=0, dtype=jnp.int32)
    offs = jnp.concatenate(
        [jnp.zeros((1,), jnp.int32), jnp.cumsum(counts)[:-1]])
    pc = ((counts + _BM - 1) // _BM) * _BM
    po = jnp.concatenate([jnp.zeros((1,), jnp.int32), jnp.cumsum(pc)[:-1]])
    lk_offs = jnp.sum(jnp.where(ohb, offs[None, :], 0), axis=1)
    lk_po = jnp.sum(jnp.where(ohb, po[None, :], 0), axis=1)
    rank = jnp.arange(_NP, dtype=jnp.int32) - lk_offs
    pos_sorted = lk_po + rank
    row_token = jnp.zeros((_P,), jnp.int32).at[pos_sorted].set(
        (order // _K).astype(jnp.int32))
    w_sorted = jnp.zeros((_P,), jnp.float32).at[pos_sorted].set(rwf[order])
    block_expert = (jnp.sum(
        po[None, :] <= jnp.arange(_NB, dtype=jnp.int32)[:, None] * _BM,
        axis=1).astype(jnp.int32) - 1).clip(0, _E - 1)
    pos_pair = jnp.zeros((_NP,), jnp.int32).at[order].set(pos_sorted)
    return row_token, w_sorted, block_expert, pos_pair[0::2], pos_pair[1::2]


@jax.jit
def kernel(hidden_states, gate_w, w1_stacked, w2_stacked):
    flat = hidden_states.reshape(_T, _H)

    sel0, sel1, rw0, rw1 = pl.pallas_call(
        _router_body,
        grid=(_NTB,),
        in_specs=[pl.BlockSpec((_TB, _H), lambda i: (i, 0)),
                  pl.BlockSpec((_E, _H), lambda i: (0, 0))],
        out_specs=[pl.BlockSpec((1, 1, _TB), lambda i: (i, 0, 0))] * 4,
        out_shape=[jax.ShapeDtypeStruct((_NTB, 1, _TB), jnp.int32),
                   jax.ShapeDtypeStruct((_NTB, 1, _TB), jnp.int32),
                   jax.ShapeDtypeStruct((_NTB, 1, _TB), jnp.float32),
                   jax.ShapeDtypeStruct((_NTB, 1, _TB), jnp.float32)],
    )(flat, gate_w)

    row_token, w_sorted, block_expert, pos0, pos1 = _routing_meta(
        sel0.reshape(_T), sel1.reshape(_T),
        rw0.reshape(_T), rw1.reshape(_T))

    sc_mesh = plsc.VectorSubcoreMesh(core_axis_name="c", subcore_axis_name="s")

    dispatch = functools.partial(
        pl.kernel,
        out_type=jax.ShapeDtypeStruct((_P, _H), jnp.float32),
        mesh=sc_mesh,
        scratch_types=[pltpu.VMEM((_DPW,), jnp.int32),
                       pltpu.VMEM((_CH, _H), jnp.float32),
                       pltpu.VMEM((_CH, _H), jnp.float32),
                       pltpu.SemaphoreType.DMA,
                       pltpu.SemaphoreType.DMA,
                       pltpu.SemaphoreType.DMA,
                       pltpu.SemaphoreType.DMA],
    )(_dispatch_body)
    x_sorted = dispatch(row_token, flat)

    grid_spec = pltpu.PrefetchScalarGridSpec(
        num_scalar_prefetch=1,
        grid=(_NB,),
        in_specs=[
            pl.BlockSpec((_BM, _H), lambda i, be: (i, 0)),
            pl.BlockSpec((1, 2 * _I, _H), lambda i, be: (be[i], 0, 0)),
            pl.BlockSpec((1, _H, _I), lambda i, be: (be[i], 0, 0)),
            pl.BlockSpec((1, 1, _BM), lambda i, be: (i, 0, 0)),
        ],
        out_specs=pl.BlockSpec((_BM, _H), lambda i, be: (i, 0)),
    )
    out_sorted = pl.pallas_call(
        _ffn_body,
        grid_spec=grid_spec,
        out_shape=jax.ShapeDtypeStruct((_P, _H), jnp.float32),
    )(block_expert, x_sorted, w1_stacked, w2_stacked,
      w_sorted.reshape(_NB, 1, _BM))

    combine = functools.partial(
        pl.kernel,
        out_type=jax.ShapeDtypeStruct((_T, _H), jnp.float32),
        mesh=sc_mesh,
        scratch_types=[pltpu.VMEM((_TPW,), jnp.int32),
                       pltpu.VMEM((_TPW,), jnp.int32),
                       pltpu.VMEM((32, _H), jnp.float32),
                       pltpu.VMEM((32, _H), jnp.float32),
                       pltpu.SemaphoreType.DMA],
    )(_combine_body)
    out = combine(pos0, pos1, out_sorted)

    return out.reshape(_B, _S, _H)

# --- scband reference (transcript-rebuilt; emitter-appended) ---
"""Pipeline reference for scband-enhanced-sparse-mo-e-15281493639600 (READ-ONLY COPY).

The authoritative reference and input builder live on the scoring server;
editing this copy changes nothing except your own understanding.
"""

import jax, jax.numpy as jnp
import numpy as np

B, S, H = 1, 2048, 1024
E, K, I = 64, 2, 512


def setup_inputs(seed: int = 0) -> dict:
    key = jax.random.key(seed)
    k1, k2, k3, k4 = jax.random.split(key, 4)
    hidden_states = jax.random.normal(k1, (B, S, H), dtype=jnp.float32)
    # gate: nn.Linear(H, E, bias=False) -> weight [E, H]
    gate_w = jax.random.normal(k2, (E, H), dtype=jnp.float32) * 0.02
    # per expert: gate_up_proj weight [2I, H]; down_proj weight [H, I]; stacked over E
    w1_stacked = jax.random.normal(k3, (E, 2 * I, H), dtype=jnp.float32) * 0.02
    w2_stacked = jax.random.normal(k4, (E, H, I), dtype=jnp.float32) * 0.02
    return {"hidden_states": hidden_states, "gate_w": gate_w,
            "w1_stacked": w1_stacked, "w2_stacked": w2_stacked}


def _moe_compute(flat, gate_w, w1, w2, sel):
    """Sparse-MoE forward given top-k expert indices sel: [T, K] int array.
    Math is identical to the torch module: softmax -> topk probs ->
    renormalize -> per-expert gemm (gate_up) -> SiluAndMul -> per-expert
    gemm (down) -> scale by routing weight -> sum over K. Expressed as a
    fixed-shape scan over experts with one-hot routing-weight masks."""
    T = flat.shape[0]
    logits = flat @ gate_w.T                      # [T, E]
    probs = jax.nn.softmax(logits, axis=-1)
    rw = jnp.take_along_axis(probs, sel, axis=-1)                   # [T, K]
    rw = rw / jnp.sum(rw, axis=-1, keepdims=True)
    onehot = jax.nn.one_hot(sel, E, dtype=flat.dtype)               # [T, K, E]
    w_te = jnp.einsum('tk,tke->te', rw, onehot)                     # [T, E]

    def body(acc, expert):
        w1e, w2e, we = expert                     # [2I, H], [H, I], [T]
        gu = flat @ w1e.T                         # [T, 2I]
        act = jax.nn.silu(gu[:, :I]) * gu[:, I:]  # SiluAndMul
        out = act @ w2e.T                         # [T, H]
        return acc + we[:, None] * out, None

    acc0 = jnp.zeros((T, H), dtype=flat.dtype)
    total, _ = jax.lax.scan(body, acc0, (w1, w2, w_te.T))
    return total


def reference(hidden_states, gate_w, w1_stacked, w2_stacked):
    flat = hidden_states.reshape(-1, H)
    logits = flat @ gate_w.T
    probs = jax.nn.softmax(logits, axis=-1)
    _, sel = jax.lax.top_k(probs, K)
    out = _moe_compute(flat, gate_w, w1_stacked, w2_stacked, sel)
    return out.reshape(B, S, H)

if __name__ == "__main__":
    import jax
    _d = setup_inputs()
    print(jax.jit(kernel)(*tuple(_d.values())))

</pallas_src>

<mosaic_0001>
#map = affine_map<(d0, d1) -> (0)>
#map1 = affine_map<(d0, d1) -> (0, 0)>
module attributes {stable_mosaic.version = 14 : i64} {
  func.func @_combine_body(%arg0: i32, %arg1: i32, %arg2: memref<2048xi32, #tpu.memory_space<hbm>>, %arg3: memref<2048xi32, #tpu.memory_space<hbm>>, %arg4: memref<8192x1024xf32, #tpu.memory_space<hbm>>, %arg5: memref<2048x1024xf32, #tpu.memory_space<hbm>>, %arg6: memref<64xi32, #tpu.memory_space<vmem>>, %arg7: memref<64xi32, #tpu.memory_space<vmem>>, %arg8: memref<32x1024xf32, #tpu.memory_space<vmem>>, %arg9: memref<32x1024xf32, #tpu.memory_space<vmem>>, %arg10: memref<!tpu.dma_semaphore, #tpu.memory_space<semaphore_mem>>) attributes {dimension_semantics = [#tpu.dimension_semantics<core_parallel>, #tpu.dimension_semantics<subcore_parallel>], iteration_bounds = array<i64: 2, 16>, scalar_prefetch = 0 : i64, scratch_operands = 5 : i64, tpu.core_type = #tpu.core_type<sc_vector_subcore>, window_params = [{transform_indices = #map}, {transform_indices = #map}, {transform_indices = #map1}, {transform_indices = #map1}]} {
    %mul3A = arith.constant 2 : i32
    %mul3A_0 = arith.muli %arg1, %mul3A : i32
    %add3A = arith.addi %mul3A_0, %arg0 : i32
    %mul3A_1 = arith.constant 64 : i32
    %mul3A_2 = arith.muli %add3A, %mul3A_1 : i32
    "tpu.region"() ({
      %run_scoped3A = tpu.sem_alloc : memref<!tpu.dma_semaphore, #tpu.memory_space<semaphore_mem>>
      %dma_start3A_54 = tpu.memref_slice %arg2[%mul3A_2] : memref<2048xi32, #tpu.memory_space<hbm>> -> memref<64xi32, #tpu.memory_space<hbm>>
      %dma_start3A_55 = tpu.memref_slice %arg2[%mul3A_2] : memref<2048xi32, #tpu.memory_space<hbm>> -> memref<64xi32, #tpu.memory_space<hbm>>
      tpu.enqueue_dma source(%dma_start3A_55 : memref<64xi32, #tpu.memory_space<hbm>>) target(%arg6 : memref<64xi32, #tpu.memory_space<vmem>>) target_semaphore(%run_scoped3A : memref<!tpu.dma_semaphore, #tpu.memory_space<semaphore_mem>>)
      %dma_wait3A_56 = tpu.memref_slice %arg2[%mul3A_2] : memref<2048xi32, #tpu.memory_space<hbm>> -> memref<64xi32, #tpu.memory_space<hbm>>
      %dma_wait3A_57 = tpu.memref_slice %arg2[%mul3A_2] : memref<2048xi32, #tpu.memory_space<hbm>> -> memref<64xi32, #tpu.memory_space<hbm>>
      tpu.wait_dma2 semaphore(%run_scoped3A : memref<!tpu.dma_semaphore, #tpu.memory_space<semaphore_mem>>) src(%dma_wait3A_57 : memref<64xi32, #tpu.memory_space<hbm>>) dst(%arg6 : memref<64xi32, #tpu.memory_space<vmem>>)
      tpu.yield
    }) : () -> ()
    "tpu.region"() ({
      %run_scoped3A = tpu.sem_alloc : memref<!tpu.dma_semaphore, #tpu.memory_space<semaphore_mem>>
      %dma_start3A_54 = tpu.memref_slice %arg3[%mul3A_2] : memref<2048xi32, #tpu.memory_space<hbm>> -> memref<64xi32, #tpu.memory_space<hbm>>
      %dma_start3A_55 = tpu.memref_slice %arg3[%mul3A_2] : memref<2048xi32, #tpu.memory_space<hbm>> -> memref<64xi32, #tpu.memory_space<hbm>>
      tpu.enqueue_dma source(%dma_start3A_55 : memref<64xi32, #tpu.memory_space<hbm>>) target(%arg7 : memref<64xi32, #tpu.memory_space<vmem>>) target_semaphore(%run_scoped3A : memref<!tpu.dma_semaphore, #tpu.memory_space<semaphore_mem>>)
      %dma_wait3A_56 = tpu.memref_slice %arg3[%mul3A_2] : memref<2048xi32, #tpu.memory_space<hbm>> -> memref<64xi32, #tpu.memory_space<hbm>>
      %dma_wait3A_57 = tpu.memref_slice %arg3[%mul3A_2] : memref<2048xi32, #tpu.memory_space<hbm>> -> memref<64xi32, #tpu.memory_space<hbm>>
      tpu.wait_dma2 semaphore(%run_scoped3A : memref<!tpu.dma_semaphore, #tpu.memory_space<semaphore_mem>>) src(%dma_wait3A_57 : memref<64xi32, #tpu.memory_space<hbm>>) dst(%arg7 : memref<64xi32, #tpu.memory_space<vmem>>)
      tpu.yield
    }) : () -> ()
    %dma_start3A = arith.constant 0 : i32
    %dma_start3A_3 = tpu.memref_slice %arg6[%dma_start3A] : memref<64xi32, #tpu.memory_space<vmem>> -> memref<32xi32, #tpu.memory_space<vmem>>
    %dma_start3A_4 = arith.constant 0 : i32
    %dma_start3A_5 = arith.constant 0 : i32
    %dma_start3A_6 = tpu.memref_slice %arg4[%dma_start3A_4, %dma_start3A_5] : memref<8192x1024xf32, #tpu.memory_space<hbm>> -> memref<8192x1024xf32, #tpu.memory_space<hbm>>
    tpu.enqueue_indirect_dma source(%dma_start3A_6 : memref<8192x1024xf32, #tpu.memory_space<hbm>>) target(%arg8 : memref<32x1024xf32, #tpu.memory_space<vmem>>) offsets(%dma_start3A_3 : memref<32xi32, #tpu.memory_space<vmem>>) semaphore(%arg10 : memref<!tpu.dma_semaphore, #tpu.memory_space<semaphore_mem>>)
    %dma_wait3A = arith.constant 0 : i32
    %dma_wait3A_7 = tpu.memref_slice %arg6[%dma_wait3A] : memref<64xi32, #tpu.memory_space<vmem>> -> memref<32xi32, #tpu.memory_space<vmem>>
    %dma_wait3A_8 = arith.constant 0 : i32
    %dma_wait3A_9 = arith.constant 0 : i32
    %dma_wait3A_10 = tpu.memref_slice %arg4[%dma_wait3A_8, %dma_wait3A_9] : memref<8192x1024xf32, #tpu.memory_space<hbm>> -> memref<8192x1024xf32, #tpu.memory_space<hbm>>
    tpu.wait_indirect_dma semaphore(%arg10 : memref<!tpu.dma_semaphore, #tpu.memory_space<semaphore_mem>>) src(%dma_wait3A_10 : memref<8192x1024xf32, #tpu.memory_space<hbm>>) dst(%arg8 : memref<32x1024xf32, #tpu.memory_space<vmem>>)
    %dma_start3A_11 = arith.constant 0 : i32
    %dma_start3A_12 = tpu.memref_slice %arg7[%dma_start3A_11] : memref<64xi32, #tpu.memory_space<vmem>> -> memref<32xi32, #tpu.memory_space<vmem>>
    %dma_start3A_13 = arith.constant 0 : i32
    %dma_start3A_14 = arith.constant 0 : i32
    %dma_start3A_15 = tpu.memref_slice %arg4[%dma_start3A_13, %dma_start3A_14] : memref<8192x1024xf32, #tpu.memory_space<hbm>> -> memref<8192x1024xf32, #tpu.memory_space<hbm>>
    tpu.enqueue_indirect_dma source(%dma_start3A_15 : memref<8192x1024xf32, #tpu.memory_space<hbm>>) target(%arg9 : memref<32x1024xf32, #tpu.memory_space<vmem>>) offsets(%dma_start3A_12 : memref<32xi32, #tpu.memory_space<vmem>>) semaphore(%arg10 : memref<!tpu.dma_semaphore, #tpu.memory_space<semaphore_mem>>)
    %dma_wait3A_16 = arith.constant 0 : i32
    %dma_wait3A_17 = tpu.memref_slice %arg7[%dma_wait3A_16] : memref<64xi32, #tpu.memory_space<vmem>> -> memref<32xi32, #tpu.memory_space<vmem>>
    %dma_wait3A_18 = arith.constant 0 : i32
    %dma_wait3A_19 = arith.constant 0 : i32
    %dma_wait3A_20 = tpu.memref_slice %arg4[%dma_wait3A_18, %dma_wait3A_19] : memref<8192x1024xf32, #tpu.memory_space<hbm>> -> memref<8192x1024xf32, #tpu.memory_space<hbm>>
    tpu.wait_indirect_dma semaphore(%arg10 : memref<!tpu.dma_semaphore, #tpu.memory_space<semaphore_mem>>) src(%dma_wait3A_20 : memref<8192x1024xf32, #tpu.memory_space<hbm>>) dst(%arg9 : memref<32x1024xf32, #tpu.memory_space<vmem>>)
    %scan3A = arith.constant 0 : i32
    %scan3A_21 = arith.constant 32 : i32
    %scan3A_22 = arith.addi %scan3A, %scan3A_21 : i32
    %scan3A_23 = arith.constant 1 : i32
    scf.for %scan3A_54 = %scan3A to %scan3A_22 step %scan3A_23  : i32 {
      %get3A = arith.index_cast %scan3A_54 : i32 to index
      %get3A_55 = arith.constant 0 : index
      %get3A_56 = tpu.vector_load %arg8[%get3A, %get3A_55] {strides = array<i32>} : memref<32x1024xf32, #tpu.memory_space<vmem>>, vector<1x16xf32>,
      %get3A_57 = vector.shape_cast %get3A_56 : vector<1x16xf32> to vector<16xf32>
      %get3A_58 = arith.index_cast %scan3A_54 : i32 to index
      %get3A_59 = arith.constant 0 : index
      %get3A_60 = tpu.vector_load %arg9[%get3A_58, %get3A_59] {strides = array<i32>} : memref<32x1024xf32, #tpu.memory_space<vmem>>, vector<1x16xf32>,
      %get3A_61 = vector.shape_cast %get3A_60 : vector<1x16xf32> to vector<16xf32>
      %add3A_62 = arith.addf %get3A_57, %get3A_61 : vector<16xf32>
      %swap3A = arith.index_cast %scan3A_54 : i32 to index
      %swap3A_63 = arith.constant 0 : index
      %swap3A_64 = tpu.vector_load %arg8[%swap3A, %swap3A_63] {strides = array<i32>} : memref<32x1024xf32, #tpu.memory_space<vmem>>, vector<1x16xf32>,
      %swap3A_65 = vector.shape_cast %swap3A_64 : vector<1x16xf32> to vector<16xf32>
      %swap3A_66 = vector.shape_cast %add3A_62 : vector<16xf32> to vector<1x16xf32>
      tpu.vector_store %arg8[%swap3A, %swap3A_63], %swap3A_66 {strides = array<i32>} : memref<32x1024xf32, #tpu.memory_space<vmem>>, vector<1x16xf32>,
      %get3A_67 = arith.index_cast %scan3A_54 : i32 to index
      %get3A_68 = arith.constant 16 : index
      %get3A_69 = tpu.vector_load %arg8[%get3A_67, %get3A_68] {strides = array<i32>} : memref<32x1024xf32, #tpu.memory_space<vmem>>, vector<1x16xf32>,
      %get3A_70 = vector.shape_cast %get3A_69 : vector<1x16xf32> to vector<16xf32>
      %get3A_71 = arith.index_cast %scan3A_54 : i32 to index
      %get3A_72 = arith.constant 16 : index
      %get3A_73 = tpu.vector_load %arg9[%get3A_71, %get3A_72] {strides = array<i32>} : memref<32x1024xf32, #tpu.memory_space<vmem>>, vector<1x16xf32>,
      %get3A_74 = vector.shape_cast %get3A_73 : vector<1x16xf32> to vector<16xf32>
      %add3A_75 = arith.addf %get3A_70, %get3A_74 : vector<16xf32>
      %swap3A_76 = arith.index_cast %scan3A_54 : i32 to index
      %swap3A_77 = arith.constant 16 : index
      %swap3A_78 = tpu.vector_load %arg8[%swap3A_76, %swap3A_77] {strides = array<i32>} : memref<32x1024xf32, #tpu.memory_space<vmem>>, vector<1x16xf32>,
      %swap3A_79 = vector.shape_cast %swap3A_78 : vector<1x16xf32> to vector<16xf32>
      %swap3A_80 = vector.shape_cast %add3A_75 : vector<16xf32> to vector<1x16xf32>
      tpu.vector_store %arg8[%swap3A_76, %swap3A_77], %swap3A_80 {strides = array<i32>} : memref<32x1024xf32, #tpu.memory_space<vmem>>, vector<1x16xf32>,
      %get3A_81 = arith.index_cast %scan3A_54 : i32 to index
      %get3A_82 = arith.constant 32 : index
      %get3A_83 = tpu.vector_load %arg8[%get3A_81, %get3A_82] {strides = array<i32>} : memref<32x1024xf32, #tpu.memory_space<vmem>>, vector<1x16xf32>,
      %get3A_84 = vector.shape_cast %get3A_83 : vector<1x16xf32> to vector<16xf32>
      %get3A_85 = arith.index_cast %scan3A_54 : i32 to index
      %get3A_86 = arith.constant 32 : index
      %get3A_87 = tpu.vector_load %arg9[%get3A_85, %get3A_86] {strides = array<i32>} : memref<32x1024xf32, #tpu.memory_space<vmem>>, vector<1x16xf32>,
      %get3A_88 = vector.shape_cast %get3A_87 : vector<1x16xf32> to vector<16xf32>
      %add3A_89 = arith.addf %get3A_84, %get3A_88 : vector<16xf32>
      %swap3A_90 = arith.index_cast %scan3A_54 : i32 to index
      %swap3A_91 = arith.constant 32 : index
      %swap3A_92 = tpu.vector_load %arg8[%swap3A_90, %swap3A_91] {strides = array<i32>} : memref<32x1024xf32, #tpu.memory_space<vmem>>, vector<1x16xf32>,
      %swap3A_93 = vector.shape_cast %swap3A_92 : vector<1x16xf32> to vector<16xf32>
      %swap3A_94 = vector.shape_cast %add3A_89 : vector<16xf32> to vector<1x16xf32>
      tpu.vector_store %arg8[%swap3A_90, %swap3A_91], %swap3A_94 {strides = array<i32>} : memref<32x1024xf32, #tpu.memory_space<vmem>>, vector<1x16xf32>,
      %get3A_95 = arith.index_cast %scan3A_54 : i32 to index
      %get3A_96 = arith.constant 48 : index
      %get3A_97 = tpu.vector_load %arg8[%get3A_95, %get3A_96] {strides = array<i32>} : memref<32x1024xf32, #tpu.memory_space<vmem>>, vector<1x16xf32>,
      %get3A_98 = vector.shape_cast %get3A_97 : vector<1x16xf32> to vector<16xf32>
      %get3A_99 = arith.index_cast %scan3A_54 : i32 to index
      %get3A_100 = arith.constant 48 : index
      %get3A_101 = tpu.vector_load %arg9[%get3A_99, %get3A_100] {strides = array<i32>} : memref<32x1024xf32, #tpu.memory_space<vmem>>, vector<1x16xf32>,
      %get3A_102 = vector.shape_cast %get3A_101 : vector<1x16xf32> to vector<16xf32>
      %add3A_103 = arith.addf %get3A_98, %get3A_102 : vector<16xf32>
      %swap3A_104 = arith.index_cast %scan3A_54 : i32 to index
      %swap3A_105 = arith.constant 48 : index
      %swap3A_106 = tpu.vector_load %arg8[%swap3A_104, %swap3A_105] {strides = array<i32>} : memref<32x1024xf32, #tpu.memory_space<vmem>>, vector<1x16xf32>,
      %swap3A_107 = vector.shape_cast %swap3A_106 : vector<1x16xf32> to vector<16xf32>
      %swap3A_108 = vector.shape_cast %add3A_103 : vector<16xf32> to vector<1x16xf32>
      tpu.vector_store %arg8[%swap3A_104, %swap3A_105], %swap3A_108 {strides = array<i32>} : memref<32x1024xf32, #tpu.memory_space<vmem>>, vector<1x16xf32>,
      %get3A_109 = arith.index_cast %scan3A_54 : i32 to index
      %get3A_110 = arith.constant 64 : index
      %get3A_111 = tpu.vector_load %arg8[%get3A_109, %get3A_110] {strides = array<i32>} : memref<32x1024xf32, #tpu.memory_space<vmem>>, vector<1x16xf32>,
      %get3A_112 = vector.shape_cast %get3A_111 : vector<1x16xf32> to vector<16xf32>
      %get3A_113 = arith.index_cast %scan3A_54 : i32 to index
      %get3A_114 = arith.constant 64 : index
      %get3A_115 = tpu.vector_load %arg9[%get3A_113, %get3A_114] {strides = array<i32>} : memref<32x1024xf32, #tpu.memory_space<vmem>>, vector<1x16xf32>,
      %get3A_116 = vector.shape_cast %get3A_115 : vector<1x16xf32> to vector<16xf32>
      %add3A_117 = arith.addf %get3A_112, %get3A_116 : vector<16xf32>
      %swap3A_118 = arith.index_cast %scan3A_54 : i32 to index
      %swap3A_119 = arith.constant 64 : index
      %swap3A_120 = tpu.vector_load %arg8[%swap3A_118, %swap3A_119] {strides = array<i32>} : memref<32x1024xf32, #tpu.memory_space<vmem>>, vector<1x16xf32>,
      %swap3A_121 = vector.shape_cast %swap3A_120 : vector<1x16xf32> to vector<16xf32>
      %swap3A_122 = vector.shape_cast %add3A_117 : vector<16xf32> to vector<1x16xf32>
      tpu.vector_store %arg8[%swap3A_118, %swap3A_119], %swap3A_122 {strides = array<i32>} : memref<32x1024xf32, #tpu.memory_space<vmem>>, vector<1x16xf32>,
      %get3A_123 = arith.index_cast %scan3A_54 : i32 to index
      %get3A_124 = arith.constant 80 : index
      %get3A_125 = tpu.vector_load %arg8[%get3A_123, %get3A_124] {strides = array<i32>} : memref<32x1024xf32, #tpu.memory_space<vmem>>, vector<1x16xf32>,
      %get3A_126 = vector.shape_cast %get3A_125 : vector<1x16xf32> to vector<16xf32>
      %get3A_127 = arith.index_cast %scan3A_54 : i32 to index
      %get3A_128 = arith.constant 80 : index
      %get3A_129 = tpu.vector_load %arg9[%get3A_127, %get3A_128] {strides = array<i32>} : memref<32x1024xf32, #tpu.memory_space<vmem>>, vector<1x16xf32>,
      %get3A_130 = vector.shape_cast %get3A_129 : vector<1x16xf32> to vector<16xf32>
      %add3A_131 = arith.addf %get3A_126, %get3A_130 : vector<16xf32>
      %swap3A_132 = arith.index_cast %scan3A_54 : i32 to index
      %swap3A_133 = arith.constant 80 : index
      %swap3A_134 = tpu.vector_load %arg8[%swap3A_132, %swap3A_133] {strides = array<i32>} : memref<32x1024xf32, #tpu.memory_space<vmem>>, vector<1x16xf32>,
      %swap3A_135 = vector.shape_cast %swap3A_134 : vector<1x16xf32> to vector<16xf32>
      %swap3A_136 = vector.shape_cast %add3A_131 : vector<16xf32> to vector<1x16xf32>
      tpu.vector_store %arg8[%swap3A_132, %swap3A_133], %swap3A_136 {strides = array<i32>} : memref<32x1024xf32, #tpu.memory_space<vmem>>, vector<1x16xf32>,
      %get3A_137 = arith.index_cast %scan3A_54 : i32 to index
      %get3A_138 = arith.constant 96 : index
      %get3A_139 = tpu.vector_load %arg8[%get3A_137, %get3A_138] {strides = array<i32>} : memref<32x1024xf32, #tpu.memory_space<vmem>>, vector<1x16xf32>,
      %get3A_140 = vector.shape_cast %get3A_139 : vector<1x16xf32> to vector<16xf32>
      %get3A_141 = arith.index_cast %scan3A_54 : i32 to index
      %get3A_142 = arith.constant 96 : index
      %get3A_143 = tpu.vector_load %arg9[%get3A_141, %get3A_142] {strides = array<i32>} : memref<32x1024xf32, #tpu.memory_space<vmem>>, vector<1x16xf32>,
      %get3A_144 = vector.shape_cast %get3A_143 : vector<1x16xf32> to vector<16xf32>
      %add3A_145 = arith.addf %get3A_140, %get3A_144 : vector<16xf32>
      %swap3A_146 = arith.index_cast %scan3A_54 : i32 to index
      %swap3A_147 = arith.constant 96 : index
      %swap3A_148 = tpu.vector_load %arg8[%swap3A_146, %swap3A_147] {strides = array<i32>} : memref<32x1024xf32, #tpu.memory_space<vmem>>, vector<1x16xf32>,
      %swap3A_149 = vector.shape_cast %swap3A_148 : vector<1x16xf32> to vector<16xf32>
      %swap3A_150 = vector.shape_cast %add3A_145 : vector<16xf32> to vector<1x16xf32>
      tpu.vector_store %arg8[%swap3A_146, %swap3A_147], %swap3A_150 {strides = array<i32>} : memref<32x1024xf32, #tpu.memory_space<vmem>>, vector<1x16xf32>,
      %get3A_151 = arith.index_cast %scan3A_54 : i32 to index
      %get3A_152 = arith.constant 112 : index
      %get3A_153 = tpu.vector_load %arg8[%get3A_151, %get3A_152] {strides = array<i32>} : memref<32x1024xf32, #tpu.memory_space<vmem>>, vector<1x16xf32>,
      %get3A_154 = vector.shape_cast %get3A_153 : vector<1x16xf32> to vector<16xf32>
      %get3A_155 = arith.index_cast %scan3A_54 : i32 to index
      %get3A_156 = arith.constant 112 : index
      %get3A_157 = tpu.vector_load %arg9[%get3A_155, %get3A_156] {strides = array<i32>} : memref<32x1024xf32, #tpu.memory_space<vmem>>, vector<1x16xf32>,
      %get3A_158 = vector.shape_cast %get3A_157 : vector<1x16xf32> to vector<16xf32>
      %add3A_159 = arith.addf %get3A_154, %get3A_158 : vector<16xf32>
      %swap3A_160 = arith.index_cast %scan3A_54 : i32 to index
      %swap3A_161 = arith.constant 112 : index
      %swap3A_162 = tpu.vector_load %arg8[%swap3A_160, %swap3A_161] {strides = array<i32>} : memref<32x1024xf32, #tpu.memory_space<vmem>>, vector<1x16xf32>,
      %swap3A_163 = vector.shape_cast %swap3A_162 : vector<1x16xf32> to vector<16xf32>
      %swap3A_164 = vector.shape_cast %add3A_159 : vector<16xf32> to vector<1x16xf32>
      tpu.vector_store %arg8[%swap3A_160, %swap3A_161], %swap3A_164 {strides = array<i32>} : memref<32x1024xf32, #tpu.memory_space<vmem>>, vector<1x16xf32>,
      %get3A_165 = arith.index_cast %scan3A_54 : i32 to index
      %get3A_166 = arith.constant 128 : index
      %get3A_167 = tpu.vector_load %arg8[%get3A_165, %get3A_166] {strides = array<i32>} : memref<32x1024xf32, #tpu.memory_space<vmem>>, vector<1x16xf32>,
      %get3A_168 = vector.shape_cast %get3A_167 : vector<1x16xf32> to vector<16xf32>
      %get3A_169 = arith.index_cast %scan3A_54 : i32 to index
      %get3A_170 = arith.constant 128 : index
      %get3A_171 = tpu.vector_load %arg9[%get3A_169, %get3A_170] {strides = array<i32>} : memref<32x1024xf32, #tpu.memory_space<vmem>>, vector<1x16xf32>,
      %get3A_172 = vector.shape_cast %get3A_171 : vector<1x16xf32> to vector<16xf32>
      %add3A_173 = arith.addf %get3A_168, %get3A_172 : vector<16xf32>
      %swap3A_174 = arith.index_cast %scan3A_54 : i32 to index
      %swap3A_175 = arith.constant 128 : index
      %swap3A_176 = tpu.vector_load %arg8[%swap3A_174, %swap3A_175] {strides = array<i32>} : memref<32x1024xf32, #tpu.memory_space<vmem>>, vector<1x16xf32>,
      %swap3A_177 = vector.shape_cast %swap3A_176 : vector<1x16xf32> to vector<16xf32>
      %swap3A_178 = vector.shape_cast %add3A_173 : vector<16xf32> to vector<1x16xf32>
      tpu.vector_store %arg8[%swap3A_174, %swap3A_175], %swap3A_178 {strides = array<i32>} : memref<32x1024xf32, #tpu.memory_space<vmem>>, vector<1x16xf32>,
      %get3A_179 = arith.index_cast %scan3A_54 : i32 to index
      %get3A_180 = arith.constant 144 : index
      %get3A_181 = tpu.vector_load %arg8[%get3A_179, %get3A_180] {strides = array<i32>} : memref<32x1024xf32, #tpu.memory_space<vmem>>, vector<1x16xf32>,
      %get3A_182 = vector.shape_cast %get3A_181 : vector<1x16xf32> to vector<16xf32>
      %get3A_183 = arith.index_cast %scan3A_54 : i32 to index
      %get3A_184 = arith.constant 144 : index
      %get3A_185 = tpu.vector_load %arg9[%get3A_183, %get3A_184] {strides = array<i32>} : memref<32x1024xf32, #tpu.memory_space<vmem>>, vector<1x16xf32>,
      %get3A_186 = vector.shape_cast %get3A_185 : vector<1x16xf32> to vector<16xf32>
      %add3A_187 = arith.addf %get3A_182, %get3A_186 : vector<16xf32>
      %swap3A_188 = arith.index_cast %scan3A_54 : i32 to index
      %swap3A_189 = arith.constant 144 : index
      %swap3A_190 = tpu.vector_load %arg8[%swap3A_188, %swap3A_189] {strides = array<i32>} : memref<32x1024xf32, #tpu.memory_space<vmem>>, vector<1x16xf32>,
      %swap3A_191 = vector.shape_cast %swap3A_190 : vector<1x16xf32> to vector<16xf32>
      %swap3A_192 = vector.shape_cast %add3A_187 : vector<16xf32> to vector<1x16xf32>
      tpu.vector_store %arg8[%swap3A_188, %swap3A_189], %swap3A_192 {strides = array<i32>} : memref<32x1024xf32, #tpu.memory_space<vmem>>, vector<1x16xf32>,
      %get3A_193 = arith.index_cast %scan3A_54 : i32 to index
      %get3A_194 = arith.constant 160 : index
      %get3A_195 = tpu.vector_load %arg8[%get3A_193, %get3A_194] {strides = array<i32>} : memref<32x1024xf32, #tpu.memory_space<vmem>>, vector<1x16xf32>,
      %get3A_196 = vector.shape_cast %get3A_195 : vector<1x16xf32> to vector<16xf32>
      %get3A_197 = arith.index_cast %scan3A_54 : i32 to index
      %get3A_198 = arith.constant 160 : index
      %get3A_199 = tpu.vector_load %arg9[%get3A_197, %get3A_198] {strides = array<i32>} : memref<32x1024xf32, #tpu.memory_space<vmem>>, vector<1x16xf32>,
      %get3A_200 = vector.shape_cast %get3A_199 : vector<1x16xf32> to vector<16xf32>
      %add3A_201 = arith.addf %get3A_196, %get3A_200 : vector<16xf32>
      %swap3A_202 = arith.index_cast %scan3A_54 : i32 to index
      %swap3A_203 = arith.constant 160 : index
      %swap3A_204 = tpu.vector_load %arg8[%swap3A_202, %swap3A_203] {strides = array<i32>} : memref<32x1024xf32, #tpu.memory_space<vmem>>, vector<1x16xf32>,
      %swap3A_205 = vector.shape_cast %swap3A_204 : vector<1x16xf32> to vector<16xf32>
      %swap3A_206 = vector.shape_cast %add3A_201 : vector<16xf32> to vector<1x16xf32>
      tpu.vector_store %arg8[%swap3A_202, %swap3A_203], %swap3A_206 {strides = array<i32>} : memref<32x1024xf32, #tpu.memory_space<vmem>>, vector<1x16xf32>,
      %get3A_207 = arith.index_cast %scan3A_54 : i32 to index
      %get3A_208 = arith.constant 176 : index
      %get3A_209 = tpu.vector_load %arg8[%get3A_207, %get3A_208] {strides = array<i32>} : memref<32x1024xf32, #tpu.memory_space<vmem>>, vector<1x16xf32>,
      %get3A_210 = vector.shape_cast %get3A_209 : vector<1x16xf32> to vector<16xf32>
      %get3A_211 = arith.index_cast %scan3A_54 : i32 to index
      %get3A_212 = arith.constant 176 : index
      %get3A_213 = tpu.vector_load %arg9[%get3A_211, %get3A_212] {strides = array<i32>} : memref<32x1024xf32, #tpu.memory_space<vmem>>, vector<1x16xf32>,
      %get3A_214 = vector.shape_cast %get3A_213 : vector<1x16xf32> to vector<16xf32>
      %add3A_215 = arith.addf %get3A_210, %get3A_214 : vector<16xf32>
      %swap3A_216 = arith.index_cast %scan3A_54 : i32 to index
      %swap3A_217 = arith.constant 176 : index
      %swap3A_218 = tpu.vector_load %arg8[%swap3A_216, %swap3A_217] {strides = array<i32>} : memref<32x1024xf32, #tpu.memory_space<vmem>>, vector<1x16xf32>,
      %swap3A_219 = vector.shape_cast %swap3A_218 : vector<1x16xf32> to vector<16xf32>
      %swap3A_220 = vector.shape_cast %add3A_215 : vector<16xf32> to vector<1x16xf32>
      tpu.vector_store %arg8[%swap3A_216, %swap3A_217], %swap3A_220 {strides = array<i32>} : memref<32x1024xf32, #tpu.memory_space<vmem>>, vector<1x16xf32>,
      %get3A_221 = arith.index_cast %scan3A_54 : i32 to index
      %get3A_222 = arith.constant 192 : index
      %get3A_223 = tpu.vector_load %arg8[%get3A_221, %get3A_222] {strides = array<i32>} : memref<32x1024xf32, #tpu.memory_space<vmem>>, vector<1x16xf32>,
      %get3A_224 = vector.shape_cast %get3A_223 : vector<1x16xf32> to vector<16xf32>
      %get3A_225 = arith.index_cast %scan3A_54 : i32 to index
      %get3A_226 = arith.constant 192 : index
      %get3A_227 = tpu.vector_load %arg9[%get3A_225, %get3A_226] {strides = array<i32>} : memref<32x1024xf32, #tpu.memory_space<vmem>>, vector<1x16xf32>,
      %get3A_228 = vector.shape_cast %get3A_227 : vector<1x16xf32> to vector<16xf32>
      %add3A_229 = arith.addf %get3A_224, %get3A_228 : vector<16xf32>
      %swap3A_230 = arith.index_cast %scan3A_54 : i32 to index
      %swap3A_231 = arith.constant 192 : index
      %swap3A_232 = tpu.vector_load %arg8[%swap3A_230, %swap3A_231] {strides = array<i32>} : memref<32x1024xf32, #tpu.memory_space<vmem>>, vector<1x16xf32>,
      %swap3A_233 = vector.shape_cast %swap3A_232 : vector<1x16xf32> to vector<16xf32>
      %swap3A_234 = vector.shape_cast %add3A_229 : vector<16xf32> to vector<1x16xf32>
      tpu.vector_store %arg8[%swap3A_230, %swap3A_231], %swap3A_234 {strides = array<i32>} : memref<32x1024xf32, #tpu.memory_space<vmem>>, vector<1x16xf32>,
      %get3A_235 = arith.index_cast %scan3A_54 : i32 to index
      %get3A_236 = arith.constant 208 : index
      %get3A_237 = tpu.vector_load %arg8[%get3A_235, %get3A_236] {strides = array<i32>} : memref<32x1024xf32, #tpu.memory_space<vmem>>, vector<1x16xf32>,
      %get3A_238 = vector.shape_cast %get3A_237 : vector<1x16xf32> to vector<16xf32>
      %get3A_239 = arith.index_cast %scan3A_54 : i32 to index
      %get3A_240 = arith.constant 208 : index
      %get3A_241 = tpu.vector_load %arg9[%get3A_239, %get3A_240] {strides = array<i32>} : memref<32x1024xf32, #tpu.memory_space<vmem>>, vector<1x16xf32>,
      %get3A_242 = vector.shape_cast %get3A_241 : vector<1x16xf32> to vector<16xf32>
      %add3A_243 = arith.addf %get3A_238, %get3A_242 : vector<16xf32>
      %swap3A_244 = arith.index_cast %scan3A_54 : i32 to index
      %swap3A_245 = arith.constant 208 : index
      %swap3A_246 = tpu.vector_load %arg8[%swap3A_244, %swap3A_245] {strides = array<i32>} : memref<32x1024xf32, #tpu.memory_space<vmem>>, vector<1x16xf32>,
      %swap3A_247 = vector.shape_cast %swap3A_246 : vector<1x16xf32> to vector<16xf32>
      %swap3A_248 = vector.shape_cast %add3A_243 : vector<16xf32> to vector<1x16xf32>
      tpu.vector_store %arg8[%swap3A_244, %swap3A_245], %swap3A_248 {strides = array<i32>} : memref<32x1024xf32, #tpu.memory_space<vmem>>, vector<1x16xf32>,
      %get3A_249 = arith.index_cast %scan3A_54 : i32 to index
      %get3A_250 = arith.constant 224 : index
      %get3A_251 = tpu.vector_load %arg8[%get3A_249, %get3A_250] {strides = array<i32>} : memref<32x1024xf32, #tpu.memory_space<vmem>>, vector<1x16xf32>,
      %get3A_252 = vector.shape_cast %get3A_251 : vector<1x16xf32> to vector<16xf32>
      %get3A_253 = arith.index_cast %scan3A_54 : i32 to index
      %get3A_254 = arith.constant 224 : index
      %get3A_255 = tpu.vector_load %arg9[%get3A_253, %get3A_254] {strides = array<i32>} : memref<32x1024xf32, #tpu.memory_space<vmem>>, vector<1x16xf32>,
      %get3A_256 = vector.shape_cast %get3A_255 : vector<1x16xf32> to vector<16xf32>
      %add3A_257 = arith.addf %get3A_252, %get3A_256 : vector<16xf32>
      %swap3A_258 = arith.index_cast %scan3A_54 : i32 to index
      %swap3A_259 = arith.constant 224 : index
      %swap3A_260 = tpu.vector_load %arg8[%swap3A_258, %swap3A_259] {strides = array<i32>} : memref<32x1024xf32, #tpu.memory_space<vmem>>, vector<1x16xf32>,
      %swap3A_261 = vector.shape_cast %swap3A_260 : vector<1x16xf32> to vector<16xf32>
      %swap3A_262 = vector.shape_cast %add3A_257 : vector<16xf32> to vector<1x16xf32>
      tpu.vector_store %arg8[%swap3A_258, %swap3A_259], %swap3A_262 {strides = array<i32>} : memref<32x1024xf32, #tpu.memory_space<vmem>>, vector<1x16xf32>,
      %get3A_263 = arith.index_cast %scan3A_54 : i32 to index
      %get3A_264 = arith.constant 240 : index
      %get3A_265 = tpu.vector_load %arg8[%get3A_263, %get3A_264] {strides = array<i32>} : memref<32x1024xf32, #tpu.memory_space<vmem>>, vector<1x16xf32>,
      %get3A_266 = vector.shape_cast %get3A_265 : vector<1x16xf32> to vector<16xf32>
      %get3A_267 = arith.index_cast %scan3A_54 : i32 to index
      %get3A_268 = arith.constant 240 : index
      %get3A_269 = tpu.vector_load %arg9[%get3A_267, %get3A_268] {strides = array<i32>} : memref<32x1024xf32, #tpu.memory_space<vmem>>, vector<1x16xf32>,
      %get3A_270 = vector.shape_cast %get3A_269 : vector<1x16xf32> to vector<16xf32>
      %add3A_271 = arith.addf %get3A_266, %get3A_270 : vector<16xf32>
      %swap3A_272 = arith.index_cast %scan3A_54 : i32 to index
      %swap3A_273 = arith.constant 240 : index
      %swap3A_274 = tpu.vector_load %arg8[%swap3A_272, %swap3A_273] {strides = array<i32>} : memref<32x1024xf32, #tpu.memory_space<vmem>>, vector<1x16xf32>,
      %swap3A_275 = vector.shape_cast %swap3A_274 : vector<1x16xf32> to vector<16xf32>
      %swap3A_276 = vector.shape_cast %add3A_271 : vector<16xf32> to vector<1x16xf32>
      tpu.vector_store %arg8[%swap3A_272, %swap3A_273], %swap3A_276 {strides = array<i32>} : memref<32x1024xf32, #tpu.memory_space<vmem>>, vector<1x16xf32>,
      %get3A_277 = arith.index_cast %scan3A_54 : i32 to index
      %get3A_278 = arith.constant 256 : index
      %get3A_279 = tpu.vector_load %arg8[%get3A_277, %get3A_278] {strides = array<i32>} : memref<32x1024xf32, #tpu.memory_space<vmem>>, vector<1x16xf32>,
      %get3A_280 = vector.shape_cast %get3A_279 : vector<1x16xf32> to vector<16xf32>
      %get3A_281 = arith.index_cast %scan3A_54 : i32 to index
      %get3A_282 = arith.constant 256 : index
      %get3A_283 = tpu.vector_load %arg9[%get3A_281, %get3A_282] {strides = array<i32>} : memref<32x1024xf32, #tpu.memory_space<vmem>>, vector<1x16xf32>,
      %get3A_284 = vector.shape_cast %get3A_283 : vector<1x16xf32> to vector<16xf32>
      %add3A_285 = arith.addf %get3A_280, %get3A_284 : vector<16xf32>
      %swap3A_286 = arith.index_cast %scan3A_54 : i32 to index
      %swap3A_287 = arith.constant 256 : index
      %swap3A_288 = tpu.vector_load %arg8[%swap3A_286, %swap3A_287] {strides = array<i32>} : memref<32x1024xf32, #tpu.memory_space<vmem>>, vector<1x16xf32>,
      %swap3A_289 = vector.shape_cast %swap3A_288 : vector<1x16xf32> to vector<16xf32>
      %swap3A_290 = vector.shape_cast %add3A_285 : vector<16xf32> to vector<1x16xf32>
      tpu.vector_store %arg8[%swap3A_286, %swap3A_287], %swap3A_290 {strides = array<i32>} : memref<32x1024xf32, #tpu.memory_space<vmem>>, vector<1x16xf32>,
      %get3A_291 = arith.index_cast %scan3A_54 : i32 to index
      %get3A_292 = arith.constant 272 : index
      %get3A_293 = tpu.vector_load %arg8[%get3A_291, %get3A_292] {strides = array<i32>} : memref<32x1024xf32, #tpu.memory_space<vmem>>, vector<1x16xf32>,
      %get3A_294 = vector.shape_cast %get3A_293 : vector<1x16xf32> to vector<16xf32>
      %get3A_295 = arith.index_cast %scan3A_54 : i32 to index
      %get3A_296 = arith.constant 272 : index
      %get3A_297 = tpu.vector_load %arg9[%get3A_295, %get3A_296] {strides = array<i32>} : memref<32x1024xf32, #tpu.memory_space<vmem>>, vector<1x16xf32>,
      %get3A_298 = vector.shape_cast %get3A_297 : vector<1x16xf32> to vector<16xf32>
      %add3A_299 = arith.addf %get3A_294, %get3A_298 : vector<16xf32>
      %swap3A_300 = arith.index_cast %scan3A_54 : i32 to index
      %swap3A_301 = arith.constant 272 : index
      %swap3A_302 = tpu.vector_load %arg8[%swap3A_300, %swap3A_301] {strides = array<i32>} : memref<32x1024xf32, #tpu.memory_space<vmem>>, vector<1x16xf32>,
      %swap3A_303 = vector.shape_cast %swap3A_302 : vector<1x16xf32> to vector<16xf32>
      %swap3A_304 = vector.shape_cast %add3A_299 : vector<16xf32> to vector<1x16xf32>
      tpu.vector_store %arg8[%swap3A_300, %swap3A_301], %swap3A_304 {strides = array<i32>} : memref<32x1024xf32, #tpu.memory_space<vmem>>, vector<1x16xf32>,
      %get3A_305 = arith.index_cast %scan3A_54 : i32 to index
      %get3A_306 = arith.constant 288 : index
      %get3A_307 = tpu.vector_load %arg8[%get3A_305, %get3A_306] {strides = array<i32>} : memref<32x1024xf32, #tpu.memory_space<vmem>>, vector<1x16xf32>,
      %get3A_308 = vector.shape_cast %get3A_307 : vector<1x16xf32> to vector<16xf32>
      %get3A_309 = arith.index_cast %scan3A_54 : i32 to index
      %get3A_310 = arith.constant 288 : index
      %get3A_311 = tpu.vector_load %arg9[%get3A_309, %get3A_310] {strides = array<i32>} : memref<32x1024xf32, #tpu.memory_space<vmem>>, vector<1x16xf32>,
      %get3A_312 = vector.shape_cast %get3A_311 : vector<1x16xf32> to vector<16xf32>
      %add3A_313 = arith.addf %get3A_308, %get3A_312 : vector<16xf32>
      %swap3A_314 = arith.index_cast %scan3A_54 : i32 to index
      %swap3A_315 = arith.constant 288 : index
      %swap3A_316 = tpu.vector_load %arg8[%swap3A_314, %swap3A_315] {strides = array<i32>} : memref<32x1024xf32, #tpu.memory_space<vmem>>, vector<1x16xf32>,
      %swap3A_317 = vector.shape_cast %swap3A_316 : vector<1x16xf32> to vector<16xf32>
      %swap3A_318 = vector.shape_cast %add3A_313 : vector<16xf32> to vector<1x16xf32>
      tpu.vector_store %arg8[%swap3A_314, %swap3A_315], %swap3A_318 {strides = array<i32>} : memref<32x1024xf32, #tpu.memory_space<vmem>>, vector<1x16xf32>,
      %get3A_319 = arith.index_cast %scan3A_54 : i32 to index
      %get3A_320 = arith.constant 304 : index
      %get3A_321 = tpu.vector_load %arg8[%get3A_319, %get3A_320] {strides = array<i32>} : memref<32x1024xf32, #tpu.memory_space<vmem>>, vector<1x16xf32>,
      %get3A_322 = vector.shape_cast %get3A_321 : vector<1x16xf32> to vector<16xf32>
      %get3A_323 = arith.index_cast %scan3A_54 : i32 to index
      %get3A_324 = arith.constant 304 : index
      %get3A_325 = tpu.vector_load %arg9[%get3A_323, %get3A_324] {strides = array<i32>} : memref<32x1024xf32, #tpu.memory_space<vmem>>, vector<1x16xf32>,
      %get3A_326 = vector.shape_cast %get3A_325 : vector<1x16xf32> to vector<16xf32>
      %add3A_327 = arith.addf %get3A_322, %get3A_326 : vector<16xf32>
      %swap3A_328 = arith.index_cast %scan3A_54 : i32 to index
      %swap3A_329 = arith.constant 304 : index
      %swap3A_330 = tpu.vector_load %arg8[%swap3A_328, %swap3A_329] {strides = array<i32>} : memref<32x1024xf32, #tpu.memory_space<vmem>>, vector<1x16xf32>,
      %swap3A_331 = vector.shape_cast %swap3A_330 : vector<1x16xf32> to vector<16xf32>
      %swap3A_332 = vector.shape_cast %add3A_327 : vector<16xf32> to vector<1x16xf32>
      tpu.vector_store %arg8[%swap3A_328, %swap3A_329], %swap3A_332 {strides = array<i32>} : memref<32x1024xf32, #tpu.memory_space<vmem>>, vector<1x16xf32>,
      %get3A_333 = arith.index_cast %scan3A_54 : i32 to index
      %get3A_334 = arith.constant 320 : index
      %get3A_335 = tpu.vector_load %arg8[%get3A_333, %get3A_334] {strides = array<i32>} : memref<32x1024xf32, #tpu.memory_space<vmem>>, vector<1x16xf32>,
      %get3A_336 = vector.shape_cast %get3A_335 : vector<1x16xf32> to vector<16xf32>
      %get3A_337 = arith.index_cast %scan3A_54 : i32 to index
      %get3A_338 = arith.constant 320 : index
      %get3A_339 = tpu.vector_load %arg9[%get3A_337, %get3A_338] {strides = array<i32>} : memref<32x1024xf32, #tpu.memory_space<vmem>>, vector<1x16xf32>,
      %get3A_340 = vector.shape_cast %get3A_339 : vector<1x16xf32> to vector<16xf32>
      %add3A_341 = arith.addf %get3A_336, %get3A_340 : vector<16xf32>
      %swap3A_342 = arith.index_cast %scan3A_54 : i32 to index
      %swap3A_343 = arith.constant 320 : index
      %swap3A_344 = tpu.vector_load %arg8[%swap3A_342, %swap3A_343] {strides = array<i32>} : memref<32x1024xf32, #tpu.memory_space<vmem>>, vector<1x16xf32>,
      %swap3A_345 = vector.shape_cast %swap3A_344 : vector<1x16xf32> to vector<16xf32>
      %swap3A_346 = vector.shape_cast %add3A_341 : vector<16xf32> to vector<1x16xf32>
      tpu.vector_store %arg8[%swap3A_342, %swap3A_343], %swap3A_346 {strides = array<i32>} : memref<32x1024xf32, #tpu.memory_space<vmem>>, vector<1x16xf32>,
      %get3A_347 = arith.index_cast %scan3A_54 : i32 to index
      %get3A_348 = arith.constant 336 : index
      %get3A_349 = tpu.vector_load %arg8[%get3A_347, %get3A_348] {strides = array<i32>} : memref<32x1024xf32, #tpu.memory_space<vmem>>, vector<1x16xf32>,
      %get3A_350 = vector.shape_cast %get3A_349 : vector<1x16xf32> to vector<16xf32>
      %get3A_351 = arith.index_cast %scan3A_54 : i32 to index
      %get3A_352 = arith.constant 336 : index
      %get3A_353 = tpu.vector_load %arg9[%get3A_351, %get3A_352] {strides = array<i32>} : memref<32x1024xf32, #tpu.memory_space<vmem>>, vector<1x16xf32>,
      %get3A_354 = vector.shape_cast %get3A_353 : vector<1x16xf32> to vector<16xf32>
      %add3A_355 = arith.addf %get3A_350, %get3A_354 : vector<16xf32>
      %swap3A_356 = arith.index_cast %scan3A_54 : i32 to index
      %swap3A_357 = arith.constant 336 : index
      %swap3A_358 = tpu.vector_load %arg8[%swap3A_356, %swap3A_357] {strides = array<i32>} : memref<32x1024xf32, #tpu.memory_space<vmem>>, vector<1x16xf32>,
      %swap3A_359 = vector.shape_cast %swap3A_358 : vector<1x16xf32> to vector<16xf32>
      %swap3A_360 = vector.shape_cast %add3A_355 : vector<16xf32> to vector<1x16xf32>
      tpu.vector_store %arg8[%swap3A_356, %swap3A_357], %swap3A_360 {strides = array<i32>} : memref<32x1024xf32, #tpu.memory_space<vmem>>, vector<1x16xf32>,
      %get3A_361 = arith.index_cast %scan3A_54 : i32 to index
      %get3A_362 = arith.constant 352 : index
      %get3A_363 = tpu.vector_load %arg8[%get3A_361, %get3A_362] {strides = array<i32>} : memref<32x1024xf32, #tpu.memory_space<vmem>>, vector<1x16xf32>,
      %get3A_364 = vector.shape_cast %get3A_363 : vector<1x16xf32> to vector<16xf32>
      %get3A_365 = arith.index_cast %scan3A_54 : i32 to index
      %get3A_366 = arith.constant 352 : index
      %get3A_367 = tpu.vector_load %arg9[%get3A_365, %get3A_366] {strides = array<i32>} : memref<32x1024xf32, #tpu.memory_space<vmem>>, vector<1x16xf32>,
      %get3A_368 = vector.shape_cast %get3A_367 : vector<1x16xf32> to vector<16xf32>
      %add3A_369 = arith.addf %get3A_364, %get3A_368 : vector<16xf32>
      %swap3A_370 = arith.index_cast %scan3A_54 : i32 to index
      %swap3A_371 = arith.constant 352 : index
      %swap3A_372 = tpu.vector_load %arg8[%swap3A_370, %swap3A_371] {strides = array<i32>} : memref<32x1024xf32, #tpu.memory_space<vmem>>, vector<1x16xf32>,
      %swap3A_373 = vector.shape_cast %swap3A_372 : vector<1x16xf32> to vector<16xf32>
      %swap3A_374 = vector.shape_cast %add3A_369 : vector<16xf32> to vector<1x16xf32>
      tpu.vector_store %arg8[%swap3A_370, %swap3A_371], %swap3A_374 {strides = array<i32>} : memref<32x1024xf32, #tpu.memory_space<vmem>>, vector<1x16xf32>,
      %get3A_375 = arith.index_cast %scan3A_54 : i32 to index
      %get3A_376 = arith.constant 368 : index
      %get3A_377 = tpu.vector_load %arg8[%get3A_375, %get3A_376] {strides = array<i32>} : memref<32x1024xf32, #tpu.memory_space<vmem>>, vector<1x16xf32>,
      %get3A_378 = vector.shape_cast %get3A_377 : vector<1x16xf32> to vector<16xf32>
      %get3A_379 = arith.index_cast %scan3A_54 : i32 to index
      %get3A_380 = arith.constant 368 : index
      %get3A_381 = tpu.vector_load %arg9[%get3A_379, %get3A_380] {strides = array<i32>} : memref<32x1024xf32, #tpu.memory_space<vmem>>, vector<1x16xf32>,
      %get3A_382 = vector.shape_cast %get3A_381 : vector<1x16xf32> to vector<16xf32>
      %add3A_383 = arith.addf %get3A_378, %get3A_382 : vector<16xf32>
      %swap3A_384 = arith.index_cast %scan3A_54 : i32 to index
      %swap3A_385 = arith.constant 368 : index
      %swap3A_386 = tpu.vector_load %arg8[%swap3A_384, %swap3A_385] {strides = array<i32>} : memref<32x1024xf32, #tpu.memory_space<vmem>>, vector<1x16xf32>,
      %swap3A_387 = vector.shape_cast %swap3A_386 : vector<1x16xf32> to vector<16xf32>
      %swap3A_388 = vector.shape_cast %add3A_383 : vector<16xf32> to vector<1x16xf32>
      tpu.vector_store %arg8[%swap3A_384, %swap3A_385], %swap3A_388 {strides = array<i32>} : memref<32x1024xf32, #tpu.memory_space<vmem>>, vector<1x16xf32>,
      %get3A_389 = arith.index_cast %scan3A_54 : i32 to index
      %get3A_390 = arith.constant 384 : index
      %get3A_391 = tpu.vector_load %arg8[%get3A_389, %get3A_390] {strides = array<i32>} : memref<32x1024xf32, #tpu.memory_space<vmem>>, vector<1x16xf32>,
      %get3A_392 = vector.shape_cast %get3A_391 : vector<1x16xf32> to vector<16xf32>
      %get3A_393 = arith.index_cast %scan3A_54 : i32 to index
      %get3A_394 = arith.constant 384 : index
      %get3A_395 = tpu.vector_load %arg9[%get3A_393, %get3A_394] {strides = array<i32>} : memref<32x1024xf32, #tpu.memory_space<vmem>>, vector<1x16xf32>,
      %get3A_396 = vector.shape_cast %get3A_395 : vector<1x16xf32> to vector<16xf32>
      %add3A_397 = arith.addf %get3A_392, %get3A_396 : vector<16xf32>
      %swap3A_398 = arith.index_cast %scan3A_54 : i32 to index
      %swap3A_399 = arith.constant 384 : index
      %swap3A_400 = tpu.vector_load %arg8[%swap3A_398, %swap3A_399] {strides = array<i32>} : memref<32x1024xf32, #tpu.memory_space<vmem>>, vector<1x16xf32>,
      %swap3A_401 = vector.shape_cast %swap3A_400 : vector<1x16xf32> to vector<16xf32>
      %swap3A_402 = vector.shape_cast %add3A_397 : vector<16xf32> to vector<1x16xf32>
      tpu.vector_store %arg8[%swap3A_398, %swap3A_399], %swap3A_402 {strides = array<i32>} : memref<32x1024xf32, #tpu.memory_space<vmem>>, vector<1x16xf32>,
      %get3A_403 = arith.index_cast %scan3A_54 : i32 to index
      %get3A_404 = arith.constant 400 : index
      %get3A_405 = tpu.vector_load %arg8[%get3A_403, %get3A_404] {strides = array<i32>} : memref<32x1024xf32, #tpu.memory_space<vmem>>, vector<1x16xf32>,
      %get3A_406 = vector.shape_cast %get3A_405 : vector<1x16xf32> to vector<16xf32>
      %get3A_407 = arith.index_cast %scan3A_54 : i32 to index
      %get3A_408 = arith.constant 400 : index
      %get3A_409 = tpu.vector_load %arg9[%get3A_407, %get3A_408] {strides = array<i32>} : memref<32x1024xf32, #tpu.memory_space<vmem>>, vector<1x16xf32>,
      %get3A_410 = vector.shape_cast %get3A_409 : vector<1x16xf32> to vector<16xf32>
      %add3A_411 = arith.addf %get3A_406, %get3A_410 : vector<16xf32>
      %swap3A_412 = arith.index_cast %scan3A_54 : i32 to index
      %swap3A_413 = arith.constant 400 : index
      %swap3A_414 = tpu.vector_load %arg8[%swap3A_412, %swap3A_413] {strides = array<i32>} : memref<32x1024xf32, #tpu.memory_space<vmem>>, vector<1x16xf32>,
      %swap3A_415 = vector.shape_cast %swap3A_414 : vector<1x16xf32> to vector<16xf32>
      %swap3A_416 = vector.shape_cast %add3A_411 : vector<16xf32> to vector<1x16xf32>
      tpu.vector_store %arg8[%swap3A_412, %swap3A_413], %swap3A_416 {strides = array<i32>} : memref<32x1024xf32, #tpu.memory_space<vmem>>, vector<1x16xf32>,
      %get3A_417 = arith.index_cast %scan3A_54 : i32 to index
      %get3A_418 = arith.constant 416 : index
      %get3A_419 = tpu.vector_load %arg8[%get3A_417, %get3A_418] {strides = array<i32>} : memref<32x1024xf32, #tpu.memory_space<vmem>>, vector<1x16xf32>,
      %get3A_420 = vector.shape_cast %get3A_419 : vector<1x16xf32> to vector<16xf32>
      %get3A_421 = arith.index_cast %scan3A_54 : i32 to index
      %get3A_422 = arith.constant 416 : index
      %get3A_423 = tpu.vector_load %arg9[%get3A_421, %get3A_422] {strides = array<i32>} : memref<32x1024xf32, #tpu.memory_space<vmem>>, vector<1x16xf32>,
      %get3A_424 = vector.shape_cast %get3A_423 : vector<1x16xf32> to vector<16xf32>
      %add3A_425 = arith.addf %get3A_420, %get3A_424 : vector<16xf32>
      %swap3A_426 = arith.index_cast %scan3A_54 : i32 to index
      %swap3A_427 = arith.constant 416 : index
      %swap3A_428 = tpu.vector_load %arg8[%swap3A_426, %swap3A_427] {strides = array<i32>} : memref<32x1024xf32, #tpu.memory_space<vmem>>, vector<1x16xf32>,
      %swap3A_429 = vector.shape_cast %swap3A_428 : vector<1x16xf32> to vector<16xf32>
      %swap3A_430 = vector.shape_cast %add3A_425 : vector<16xf32> to vector<1x16xf32>
      tpu.vector_store %arg8[%swap3A_426, %swap3A_427], %swap3A_430 {strides = array<i32>} : memref<32x1024xf32, #tpu.memory_space<vmem>>, vector<1x16xf32>,
      %get3A_431 = arith.index_cast %scan3A_54 : i32 to index
      %get3A_432 = arith.constant 432 : index
      %get3A_433 = tpu.vector_load %arg8[%get3A_431, %get3A_432] {strides = array<i32>} : memref<32x1024xf32, #tpu.memory_space<vmem>>, vector<1x16xf32>,
      %get3A_434 = vector.shape_cast %get3A_433 : vector<1x16xf32> to vector<16xf32>
      %get3A_435 = arith.index_cast %scan3A_54 : i32 to index
      %get3A_436 = arith.constant 432 : index
      %get3A_437 = tpu.vector_load %arg9[%get3A_435, %get3A_436] {strides = array<i32>} : memref<32x1024xf32, #tpu.memory_space<vmem>>, vector<1x16xf32>,
      %get3A_438 = vector.shape_cast %get3A_437 : vector<1x16xf32> to vector<16xf32>
      %add3A_439 = arith.addf %get3A_434, %get3A_438 : vector<16xf32>
      %swap3A_440 = arith.index_cast %scan3A_54 : i32 to index
      %swap3A_441 = arith.constant 432 : index
      %swap3A_442 = tpu.vector_load %arg8[%swap3A_440, %swap3A_441] {strides = array<i32>} : memref<32x1024xf32, #tpu.memory_space<vmem>>, vector<1x16xf32>,
      %swap3A_443 = vector.shape_cast %swap3A_442 : vector<1x16xf32> to vector<16xf32>
      %swap3A_444 = vector.shape_cast %add3A_439 : vector<16xf32> to vector<1x16xf32>
      tpu.vector_store %arg8[%swap3A_440, %swap3A_441], %swap3A_444 {strides = array<i32>} : memref<32x1024xf32, #tpu.memory_space<vmem>>, vector<1x16xf32>,
      %get3A_445 = arith.index_cast %scan3A_54 : i32 to index
      %get3A_446 = arith.constant 448 : index
      %get3A_447 = tpu.vector_load %arg8[%get3A_445, %get3A_446] {strides = array<i32>} : memref<32x1024xf32, #tpu.memory_space<vmem>>, vector<1x16xf32>,
      %get3A_448 = vector.shape_cast %get3A_447 : vector<1x16xf32> to vector<16xf32>
      %get3A_449 = arith.index_cast %scan3A_54 : i32 to index
      %get3A_450 = arith.constant 448 : index
      %get3A_451 = tpu.vector_load %arg9[%get3A_449, %get3A_450] {strides = array<i32>} : memref<32x1024xf32, #tpu.memory_space<vmem>>, vector<1x16xf32>,
      %get3A_452 = vector.shape_cast %get3A_451 : vector<1x16xf32> to vector<16xf32>
      %add3A_453 = arith.addf %get3A_448, %get3A_452 : vector<16xf32>
      %swap3A_454 = arith.index_cast %scan3A_54 : i32 to index
      %swap3A_455 = arith.constant 448 : index
      %swap3A_456 = tpu.vector_load %arg8[%swap3A_454, %swap3A_455] {strides = array<i32>} : memref<32x1024xf32, #tpu.memory_space<vmem>>, vector<1x16xf32>,
      %swap3A_457 = vector.shape_cast %swap3A_456 : vector<1x16xf32> to vector<16xf32>
      %swap3A_458 = vector.shape_cast %add3A_453 : vector<16xf32> to vector<1x16xf32>
      tpu.vector_store %arg8[%swap3A_454, %swap3A_455], %swap3A_458 {strides = array<i32>} : memref<32x1024xf32, #tpu.memory_space<vmem>>, vector<1x16xf32>,
      %get3A_459 = arith.index_cast %scan3A_54 : i32 to index
      %get3A_460 = arith.constant 464 : index
      %get3A_461 = tpu.vector_load %arg8[%get3A_459, %get3A_460] {strides = array<i32>} : memref<32x1024xf32, #tpu.memory_space<vmem>>, vector<1x16xf32>,
      %get3A_462 = vector.shape_cast %get3A_461 : vector<1x16xf32> to vector<16xf32>
      %get3A_463 = arith.index_cast %scan3A_54 : i32 to index
      %get3A_464 = arith.constant 464 : index
      %get3A_465 = tpu.vector_load %arg9[%get3A_463, %get3A_464] {strides = array<i32>} : memref<32x1024xf32, #tpu.memory_space<vmem>>, vector<1x16xf32>,
      %get3A_466 = vector.shape_cast %get3A_465 : vector<1x16xf32> to vector<16xf32>
      %add3A_467 = arith.addf %get3A_462, %get3A_466 : vector<16xf32>
      %swap3A_468 = arith.index_cast %scan3A_54 : i32 to index
      %swap3A_469 = arith.constant 464 : index
      %swap3A_470 = tpu.vector_load %arg8[%swap3A_468, %swap3A_469] {strides = array<i32>} : memref<32x1024xf32, #tpu.memory_space<vmem>>, vector<1x16xf32>,
      %swap3A_471 = vector.shape_cast %swap3A_470 : vector<1x16xf32> to vector<16xf32>
      %swap3A_472 = vector.shape_cast %add3A_467 : vector<16xf32> to vector<1x16xf32>
      tpu.vector_store %arg8[%swap3A_468, %swap3A_469], %swap3A_472 {strides = array<i32>} : memref<32x1024xf32, #tpu.memory_space<vmem>>, vector<1x16xf32>,
      %get3A_473 = arith.index_cast %scan3A_54 : i32 to index
      %get3A_474 = arith.constant 480 : index
      %get3A_475 = tpu.vector_load %arg8[%get3A_473, %get3A_474] {strides = array<i32>} : memref<32x1024xf32, #tpu.memory_space<vmem>>, vector<1x16xf32>,
      %get3A_476 = vector.shape_cast %get3A_475 : vector<1x16xf32> to vector<16xf32>
      %get3A_477 = arith.index_cast %scan3A_54 : i32 to index
      %get3A_478 = arith.constant 480 : index
      %get3A_479 = tpu.vector_load %arg9[%get3A_477, %get3A_478] {strides = array<i32>} : memref<32x1024xf32, #tpu.memory_space<vmem>>, vector<1x16xf32>,
      %get3A_480 = vector.shape_cast %get3A_479 : vector<1x16xf32> to vector<16xf32>
      %add3A_481 = arith.addf %get3A_476, %get3A_480 : vector<16xf32>
      %swap3A_482 = arith.index_cast %scan3A_54 : i32 to index
      %swap3A_483 = arith.constant 480 : index
      %swap3A_484 = tpu.vector_load %arg8[%swap3A_482, %swap3A_483] {strides = array<i32>} : memref<32x1024xf32, #tpu.memory_space<vmem>>, vector<1x16xf32>,
      %swap3A_485 = vector.shape_cast %swap3A_484 : vector<1x16xf32> to vector<16xf32>
      %swap3A_486 = vector.shape_cast %add3A_481 : vector<16xf32> to vector<1x16xf32>
      tpu.vector_store %arg8[%swap3A_482, %swap3A_483], %swap3A_486 {strides = array<i32>} : memref<32x1024xf32, #tpu.memory_space<vmem>>, vector<1x16xf32>,
      %get3A_487 = arith.index_cast %scan3A_54 : i32 to index
      %get3A_488 = arith.constant 496 : index
      %get3A_489 = tpu.vector_load %arg8[%get3A_487, %get3A_488] {strides = array<i32>} : memref<32x1024xf32, #tpu.memory_space<vmem>>, vector<1x16xf32>,
      %get3A_490 = vector.shape_cast %get3A_489 : vector<1x16xf32> to vector<16xf32>
      %get3A_491 = arith.index_cast %scan3A_54 : i32 to index
      %get3A_492 = arith.constant 496 : index
      %get3A_493 = tpu.vector_load %arg9[%get3A_491, %get3A_492] {strides = array<i32>} : memref<32x1024xf32, #tpu.memory_space<vmem>>, vector<1x16xf32>,
      %get3A_494 = vector.shape_cast %get3A_493 : vector<1x16xf32> to vector<16xf32>
      %add3A_495 = arith.addf %get3A_490, %get3A_494 : vector<16xf32>
      %swap3A_496 = arith.index_cast %scan3A_54 : i32 to index
      %swap3A_497 = arith.constant 496 : index
      %swap3A_498 = tpu.vector_load %arg8[%swap3A_496, %swap3A_497] {strides = array<i32>} : memref<32x1024xf32, #tpu.memory_space<vmem>>, vector<1x16xf32>,
      %swap3A_499 = vector.shape_cast %swap3A_498 : vector<1x16xf32> to vector<16xf32>
      %swap3A_500 = vector.shape_cast %add3A_495 : vector<16xf32> to vector<1x16xf32>
      tpu.vector_store %arg8[%swap3A_496, %swap3A_497], %swap3A_500 {strides = array<i32>} : memref<32x1024xf32, #tpu.memory_space<vmem>>, vector<1x16xf32>,
      %get3A_501 = arith.index_cast %scan3A_54 : i32 to index
      %get3A_502 = arith.constant 512 : index
      %get3A_503 = tpu.vector_load %arg8[%get3A_501, %get3A_502] {strides = array<i32>} : memref<32x1024xf32, #tpu.memory_space<vmem>>, vector<1x16xf32>,
      %get3A_504 = vector.shape_cast %get3A_503 : vector<1x16xf32> to vector<16xf32>
      %get3A_505 = arith.index_cast %scan3A_54 : i32 to index
      %get3A_506 = arith.constant 512 : index
      %get3A_507 = tpu.vector_load %arg9[%get3A_505, %get3A_506] {strides = array<i32>} : memref<32x1024xf32, #tpu.memory_space<vmem>>, vector<1x16xf32>,
      %get3A_508 = vector.shape_cast %get3A_507 : vector<1x16xf32> to vector<16xf32>
      %add3A_509 = arith.addf %get3A_504, %get3A_508 : vector<16xf32>
      %swap3A_510 = arith.index_cast %scan3A_54 : i32 to index
      %swap3A_511 = arith.constant 512 : index
      %swap3A_512 = tpu.vector_load %arg8[%swap3A_510, %swap3A_511] {strides = array<i32>} : memref<32x1024xf32, #tpu.memory_space<vmem>>, vector<1x16xf32>,
      %swap3A_513 = vector.shape_cast %swap3A_512 : vector<1x16xf32> to vector<16xf32>
      %swap3A_514 = vector.shape_cast %add3A_509 : vector<16xf32> to vector<1x16xf32>
      tpu.vector_store %arg8[%swap3A_510, %swap3A_511], %swap3A_514 {strides = array<i32>} : memref<32x1024xf32, #tpu.memory_space<vmem>>, vector<1x16xf32>,
      %get3A_515 = arith.index_cast %scan3A_54 : i32 to index
      %get3A_516 = arith.constant 528 : index
      %get3A_517 = tpu.vector_load %arg8[%get3A_515, %get3A_516] {strides = array<i32>} : memref<32x1024xf32, #tpu.memory_space<vmem>>, vector<1x16xf32>,
      %get3A_518 = vector.shape_cast %get3A_517 : vector<1x16xf32> to vector<16xf32>
      %get3A_519 = arith.index_cast %scan3A_54 : i32 to index
      %get3A_520 = arith.constant 528 : index
      %get3A_521 = tpu.vector_load %arg9[%get3A_519, %get3A_520] {strides = array<i32>} : memref<32x1024xf32, #tpu.memory_space<vmem>>, vector<1x16xf32>,
      %get3A_522 = vector.shape_cast %get3A_521 : vector<1x16xf32> to vector<16xf32>
      %add3A_523 = arith.addf %get3A_518, %get3A_522 : vector<16xf32>
      %swap3A_524 = arith.index_cast %scan3A_54 : i32 to index
      %swap3A_525 = arith.constant 528 : index
      %swap3A_526 = tpu.vector_load %arg8[%swap3A_524, %swap3A_525] {strides = array<i32>} : memref<32x1024xf32, #tpu.memory_space<vmem>>, vector<1x16xf32>,
      %swap3A_527 = vector.shape_cast %swap3A_526 : vector<1x16xf32> to vector<16xf32>
      %swap3A_528 = vector.shape_cast %add3A_523 : vector<16xf32> to vector<1x16xf32>
      tpu.vector_store %arg8[%swap3A_524, %swap3A_525], %swap3A_528 {strides = array<i32>} : memref<32x1024xf32, #tpu.memory_space<vmem>>, vector<1x16xf32>,
      %get3A_529 = arith.index_cast %scan3A_54 : i32 to index
      %get3A_530 = arith.constant 544 : index
      %get3A_531 = tpu.vector_load %arg8[%get3A_529, %get3A_530] {strides = array<i32>} : memref<32x1024xf32, #tpu.memory_space<vmem>>, vector<1x16xf32>,
      %get3A_532 = vector.shape_cast %get3A_531 : vector<1x16xf32> to vector<16xf32>
      %get3A_533 = arith.index_cast %scan3A_54 : i32 to index
      %get3A_534 = arith.constant 544 : index
      %get3A_535 = tpu.vector_load %arg9[%get3A_533, %get3A_534] {strides = array<i32>} : memref<32x1024xf32, #tpu.memory_space<vmem>>, vector<1x16xf32>,
      %get3A_536 = vector.shape_cast %get3A_535 : vector<1x16xf32> to vector<16xf32>
      %add3A_537 = arith.addf %get3A_532, %get3A_536 : vector<16xf32>
      %swap3A_538 = arith.index_cast %scan3A_54 : i32 to index
      %swap3A_539 = arith.constant 544 : index
      %swap3A_540 = tpu.vector_load %arg8[%swap3A_538, %swap3A_539] {strides = array<i32>} : memref<32x1024xf32, #tpu.memory_space<vmem>>, vector<1x16xf32>,
      %swap3A_541 = vector.shape_cast %swap3A_540 : vector<1x16xf32> to vector<16xf32>
      %swap3A_542 = vector.shape_cast %add3A_537 : vector<16xf32> to vector<1x16xf32>
      tpu.vector_store %arg8[%swap3A_538, %swap3A_539], %swap3A_542 {strides = array<i32>} : memref<32x1024xf32, #tpu.memory_space<vmem>>, vector<1x16xf32>,
      %get3A_543 = arith.index_cast %scan3A_54 : i32 to index
      %get3A_544 = arith.constant 560 : index
      %get3A_545 = tpu.vector_load %arg8[%get3A_543, %get3A_544] {strides = array<i32>} : memref<32x1024xf32, #tpu.memory_space<vmem>>, vector<1x16xf32>,
      %get3A_546 = vector.shape_cast %get3A_545 : vector<1x16xf32> to vector<16xf32>
      %get3A_547 = arith.index_cast %scan3A_54 : i32 to index
      %get3A_548 = arith.constant 560 : index
      %get3A_549 = tpu.vector_load %arg9[%get3A_547, %get3A_548] {strides = array<i32>} : memref<32x1024xf32, #tpu.memory_space<vmem>>, vector<1x16xf32>,
      %get3A_550 = vector.shape_cast %get3A_549 : vector<1x16xf32> to vector<16xf32>
      %add3A_551 = arith.addf %get3A_546, %get3A_550 : vector<16xf32>
      %swap3A_552 = arith.index_cast %scan3A_54 : i32 to index
      %swap3A_553 = arith.constant 560 : index
      %swap3A_554 = tpu.vector_load %arg8[%swap3A_552, %swap3A_553] {strides = array<i32>} : memref<32x1024xf32, #tpu.memory_space<vmem>>, vector<1x16xf32>,
      %swap3A_555 = vector.shape_cast %swap3A_554 : vector<1x16xf32> to vector<16xf32>
      %swap3A_556 = vector.shape_cast %add3A_551 : vector<16xf32> to vector<1x16xf32>
      tpu.vector_store %arg8[%swap3A_552, %swap3A_553], %swap3A_556 {strides = array<i32>} : memref<32x1024xf32, #tpu.memory_space<vmem>>, vector<1x16xf32>,
      %get3A_557 = arith.index_cast %scan3A_54 : i32 to index
      %get3A_558 = arith.constant 576 : index
      %get3A_559 = tpu.vector_load %arg8[%get3A_557, %get3A_558] {strides = array<i32>} : memref<32x1024xf32, #tpu.memory_space<vmem>>, vector<1x16xf32>,
      %get3A_560 = vector.shape_cast %get3A_559 : vector<1x16xf32> to vector<16xf32>
      %get3A_561 = arith.index_cast %scan3A_54 : i32 to index
      %get3A_562 = arith.constant 576 : index
      %get3A_563 = tpu.vector_load %arg9[%get3A_561, %get3A_562] {strides = array<i32>} : memref<32x1024xf32, #tpu.memory_space<vmem>>, vector<1x16xf32>,
      %get3A_564 = vector.shape_cast %get3A_563 : vector<1x16xf32> to vector<16xf32>
      %add3A_565 = arith.addf %get3A_560, %get3A_564 : vector<16xf32>
      %swap3A_566 = arith.index_cast %scan3A_54 : i32 to index
      %swap3A_567 = arith.constant 576 : index
      %swap3A_568 = tpu.vector_load %arg8[%swap3A_566, %swap3A_567] {strides = array<i32>} : memref<32x1024xf32, #tpu.memory_space<vmem>>, vector<1x16xf32>,
      %swap3A_569 = vector.shape_cast %swap3A_568 : vector<1x16xf32> to vector<16xf32>
      %swap3A_570 = vector.shape_cast %add3A_565 : vector<16xf32> to vector<1x16xf32>
      tpu.vector_store %arg8[%swap3A_566, %swap3A_567], %swap3A_570 {strides = array<i32>} : memref<32x1024xf32, #tpu.memory_space<vmem>>, vector<1x16xf32>,
      %get3A_571 = arith.index_cast %scan3A_54 : i32 to index
      %get3A_572 = arith.constant 592 : index
      %get3A_573 = tpu.vector_load %arg8[%get3A_571, %get3A_572] {strides = array<i32>} : memref<32x1024xf32, #tpu.memory_space<vmem>>, vector<1x16xf32>,
      %get3A_574 = vector.shape_cast %get3A_573 : vector<1x16xf32> to vector<16xf32>
      %get3A_575 = arith.index_cast %scan3A_54 : i32 to index
      %get3A_576 = arith.constant 592 : index
      %get3A_577 = tpu.vector_load %arg9[%get3A_575, %get3A_576] {strides = array<i32>} : memref<32x1024xf32, #tpu.memory_space<vmem>>, vector<1x16xf32>,
      %get3A_578 = vector.shape_cast %get3A_577 : vector<1x16xf32> to vector<16xf32>
      %add3A_579 = arith.addf %get3A_574, %get3A_578 : vector<16xf32>
      %swap3A_580 = arith.index_cast %scan3A_54 : i32 to index
      %swap3A_581 = arith.constant 592 : index
      %swap3A_582 = tpu.vector_load %arg8[%swap3A_580, %swap3A_581] {strides = array<i32>} : memref<32x1024xf32, #tpu.memory_space<vmem>>, vector<1x16xf32>,
      %swap3A_583 = vector.shape_cast %swap3A_582 : vector<1x16xf32> to vector<16xf32>
      %swap3A_584 = vector.shape_cast %add3A_579 : vector<16xf32> to vector<1x16xf32>
      tpu.vector_store %arg8[%swap3A_580, %swap3A_581], %swap3A_584 {strides = array<i32>} : memref<32x1024xf32, #tpu.memory_space<vmem>>, vector<1x16xf32>,
      %get3A_585 = arith.index_cast %scan3A_54 : i32 to index
      %get3A_586 = arith.constant 608 : index
      %get3A_587 = tpu.vector_load %arg8[%get3A_585, %get3A_586] {strides = array<i32>} : memref<32x1024xf32, #tpu.memory_space<vmem>>, vector<1x16xf32>,
      %get3A_588 = vector.shape_cast %get3A_587 : vector<1x16xf32> to vector<16xf32>
      %get3A_589 = arith.index_cast %scan3A_54 : i32 to index
      %get3A_590 = arith.constant 608 : index
      %get3A_591 = tpu.vector_load %arg9[%get3A_589, %get3A_590] {strides = array<i32>} : memref<32x1024xf32, #tpu.memory_space<vmem>>, vector<1x16xf32>,
      %get3A_592 = vector.shape_cast %get3A_591 : vector<1x16xf32> to vector<16xf32>
      %add3A_593 = arith.addf %get3A_588, %get3A_592 : vector<16xf32>
      %swap3A_594 = arith.index_cast %scan3A_54 : i32 to index
      %swap3A_595 = arith.constant 608 : index
      %swap3A_596 = tpu.vector_load %arg8[%swap3A_594, %swap3A_595] {strides = array<i32>} : memref<32x1024xf32, #tpu.memory_space<vmem>>, vector<1x16xf32>,
      %swap3A_597 = vector.shape_cast %swap3A_596 : vector<1x16xf32> to vector<16xf32>
      %swap3A_598 = vector.shape_cast %add3A_593 : vector<16xf32> to vector<1x16xf32>
      tpu.vector_store %arg8[%swap3A_594, %swap3A_595], %swap3A_598 {strides = array<i32>} : memref<32x1024xf32, #tpu.memory_space<vmem>>, vector<1x16xf32>,
      %get3A_599 = arith.index_cast %scan3A_54 : i32 to index
      %get3A_600 = arith.constant 624 : index
      %get3A_601 = tpu.vector_load %arg8[%get3A_599, %get3A_600] {strides = array<i32>} : memref<32x1024xf32, #tpu.memory_space<vmem>>, vector<1x16xf32>,
      %get3A_602 = vector.shape_cast %get3A_601 : vector<1x16xf32> to vector<16xf32>
      %get3A_603 = arith.index_cast %scan3A_54 : i32 to index
      %get3A_604 = arith.constant 624 : index
      %get3A_605 = tpu.vector_load %arg9[%get3A_603, %get3A_604] {strides = array<i32>} : memref<32x1024xf32, #tpu.memory_space<vmem>>, vector<1x16xf32>,
      %get3A_606 = vector.shape_cast %get3A_605 : vector<1x16xf32> to vector<16xf32>
      %add3A_607 = arith.addf %get3A_602, %get3A_606 : vector<16xf32>
      %swap3A_608 = arith.index_cast %scan3A_54 : i32 to index
      %swap3A_609 = arith.constant 624 : index
      %swap3A_610 = tpu.vector_load %arg8[%swap3A_608, %swap3A_609] {strides = array<i32>} : memref<32x1024xf32, #tpu.memory_space<vmem>>, vector<1x16xf32>,
      %swap3A_611 = vector.shape_cast %swap3A_610 : vector<1x16xf32> to vector<16xf32>
      %swap3A_612 = vector.shape_cast %add3A_607 : vector<16xf32> to vector<1x16xf32>
      tpu.vector_store %arg8[%swap3A_608, %swap3A_609], %swap3A_612 {strides = array<i32>} : memref<32x1024xf32, #tpu.memory_space<vmem>>, vector<1x16xf32>,
      %get3A_613 = arith.index_cast %scan3A_54 : i32 to index
      %get3A_614 = arith.constant 640 : index
      %get3A_615 = tpu.vector_load %arg8[%get3A_613, %get3A_614] {strides = array<i32>} : memref<32x1024xf32, #tpu.memory_space<vmem>>, vector<1x16xf32>,
      %get3A_616 = vector.shape_cast %get3A_615 : vector<1x16xf32> to vector<16xf32>
      %get3A_617 = arith.index_cast %scan3A_54 : i32 to index
      %get3A_618 = arith.constant 640 : index
      %get3A_619 = tpu.vector_load %arg9[%get3A_617, %get3A_618] {strides = array<i32>} : memref<32x1024xf32, #tpu.memory_space<vmem>>, vector<1x16xf32>,
      %get3A_620 = vector.shape_cast %get3A_619 : vector<1x16xf32> to vector<16xf32>
      %add3A_621 = arith.addf %get3A_616, %get3A_620 : vector<16xf32>
      %swap3A_622 = arith.index_cast %scan3A_54 : i32 to index
      %swap3A_623 = arith.constant 640 : index
      %swap3A_624 = tpu.vector_load %arg8[%swap3A_622, %swap3A_623] {strides = array<i32>} : memref<32x1024xf32, #tpu.memory_space<vmem>>, vector<1x16xf32>,
      %swap3A_625 = vector.shape_cast %swap3A_624 : vector<1x16xf32> to vector<16xf32>
      %swap3A_626 = vector.shape_cast %add3A_621 : vector<16xf32> to vector<1x16xf32>
      tpu.vector_store %arg8[%swap3A_622, %swap3A_623], %swap3A_626 {strides = array<i32>} : memref<32x1024xf32, #tpu.memory_space<vmem>>, vector<1x16xf32>,
      %get3A_627 = arith.index_cast %scan3A_54 : i32 to index
      %get3A_628 = arith.constant 656 : index
      %get3A_629 = tpu.vector_load %arg8[%get3A_627, %get3A_628] {strides = array<i32>} : memref<32x1024xf32, #tpu.memory_space<vmem>>, vector<1x16xf32>,
      %get3A_630 = vector.shape_cast %get3A_629 : vector<1x16xf32> to vector<16xf32>
      %get3A_631 = arith.index_cast %scan3A_54 : i32 to index
      %get3A_632 = arith.constant 656 : index
      %get3A_633 = tpu.vector_load %arg9[%get3A_631, %get3A_632] {strides = array<i32>} : memref<32x1024xf32, #tpu.memory_space<vmem>>, vector<1x16xf32>,
      %get3A_634 = vector.shape_cast %get3A_633 : vector<1x16xf32> to vector<16xf32>
      %add3A_635 = arith.addf %get3A_630, %get3A_634 : vector<16xf32>
      %swap3A_636 = arith.index_cast %scan3A_54 : i32 to index
      %swap3A_637 = arith.constant 656 : index
      %swap3A_638 = tpu.vector_load %arg8[%swap3A_636, %swap3A_637] {strides = array<i32>} : memref<32x1024xf32, #tpu.memory_space<vmem>>, vector<1x16xf32>,
      %swap3A_639 = vector.shape_cast %swap3A_638 : vector<1x16xf32> to vector<16xf32>
      %swap3A_640 = vector.shape_cast %add3A_635 : vector<16xf32> to vector<1x16xf32>
      tpu.vector_store %arg8[%swap3A_636, %swap3A_637], %swap3A_640 {strides = array<i32>} : memref<32x1024xf32, #tpu.memory_space<vmem>>, vector<1x16xf32>,
      %get3A_641 = arith.index_cast %scan3A_54 : i32 to index
      %get3A_642 = arith.constant 672 : index
      %get3A_643 = tpu.vector_load %arg8[%get3A_641, %get3A_642] {strides = array<i32>} : memref<32x1024xf32, #tpu.memory_space<vmem>>, vector<1x16xf32>,
      %get3A_644 = vector.shape_cast %get3A_643 : vector<1x16xf32> to vector<16xf32>
      %get3A_645 = arith.index_cast %scan3A_54 : i32 to index
      %get3A_646 = arith.constant 672 : index
      %get3A_647 = tpu.vector_load %arg9[%get3A_645, %get3A_646] {strides = array<i32>} : memref<32x1024xf32, #tpu.memory_space<vmem>>, vector<1x16xf32>,
      %get3A_648 = vector.shape_cast %get3A_647 : vector<1x16xf32> to vector<16xf32>
      %add3A_649 = arith.addf %get3A_644, %get3A_648 : vector<16xf32>
      %swap3A_650 = arith.index_cast %scan3A_54 : i32 to index
      %swap3A_651 = arith.constant 672 : index
      %swap3A_652 = tpu.vector_load %arg8[%swap3A_650, %swap3A_651] {strides = array<i32>} : memref<32x1024xf32, #tpu.memory_space<vmem>>, vector<1x16xf32>,
      %swap3A_653 = vector.shape_cast %swap3A_652 : vector<1x16xf32> to vector<16xf32>
      %swap3A_654 = vector.shape_cast %add3A_649 : vector<16xf32> to vector<1x16xf32>
      tpu.vector_store %arg8[%swap3A_650, %swap3A_651], %swap3A_654 {strides = array<i32>} : memref<32x1024xf32, #tpu.memory_space<vmem>>, vector<1x16xf32>,
      %get3A_655 = arith.index_cast %scan3A_54 : i32 to index
      %get3A_656 = arith.constant 688 : index
      %get3A_657 = tpu.vector_load %arg8[%get3A_655, %get3A_656] {strides = array<i32>} : memref<32x1024xf32, #tpu.memory_space<vmem>>, vector<1x16xf32>,
      %get3A_658 = vector.shape_cast %get3A_657 : vector<1x16xf32> to vector<16xf32>
      %get3A_659 = arith.index_cast %scan3A_54 : i32 to index
      %get3A_660 = arith.constant 688 : index
      %get3A_661 = tpu.vector_load %arg9[%get3A_659, %get3A_660] {strides = array<i32>} : memref<32x1024xf32, #tpu.memory_space<vmem>>, vector<1x16xf32>,
      %get3A_662 = vector.shape_cast %get3A_661 : vector<1x16xf32> to vector<16xf32>
      %add3A_663 = arith.addf %get3A_658, %get3A_662 : vector<16xf32>
      %swap3A_664 = arith.index_cast %scan3A_54 : i32 to index
      %swap3A_665 = arith.constant 688 : index
      %swap3A_666 = tpu.vector_load %arg8[%swap3A_664, %swap3A_665] {strides = array<i32>} : memref<32x1024xf32, #tpu.memory_space<vmem>>, vector<1x16xf32>,
      %swap3A_667 = vector.shape_cast %swap3A_666 : vector<1x16xf32> to vector<16xf32>
      %swap3A_668 = vector.shape_cast %add3A_663 : vector<16xf32> to vector<1x16xf32>
      tpu.vector_store %arg8[%swap3A_664, %swap3A_665], %swap3A_668 {strides = array<i32>} : memref<32x1024xf32, #tpu.memory_space<vmem>>, vector<1x16xf32>,
      %get3A_669 = arith.index_cast %scan3A_54 : i32 to index
      %get3A_670 = arith.constant 704 : index
      %get3A_671 = tpu.vector_load %arg8[%get3A_669, %get3A_670] {strides = array<i32>} : memref<32x1024xf32, #tpu.memory_space<vmem>>, vector<1x16xf32>,
      %get3A_672 = vector.shape_cast %get3A_671 : vector<1x16xf32> to vector<16xf32>
      %get3A_673 = arith.index_cast %scan3A_54 : i32 to index
      %get3A_674 = arith.constant 704 : index
      %get3A_675 = tpu.vector_load %arg9[%get3A_673, %get3A_674] {strides = array<i32>} : memref<32x1024xf32, #tpu.memory_space<vmem>>, vector<1x16xf32>,
      %get3A_676 = vector.shape_cast %get3A_675 : vector<1x16xf32> to vector<16xf32>
      %add3A_677 = arith.addf %get3A_672, %get3A_676 : vector<16xf32>
      %swap3A_678 = arith.index_cast %scan3A_54 : i32 to index
      %swap3A_679 = arith.constant 704 : index
      %swap3A_680 = tpu.vector_load %arg8[%swap3A_678, %swap3A_679] {strides = array<i32>} : memref<32x1024xf32, #tpu.memory_space<vmem>>, vector<1x16xf32>,
      %swap3A_681 = vector.shape_cast %swap3A_680 : vector<1x16xf32> to vector<16xf32>
      %swap3A_682 = vector.shape_cast %add3A_677 : vector<16xf32> to vector<1x16xf32>
      tpu.vector_store %arg8[%swap3A_678, %swap3A_679], %swap3A_682 {strides = array<i32>} : memref<32x1024xf32, #tpu.memory_space<vmem>>, vector<1x16xf32>,
      %get3A_683 = arith.index_cast %scan3A_54 : i32 to index
      %get3A_684 = arith.constant 720 : index
      %get3A_685 = tpu.vector_load %arg8[%get3A_683, %get3A_684] {strides = array<i32>} : memref<32x1024xf32, #tpu.memory_space<vmem>>, vector<1x16xf32>,
      %get3A_686 = vector.shape_cast %get3A_685 : vector<1x16xf32> to vector<16xf32>
      %get3A_687 = arith.index_cast %scan3A_54 : i32 to index
      %get3A_688 = arith.constant 720 : index
      %get3A_689 = tpu.vector_load %arg9[%get3A_687, %get3A_688] {strides = array<i32>} : memref<32x1024xf32, #tpu.memory_space<vmem>>, vector<1x16xf32>,
      %get3A_690 = vector.shape_cast %get3A_689 : vector<1x16xf32> to vector<16xf32>
      %add3A_691 = arith.addf %get3A_686, %get3A_690 : vector<16xf32>
      %swap3A_692 = arith.index_cast %scan3A_54 : i32 to index
      %swap3A_693 = arith.constant 720 : index
      %swap3A_694 = tpu.vector_load %arg8[%swap3A_692, %swap3A_693] {strides = array<i32>} : memref<32x1024xf32, #tpu.memory_space<vmem>>, vector<1x16xf32>,
      %swap3A_695 = vector.shape_cast %swap3A_694 : vector<1x16xf32> to vector<16xf32>
      %swap3A_696 = vector.shape_cast %add3A_691 : vector<16xf32> to vector<1x16xf32>
      tpu.vector_store %arg8[%swap3A_692, %swap3A_693], %swap3A_696 {strides = array<i32>} : memref<32x1024xf32, #tpu.memory_space<vmem>>, vector<1x16xf32>,
      %get3A_697 = arith.index_cast %scan3A_54 : i32 to index
      %get3A_698 = arith.constant 736 : index
      %get3A_699 = tpu.vector_load %arg8[%get3A_697, %get3A_698] {strides = array<i32>} : memref<32x1024xf32, #tpu.memory_space<vmem>>, vector<1x16xf32>,
      %get3A_700 = vector.shape_cast %get3A_699 : vector<1x16xf32> to vector<16xf32>
      %get3A_701 = arith.index_cast %scan3A_54 : i32 to index
      %get3A_702 = arith.constant 736 : index
      %get3A_703 = tpu.vector_load %arg9[%get3A_701, %get3A_702] {strides = array<i32>} : memref<32x1024xf32, #tpu.memory_space<vmem>>, vector<1x16xf32>,
      %get3A_704 = vector.shape_cast %get3A_703 : vector<1x16xf32> to vector<16xf32>
      %add3A_705 = arith.addf %get3A_700, %get3A_704 : vector<16xf32>
      %swap3A_706 = arith.index_cast %scan3A_54 : i32 to index
      %swap3A_707 = arith.constant 736 : index
      %swap3A_708 = tpu.vector_load %arg8[%swap3A_706, %swap3A_707] {strides = array<i32>} : memref<32x1024xf32, #tpu.memory_space<vmem>>, vector<1x16xf32>,
      %swap3A_709 = vector.shape_cast %swap3A_708 : vector<1x16xf32> to vector<16xf32>
      %swap3A_710 = vector.shape_cast %add3A_705 : vector<16xf32> to vector<1x16xf32>
      tpu.vector_store %arg8[%swap3A_706, %swap3A_707], %swap3A_710 {strides = array<i32>} : memref<32x1024xf32, #tpu.memory_space<vmem>>, vector<1x16xf32>,
      %get3A_711 = arith.index_cast %scan3A_54 : i32 to index
      %get3A_712 = arith.constant 752 : index
      %get3A_713 = tpu.vector_load %arg8[%get3A_711, %get3A_712] {strides = array<i32>} : memref<32x1024xf32, #tpu.memory_space<vmem>>, vector<1x16xf32>,
      %get3A_714 = vector.shape_cast %get3A_713 : vector<1x16xf32> to vector<16xf32>
      %get3A_715 = arith.index_cast %scan3A_54 : i32 to index
      %get3A_716 = arith.constant 752 : index
      %get3A_717 = tpu.vector_load %arg9[%get3A_715, %get3A_716] {strides = array<i32>} : memref<32x1024xf32, #tpu.memory_space<vmem>>, vector<1x16xf32>,
      %get3A_718 = vector.shape_cast %get3A_717 : vector<1x16xf32> to vector<16xf32>
      %add3A_719 = arith.addf %get3A_714, %get3A_718 : vector<16xf32>
      %swap3A_720 = arith.index_cast %scan3A_54 : i32 to index
      %swap3A_721 = arith.constant 752 : index
      %swap3A_722 = tpu.vector_load %arg8[%swap3A_720, %swap3A_721] {strides = array<i32>} : memref<32x1024xf32, #tpu.memory_space<vmem>>, vector<1x16xf32>,
      %swap3A_723 = vector.shape_cast %swap3A_722 : vector<1x16xf32> to vector<16xf32>
      %swap3A_724 = vector.shape_cast %add3A_719 : vector<16xf32> to vector<1x16xf32>
      tpu.vector_store %arg8[%swap3A_720, %swap3A_721], %swap3A_724 {strides = array<i32>} : memref<32x1024xf32, #tpu.memory_space<vmem>>, vector<1x16xf32>,
      %get3A_725 = arith.index_cast %scan3A_54 : i32 to index
      %get3A_726 = arith.constant 768 : index
      %get3A_727 = tpu.vector_load %arg8[%get3A_725, %get3A_726] {strides = array<i32>} : memref<32x1024xf32, #tpu.memory_space<vmem>>, vector<1x16xf32>,
      %get3A_728 = vector.shape_cast %get3A_727 : vector<1x16xf32> to vector<16xf32>
      %get3A_729 = arith.index_cast %scan3A_54 : i32 to index
      %get3A_730 = arith.constant 768 : index
      %get3A_731 = tpu.vector_load %arg9[%get3A_729, %get3A_730] {strides = array<i32>} : memref<32x1024xf32, #tpu.memory_space<vmem>>, vector<1x16xf32>,
      %get3A_732 = vector.shape_cast %get3A_731 : vector<1x16xf32> to vector<16xf32>
      %add3A_733 = arith.addf %get3A_728, %get3A_732 : vector<16xf32>
      %swap3A_734 = arith.index_cast %scan3A_54 : i32 to index
      %swap3A_735 = arith.constant 768 : index
      %swap3A_736 = tpu.vector_load %arg8[%swap3A_734, %swap3A_735] {strides = array<i32>} : memref<32x1024xf32, #tpu.memory_space<vmem>>, vector<1x16xf32>,
      %swap3A_737 = vector.shape_cast %swap3A_736 : vector<1x16xf32> to vector<16xf32>
      %swap3A_738 = vector.shape_cast %add3A_733 : vector<16xf32> to vector<1x16xf32>
      tpu.vector_store %arg8[%swap3A_734, %swap3A_735], %swap3A_738 {strides = array<i32>} : memref<32x1024xf32, #tpu.memory_space<vmem>>, vector<1x16xf32>,
      %get3A_739 = arith.index_cast %scan3A_54 : i32 to index
      %get3A_740 = arith.constant 784 : index
      %get3A_741 = tpu.vector_load %arg8[%get3A_739, %get3A_740] {strides = array<i32>} : memref<32x1024xf32, #tpu.memory_space<vmem>>, vector<1x16xf32>,
      %get3A_742 = vector.shape_cast %get3A_741 : vector<1x16xf32> to vector<16xf32>
      %get3A_743 = arith.index_cast %scan3A_54 : i32 to index
      %get3A_744 = arith.constant 784 : index
      %get3A_745 = tpu.vector_load %arg9[%get3A_743, %get3A_744] {strides = array<i32>} : memref<32x1024xf32, #tpu.memory_space<vmem>>, vector<1x16xf32>,
      %get3A_746 = vector.shape_cast %get3A_745 : vector<1x16xf32> to vector<16xf32>
      %add3A_747 = arith.addf %get3A_742, %get3A_746 : vector<16xf32>
      %swap3A_748 = arith.index_cast %scan3A_54 : i32 to index
      %swap3A_749 = arith.constant 784 : index
      %swap3A_750 = tpu.vector_load %arg8[%swap3A_748, %swap3A_749] {strides = array<i32>} : memref<32x1024xf32, #tpu.memory_space<vmem>>, vector<1x16xf32>,
      %swap3A_751 = vector.shape_cast %swap3A_750 : vector<1x16xf32> to vector<16xf32>
      %swap3A_752 = vector.shape_cast %add3A_747 : vector<16xf32> to vector<1x16xf32>
      tpu.vector_store %arg8[%swap3A_748, %swap3A_749], %swap3A_752 {strides = array<i32>} : memref<32x1024xf32, #tpu.memory_space<vmem>>, vector<1x16xf32>,
      %get3A_753 = arith.index_cast %scan3A_54 : i32 to index
      %get3A_754 = arith.constant 800 : index
      %get3A_755 = tpu.vector_load %arg8[%get3A_753, %get3A_754] {strides = array<i32>} : memref<32x1024xf32, #tpu.memory_space<vmem>>, vector<1x16xf32>,
      %get3A_756 = vector.shape_cast %get3A_755 : vector<1x16xf32> to vector<16xf32>
      %get3A_757 = arith.index_cast %scan3A_54 : i32 to index
      %get3A_758 = arith.constant 800 : index
      %get3A_759 = tpu.vector_load %arg9[%get3A_757, %get3A_758] {strides = array<i32>} : memref<32x1024xf32, #tpu.memory_space<vmem>>, vector<1x16xf32>,
      %get3A_760 = vector.shape_cast %get3A_759 : vector<1x16xf32> to vector<16xf32>
      %add3A_761 = arith.addf %get3A_756, %get3A_760 : vector<16xf32>
      %swap3A_762 = arith.index_cast %scan3A_54 : i32 to index
      %swap3A_763 = arith.constant 800 : index
      %swap3A_764 = tpu.vector_load %arg8[%swap3A_762, %swap3A_763] {strides = array<i32>} : memref<32x1024xf32, #tpu.memory_space<vmem>>, vector<1x16xf32>,
      %swap3A_765 = vector.shape_cast %swap3A_764 : vector<1x16xf32> to vector<16xf32>
      %swap3A_766 = vector.shape_cast %add3A_761 : vector<16xf32> to vector<1x16xf32>
      tpu.vector_store %arg8[%swap3A_762, %swap3A_763], %swap3A_766 {strides = array<i32>} : memref<32x1024xf32, #tpu.memory_space<vmem>>, vector<1x16xf32>,
      %get3A_767 = arith.index_cast %scan3A_54 : i32 to index
      %get3A_768 = arith.constant 816 : index
      %get3A_769 = tpu.vector_load %arg8[%get3A_767, %get3A_768] {strides = array<i32>} : memref<32x1024xf32, #tpu.memory_space<vmem>>, vector<1x16xf32>,
      %get3A_770 = vector.shape_cast %get3A_769 : vector<1x16xf32> to vector<16xf32>
      %get3A_771 = arith.index_cast %scan3A_54 : i32 to index
      %get3A_772 = arith.constant 816 : index
      %get3A_773 = tpu.vector_load %arg9[%get3A_771, %get3A_772] {strides = array<i32>} : memref<32x1024xf32, #tpu.memory_space<vmem>>, vector<1x16xf32>,
      %get3A_774 = vector.shape_cast %get3A_773 : vector<1x16xf32> to vector<16xf32>
      %add3A_775 = arith.addf %get3A_770, %get3A_774 : vector<16xf32>
      %swap3A_776 = arith.index_cast %scan3A_54 : i32 to index
      %swap3A_777 = arith.constant 816 : index
      %swap3A_778 = tpu.vector_load %arg8[%swap3A_776, %swap3A_777] {strides = array<i32>} : memref<32x1024xf32, #tpu.memory_space<vmem>>, vector<1x16xf32>,
      %swap3A_779 = vector.shape_cast %swap3A_778 : vector<1x16xf32> to vector<16xf32>
      %swap3A_780 = vector.shape_cast %add3A_775 : vector<16xf32> to vector<1x16xf32>
      tpu.vector_store %arg8[%swap3A_776, %swap3A_777], %swap3A_780 {strides = array<i32>} : memref<32x1024xf32, #tpu.memory_space<vmem>>, vector<1x16xf32>,
      %get3A_781 = arith.index_cast %scan3A_54 : i32 to index
      %get3A_782 = arith.constant 832 : index
      %get3A_783 = tpu.vector_load %arg8[%get3A_781, %get3A_782] {strides = array<i32>} : memref<32x1024xf32, #tpu.memory_space<vmem>>, vector<1x16xf32>,
      %get3A_784 = vector.shape_cast %get3A_783 : vector<1x16xf32> to vector<16xf32>
      %get3A_785 = arith.index_cast %scan3A_54 : i32 to index
      %get3A_786 = arith.constant 832 : index
      %get3A_787 = tpu.vector_load %arg9[%get3A_785, %get3A_786] {strides = array<i32>} : memref<32x1024xf32, #tpu.memory_space<vmem>>, vector<1x16xf32>,
      %get3A_788 = vector.shape_cast %get3A_787 : vector<1x16xf32> to vector<16xf32>
      %add3A_789 = arith.addf %get3A_784, %get3A_788 : vector<16xf32>
      %swap3A_790 = arith.index_cast %scan3A_54 : i32 to index
      %swap3A_791 = arith.constant 832 : index
      %swap3A_792 = tpu.vector_load %arg8[%swap3A_790, %swap3A_791] {strides = array<i32>} : memref<32x1024xf32, #tpu.memory_space<vmem>>, vector<1x16xf32>,
      %swap3A_793 = vector.shape_cast %swap3A_792 : vector<1x16xf32> to vector<16xf32>
      %swap3A_794 = vector.shape_cast %add3A_789 : vector<16xf32> to vector<1x16xf32>
      tpu.vector_store %arg8[%swap3A_790, %swap3A_791], %swap3A_794 {strides = array<i32>} : memref<32x1024xf32, #tpu.memory_space<vmem>>, vector<1x16xf32>,
      %get3A_795 = arith.index_cast %scan3A_54 : i32 to index
      %get3A_796 = arith.constant 848 : index
      %get3A_797 = tpu.vector_load %arg8[%get3A_795, %get3A_796] {strides = array<i32>} : memref<32x1024xf32, #tpu.memory_space<vmem>>, vector<1x16xf32>,
      %get3A_798 = vector.shape_cast %get3A_797 : vector<1x16xf32> to vector<16xf32>
      %get3A_799 = arith.index_cast %scan3A_54 : i32 to index
      %get3A_800 = arith.constant 848 : index
      %get3A_801 = tpu.vector_load %arg9[%get3A_799, %get3A_800] {strides = array<i32>} : memref<32x1024xf32, #tpu.memory_space<vmem>>, vector<1x16xf32>,
      %get3A_802 = vector.shape_cast %get3A_801 : vector<1x16xf32> to vector<16xf32>
      %add3A_803 = arith.addf %get3A_798, %get3A_802 : vector<16xf32>
      %swap3A_804 = arith.index_cast %scan3A_54 : i32 to index
      %swap3A_805 = arith.constant 848 : index
      %swap3A_806 = tpu.vector_load %arg8[%swap3A_804, %swap3A_805] {strides = array<i32>} : memref<32x1024xf32, #tpu.memory_space<vmem>>, vector<1x16xf32>,
      %swap3A_807 = vector.shape_cast %swap3A_806 : vector<1x16xf32> to vector<16xf32>
      %swap3A_808 = vector.shape_cast %add3A_803 : vector<16xf32> to vector<1x16xf32>
      tpu.vector_store %arg8[%swap3A_804, %swap3A_805], %swap3A_808 {strides = array<i32>} : memref<32x1024xf32, #tpu.memory_space<vmem>>, vector<1x16xf32>,
      %get3A_809 = arith.index_cast %scan3A_54 : i32 to index
      %get3A_810 = arith.constant 864 : index
      %get3A_811 = tpu.vector_load %arg8[%get3A_809, %get3A_810] {strides = array<i32>} : memref<32x1024xf32, #tpu.memory_space<vmem>>, vector<1x16xf32>,
      %get3A_812 = vector.shape_cast %get3A_811 : vector<1x16xf32> to vector<16xf32>
      %get3A_813 = arith.index_cast %scan3A_54 : i32 to index
      %get3A_814 = arith.constant 864 : index
      %get3A_815 = tpu.vector_load %arg9[%get3A_813, %get3A_814] {strides = array<i32>} : memref<32x1024xf32, #tpu.memory_space<vmem>>, vector<1x16xf32>,
      %get3A_816 = vector.shape_cast %get3A_815 : vector<1x16xf32> to vector<16xf32>
      %add3A_817 = arith.addf %get3A_812, %get3A_816 : vector<16xf32>
      %swap3A_818 = arith.index_cast %scan3A_54 : i32 to index
      %swap3A_819 = arith.constant 864 : index
      %swap3A_820 = tpu.vector_load %arg8[%swap3A_818, %swap3A_819] {strides = array<i32>} : memref<32x1024xf32, #tpu.memory_space<vmem>>, vector<1x16xf32>,
      %swap3A_821 = vector.shape_cast %swap3A_820 : vector<1x16xf32> to vector<16xf32>
      %swap3A_822 = vector.shape_cast %add3A_817 : vector<16xf32> to vector<1x16xf32>
      tpu.vector_store %arg8[%swap3A_818, %swap3A_819], %swap3A_822 {strides = array<i32>} : memref<32x1024xf32, #tpu.memory_space<vmem>>, vector<1x16xf32>,
      %get3A_823 = arith.index_cast %scan3A_54 : i32 to index
      %get3A_824 = arith.constant 880 : index
      %get3A_825 = tpu.vector_load %arg8[%get3A_823, %get3A_824] {strides = array<i32>} : memref<32x1024xf32, #tpu.memory_space<vmem>>, vector<1x16xf32>,
      %get3A_826 = vector.shape_cast %get3A_825 : vector<1x16xf32> to vector<16xf32>
      %get3A_827 = arith.index_cast %scan3A_54 : i32 to index
      %get3A_828 = arith.constant 880 : index
      %get3A_829 = tpu.vector_load %arg9[%get3A_827, %get3A_828] {strides = array<i32>} : memref<32x1024xf32, #tpu.memory_space<vmem>>, vector<1x16xf32>,
      %get3A_830 = vector.shape_cast %get3A_829 : vector<1x16xf32> to vector<16xf32>
      %add3A_831 = arith.addf %get3A_826, %get3A_830 : vector<16xf32>
      %swap3A_832 = arith.index_cast %scan3A_54 : i32 to index
      %swap3A_833 = arith.constant 880 : index
      %swap3A_834 = tpu.vector_load %arg8[%swap3A_832, %swap3A_833] {strides = array<i32>} : memref<32x1024xf32, #tpu.memory_space<vmem>>, vector<1x16xf32>,
      %swap3A_835 = vector.shape_cast %swap3A_834 : vector<1x16xf32> to vector<16xf32>
      %swap3A_836 = vector.shape_cast %add3A_831 : vector<16xf32> to vector<1x16xf32>
      tpu.vector_store %arg8[%swap3A_832, %swap3A_833], %swap3A_836 {strides = array<i32>} : memref<32x1024xf32, #tpu.memory_space<vmem>>, vector<1x16xf32>,
      %get3A_837 = arith.index_cast %scan3A_54 : i32 to index
      %get3A_838 = arith.constant 896 : index
      %get3A_839 = tpu.vector_load %arg8[%get3A_837, %get3A_838] {strides = array<i32>} : memref<32x1024xf32, #tpu.memory_space<vmem>>, vector<1x16xf32>,
      %get3A_840 = vector.shape_cast %get3A_839 : vector<1x16xf32> to vector<16xf32>
      %get3A_841 = arith.index_cast %scan3A_54 : i32 to index
      %get3A_842 = arith.constant 896 : index
      %get3A_843 = tpu.vector_load %arg9[%get3A_841, %get3A_842] {strides = array<i32>} : memref<32x1024xf32, #tpu.memory_space<vmem>>, vector<1x16xf32>,
      %get3A_844 = vector.shape_cast %get3A_843 : vector<1x16xf32> to vector<16xf32>
      %add3A_845 = arith.addf %get3A_840, %get3A_844 : vector<16xf32>
      %swap3A_846 = arith.index_cast %scan3A_54 : i32 to index
      %swap3A_847 = arith.constant 896 : index
      %swap3A_848 = tpu.vector_load %arg8[%swap3A_846, %swap3A_847] {strides = array<i32>} : memref<32x1024xf32, #tpu.memory_space<vmem>>, vector<1x16xf32>,
      %swap3A_849 = vector.shape_cast %swap3A_848 : vector<1x16xf32> to vector<16xf32>
      %swap3A_850 = vector.shape_cast %add3A_845 : vector<16xf32> to vector<1x16xf32>
      tpu.vector_store %arg8[%swap3A_846, %swap3A_847], %swap3A_850 {strides = array<i32>} : memref<32x1024xf32, #tpu.memory_space<vmem>>, vector<1x16xf32>,
      %get3A_851 = arith.index_cast %scan3A_54 : i32 to index
      %get3A_852 = arith.constant 912 : index
      %get3A_853 = tpu.vector_load %arg8[%get3A_851, %get3A_852] {strides = array<i32>} : memref<32x1024xf32, #tpu.memory_space<vmem>>, vector<1x16xf32>,
      %get3A_854 = vector.shape_cast %get3A_853 : vector<1x16xf32> to vector<16xf32>
      %get3A_855 = arith.index_cast %scan3A_54 : i32 to index
      %get3A_856 = arith.constant 912 : index
      %get3A_857 = tpu.vector_load %arg9[%get3A_855, %get3A_856] {strides = array<i32>} : memref<32x1024xf32, #tpu.memory_space<vmem>>, vector<1x16xf32>,
      %get3A_858 = vector.shape_cast %get3A_857 : vector<1x16xf32> to vector<16xf32>
      %add3A_859 = arith.addf %get3A_854, %get3A_858 : vector<16xf32>
      %swap3A_860 = arith.index_cast %scan3A_54 : i32 to index
      %swap3A_861 = arith.constant 912 : index
      %swap3A_862 = tpu.vector_load %arg8[%swap3A_860, %swap3A_861] {strides = array<i32>} : memref<32x1024xf32, #tpu.memory_space<vmem>>, vector<1x16xf32>,
      %swap3A_863 = vector.shape_cast %swap3A_862 : vector<1x16xf32> to vector<16xf32>
      %swap3A_864 = vector.shape_cast %add3A_859 : vector<16xf32> to vector<1x16xf32>
      tpu.vector_store %arg8[%swap3A_860, %swap3A_861], %swap3A_864 {strides = array<i32>} : memref<32x1024xf32, #tpu.memory_space<vmem>>, vector<1x16xf32>,
      %get3A_865 = arith.index_cast %scan3A_54 : i32 to index
      %get3A_866 = arith.constant 928 : index
      %get3A_867 = tpu.vector_load %arg8[%get3A_865, %get3A_866] {strides = array<i32>} : memref<32x1024xf32, #tpu.memory_space<vmem>>, vector<1x16xf32>,
      %get3A_868 = vector.shape_cast %get3A_867 : vector<1x16xf32> to vector<16xf32>
      %get3A_869 = arith.index_cast %scan3A_54 : i32 to index
      %get3A_870 = arith.constant 928 : index
      %get3A_871 = tpu.vector_load %arg9[%get3A_869, %get3A_870] {strides = array<i32>} : memref<32x1024xf32, #tpu.memory_space<vmem>>, vector<1x16xf32>,
      %get3A_872 = vector.shape_cast %get3A_871 : vector<1x16xf32> to vector<16xf32>
      %add3A_873 = arith.addf %get3A_868, %get3A_872 : vector<16xf32>
      %swap3A_874 = arith.index_cast %scan3A_54 : i32 to index
      %swap3A_875 = arith.constant 928 : index
      %swap3A_876 = tpu.vector_load %arg8[%swap3A_874, %swap3A_875] {strides = array<i32>} : memref<32x1024xf32, #tpu.memory_space<vmem>>, vector<1x16xf32>,
      %swap3A_877 = vector.shape_cast %swap3A_876 : vector<1x16xf32> to vector<16xf32>
      %swap3A_878 = vector.shape_cast %add3A_873 : vector<16xf32> to vector<1x16xf32>
      tpu.vector_store %arg8[%swap3A_874, %swap3A_875], %swap3A_878 {strides = array<i32>} : memref<32x1024xf32, #tpu.memory_space<vmem>>, vector<1x16xf32>,
      %get3A_879 = arith.index_cast %scan3A_54 : i32 to index
      %get3A_880 = arith.constant 944 : index
      %get3A_881 = tpu.vector_load %arg8[%get3A_879, %get3A_880] {strides = array<i32>} : memref<32x1024xf32, #tpu.memory_space<vmem>>, vector<1x16xf32>,
      %get3A_882 = vector.shape_cast %get3A_881 : vector<1x16xf32> to vector<16xf32>
      %get3A_883 = arith.index_cast %scan3A_54 : i32 to index
      %get3A_884 = arith.constant 944 : index
      %get3A_885 = tpu.vector_load %arg9[%get3A_883, %get3A_884] {strides = array<i32>} : memref<32x1024xf32, #tpu.memory_space<vmem>>, vector<1x16xf32>,
      %get3A_886 = vector.shape_cast %get3A_885 : vector<1x16xf32> to vector<16xf32>
      %add3A_887 = arith.addf %get3A_882, %get3A_886 : vector<16xf32>
      %swap3A_888 = arith.index_cast %scan3A_54 : i32 to index
      %swap3A_889 = arith.constant 944 : index
      %swap3A_890 = tpu.vector_load %arg8[%swap3A_888, %swap3A_889] {strides = array<i32>} : memref<32x1024xf32, #tpu.memory_space<vmem>>, vector<1x16xf32>,
      %swap3A_891 = vector.shape_cast %swap3A_890 : vector<1x16xf32> to vector<16xf32>
      %swap3A_892 = vector.shape_cast %add3A_887 : vector<16xf32> to vector<1x16xf32>
      tpu.vector_store %arg8[%swap3A_888, %swap3A_889], %swap3A_892 {strides = array<i32>} : memref<32x1024xf32, #tpu.memory_space<vmem>>, vector<1x16xf32>,
      %get3A_893 = arith.index_cast %scan3A_54 : i32 to index
      %get3A_894 = arith.constant 960 : index
      %get3A_895 = tpu.vector_load %arg8[%get3A_893, %get3A_894] {strides = array<i32>} : memref<32x1024xf32, #tpu.memory_space<vmem>>, vector<1x16xf32>,
      %get3A_896 = vector.shape_cast %get3A_895 : vector<1x16xf32> to vector<16xf32>
      %get3A_897 = arith.index_cast %scan3A_54 : i32 to index
      %get3A_898 = arith.constant 960 : index
      %get3A_899 = tpu.vector_load %arg9[%get3A_897, %get3A_898] {strides = array<i32>} : memref<32x1024xf32, #tpu.memory_space<vmem>>, vector<1x16xf32>,
      %get3A_900 = vector.shape_cast %get3A_899 : vector<1x16xf32> to vector<16xf32>
      %add3A_901 = arith.addf %get3A_896, %get3A_900 : vector<16xf32>
      %swap3A_902 = arith.index_cast %scan3A_54 : i32 to index
      %swap3A_903 = arith.constant 960 : index
      %swap3A_904 = tpu.vector_load %arg8[%swap3A_902, %swap3A_903] {strides = array<i32>} : memref<32x1024xf32, #tpu.memory_space<vmem>>, vector<1x16xf32>,
      %swap3A_905 = vector.shape_cast %swap3A_904 : vector<1x16xf32> to vector<16xf32>
      %swap3A_906 = vector.shape_cast %add3A_901 : vector<16xf32> to vector<1x16xf32>
      tpu.vector_store %arg8[%swap3A_902, %swap3A_903], %swap3A_906 {strides = array<i32>} : memref<32x1024xf32, #tpu.memory_space<vmem>>, vector<1x16xf32>,
      %get3A_907 = arith.index_cast %scan3A_54 : i32 to index
      %get3A_908 = arith.constant 976 : index
      %get3A_909 = tpu.vector_load %arg8[%get3A_907, %get3A_908] {strides = array<i32>} : memref<32x1024xf32, #tpu.memory_space<vmem>>, vector<1x16xf32>,
      %get3A_910 = vector.shape_cast %get3A_909 : vector<1x16xf32> to vector<16xf32>
      %get3A_911 = arith.index_cast %scan3A_54 : i32 to index
      %get3A_912 = arith.constant 976 : index
      %get3A_913 = tpu.vector_load %arg9[%get3A_911, %get3A_912] {strides = array<i32>} : memref<32x1024xf32, #tpu.memory_space<vmem>>, vector<1x16xf32>,
      %get3A_914 = vector.shape_cast %get3A_913 : vector<1x16xf32> to vector<16xf32>
      %add3A_915 = arith.addf %get3A_910, %get3A_914 : vector<16xf32>
      %swap3A_916 = arith.index_cast %scan3A_54 : i32 to index
      %swap3A_917 = arith.constant 976 : index
      %swap3A_918 = tpu.vector_load %arg8[%swap3A_916, %swap3A_917] {strides = array<i32>} : memref<32x1024xf32, #tpu.memory_space<vmem>>, vector<1x16xf32>,
      %swap3A_919 = vector.shape_cast %swap3A_918 : vector<1x16xf32> to vector<16xf32>
      %swap3A_920 = vector.shape_cast %add3A_915 : vector<16xf32> to vector<1x16xf32>
      tpu.vector_store %arg8[%swap3A_916, %swap3A_917], %swap3A_920 {strides = array<i32>} : memref<32x1024xf32, #tpu.memory_space<vmem>>, vector<1x16xf32>,
      %get3A_921 = arith.index_cast %scan3A_54 : i32 to index
      %get3A_922 = arith.constant 992 : index
      %get3A_923 = tpu.vector_load %arg8[%get3A_921, %get3A_922] {strides = array<i32>} : memref<32x1024xf32, #tpu.memory_space<vmem>>, vector<1x16xf32>,
      %get3A_924 = vector.shape_cast %get3A_923 : vector<1x16xf32> to vector<16xf32>
      %get3A_925 = arith.index_cast %scan3A_54 : i32 to index
      %get3A_926 = arith.constant 992 : index
      %get3A_927 = tpu.vector_load %arg9[%get3A_925, %get3A_926] {strides = array<i32>} : memref<32x1024xf32, #tpu.memory_space<vmem>>, vector<1x16xf32>,
      %get3A_928 = vector.shape_cast %get3A_927 : vector<1x16xf32> to vector<16xf32>
      %add3A_929 = arith.addf %get3A_924, %get3A_928 : vector<16xf32>
      %swap3A_930 = arith.index_cast %scan3A_54 : i32 to index
      %swap3A_931 = arith.constant 992 : index
      %swap3A_932 = tpu.vector_load %arg8[%swap3A_930, %swap3A_931] {strides = array<i32>} : memref<32x1024xf32, #tpu.memory_space<vmem>>, vector<1x16xf32>,
      %swap3A_933 = vector.shape_cast %swap3A_932 : vector<1x16xf32> to vector<16xf32>
      %swap3A_934 = vector.shape_cast %add3A_929 : vector<16xf32> to vector<1x16xf32>
      tpu.vector_store %arg8[%swap3A_930, %swap3A_931], %swap3A_934 {strides = array<i32>} : memref<32x1024xf32, #tpu.memory_space<vmem>>, vector<1x16xf32>,
      %get3A_935 = arith.index_cast %scan3A_54 : i32 to index
      %get3A_936 = arith.constant 1008 : index
      %get3A_937 = tpu.vector_load %arg8[%get3A_935, %get3A_936] {strides = array<i32>} : memref<32x1024xf32, #tpu.memory_space<vmem>>, vector<1x16xf32>,
      %get3A_938 = vector.shape_cast %get3A_937 : vector<1x16xf32> to vector<16xf32>
      %get3A_939 = arith.index_cast %scan3A_54 : i32 to index
      %get3A_940 = arith.constant 1008 : index
      %get3A_941 = tpu.vector_load %arg9[%get3A_939, %get3A_940] {strides = array<i32>} : memref<32x1024xf32, #tpu.memory_space<vmem>>, vector<1x16xf32>,
      %get3A_942 = vector.shape_cast %get3A_941 : vector<1x16xf32> to vector<16xf32>
      %add3A_943 = arith.addf %get3A_938, %get3A_942 : vector<16xf32>
      %swap3A_944 = arith.index_cast %scan3A_54 : i32 to index
      %swap3A_945 = arith.constant 1008 : index
      %swap3A_946 = tpu.vector_load %arg8[%swap3A_944, %swap3A_945] {strides = array<i32>} : memref<32x1024xf32, #tpu.memory_space<vmem>>, vector<1x16xf32>,
      %swap3A_947 = vector.shape_cast %swap3A_946 : vector<1x16xf32> to vector<16xf32>
      %swap3A_948 = vector.shape_cast %add3A_943 : vector<16xf32> to vector<1x16xf32>
      tpu.vector_store %arg8[%swap3A_944, %swap3A_945], %swap3A_948 {strides = array<i32>} : memref<32x1024xf32, #tpu.memory_space<vmem>>, vector<1x16xf32>,
    }
    %scan3A_24 = arith.constant 32 : i32
    %add3A_25 = arith.constant 0 : i32
    %add3A_26 = arith.addi %mul3A_2, %add3A_25 : i32
    "tpu.region"() ({
      %run_scoped3A = tpu.sem_alloc : memref<!tpu.dma_semaphore, #tpu.memory_space<semaphore_mem>>
      %dma_start3A_54 = arith.constant 0 : i32
      %dma_start3A_55 = tpu.memref_slice %arg5[%add3A_26, %dma_start3A_54] : memref<2048x1024xf32, #tpu.memory_space<hbm>> -> memref<32x1024xf32, #tpu.memory_space<hbm>>
      %dma_start3A_56 = arith.constant 0 : i32
      %dma_start3A_57 = tpu.memref_slice %arg5[%add3A_26, %dma_start3A_56] : memref<2048x1024xf32, #tpu.memory_space<hbm>> -> memref<32x1024xf32, #tpu.memory_space<hbm>>
      tpu.enqueue_dma source(%arg8 : memref<32x1024xf32, #tpu.memory_space<vmem>>) target(%dma_start3A_57 : memref<32x1024xf32, #tpu.memory_space<hbm>>) target_semaphore(%run_scoped3A : memref<!tpu.dma_semaphore, #tpu.memory_space<semaphore_mem>>)
      %dma_wait3A_58 = arith.constant 0 : i32
      %dma_wait3A_59 = tpu.memref_slice %arg5[%add3A_26, %dma_wait3A_58] : memref<2048x1024xf32, #tpu.memory_space<hbm>> -> memref<32x1024xf32, #tpu.memory_space<hbm>>
      %dma_wait3A_60 = arith.constant 0 : i32
      %dma_wait3A_61 = tpu.memref_slice %arg5[%add3A_26, %dma_wait3A_60] : memref<2048x1024xf32, #tpu.memory_space<hbm>> -> memref<32x1024xf32, #tpu.memory_space<hbm>>
      tpu.wait_dma2 semaphore(%run_scoped3A : memref<!tpu.dma_semaphore, #tpu.memory_space<semaphore_mem>>) src(%arg8 : memref<32x1024xf32, #tpu.memory_space<vmem>>) dst(%dma_wait3A_61 : memref<32x1024xf32, #tpu.memory_space<hbm>>)
      tpu.yield
    }) : () -> ()
    %dma_start3A_27 = arith.constant 32 : i32
    %dma_start3A_28 = tpu.memref_slice %arg6[%dma_start3A_27] : memref<64xi32, #tpu.memory_space<vmem>> -> memref<32xi32, #tpu.memory_space<vmem>>
    %dma_start3A_29 = arith.constant 0 : i32
    %dma_start3A_30 = arith.constant 0 : i32
    %dma_start3A_31 = tpu.memref_slice %arg4[%dma_start3A_29, %dma_start3A_30] : memref<8192x1024xf32, #tpu.memory_space<hbm>> -> memref<8192x1024xf32, #tpu.memory_space<hbm>>
    tpu.enqueue_indirect_dma source(%dma_start3A_31 : memref<8192x1024xf32, #tpu.memory_space<hbm>>) target(%arg8 : memref<32x1024xf32, #tpu.memory_space<vmem>>) offsets(%dma_start3A_28 : memref<32xi32, #tpu.memory_space<vmem>>) semaphore(%arg10 : memref<!tpu.dma_semaphore, #tpu.memory_space<semaphore_mem>>)
    %dma_wait3A_32 = arith.constant 32 : i32
    %dma_wait3A_33 = tpu.memref_slice %arg6[%dma_wait3A_32] : memref<64xi32, #tpu.memory_space<vmem>> -> memref<32xi32, #tpu.memory_space<vmem>>
    %dma_wait3A_34 = arith.constant 0 : i32
    %dma_wait3A_35 = arith.constant 0 : i32
    %dma_wait3A_36 = tpu.memref_slice %arg4[%dma_wait3A_34, %dma_wait3A_35] : memref<8192x1024xf32, #tpu.memory_space<hbm>> -> memref<8192x1024xf32, #tpu.memory_space<hbm>>
    tpu.wait_indirect_dma semaphore(%arg10 : memref<!tpu.dma_semaphore, #tpu.memory_space<semaphore_mem>>) src(%dma_wait3A_36 : memref<8192x1024xf32, #tpu.memory_space<hbm>>) dst(%arg8 : memref<32x1024xf32, #tpu.memory_space<vmem>>)
    %dma_start3A_37 = arith.constant 32 : i32
    %dma_start3A_38 = tpu.memref_slice %arg7[%dma_start3A_37] : memref<64xi32, #tpu.memory_space<vmem>> -> memref<32xi32, #tpu.memory_space<vmem>>
    %dma_start3A_39 = arith.constant 0 : i32
    %dma_start3A_40 = arith.constant 0 : i32
    %dma_start3A_41 = tpu.memref_slice %arg4[%dma_start3A_39, %dma_start3A_40] : memref<8192x1024xf32, #tpu.memory_space<hbm>> -> memref<8192x1024xf32, #tpu.memory_space<hbm>>
    tpu.enqueue_indirect_dma source(%dma_start3A_41 : memref<8192x1024xf32, #tpu.memory_space<hbm>>) target(%arg9 : memref<32x1024xf32, #tpu.memory_space<vmem>>) offsets(%dma_start3A_38 : memref<32xi32, #tpu.memory_space<vmem>>) semaphore(%arg10 : memref<!tpu.dma_semaphore, #tpu.memory_space<semaphore_mem>>)
    %dma_wait3A_42 = arith.constant 32 : i32
    %dma_wait3A_43 = tpu.memref_slice %arg7[%dma_wait3A_42] : memref<64xi32, #tpu.memory_space<vmem>> -> memref<32xi32, #tpu.memory_space<vmem>>
    %dma_wait3A_44 = arith.constant 0 : i32
    %dma_wait3A_45 = arith.constant 0 : i32
    %dma_wait3A_46 = tpu.memref_slice %arg4[%dma_wait3A_44, %dma_wait3A_45] : memref<8192x1024xf32, #tpu.memory_space<hbm>> -> memref<8192x1024xf32, #tpu.memory_space<hbm>>
    tpu.wait_indirect_dma semaphore(%arg10 : memref<!tpu.dma_semaphore, #tpu.memory_space<semaphore_mem>>) src(%dma_wait3A_46 : memref<8192x1024xf32, #tpu.memory_space<hbm>>) dst(%arg9 : memref<32x1024xf32, #tpu.memory_space<vmem>>)
    %scan3A_47 = arith.constant 0 : i32
    %scan3A_48 = arith.constant 32 : i32
    %scan3A_49 = arith.addi %scan3A_47, %scan3A_48 : i32
    %scan3A_50 = arith.constant 1 : i32
    scf.for %scan3A_54 = %scan3A_47 to %scan3A_49 step %scan3A_50  : i32 {
      %get3A = arith.index_cast %scan3A_54 : i32 to index
      %get3A_55 = arith.constant 0 : index
      %get3A_56 = tpu.vector_load %arg8[%get3A, %get3A_55] {strides = array<i32>} : memref<32x1024xf32, #tpu.memory_space<vmem>>, vector<1x16xf32>,
      %get3A_57 = vector.shape_cast %get3A_56 : vector<1x16xf32> to vector<16xf32>
      %get3A_58 = arith.index_cast %scan3A_54 : i32 to index
      %get3A_59 = arith.constant 0 : index
      %get3A_60 = tpu.vector_load %arg9[%get3A_58, %get3A_59] {strides = array<i32>} : memref<32x1024xf32, #tpu.memory_space<vmem>>, vector<1x16xf32>,
      %get3A_61 = vector.shape_cast %get3A_60 : vector<1x16xf32> to vector<16xf32>
      %add3A_62 = arith.addf %get3A_57, %get3A_61 : vector<16xf32>
      %swap3A = arith.index_cast %scan3A_54 : i32 to index
      %swap3A_63 = arith.constant 0 : index
      %swap3A_64 = tpu.vector_load %arg8[%swap3A, %swap3A_63] {strides = array<i32>} : memref<32x1024xf32, #tpu.memory_space<vmem>>, vector<1x16xf32>,
      %swap3A_65 = vector.shape_cast %swap3A_64 : vector<1x16xf32> to vector<16xf32>
      %swap3A_66 = vector.shape_cast %add3A_62 : vector<16xf32> to vector<1x16xf32>
      tpu.vector_store %arg8[%swap3A, %swap3A_63], %swap3A_66 {strides = array<i32>} : memref<32x1024xf32, #tpu.memory_space<vmem>>, vector<1x16xf32>,
      %get3A_67 = arith.index_cast %scan3A_54 : i32 to index
      %get3A_68 = arith.constant 16 : index
      %get3A_69 = tpu.vector_load %arg8[%get3A_67, %get3A_68] {strides = array<i32>} : memref<32x1024xf32, #tpu.memory_space<vmem>>, vector<1x16xf32>,
      %get3A_70 = vector.shape_cast %get3A_69 : vector<1x16xf32> to vector<16xf32>
      %get3A_71 = arith.index_cast %scan3A_54 : i32 to index
      %get3A_72 = arith.constant 16 : index
      %get3A_73 = tpu.vector_load %arg9[%get3A_71, %get3A_72] {strides = array<i32>} : memref<32x1024xf32, #tpu.memory_space<vmem>>, vector<1x16xf32>,
      %get3A_74 = vector.shape_cast %get3A_73 : vector<1x16xf32> to vector<16xf32>
      %add3A_75 = arith.addf %get3A_70, %get3A_74 : vector<16xf32>
      %swap3A_76 = arith.index_cast %scan3A_54 : i32 to index
      %swap3A_77 = arith.constant 16 : index
      %swap3A_78 = tpu.vector_load %arg8[%swap3A_76, %swap3A_77] {strides = array<i32>} : memref<32x1024xf32, #tpu.memory_space<vmem>>, vector<1x16xf32>,
      %swap3A_79 = vector.shape_cast %swap3A_78 : vector<1x16xf32> to vector<16xf32>
      %swap3A_80 = vector.shape_cast %add3A_75 : vector<16xf32> to vector<1x16xf32>
      tpu.vector_store %arg8[%swap3A_76, %swap3A_77], %swap3A_80 {strides = array<i32>} : memref<32x1024xf32, #tpu.memory_space<vmem>>, vector<1x16xf32>,
      %get3A_81 = arith.index_cast %scan3A_54 : i32 to index
      %get3A_82 = arith.constant 32 : index
      %get3A_83 = tpu.vector_load %arg8[%get3A_81, %get3A_82] {strides = array<i32>} : memref<32x1024xf32, #tpu.memory_space<vmem>>, vector<1x16xf32>,
      %get3A_84 = vector.shape_cast %get3A_83 : vector<1x16xf32> to vector<16xf32>
      %get3A_85 = arith.index_cast %scan3A_54 : i32 to index
      %get3A_86 = arith.constant 32 : index
      %get3A_87 = tpu.vector_load %arg9[%get3A_85, %get3A_86] {strides = array<i32>} : memref<32x1024xf32, #tpu.memory_space<vmem>>, vector<1x16xf32>,
      %get3A_88 = vector.shape_cast %get3A_87 : vector<1x16xf32> to vector<16xf32>
      %add3A_89 = arith.addf %get3A_84, %get3A_88 : vector<16xf32>
      %swap3A_90 = arith.index_cast %scan3A_54 : i32 to index
      %swap3A_91 = arith.constant 32 : index
      %swap3A_92 = tpu.vector_load %arg8[%swap3A_90, %swap3A_91] {strides = array<i32>} : memref<32x1024xf32, #tpu.memory_space<vmem>>, vector<1x16xf32>,
      %swap3A_93 = vector.shape_cast %swap3A_92 : vector<1x16xf32> to vector<16xf32>
      %swap3A_94 = vector.shape_cast %add3A_89 : vector<16xf32> to vector<1x16xf32>
      tpu.vector_store %arg8[%swap3A_90, %swap3A_91], %swap3A_94 {strides = array<i32>} : memref<32x1024xf32, #tpu.memory_space<vmem>>, vector<1x16xf32>,
      %get3A_95 = arith.index_cast %scan3A_54 : i32 to index
      %get3A_96 = arith.constant 48 : index
      %get3A_97 = tpu.vector_load %arg8[%get3A_95, %get3A_96] {strides = array<i32>} : memref<32x1024xf32, #tpu.memory_space<vmem>>, vector<1x16xf32>,
      %get3A_98 = vector.shape_cast %get3A_97 : vector<1x16xf32> to vector<16xf32>
      %get3A_99 = arith.index_cast %scan3A_54 : i32 to index
      %get3A_100 = arith.constant 48 : index
      %get3A_101 = tpu.vector_load %arg9[%get3A_99, %get3A_100] {strides = array<i32>} : memref<32x1024xf32, #tpu.memory_space<vmem>>, vector<1x16xf32>,
      %get3A_102 = vector.shape_cast %get3A_101 : vector<1x16xf32> to vector<16xf32>
      %add3A_103 = arith.addf %get3A_98, %get3A_102 : vector<16xf32>
      %swap3A_104 = arith.index_cast %scan3A_54 : i32 to index
      %swap3A_105 = arith.constant 48 : index
      %swap3A_106 = tpu.vector_load %arg8[%swap3A_104, %swap3A_105] {strides = array<i32>} : memref<32x1024xf32, #tpu.memory_space<vmem>>, vector<1x16xf32>,
      %swap3A_107 = vector.shape_cast %swap3A_106 : vector<1x16xf32> to vector<16xf32>
      %swap3A_108 = vector.shape_cast %add3A_103 : vector<16xf32> to vector<1x16xf32>
      tpu.vector_store %arg8[%swap3A_104, %swap3A_105], %swap3A_108 {strides = array<i32>} : memref<32x1024xf32, #tpu.memory_space<vmem>>, vector<1x16xf32>,
      %get3A_109 = arith.index_cast %scan3A_54 : i32 to index
      %get3A_110 = arith.constant 64 : index
      %get3A_111 = tpu.vector_load %arg8[%get3A_109, %get3A_110] {strides = array<i32>} : memref<32x1024xf32, #tpu.memory_space<vmem>>, vector<1x16xf32>,
      %get3A_112 = vector.shape_cast %get3A_111 : vector<1x16xf32> to vector<16xf32>
      %get3A_113 = arith.index_cast %scan3A_54 : i32 to index
      %get3A_114 = arith.constant 64 : index
      %get3A_115 = tpu.vector_load %arg9[%get3A_113, %get3A_114] {strides = array<i32>} : memref<32x1024xf32, #tpu.memory_space<vmem>>, vector<1x16xf32>,
      %get3A_116 = vector.shape_cast %get3A_115 : vector<1x16xf32> to vector<16xf32>
      %add3A_117 = arith.addf %get3A_112, %get3A_116 : vector<16xf32>
      %swap3A_118 = arith.index_cast %scan3A_54 : i32 to index
      %swap3A_119 = arith.constant 64 : index
      %swap3A_120 = tpu.vector_load %arg8[%swap3A_118, %swap3A_119] {strides = array<i32>} : memref<32x1024xf32, #tpu.memory_space<vmem>>, vector<1x16xf32>,
      %swap3A_121 = vector.shape_cast %swap3A_120 : vector<1x16xf32> to vector<16xf32>
      %swap3A_122 = vector.shape_cast %add3A_117 : vector<16xf32> to vector<1x16xf32>
      tpu.vector_store %arg8[%swap3A_118, %swap3A_119], %swap3A_122 {strides = array<i32>} : memref<32x1024xf32, #tpu.memory_space<vmem>>, vector<1x16xf32>,
      %get3A_123 = arith.index_cast %scan3A_54 : i32 to index
      %get3A_124 = arith.constant 80 : index
      %get3A_125 = tpu.vector_load %arg8[%get3A_123, %get3A_124] {strides = array<i32>} : memref<32x1024xf32, #tpu.memory_space<vmem>>, vector<1x16xf32>,
      %get3A_126 = vector.shape_cast %get3A_125 : vector<1x16xf32> to vector<16xf32>
      %get3A_127 = arith.index_cast %scan3A_54 : i32 to index
      %get3A_128 = arith.constant 80 : index
      %get3A_129 = tpu.vector_load %arg9[%get3A_127, %get3A_128] {strides = array<i32>} : memref<32x1024xf32, #tpu.memory_space<vmem>>, vector<1x16xf32>,
      %get3A_130 = vector.shape_cast %get3A_129 : vector<1x16xf32> to vector<16xf32>
      %add3A_131 = arith.addf %get3A_126, %get3A_130 : vector<16xf32>
      %swap3A_132 = arith.index_cast %scan3A_54 : i32 to index
      %swap3A_133 = arith.constant 80 : index
      %swap3A_134 = tpu.vector_load %arg8[%swap3A_132, %swap3A_133] {strides = array<i32>} : memref<32x1024xf32, #tpu.memory_space<vmem>>, vector<1x16xf32>,
      %swap3A_135 = vector.shape_cast %swap3A_134 : vector<1x16xf32> to vector<16xf32>
      %swap3A_136 = vector.shape_cast %add3A_131 : vector<16xf32> to vector<1x16xf32>
      tpu.vector_store %arg8[%swap3A_132, %swap3A_133], %swap3A_136 {strides = array<i32>} : memref<32x1024xf32, #tpu.memory_space<vmem>>, vector<1x16xf32>,
      %get3A_137 = arith.index_cast %scan3A_54 : i32 to index
      %get3A_138 = arith.constant 96 : index
      %get3A_139 = tpu.vector_load %arg8[%get3A_137, %get3A_138] {strides = array<i32>} : memref<32x1024xf32, #tpu.memory_space<vmem>>, vector<1x16xf32>,
      %get3A_140 = vector.shape_cast %get3A_139 : vector<1x16xf32> to vector<16xf32>
      %get3A_141 = arith.index_cast %scan3A_54 : i32 to index
      %get3A_142 = arith.constant 96 : index
      %get3A_143 = tpu.vector_load %arg9[%get3A_141, %get3A_142] {strides = array<i32>} : memref<32x1024xf32, #tpu.memory_space<vmem>>, vector<1x16xf32>,
      %get3A_144 = vector.shape_cast %get3A_143 : vector<1x16xf32> to vector<16xf32>
      %add3A_145 = arith.addf %get3A_140, %get3A_144 : vector<16xf32>
      %swap3A_146 = arith.index_cast %scan3A_54 : i32 to index
      %swap3A_147 = arith.constant 96 : index
      %swap3A_148 = tpu.vector_load %arg8[%swap3A_146, %swap3A_147] {strides = array<i32>} : memref<32x1024xf32, #tpu.memory_space<vmem>>, vector<1x16xf32>,
      %swap3A_149 = vector.shape_cast %swap3A_148 : vector<1x16xf32> to vector<16xf32>
      %swap3A_150 = vector.shape_cast %add3A_145 : vector<16xf32> to vector<1x16xf32>
      tpu.vector_store %arg8[%swap3A_146, %swap3A_147], %swap3A_150 {strides = array<i32>} : memref<32x1024xf32, #tpu.memory_space<vmem>>, vector<1x16xf32>,
      %get3A_151 = arith.index_cast %scan3A_54 : i32 to index
      %get3A_152 = arith.constant 112 : index
      %get3A_153 = tpu.vector_load %arg8[%get3A_151, %get3A_152] {strides = array<i32>} : memref<32x1024xf32, #tpu.memory_space<vmem>>, vector<1x16xf32>,
      %get3A_154 = vector.shape_cast %get3A_153 : vector<1x16xf32> to vector<16xf32>
      %get3A_155 = arith.index_cast %scan3A_54 : i32 to index
      %get3A_156 = arith.constant 112 : index
      %get3A_157 = tpu.vector_load %arg9[%get3A_155, %get3A_156] {strides = array<i32>} : memref<32x1024xf32, #tpu.memory_space<vmem>>, vector<1x16xf32>,
      %get3A_158 = vector.shape_cast %get3A_157 : vector<1x16xf32> to vector<16xf32>
      %add3A_159 = arith.addf %get3A_154, %get3A_158 : vector<16xf32>
      %swap3A_160 = arith.index_cast %scan3A_54 : i32 to index
      %swap3A_161 = arith.constant 112 : index
      %swap3A_162 = tpu.vector_load %arg8[%swap3A_160, %swap3A_161] {strides = array<i32>} : memref<32x1024xf32, #tpu.memory_space<vmem>>, vector<1x16xf32>,
      %swap3A_163 = vector.shape_cast %swap3A_162 : vector<1x16xf32> to vector<16xf32>
      %swap3A_164 = vector.shape_cast %add3A_159 : vector<16xf32> to vector<1x16xf32>
      tpu.vector_store %arg8[%swap3A_160, %swap3A_161], %swap3A_164 {strides = array<i32>} : memref<32x1024xf32, #tpu.memory_space<vmem>>, vector<1x16xf32>,
      %get3A_165 = arith.index_cast %scan3A_54 : i32 to index
      %get3A_166 = arith.constant 128 : index
      %get3A_167 = tpu.vector_load %arg8[%get3A_165, %get3A_166] {strides = array<i32>} : memref<32x1024xf32, #tpu.memory_space<vmem>>, vector<1x16xf32>,
      %get3A_168 = vector.shape_cast %get3A_167 : vector<1x16xf32> to vector<16xf32>
      %get3A_169 = arith.index_cast %scan3A_54 : i32 to index
      %get3A_170 = arith.constant 128 : index
      %get3A_171 = tpu.vector_load %arg9[%get3A_169, %get3A_170] {strides = array<i32>} : memref<32x1024xf32, #tpu.memory_space<vmem>>, vector<1x16xf32>,
      %get3A_172 = vector.shape_cast %get3A_171 : vector<1x16xf32> to vector<16xf32>
      %add3A_173 = arith.addf %get3A_168, %get3A_172 : vector<16xf32>
      %swap3A_174 = arith.index_cast %scan3A_54 : i32 to index
      %swap3A_175 = arith.constant 128 : index
      %swap3A_176 = tpu.vector_load %arg8[%swap3A_174, %swap3A_175] {strides = array<i32>} : memref<32x1024xf32, #tpu.memory_space<vmem>>, vector<1x16xf32>,
      %swap3A_177 = vector.shape_cast %swap3A_176 : vector<1x16xf32> to vector<16xf32>
      %swap3A_178 = vector.shape_cast %add3A_173 : vector<16xf32> to vector<1x16xf32>
      tpu.vector_store %arg8[%swap3A_174, %swap3A_175], %swap3A_178 {strides = array<i32>} : memref<32x1024xf32, #tpu.memory_space<vmem>>, vector<1x16xf32>,
      %get3A_179 = arith.index_cast %scan3A_54 : i32 to index
      %get3A_180 = arith.constant 144 : index
      %get3A_181 = tpu.vector_load %arg8[%get3A_179, %get3A_180] {strides = array<i32>} : memref<32x1024xf32, #tpu.memory_space<vmem>>, vector<1x16xf32>,
      %get3A_182 = vector.shape_cast %get3A_181 : vector<1x16xf32> to vector<16xf32>
      %get3A_183 = arith.index_cast %scan3A_54 : i32 to index
      %get3A_184 = arith.constant 144 : index
      %get3A_185 = tpu.vector_load %arg9[%get3A_183, %get3A_184] {strides = array<i32>} : memref<32x1024xf32, #tpu.memory_space<vmem>>, vector<1x16xf32>,
      %get3A_186 = vector.shape_cast %get3A_185 : vector<1x16xf32> to vector<16xf32>
      %add3A_187 = arith.addf %get3A_182, %get3A_186 : vector<16xf32>
      %swap3A_188 = arith.index_cast %scan3A_54 : i32 to index
      %swap3A_189 = arith.constant 144 : index
      %swap3A_190 = tpu.vector_load %arg8[%swap3A_188, %swap3A_189] {strides = array<i32>} : memref<32x1024xf32, #tpu.memory_space<vmem>>, vector<1x16xf32>,
      %swap3A_191 = vector.shape_cast %swap3A_190 : vector<1x16xf32> to vector<16xf32>
      %swap3A_192 = vector.shape_cast %add3A_187 : vector<16xf32> to vector<1x16xf32>
      tpu.vector_store %arg8[%swap3A_188, %swap3A_189], %swap3A_192 {strides = array<i32>} : memref<32x1024xf32, #tpu.memory_space<vmem>>, vector<1x16xf32>,
      %get3A_193 = arith.index_cast %scan3A_54 : i32 to index
      %get3A_194 = arith.constant 160 : index
      %get3A_195 = tpu.vector_load %arg8[%get3A_193, %get3A_194] {strides = array<i32>} : memref<32x1024xf32, #tpu.memory_space<vmem>>, vector<1x16xf32>,
      %get3A_196 = vector.shape_cast %get3A_195 : vector<1x16xf32> to vector<16xf32>
      %get3A_197 = arith.index_cast %scan3A_54 : i32 to index
      %get3A_198 = arith.constant 160 : index
      %get3A_199 = tpu.vector_load %arg9[%get3A_197, %get3A_198] {strides = array<i32>} : memref<32x1024xf32, #tpu.memory_space<vmem>>, vector<1x16xf32>,
      %get3A_200 = vector.shape_cast %get3A_199 : vector<1x16xf32> to vector<16xf32>
      %add3A_201 = arith.addf %get3A_196, %get3A_200 : vector<16xf32>
      %swap3A_202 = arith.index_cast %scan3A_54 : i32 to index
      %swap3A_203 = arith.constant 160 : index
      %swap3A_204 = tpu.vector_load %arg8[%swap3A_202, %swap3A_203] {strides = array<i32>} : memref<32x1024xf32, #tpu.memory_space<vmem>>, vector<1x16xf32>,
      %swap3A_205 = vector.shape_cast %swap3A_204 : vector<1x16xf32> to vector<16xf32>
      %swap3A_206 = vector.shape_cast %add3A_201 : vector<16xf32> to vector<1x16xf32>
      tpu.vector_store %arg8[%swap3A_202, %swap3A_203], %swap3A_206 {strides = array<i32>} : memref<32x1024xf32, #tpu.memory_space<vmem>>, vector<1x16xf32>,
      %get3A_207 = arith.index_cast %scan3A_54 : i32 to index
      %get3A_208 = arith.constant 176 : index
      %get3A_209 = tpu.vector_load %arg8[%get3A_207, %get3A_208] {strides = array<i32>} : memref<32x1024xf32, #tpu.memory_space<vmem>>, vector<1x16xf32>,
      %get3A_210 = vector.shape_cast %get3A_209 : vector<1x16xf32> to vector<16xf32>
      %get3A_211 = arith.index_cast %scan3A_54 : i32 to index
      %get3A_212 = arith.constant 176 : index
      %get3A_213 = tpu.vector_load %arg9[%get3A_211, %get3A_212] {strides = array<i32>} : memref<32x1024xf32, #tpu.memory_space<vmem>>, vector<1x16xf32>,
      %get3A_214 = vector.shape_cast %get3A_213 : vector<1x16xf32> to vector<16xf32>
      %add3A_215 = arith.addf %get3A_210, %get3A_214 : vector<16xf32>
      %swap3A_216 = arith.index_cast %scan3A_54 : i32 to index
      %swap3A_217 = arith.constant 176 : index
      %swap3A_218 = tpu.vector_load %arg8[%swap3A_216, %swap3A_217] {strides = array<i32>} : memref<32x1024xf32, #tpu.memory_space<vmem>>, vector<1x16xf32>,
      %swap3A_219 = vector.shape_cast %swap3A_218 : vector<1x16xf32> to vector<16xf32>
      %swap3A_220 = vector.shape_cast %add3A_215 : vector<16xf32> to vector<1x16xf32>
      tpu.vector_store %arg8[%swap3A_216, %swap3A_217], %swap3A_220 {strides = array<i32>} : memref<32x1024xf32, #tpu.memory_space<vmem>>, vector<1x16xf32>,
      %get3A_221 = arith.index_cast %scan3A_54 : i32 to index
      %get3A_222 = arith.constant 192 : index
      %get3A_223 = tpu.vector_load %arg8[%get3A_221, %get3A_222] {strides = array<i32>} : memref<32x1024xf32, #tpu.memory_space<vmem>>, vector<1x16xf32>,
      %get3A_224 = vector.shape_cast %get3A_223 : vector<1x16xf32> to vector<16xf32>
      %get3A_225 = arith.index_cast %scan3A_54 : i32 to index
      %get3A_226 = arith.constant 192 : index
      %get3A_227 = tpu.vector_load %arg9[%get3A_225, %get3A_226] {strides = array<i32>} : memref<32x1024xf32, #tpu.memory_space<vmem>>, vector<1x16xf32>,
      %get3A_228 = vector.shape_cast %get3A_227 : vector<1x16xf32> to vector<16xf32>
      %add3A_229 = arith.addf %get3A_224, %get3A_228 : vector<16xf32>
      %swap3A_230 = arith.index_cast %scan3A_54 : i32 to index
      %swap3A_231 = arith.constant 192 : index
      %swap3A_232 = tpu.vector_load %arg8[%swap3A_230, %swap3A_231] {strides = array<i32>} : memref<32x1024xf32, #tpu.memory_space<vmem>>, vector<1x16xf32>,
      %swap3A_233 = vector.shape_cast %swap3A_232 : vector<1x16xf32> to vector<16xf32>
      %swap3A_234 = vector.shape_cast %add3A_229 : vector<16xf32> to vector<1x16xf32>
      tpu.vector_store %arg8[%swap3A_230, %swap3A_231], %swap3A_234 {strides = array<i32>} : memref<32x1024xf32, #tpu.memory_space<vmem>>, vector<1x16xf32>,
      %get3A_235 = arith.index_cast %scan3A_54 : i32 to index
      %get3A_236 = arith.constant 208 : index
      %get3A_237 = tpu.vector_load %arg8[%get3A_235, %get3A_236] {strides = array<i32>} : memref<32x1024xf32, #tpu.memory_space<vmem>>, vector<1x16xf32>,
      %get3A_238 = vector.shape_cast %get3A_237 : vector<1x16xf32> to vector<16xf32>
      %get3A_239 = arith.index_cast %scan3A_54 : i32 to index
      %get3A_240 = arith.constant 208 : index
      %get3A_241 = tpu.vector_load %arg9[%get3A_239, %get3A_240] {strides = array<i32>} : memref<32x1024xf32, #tpu.memory_space<vmem>>, vector<1x16xf32>,
      %get3A_242 = vector.shape_cast %get3A_241 : vector<1x16xf32> to vector<16xf32>
      %add3A_243 = arith.addf %get3A_238, %get3A_242 : vector<16xf32>
      %swap3A_244 = arith.index_cast %scan3A_54 : i32 to index
      %swap3A_245 = arith.constant 208 : index
      %swap3A_246 = tpu.vector_load %arg8[%swap3A_244, %swap3A_245] {strides = array<i32>} : memref<32x1024xf32, #tpu.memory_space<vmem>>, vector<1x16xf32>,
      %swap3A_247 = vector.shape_cast %swap3A_246 : vector<1x16xf32> to vector<16xf32>
      %swap3A_248 = vector.shape_cast %add3A_243 : vector<16xf32> to vector<1x16xf32>
      tpu.vector_store %arg8[%swap3A_244, %swap3A_245], %swap3A_248 {strides = array<i32>} : memref<32x1024xf32, #tpu.memory_space<vmem>>, vector<1x16xf32>,
      %get3A_249 = arith.index_cast %scan3A_54 : i32 to index
      %get3A_250 = arith.constant 224 : index
      %get3A_251 = tpu.vector_load %arg8[%get3A_249, %get3A_250] {strides = array<i32>} : memref<32x1024xf32, #tpu.memory_space<vmem>>, vector<1x16xf32>,
      %get3A_252 = vector.shape_cast %get3A_251 : vector<1x16xf32> to vector<16xf32>
      %get3A_253 = arith.index_cast %scan3A_54 : i32 to index
      %get3A_254 = arith.constant 224 : index
      %get3A_255 = tpu.vector_load %arg9[%get3A_253, %get3A_254] {strides = array<i32>} : memref<32x1024xf32, #tpu.memory_space<vmem>>, vector<1x16xf32>,
      %get3A_256 = vector.shape_cast %get3A_255 : vector<1x16xf32> to vector<16xf32>
      %add3A_257 = arith.addf %get3A_252, %get3A_256 : vector<16xf32>
      %swap3A_258 = arith.index_cast %scan3A_54 : i32 to index
      %swap3A_259 = arith.constant 224 : index
      %swap3A_260 = tpu.vector_load %arg8[%swap3A_258, %swap3A_259] {strides = array<i32>} : memref<32x1024xf32, #tpu.memory_space<vmem>>, vector<1x16xf32>,
      %swap3A_261 = vector.shape_cast %swap3A_260 : vector<1x16xf32> to vector<16xf32>
      %swap3A_262 = vector.shape_cast %add3A_257 : vector<16xf32> to vector<1x16xf32>
      tpu.vector_store %arg8[%swap3A_258, %swap3A_259], %swap3A_262 {strides = array<i32>} : memref<32x1024xf32, #tpu.memory_space<vmem>>, vector<1x16xf32>,
      %get3A_263 = arith.index_cast %scan3A_54 : i32 to index
      %get3A_264 = arith.constant 240 : index
      %get3A_265 = tpu.vector_load %arg8[%get3A_263, %get3A_264] {strides = array<i32>} : memref<32x1024xf32, #tpu.memory_space<vmem>>, vector<1x16xf32>,
      %get3A_266 = vector.shape_cast %get3A_265 : vector<1x16xf32> to vector<16xf32>
      %get3A_267 = arith.index_cast %scan3A_54 : i32 to index
      %get3A_268 = arith.constant 240 : index
      %get3A_269 = tpu.vector_load %arg9[%get3A_267, %get3A_268] {strides = array<i32>} : memref<32x1024xf32, #tpu.memory_space<vmem>>, vector<1x16xf32>,
      %get3A_270 = vector.shape_cast %get3A_269 : vector<1x16xf32> to vector<16xf32>
      %add3A_271 = arith.addf %get3A_266, %get3A_270 : vector<16xf32>
      %swap3A_272 = arith.index_cast %scan3A_54 : i32 to index
      %swap3A_273 = arith.constant 240 : index
      %swap3A_274 = tpu.vector_load %arg8[%swap3A_272, %swap3A_273] {strides = array<i32>} : memref<32x1024xf32, #tpu.memory_space<vmem>>, vector<1x16xf32>,
      %swap3A_275 = vector.shape_cast %swap3A_274 : vector<1x16xf32> to vector<16xf32>
      %swap3A_276 = vector.shape_cast %add3A_271 : vector<16xf32> to vector<1x16xf32>
      tpu.vector_store %arg8[%swap3A_272, %swap3A_273], %swap3A_276 {strides = array<i32>} : memref<32x1024xf32, #tpu.memory_space<vmem>>, vector<1x16xf32>,
      %get3A_277 = arith.index_cast %scan3A_54 : i32 to index
      %get3A_278 = arith.constant 256 : index
      %get3A_279 = tpu.vector_load %arg8[%get3A_277, %get3A_278] {strides = array<i32>} : memref<32x1024xf32, #tpu.memory_space<vmem>>, vector<1x16xf32>,
      %get3A_280 = vector.shape_cast %get3A_279 : vector<1x16xf32> to vector<16xf32>
      %get3A_281 = arith.index_cast %scan3A_54 : i32 to index
      %get3A_282 = arith.constant 256 : index
      %get3A_283 = tpu.vector_load %arg9[%get3A_281, %get3A_282] {strides = array<i32>} : memref<32x1024xf32, #tpu.memory_space<vmem>>, vector<1x16xf32>,
      %get3A_284 = vector.shape_cast %get3A_283 : vector<1x16xf32> to vector<16xf32>
      %add3A_285 = arith.addf %get3A_280, %get3A_284 : vector<16xf32>
      %swap3A_286 = arith.index_cast %scan3A_54 : i32 to index
      %swap3A_287 = arith.constant 256 : index
      %swap3A_288 = tpu.vector_load %arg8[%swap3A_286, %swap3A_287] {strides = array<i32>} : memref<32x1024xf32, #tpu.memory_space<vmem>>, vector<1x16xf32>,
      %swap3A_289 = vector.shape_cast %swap3A_288 : vector<1x16xf32> to vector<16xf32>
      %swap3A_290 = vector.shape_cast %add3A_285 : vector<16xf32> to vector<1x16xf32>
      tpu.vector_store %arg8[%swap3A_286, %swap3A_287], %swap3A_290 {strides = array<i32>} : memref<32x1024xf32, #tpu.memory_space<vmem>>, vector<1x16xf32>,
      %get3A_291 = arith.index_cast %scan3A_54 : i32 to index
      %get3A_292 = arith.constant 272 : index
      %get3A_293 = tpu.vector_load %arg8[%get3A_291, %get3A_292] {strides = array<i32>} : memref<32x1024xf32, #tpu.memory_space<vmem>>, vector<1x16xf32>,
      %get3A_294 = vector.shape_cast %get3A_293 : vector<1x16xf32> to vector<16xf32>
      %get3A_295 = arith.index_cast %scan3A_54 : i32 to index
      %get3A_296 = arith.constant 272 : index
      %get3A_297 = tpu.vector_load %arg9[%get3A_295, %get3A_296] {strides = array<i32>} : memref<32x1024xf32, #tpu.memory_space<vmem>>, vector<1x16xf32>,
      %get3A_298 = vector.shape_cast %get3A_297 : vector<1x16xf32> to vector<16xf32>
      %add3A_299 = arith.addf %get3A_294, %get3A_298 : vector<16xf32>
      %swap3A_300 = arith.index_cast %scan3A_54 : i32 to index
      %swap3A_301 = arith.constant 272 : index
      %swap3A_302 = tpu.vector_load %arg8[%swap3A_300, %swap3A_301] {strides = array<i32>} : memref<32x1024xf32, #tpu.memory_space<vmem>>, vector<1x16xf32>,
      %swap3A_303 = vector.shape_cast %swap3A_302 : vector<1x16xf32> to vector<16xf32>
      %swap3A_304 = vector.shape_cast %add3A_299 : vector<16xf32> to vector<1x16xf32>
      tpu.vector_store %arg8[%swap3A_300, %swap3A_301], %swap3A_304 {strides = array<i32>} : memref<32x1024xf32, #tpu.memory_space<vmem>>, vector<1x16xf32>,
      %get3A_305 = arith.index_cast %scan3A_54 : i32 to index
      %get3A_306 = arith.constant 288 : index
      %get3A_307 = tpu.vector_load %arg8[%get3A_305, %get3A_306] {strides = array<i32>} : memref<32x1024xf32, #tpu.memory_space<vmem>>, vector<1x16xf32>,
      %get3A_308 = vector.shape_cast %get3A_307 : vector<1x16xf32> to vector<16xf32>
      %get3A_309 = arith.index_cast %scan3A_54 : i32 to index
      %get3A_310 = arith.constant 288 : index
      %get3A_311 = tpu.vector_load %arg9[%get3A_309, %get3A_310] {strides = array<i32>} : memref<32x1024xf32, #tpu.memory_space<vmem>>, vector<1x16xf32>,
      %get3A_312 = vector.shape_cast %get3A_311 : vector<1x16xf32> to vector<16xf32>
      %add3A_313 = arith.addf %get3A_308, %get3A_312 : vector<16xf32>
      %swap3A_314 = arith.index_cast %scan3A_54 : i32 to index
      %swap3A_315 = arith.constant 288 : index
      %swap3A_316 = tpu.vector_load %arg8[%swap3A_314, %swap3A_315] {strides = array<i32>} : memref<32x1024xf32, #tpu.memory_space<vmem>>, vector<1x16xf32>,
      %swap3A_317 = vector.shape_cast %swap3A_316 : vector<1x16xf32> to vector<16xf32>
      %swap3A_318 = vector.shape_cast %add3A_313 : vector<16xf32> to vector<1x16xf32>
      tpu.vector_store %arg8[%swap3A_314, %swap3A_315], %swap3A_318 {strides = array<i32>} : memref<32x1024xf32, #tpu.memory_space<vmem>>, vector<1x16xf32>,
      %get3A_319 = arith.index_cast %scan3A_54 : i32 to index
      %get3A_320 = arith.constant 304 : index
      %get3A_321 = tpu.vector_load %arg8[%get3A_319, %get3A_320] {strides = array<i32>} : memref<32x1024xf32, #tpu.memory_space<vmem>>, vector<1x16xf32>,
      %get3A_322 = vector.shape_cast %get3A_321 : vector<1x16xf32> to vector<16xf32>
      %get3A_323 = arith.index_cast %scan3A_54 : i32 to index
      %get3A_324 = arith.constant 304 : index
      %get3A_325 = tpu.vector_load %arg9[%get3A_323, %get3A_324] {strides = array<i32>} : memref<32x1024xf32, #tpu.memory_space<vmem>>, vector<1x16xf32>,
      %get3A_326 = vector.shape_cast %get3A_325 : vector<1x16xf32> to vector<16xf32>
      %add3A_327 = arith.addf %get3A_322, %get3A_326 : vector<16xf32>
      %swap3A_328 = arith.index_cast %scan3A_54 : i32 to index
      %swap3A_329 = arith.constant 304 : index
      %swap3A_330 = tpu.vector_load %arg8[%swap3A_328, %swap3A_329] {strides = array<i32>} : memref<32x1024xf32, #tpu.memory_space<vmem>>, vector<1x16xf32>,
      %swap3A_331 = vector.shape_cast %swap3A_330 : vector<1x16xf32> to vector<16xf32>
      %swap3A_332 = vector.shape_cast %add3A_327 : vector<16xf32> to vector<1x16xf32>
      tpu.vector_store %arg8[%swap3A_328, %swap3A_329], %swap3A_332 {strides = array<i32>} : memref<32x1024xf32, #tpu.memory_space<vmem>>, vector<1x16xf32>,
      %get3A_333 = arith.index_cast %scan3A_54 : i32 to index
      %get3A_334 = arith.constant 320 : index
      %get3A_335 = tpu.vector_load %arg8[%get3A_333, %get3A_334] {strides = array<i32>} : memref<32x1024xf32, #tpu.memory_space<vmem>>, vector<1x16xf32>,
      %get3A_336 = vector.shape_cast %get3A_335 : vector<1x16xf32> to vector<16xf32>
      %get3A_337 = arith.index_cast %scan3A_54 : i32 to index
      %get3A_338 = arith.constant 320 : index
      %get3A_339 = tpu.vector_load %arg9[%get3A_337, %get3A_338] {strides = array<i32>} : memref<32x1024xf32, #tpu.memory_space<vmem>>, vector<1x16xf32>,
      %get3A_340 = vector.shape_cast %get3A_339 : vector<1x16xf32> to vector<16xf32>
      %add3A_341 = arith.addf %get3A_336, %get3A_340 : vector<16xf32>
      %swap3A_342 = arith.index_cast %scan3A_54 : i32 to index
      %swap3A_343 = arith.constant 320 : index
      %swap3A_344 = tpu.vector_load %arg8[%swap3A_342, %swap3A_343] {strides = array<i32>} : memref<32x1024xf32, #tpu.memory_space<vmem>>, vector<1x16xf32>,
      %swap3A_345 = vector.shape_cast %swap3A_344 : vector<1x16xf32> to vector<16xf32>
      %swap3A_346 = vector.shape_cast %add3A_341 : vector<16xf32> to vector<1x16xf32>
      tpu.vector_store %arg8[%swap3A_342, %swap3A_343], %swap3A_346 {strides = array<i32>} : memref<32x1024xf32, #tpu.memory_space<vmem>>, vector<1x16xf32>,
      %get3A_347 = arith.index_cast %scan3A_54 : i32 to index
      %get3A_348 = arith.constant 336 : index
      %get3A_349 = tpu.vector_load %arg8[%get3A_347, %get3A_348] {strides = array<i32>} : memref<32x1024xf32, #tpu.memory_space<vmem>>, vector<1x16xf32>,
      %get3A_350 = vector.shape_cast %get3A_349 : vector<1x16xf32> to vector<16xf32>
      %get3A_351 = arith.index_cast %scan3A_54 : i32 to index
      %get3A_352 = arith.constant 336 : index
      %get3A_353 = tpu.vector_load %arg9[%get3A_351, %get3A_352] {strides = array<i32>} : memref<32x1024xf32, #tpu.memory_space<vmem>>, vector<1x16xf32>,
      %get3A_354 = vector.shape_cast %get3A_353 : vector<1x16xf32> to vector<16xf32>
      %add3A_355 = arith.addf %get3A_350, %get3A_354 : vector<16xf32>
      %swap3A_356 = arith.index_cast %scan3A_54 : i32 to index
      %swap3A_357 = arith.constant 336 : index
      %swap3A_358 = tpu.vector_load %arg8[%swap3A_356, %swap3A_357] {strides = array<i32>} : memref<32x1024xf32, #tpu.memory_space<vmem>>, vector<1x16xf32>,
      %swap3A_359 = vector.shape_cast %swap3A_358 : vector<1x16xf32> to vector<16xf32>
      %swap3A_360 = vector.shape_cast %add3A_355 : vector<16xf32> to vector<1x16xf32>
      tpu.vector_store %arg8[%swap3A_356, %swap3A_357], %swap3A_360 {strides = array<i32>} : memref<32x1024xf32, #tpu.memory_space<vmem>>, vector<1x16xf32>,
      %get3A_361 = arith.index_cast %scan3A_54 : i32 to index
      %get3A_362 = arith.constant 352 : index
      %get3A_363 = tpu.vector_load %arg8[%get3A_361, %get3A_362] {strides = array<i32>} : memref<32x1024xf32, #tpu.memory_space<vmem>>, vector<1x16xf32>,
      %get3A_364 = vector.shape_cast %get3A_363 : vector<1x16xf32> to vector<16xf32>
      %get3A_365 = arith.index_cast %scan3A_54 : i32 to index
      %get3A_366 = arith.constant 352 : index
      %get3A_367 = tpu.vector_load %arg9[%get3A_365, %get3A_366] {strides = array<i32>} : memref<32x1024xf32, #tpu.memory_space<vmem>>, vector<1x16xf32>,
      %get3A_368 = vector.shape_cast %get3A_367 : vector<1x16xf32> to vector<16xf32>
      %add3A_369 = arith.addf %get3A_364, %get3A_368 : vector<16xf32>
      %swap3A_370 = arith.index_cast %scan3A_54 : i32 to index
      %swap3A_371 = arith.constant 352 : index
      %swap3A_372 = tpu.vector_load %arg8[%swap3A_370, %swap3A_371] {strides = array<i32>} : memref<32x1024xf32, #tpu.memory_space<vmem>>, vector<1x16xf32>,
      %swap3A_373 = vector.shape_cast %swap3A_372 : vector<1x16xf32> to vector<16xf32>
      %swap3A_374 = vector.shape_cast %add3A_369 : vector<16xf32> to vector<1x16xf32>
      tpu.vector_store %arg8[%swap3A_370, %swap3A_371], %swap3A_374 {strides = array<i32>} : memref<32x1024xf32, #tpu.memory_space<vmem>>, vector<1x16xf32>,
      %get3A_375 = arith.index_cast %scan3A_54 : i32 to index
      %get3A_376 = arith.constant 368 : index
      %get3A_377 = tpu.vector_load %arg8[%get3A_375, %get3A_376] {strides = array<i32>} : memref<32x1024xf32, #tpu.memory_space<vmem>>, vector<1x16xf32>,
      %get3A_378 = vector.shape_cast %get3A_377 : vector<1x16xf32> to vector<16xf32>
      %get3A_379 = arith.index_cast %scan3A_54 : i32 to index
      %get3A_380 = arith.constant 368 : index
      %get3A_381 = tpu.vector_load %arg9[%get3A_379, %get3A_380] {strides = array<i32>} : memref<32x1024xf32, #tpu.memory_space<vmem>>, vector<1x16xf32>,
      %get3A_382 = vector.shape_cast %get3A_381 : vector<1x16xf32> to vector<16xf32>
      %add3A_383 = arith.addf %get3A_378, %get3A_382 : vector<16xf32>
      %swap3A_384 = arith.index_cast %scan3A_54 : i32 to index
      %swap3A_385 = arith.constant 368 : index
      %swap3A_386 = tpu.vector_load %arg8[%swap3A_384, %swap3A_385] {strides = array<i32>} : memref<32x1024xf32, #tpu.memory_space<vmem>>, vector<1x16xf32>,
      %swap3A_387 = vector.shape_cast %swap3A_386 : vector<1x16xf32> to vector<16xf32>
      %swap3A_388 = vector.shape_cast %add3A_383 : vector<16xf32> to vector<1x16xf32>
      tpu.vector_store %arg8[%swap3A_384, %swap3A_385], %swap3A_388 {strides = array<i32>} : memref<32x1024xf32, #tpu.memory_space<vmem>>, vector<1x16xf32>,
      %get3A_389 = arith.index_cast %scan3A_54 : i32 to index
      %get3A_390 = arith.constant 384 : index
      %get3A_391 = tpu.vector_load %arg8[%get3A_389, %get3A_390] {strides = array<i32>} : memref<32x1024xf32, #tpu.memory_space<vmem>>, vector<1x16xf32>,
      %get3A_392 = vector.shape_cast %get3A_391 : vector<1x16xf32> to vector<16xf32>
      %get3A_393 = arith.index_cast %scan3A_54 : i32 to index
      %get3A_394 = arith.constant 384 : index
      %get3A_395 = tpu.vector_load %arg9[%get3A_393, %get3A_394] {strides = array<i32>} : memref<32x1024xf32, #tpu.memory_space<vmem>>, vector<1x16xf32>,
      %get3A_396 = vector.shape_cast %get3A_395 : vector<1x16xf32> to vector<16xf32>
      %add3A_397 = arith.addf %get3A_392, %get3A_396 : vector<16xf32>
      %swap3A_398 = arith.index_cast %scan3A_54 : i32 to index
      %swap3A_399 = arith.constant 384 : index
      %swap3A_400 = tpu.vector_load %arg8[%swap3A_398, %swap3A_399] {strides = array<i32>} : memref<32x1024xf32, #tpu.memory_space<vmem>>, vector<1x16xf32>,
      %swap3A_401 = vector.shape_cast %swap3A_400 : vector<1x16xf32> to vector<16xf32>
      %swap3A_402 = vector.shape_cast %add3A_397 : vector<16xf32> to vector<1x16xf32>
      tpu.vector_store %arg8[%swap3A_398, %swap3A_399], %swap3A_402 {strides = array<i32>} : memref<32x1024xf32, #tpu.memory_space<vmem>>, vector<1x16xf32>,
      %get3A_403 = arith.index_cast %scan3A_54 : i32 to index
      %get3A_404 = arith.constant 400 : index
      %get3A_405 = tpu.vector_load %arg8[%get3A_403, %get3A_404] {strides = array<i32>} : memref<32x1024xf32, #tpu.memory_space<vmem>>, vector<1x16xf32>,
      %get3A_406 = vector.shape_cast %get3A_405 : vector<1x16xf32> to vector<16xf32>
      %get3A_407 = arith.index_cast %scan3A_54 : i32 to index
      %get3A_408 = arith.constant 400 : index
      %get3A_409 = tpu.vector_load %arg9[%get3A_407, %get3A_408] {strides = array<i32>} : memref<32x1024xf32, #tpu.memory_space<vmem>>, vector<1x16xf32>,
      %get3A_410 = vector.shape_cast %get3A_409 : vector<1x16xf32> to vector<16xf32>
      %add3A_411 = arith.addf %get3A_406, %get3A_410 : vector<16xf32>
      %swap3A_412 = arith.index_cast %scan3A_54 : i32 to index
      %swap3A_413 = arith.constant 400 : index
      %swap3A_414 = tpu.vector_load %arg8[%swap3A_412, %swap3A_413] {strides = array<i32>} : memref<32x1024xf32, #tpu.memory_space<vmem>>, vector<1x16xf32>,
      %swap3A_415 = vector.shape_cast %swap3A_414 : vector<1x16xf32> to vector<16xf32>
      %swap3A_416 = vector.shape_cast %add3A_411 : vector<16xf32> to vector<1x16xf32>
      tpu.vector_store %arg8[%swap3A_412, %swap3A_413], %swap3A_416 {strides = array<i32>} : memref<32x1024xf32, #tpu.memory_space<vmem>>, vector<1x16xf32>,
      %get3A_417 = arith.index_cast %scan3A_54 : i32 to index
      %get3A_418 = arith.constant 416 : index
      %get3A_419 = tpu.vector_load %arg8[%get3A_417, %get3A_418] {strides = array<i32>} : memref<32x1024xf32, #tpu.memory_space<vmem>>, vector<1x16xf32>,
      %get3A_420 = vector.shape_cast %get3A_419 : vector<1x16xf32> to vector<16xf32>
      %get3A_421 = arith.index_cast %scan3A_54 : i32 to index
      %get3A_422 = arith.constant 416 : index
      %get3A_423 = tpu.vector_load %arg9[%get3A_421, %get3A_422] {strides = array<i32>} : memref<32x1024xf32, #tpu.memory_space<vmem>>, vector<1x16xf32>,
      %get3A_424 = vector.shape_cast %get3A_423 : vector<1x16xf32> to vector<16xf32>
      %add3A_425 = arith.addf %get3A_420, %get3A_424 : vector<16xf32>
      %swap3A_426 = arith.index_cast %scan3A_54 : i32 to index
      %swap3A_427 = arith.constant 416 : index
      %swap3A_428 = tpu.vector_load %arg8[%swap3A_426, %swap3A_427] {strides = array<i32>} : memref<32x1024xf32, #tpu.memory_space<vmem>>, vector<1x16xf32>,
      %swap3A_429 = vector.shape_cast %swap3A_428 : vector<1x16xf32> to vector<16xf32>
      %swap3A_430 = vector.shape_cast %add3A_425 : vector<16xf32> to vector<1x16xf32>
      tpu.vector_store %arg8[%swap3A_426, %swap3A_427], %swap3A_430 {strides = array<i32>} : memref<32x1024xf32, #tpu.memory_space<vmem>>, vector<1x16xf32>,
      %get3A_431 = arith.index_cast %scan3A_54 : i32 to index
      %get3A_432 = arith.constant 432 : index
      %get3A_433 = tpu.vector_load %arg8[%get3A_431, %get3A_432] {strides = array<i32>} : memref<32x1024xf32, #tpu.memory_space<vmem>>, vector<1x16xf32>,
      %get3A_434 = vector.shape_cast %get3A_433 : vector<1x16xf32> to vector<16xf32>
      %get3A_435 = arith.index_cast %scan3A_54 : i32 to index
      %get3A_436 = arith.constant 432 : index
      %get3A_437 = tpu.vector_load %arg9[%get3A_435, %get3A_436] {strides = array<i32>} : memref<32x1024xf32, #tpu.memory_space<vmem>>, vector<1x16xf32>,
      %get3A_438 = vector.shape_cast %get3A_437 : vector<1x16xf32> to vector<16xf32>
      %add3A_439 = arith.addf %get3A_434, %get3A_438 : vector<16xf32>
      %swap3A_440 = arith.index_cast %scan3A_54 : i32 to index
      %swap3A_441 = arith.constant 432 : index
      %swap3A_442 = tpu.vector_load %arg8[%swap3A_440, %swap3A_441] {strides = array<i32>} : memref<32x1024xf32, #tpu.memory_space<vmem>>, vector<1x16xf32>,
      %swap3A_443 = vector.shape_cast %swap3A_442 : vector<1x16xf32> to vector<16xf32>
      %swap3A_444 = vector.shape_cast %add3A_439 : vector<16xf32> to vector<1x16xf32>
      tpu.vector_store %arg8[%swap3A_440, %swap3A_441], %swap3A_444 {strides = array<i32>} : memref<32x1024xf32, #tpu.memory_space<vmem>>, vector<1x16xf32>,
      %get3A_445 = arith.index_cast %scan3A_54 : i32 to index
      %get3A_446 = arith.constant 448 : index
      %get3A_447 = tpu.vector_load %arg8[%get3A_445, %get3A_446] {strides = array<i32>} : memref<32x1024xf32, #tpu.memory_space<vmem>>, vector<1x16xf32>,
      %get3A_448 = vector.shape_cast %get3A_447 : vector<1x16xf32> to vector<16xf32>
      %get3A_449 = arith.index_cast %scan3A_54 : i32 to index
      %get3A_450 = arith.constant 448 : index
      %get3A_451 = tpu.vector_load %arg9[%get3A_449, %get3A_450] {strides = array<i32>} : memref<32x1024xf32, #tpu.memory_space<vmem>>, vector<1x16xf32>,
      %get3A_452 = vector.shape_cast %get3A_451 : vector<1x16xf32> to vector<16xf32>
      %add3A_453 = arith.addf %get3A_448, %get3A_452 : vector<16xf32>
      %swap3A_454 = arith.index_cast %scan3A_54 : i32 to index
      %swap3A_455 = arith.constant 448 : index
      %swap3A_456 = tpu.vector_load %arg8[%swap3A_454, %swap3A_455] {strides = array<i32>} : memref<32x1024xf32, #tpu.memory_space<vmem>>, vector<1x16xf32>,
      %swap3A_457 = vector.shape_cast %swap3A_456 : vector<1x16xf32> to vector<16xf32>
      %swap3A_458 = vector.shape_cast %add3A_453 : vector<16xf32> to vector<1x16xf32>
      tpu.vector_store %arg8[%swap3A_454, %swap3A_455], %swap3A_458 {strides = array<i32>} : memref<32x1024xf32, #tpu.memory_space<vmem>>, vector<1x16xf32>,
      %get3A_459 = arith.index_cast %scan3A_54 : i32 to index
      %get3A_460 = arith.constant 464 : index
      %get3A_461 = tpu.vector_load %arg8[%get3A_459, %get3A_460] {strides = array<i32>} : memref<32x1024xf32, #tpu.memory_space<vmem>>, vector<1x16xf32>,
      %get3A_462 = vector.shape_cast %get3A_461 : vector<1x16xf32> to vector<16xf32>
      %get3A_463 = arith.index_cast %scan3A_54 : i32 to index
      %get3A_464 = arith.constant 464 : index
      %get3A_465 = tpu.vector_load %arg9[%get3A_463, %get3A_464] {strides = array<i32>} : memref<32x1024xf32, #tpu.memory_space<vmem>>, vector<1x16xf32>,
      %get3A_466 = vector.shape_cast %get3A_465 : vector<1x16xf32> to vector<16xf32>
      %add3A_467 = arith.addf %get3A_462, %get3A_466 : vector<16xf32>
      %swap3A_468 = arith.index_cast %scan3A_54 : i32 to index
      %swap3A_469 = arith.constant 464 : index
      %swap3A_470 = tpu.vector_load %arg8[%swap3A_468, %swap3A_469] {strides = array<i32>} : memref<32x1024xf32, #tpu.memory_space<vmem>>, vector<1x16xf32>,
      %swap3A_471 = vector.shape_cast %swap3A_470 : vector<1x16xf32> to vector<16xf32>
      %swap3A_472 = vector.shape_cast %add3A_467 : vector<16xf32> to vector<1x16xf32>
      tpu.vector_store %arg8[%swap3A_468, %swap3A_469], %swap3A_472 {strides = array<i32>} : memref<32x1024xf32, #tpu.memory_space<vmem>>, vector<1x16xf32>,
      %get3A_473 = arith.index_cast %scan3A_54 : i32 to index
      %get3A_474 = arith.constant 480 : index
      %get3A_475 = tpu.vector_load %arg8[%get3A_473, %get3A_474] {strides = array<i32>} : memref<32x1024xf32, #tpu.memory_space<vmem>>, vector<1x16xf32>,
      %get3A_476 = vector.shape_cast %get3A_475 : vector<1x16xf32> to vector<16xf32>
      %get3A_477 = arith.index_cast %scan3A_54 : i32 to index
      %get3A_478 = arith.constant 480 : index
      %get3A_479 = tpu.vector_load %arg9[%get3A_477, %get3A_478] {strides = array<i32>} : memref<32x1024xf32, #tpu.memory_space<vmem>>, vector<1x16xf32>,
      %get3A_480 = vector.shape_cast %get3A_479 : vector<1x16xf32> to vector<16xf32>
      %add3A_481 = arith.addf %get3A_476, %get3A_480 : vector<16xf32>
      %swap3A_482 = arith.index_cast %scan3A_54 : i32 to index
      %swap3A_483 = arith.constant 480 : index
      %swap3A_484 = tpu.vector_load %arg8[%swap3A_482, %swap3A_483] {strides = array<i32>} : memref<32x1024xf32, #tpu.memory_space<vmem>>, vector<1x16xf32>,
      %swap3A_485 = vector.shape_cast %swap3A_484 : vector<1x16xf32> to vector<16xf32>
      %swap3A_486 = vector.shape_cast %add3A_481 : vector<16xf32> to vector<1x16xf32>
      tpu.vector_store %arg8[%swap3A_482, %swap3A_483], %swap3A_486 {strides = array<i32>} : memref<32x1024xf32, #tpu.memory_space<vmem>>, vector<1x16xf32>,
      %get3A_487 = arith.index_cast %scan3A_54 : i32 to index
      %get3A_488 = arith.constant 496 : index
      %get3A_489 = tpu.vector_load %arg8[%get3A_487, %get3A_488] {strides = array<i32>} : memref<32x1024xf32, #tpu.memory_space<vmem>>, vector<1x16xf32>,
      %get3A_490 = vector.shape_cast %get3A_489 : vector<1x16xf32> to vector<16xf32>
      %get3A_491 = arith.index_cast %scan3A_54 : i32 to index
      %get3A_492 = arith.constant 496 : index
      %get3A_493 = tpu.vector_load %arg9[%get3A_491, %get3A_492] {strides = array<i32>} : memref<32x1024xf32, #tpu.memory_space<vmem>>, vector<1x16xf32>,
      %get3A_494 = vector.shape_cast %get3A_493 : vector<1x16xf32> to vector<16xf32>
      %add3A_495 = arith.addf %get3A_490, %get3A_494 : vector<16xf32>
      %swap3A_496 = arith.index_cast %scan3A_54 : i32 to index
      %swap3A_497 = arith.constant 496 : index
      %swap3A_498 = tpu.vector_load %arg8[%swap3A_496, %swap3A_497] {strides = array<i32>} : memref<32x1024xf32, #tpu.memory_space<vmem>>, vector<1x16xf32>,
      %swap3A_499 = vector.shape_cast %swap3A_498 : vector<1x16xf32> to vector<16xf32>
      %swap3A_500 = vector.shape_cast %add3A_495 : vector<16xf32> to vector<1x16xf32>
      tpu.vector_store %arg8[%swap3A_496, %swap3A_497], %swap3A_500 {strides = array<i32>} : memref<32x1024xf32, #tpu.memory_space<vmem>>, vector<1x16xf32>,
      %get3A_501 = arith.index_cast %scan3A_54 : i32 to index
      %get3A_502 = arith.constant 512 : index
      %get3A_503 = tpu.vector_load %arg8[%get3A_501, %get3A_502] {strides = array<i32>} : memref<32x1024xf32, #tpu.memory_space<vmem>>, vector<1x16xf32>,
      %get3A_504 = vector.shape_cast %get3A_503 : vector<1x16xf32> to vector<16xf32>
      %get3A_505 = arith.index_cast %scan3A_54 : i32 to index
      %get3A_506 = arith.constant 512 : index
      %get3A_507 = tpu.vector_load %arg9[%get3A_505, %get3A_506] {strides = array<i32>} : memref<32x1024xf32, #tpu.memory_space<vmem>>, vector<1x16xf32>,
      %get3A_508 = vector.shape_cast %get3A_507 : vector<1x16xf32> to vector<16xf32>
      %add3A_509 = arith.addf %get3A_504, %get3A_508 : vector<16xf32>
      %swap3A_510 = arith.index_cast %scan3A_54 : i32 to index
      %swap3A_511 = arith.constant 512 : index
      %swap3A_512 = tpu.vector_load %arg8[%swap3A_510, %swap3A_511] {strides = array<i32>} : memref<32x1024xf32, #tpu.memory_space<vmem>>, vector<1x16xf32>,
      %swap3A_513 = vector.shape_cast %swap3A_512 : vector<1x16xf32> to vector<16xf32>
      %swap3A_514 = vector.shape_cast %add3A_509 : vector<16xf32> to vector<1x16xf32>
      tpu.vector_store %arg8[%swap3A_510, %swap3A_511], %swap3A_514 {strides = array<i32>} : memref<32x1024xf32, #tpu.memory_space<vmem>>, vector<1x16xf32>,
      %get3A_515 = arith.index_cast %scan3A_54 : i32 to index
      %get3A_516 = arith.constant 528 : index
      %get3A_517 = tpu.vector_load %arg8[%get3A_515, %get3A_516] {strides = array<i32>} : memref<32x1024xf32, #tpu.memory_space<vmem>>, vector<1x16xf32>,
      %get3A_518 = vector.shape_cast %get3A_517 : vector<1x16xf32> to vector<16xf32>
      %get3A_519 = arith.index_cast %scan3A_54 : i32 to index
      %get3A_520 = arith.constant 528 : index
      %get3A_521 = tpu.vector_load %arg9[%get3A_519, %get3A_520] {strides = array<i32>} : memref<32x1024xf32, #tpu.memory_space<vmem>>, vector<1x16xf32>,
      %get3A_522 = vector.shape_cast %get3A_521 : vector<1x16xf32> to vector<16xf32>
      %add3A_523 = arith.addf %get3A_518, %get3A_522 : vector<16xf32>
      %swap3A_524 = arith.index_cast %scan3A_54 : i32 to index
      %swap3A_525 = arith.constant 528 : index
      %swap3A_526 = tpu.vector_load %arg8[%swap3A_524, %swap3A_525] {strides = array<i32>} : memref<32x1024xf32, #tpu.memory_space<vmem>>, vector<1x16xf32>,
      %swap3A_527 = vector.shape_cast %swap3A_526 : vector<1x16xf32> to vector<16xf32>
      %swap3A_528 = vector.shape_cast %add3A_523 : vector<16xf32> to vector<1x16xf32>
      tpu.vector_store %arg8[%swap3A_524, %swap3A_525], %swap3A_528 {strides = array<i32>} : memref<32x1024xf32, #tpu.memory_space<vmem>>, vector<1x16xf32>,
      %get3A_529 = arith.index_cast %scan3A_54 : i32 to index
      %get3A_530 = arith.constant 544 : index
      %get3A_531 = tpu.vector_load %arg8[%get3A_529, %get3A_530] {strides = array<i32>} : memref<32x1024xf32, #tpu.memory_space<vmem>>, vector<1x16xf32>,
      %get3A_532 = vector.shape_cast %get3A_531 : vector<1x16xf32> to vector<16xf32>
      %get3A_533 = arith.index_cast %scan3A_54 : i32 to index
      %get3A_534 = arith.constant 544 : index
      %get3A_535 = tpu.vector_load %arg9[%get3A_533, %get3A_534] {strides = array<i32>} : memref<32x1024xf32, #tpu.memory_space<vmem>>, vector<1x16xf32>,
      %get3A_536 = vector.shape_cast %get3A_535 : vector<1x16xf32> to vector<16xf32>
      %add3A_537 = arith.addf %get3A_532, %get3A_536 : vector<16xf32>
      %swap3A_538 = arith.index_cast %scan3A_54 : i32 to index
      %swap3A_539 = arith.constant 544 : index
      %swap3A_540 = tpu.vector_load %arg8[%swap3A_538, %swap3A_539] {strides = array<i32>} : memref<32x1024xf32, #tpu.memory_space<vmem>>, vector<1x16xf32>,
      %swap3A_541 = vector.shape_cast %swap3A_540 : vector<1x16xf32> to vector<16xf32>
      %swap3A_542 = vector.shape_cast %add3A_537 : vector<16xf32> to vector<1x16xf32>
      tpu.vector_store %arg8[%swap3A_538, %swap3A_539], %swap3A_542 {strides = array<i32>} : memref<32x1024xf32, #tpu.memory_space<vmem>>, vector<1x16xf32>,
      %get3A_543 = arith.index_cast %scan3A_54 : i32 to index
      %get3A_544 = arith.constant 560 : index
      %get3A_545 = tpu.vector_load %arg8[%get3A_543, %get3A_544] {strides = array<i32>} : memref<32x1024xf32, #tpu.memory_space<vmem>>, vector<1x16xf32>,
      %get3A_546 = vector.shape_cast %get3A_545 : vector<1x16xf32> to vector<16xf32>
      %get3A_547 = arith.index_cast %scan3A_54 : i32 to index
      %get3A_548 = arith.constant 560 : index
      %get3A_549 = tpu.vector_load %arg9[%get3A_547, %get3A_548] {strides = array<i32>} : memref<32x1024xf32, #tpu.memory_space<vmem>>, vector<1x16xf32>,
      %get3A_550 = vector.shape_cast %get3A_549 : vector<1x16xf32> to vector<16xf32>
      %add3A_551 = arith.addf %get3A_546, %get3A_550 : vector<16xf32>
      %swap3A_552 = arith.index_cast %scan3A_54 : i32 to index
      %swap3A_553 = arith.constant 560 : index
      %swap3A_554 = tpu.vector_load %arg8[%swap3A_552, %swap3A_553] {strides = array<i32>} : memref<32x1024xf32, #tpu.memory_space<vmem>>, vector<1x16xf32>,
      %swap3A_555 = vector.shape_cast %swap3A_554 : vector<1x16xf32> to vector<16xf32>
      %swap3A_556 = vector.shape_cast %add3A_551 : vector<16xf32> to vector<1x16xf32>
      tpu.vector_store %arg8[%swap3A_552, %swap3A_553], %swap3A_556 {strides = array<i32>} : memref<32x1024xf32, #tpu.memory_space<vmem>>, vector<1x16xf32>,
      %get3A_557 = arith.index_cast %scan3A_54 : i32 to index
      %get3A_558 = arith.constant 576 : index
      %get3A_559 = tpu.vector_load %arg8[%get3A_557, %get3A_558] {strides = array<i32>} : memref<32x1024xf32, #tpu.memory_space<vmem>>, vector<1x16xf32>,
      %get3A_560 = vector.shape_cast %get3A_559 : vector<1x16xf32> to vector<16xf32>
      %get3A_561 = arith.index_cast %scan3A_54 : i32 to index
      %get3A_562 = arith.constant 576 : index
      %get3A_563 = tpu.vector_load %arg9[%get3A_561, %get3A_562] {strides = array<i32>} : memref<32x1024xf32, #tpu.memory_space<vmem>>, vector<1x16xf32>,
      %get3A_564 = vector.shape_cast %get3A_563 : vector<1x16xf32> to vector<16xf32>
      %add3A_565 = arith.addf %get3A_560, %get3A_564 : vector<16xf32>
      %swap3A_566 = arith.index_cast %scan3A_54 : i32 to index
      %swap3A_567 = arith.constant 576 : index
      %swap3A_568 = tpu.vector_load %arg8[%swap3A_566, %swap3A_567] {strides = array<i32>} : memref<32x1024xf32, #tpu.memory_space<vmem>>, vector<1x16xf32>,
      %swap3A_569 = vector.shape_cast %swap3A_568 : vector<1x16xf32> to vector<16xf32>
      %swap3A_570 = vector.shape_cast %add3A_565 : vector<16xf32> to vector<1x16xf32>
      tpu.vector_store %arg8[%swap3A_566, %swap3A_567], %swap3A_570 {strides = array<i32>} : memref<32x1024xf32, #tpu.memory_space<vmem>>, vector<1x16xf32>,
      %get3A_571 = arith.index_cast %scan3A_54 : i32 to index
      %get3A_572 = arith.constant 592 : index
      %get3A_573 = tpu.vector_load %arg8[%get3A_571, %get3A_572] {strides = array<i32>} : memref<32x1024xf32, #tpu.memory_space<vmem>>, vector<1x16xf32>,
      %get3A_574 = vector.shape_cast %get3A_573 : vector<1x16xf32> to vector<16xf32>
      %get3A_575 = arith.index_cast %scan3A_54 : i32 to index
      %get3A_576 = arith.constant 592 : index
      %get3A_577 = tpu.vector_load %arg9[%get3A_575, %get3A_576] {strides = array<i32>} : memref<32x1024xf32, #tpu.memory_space<vmem>>, vector<1x16xf32>,
      %get3A_578 = vector.shape_cast %get3A_577 : vector<1x16xf32> to vector<16xf32>
      %add3A_579 = arith.addf %get3A_574, %get3A_578 : vector<16xf32>
      %swap3A_580 = arith.index_cast %scan3A_54 : i32 to index
      %swap3A_581 = arith.constant 592 : index
      %swap3A_582 = tpu.vector_load %arg8[%swap3A_580, %swap3A_581] {strides = array<i32>} : memref<32x1024xf32, #tpu.memory_space<vmem>>, vector<1x16xf32>,
      %swap3A_583 = vector.shape_cast %swap3A_582 : vector<1x16xf32> to vector<16xf32>
      %swap3A_584 = vector.shape_cast %add3A_579 : vector<16xf32> to vector<1x16xf32>
      tpu.vector_store %arg8[%swap3A_580, %swap3A_581], %swap3A_584 {strides = array<i32>} : memref<32x1024xf32, #tpu.memory_space<vmem>>, vector<1x16xf32>,
      %get3A_585 = arith.index_cast %scan3A_54 : i32 to index
      %get3A_586 = arith.constant 608 : index
      %get3A_587 = tpu.vector_load %arg8[%get3A_585, %get3A_586] {strides = array<i32>} : memref<32x1024xf32, #tpu.memory_space<vmem>>, vector<1x16xf32>,
      %get3A_588 = vector.shape_cast %get3A_587 : vector<1x16xf32> to vector<16xf32>
      %get3A_589 = arith.index_cast %scan3A_54 : i32 to index
      %get3A_590 = arith.constant 608 : index
      %get3A_591 = tpu.vector_load %arg9[%get3A_589, %get3A_590] {strides = array<i32>} : memref<32x1024xf32, #tpu.memory_space<vmem>>, vector<1x16xf32>,
      %get3A_592 = vector.shape_cast %get3A_591 : vector<1x16xf32> to vector<16xf32>
      %add3A_593 = arith.addf %get3A_588, %get3A_592 : vector<16xf32>
      %swap3A_594 = arith.index_cast %scan3A_54 : i32 to index
      %swap3A_595 = arith.constant 608 : index
      %swap3A_596 = tpu.vector_load %arg8[%swap3A_594, %swap3A_595] {strides = array<i32>} : memref<32x1024xf32, #tpu.memory_space<vmem>>, vector<1x16xf32>,
      %swap3A_597 = vector.shape_cast %swap3A_596 : vector<1x16xf32> to vector<16xf32>
      %swap3A_598 = vector.shape_cast %add3A_593 : vector<16xf32> to vector<1x16xf32>
      tpu.vector_store %arg8[%swap3A_594, %swap3A_595], %swap3A_598 {strides = array<i32>} : memref<32x1024xf32, #tpu.memory_space<vmem>>, vector<1x16xf32>,
      %get3A_599 = arith.index_cast %scan3A_54 : i32 to index
      %get3A_600 = arith.constant 624 : index
      %get3A_601 = tpu.vector_load %arg8[%get3A_599, %get3A_600] {strides = array<i32>} : memref<32x1024xf32, #tpu.memory_space<vmem>>, vector<1x16xf32>,
      %get3A_602 = vector.shape_cast %get3A_601 : vector<1x16xf32> to vector<16xf32>
      %get3A_603 = arith.index_cast %scan3A_54 : i32 to index
      %get3A_604 = arith.constant 624 : index
      %get3A_605 = tpu.vector_load %arg9[%get3A_603, %get3A_604] {strides = array<i32>} : memref<32x1024xf32, #tpu.memory_space<vmem>>, vector<1x16xf32>,
      %get3A_606 = vector.shape_cast %get3A_605 : vector<1x16xf32> to vector<16xf32>
      %add3A_607 = arith.addf %get3A_602, %get3A_606 : vector<16xf32>
      %swap3A_608 = arith.index_cast %scan3A_54 : i32 to index
      %swap3A_609 = arith.constant 624 : index
      %swap3A_610 = tpu.vector_load %arg8[%swap3A_608, %swap3A_609] {strides = array<i32>} : memref<32x1024xf32, #tpu.memory_space<vmem>>, vector<1x16xf32>,
      %swap3A_611 = vector.shape_cast %swap3A_610 : vector<1x16xf32> to vector<16xf32>
      %swap3A_612 = vector.shape_cast %add3A_607 : vector<16xf32> to vector<1x16xf32>
      tpu.vector_store %arg8[%swap3A_608, %swap3A_609], %swap3A_612 {strides = array<i32>} : memref<32x1024xf32, #tpu.memory_space<vmem>>, vector<1x16xf32>,
      %get3A_613 = arith.index_cast %scan3A_54 : i32 to index
      %get3A_614 = arith.constant 640 : index
      %get3A_615 = tpu.vector_load %arg8[%get3A_613, %get3A_614] {strides = array<i32>} : memref<32x1024xf32, #tpu.memory_space<vmem>>, vector<1x16xf32>,
      %get3A_616 = vector.shape_cast %get3A_615 : vector<1x16xf32> to vector<16xf32>
      %get3A_617 = arith.index_cast %scan3A_54 : i32 to index
      %get3A_618 = arith.constant 640 : index
      %get3A_619 = tpu.vector_load %arg9[%get3A_617, %get3A_618] {strides = array<i32>} : memref<32x1024xf32, #tpu.memory_space<vmem>>, vector<1x16xf32>,
      %get3A_620 = vector.shape_cast %get3A_619 : vector<1x16xf32> to vector<16xf32>
      %add3A_621 = arith.addf %get3A_616, %get3A_620 : vector<16xf32>
      %swap3A_622 = arith.index_cast %scan3A_54 : i32 to index
      %swap3A_623 = arith.constant 640 : index
      %swap3A_624 = tpu.vector_load %arg8[%swap3A_622, %swap3A_623] {strides = array<i32>} : memref<32x1024xf32, #tpu.memory_space<vmem>>, vector<1x16xf32>,
      %swap3A_625 = vector.shape_cast %swap3A_624 : vector<1x16xf32> to vector<16xf32>
      %swap3A_626 = vector.shape_cast %add3A_621 : vector<16xf32> to vector<1x16xf32>
      tpu.vector_store %arg8[%swap3A_622, %swap3A_623], %swap3A_626 {strides = array<i32>} : memref<32x1024xf32, #tpu.memory_space<vmem>>, vector<1x16xf32>,
      %get3A_627 = arith.index_cast %scan3A_54 : i32 to index
      %get3A_628 = arith.constant 656 : index
      %get3A_629 = tpu.vector_load %arg8[%get3A_627, %get3A_628] {strides = array<i32>} : memref<32x1024xf32, #tpu.memory_space<vmem>>, vector<1x16xf32>,
      %get3A_630 = vector.shape_cast %get3A_629 : vector<1x16xf32> to vector<16xf32>
      %get3A_631 = arith.index_cast %scan3A_54 : i32 to index
      %get3A_632 = arith.constant 656 : index
      %get3A_633 = tpu.vector_load %arg9[%get3A_631, %get3A_632] {strides = array<i32>} : memref<32x1024xf32, #tpu.memory_space<vmem>>, vector<1x16xf32>,
      %get3A_634 = vector.shape_cast %get3A_633 : vector<1x16xf32> to vector<16xf32>
      %add3A_635 = arith.addf %get3A_630, %get3A_634 : vector<16xf32>
      %swap3A_636 = arith.index_cast %scan3A_54 : i32 to index
      %swap3A_637 = arith.constant 656 : index
      %swap3A_638 = tpu.vector_load %arg8[%swap3A_636, %swap3A_637] {strides = array<i32>} : memref<32x1024xf32, #tpu.memory_space<vmem>>, vector<1x16xf32>,
      %swap3A_639 = vector.shape_cast %swap3A_638 : vector<1x16xf32> to vector<16xf32>
      %swap3A_640 = vector.shape_cast %add3A_635 : vector<16xf32> to vector<1x16xf32>
      tpu.vector_store %arg8[%swap3A_636, %swap3A_637], %swap3A_640 {strides = array<i32>} : memref<32x1024xf32, #tpu.memory_space<vmem>>, vector<1x16xf32>,
      %get3A_641 = arith.index_cast %scan3A_54 : i32 to index
      %get3A_642 = arith.constant 672 : index
      %get3A_643 = tpu.vector_load %arg8[%get3A_641, %get3A_642] {strides = array<i32>} : memref<32x1024xf32, #tpu.memory_space<vmem>>, vector<1x16xf32>,
      %get3A_644 = vector.shape_cast %get3A_643 : vector<1x16xf32> to vector<16xf32>
      %get3A_645 = arith.index_cast %scan3A_54 : i32 to index
      %get3A_646 = arith.constant 672 : index
      %get3A_647 = tpu.vector_load %arg9[%get3A_645, %get3A_646] {strides = array<i32>} : memref<32x1024xf32, #tpu.memory_space<vmem>>, vector<1x16xf32>,
      %get3A_648 = vector.shape_cast %get3A_647 : vector<1x16xf32> to vector<16xf32>
      %add3A_649 = arith.addf %get3A_644, %get3A_648 : vector<16xf32>
      %swap3A_650 = arith.index_cast %scan3A_54 : i32 to index
      %swap3A_651 = arith.constant 672 : index
      %swap3A_652 = tpu.vector_load %arg8[%swap3A_650, %swap3A_651] {strides = array<i32>} : memref<32x1024xf32, #tpu.memory_space<vmem>>, vector<1x16xf32>,
      %swap3A_653 = vector.shape_cast %swap3A_652 : vector<1x16xf32> to vector<16xf32>
      %swap3A_654 = vector.shape_cast %add3A_649 : vector<16xf32> to vector<1x16xf32>
      tpu.vector_store %arg8[%swap3A_650, %swap3A_651], %swap3A_654 {strides = array<i32>} : memref<32x1024xf32, #tpu.memory_space<vmem>>, vector<1x16xf32>,
      %get3A_655 = arith.index_cast %scan3A_54 : i32 to index
      %get3A_656 = arith.constant 688 : index
      %get3A_657 = tpu.vector_load %arg8[%get3A_655, %get3A_656] {strides = array<i32>} : memref<32x1024xf32, #tpu.memory_space<vmem>>, vector<1x16xf32>,
      %get3A_658 = vector.shape_cast %get3A_657 : vector<1x16xf32> to vector<16xf32>
      %get3A_659 = arith.index_cast %scan3A_54 : i32 to index
      %get3A_660 = arith.constant 688 : index
      %get3A_661 = tpu.vector_load %arg9[%get3A_659, %get3A_660] {strides = array<i32>} : memref<32x1024xf32, #tpu.memory_space<vmem>>, vector<1x16xf32>,
      %get3A_662 = vector.shape_cast %get3A_661 : vector<1x16xf32> to vector<16xf32>
      %add3A_663 = arith.addf %get3A_658, %get3A_662 : vector<16xf32>
      %swap3A_664 = arith.index_cast %scan3A_54 : i32 to index
      %swap3A_665 = arith.constant 688 : index
      %swap3A_666 = tpu.vector_load %arg8[%swap3A_664, %swap3A_665] {strides = array<i32>} : memref<32x1024xf32, #tpu.memory_space<vmem>>, vector<1x16xf32>,
      %swap3A_667 = vector.shape_cast %swap3A_666 : vector<1x16xf32> to vector<16xf32>
      %swap3A_668 = vector.shape_cast %add3A_663 : vector<16xf32> to vector<1x16xf32>
      tpu.vector_store %arg8[%swap3A_664, %swap3A_665], %swap3A_668 {strides = array<i32>} : memref<32x1024xf32, #tpu.memory_space<vmem>>, vector<1x16xf32>,
      %get3A_669 = arith.index_cast %scan3A_54 : i32 to index
      %get3A_670 = arith.constant 704 : index
      %get3A_671 = tpu.vector_load %arg8[%get3A_669, %get3A_670] {strides = array<i32>} : memref<32x1024xf32, #tpu.memory_space<vmem>>, vector<1x16xf32>,
      %get3A_672 = vector.shape_cast %get3A_671 : vector<1x16xf32> to vector<16xf32>
      %get3A_673 = arith.index_cast %scan3A_54 : i32 to index
      %get3A_674 = arith.constant 704 : index
      %get3A_675 = tpu.vector_load %arg9[%get3A_673, %get3A_674] {strides = array<i32>} : memref<32x1024xf32, #tpu.memory_space<vmem>>, vector<1x16xf32>,
      %get3A_676 = vector.shape_cast %get3A_675 : vector<1x16xf32> to vector<16xf32>
      %add3A_677 = arith.addf %get3A_672, %get3A_676 : vector<16xf32>
      %swap3A_678 = arith.index_cast %scan3A_54 : i32 to index
      %swap3A_679 = arith.constant 704 : index
      %swap3A_680 = tpu.vector_load %arg8[%swap3A_678, %swap3A_679] {strides = array<i32>} : memref<32x1024xf32, #tpu.memory_space<vmem>>, vector<1x16xf32>,
      %swap3A_681 = vector.shape_cast %swap3A_680 : vector<1x16xf32> to vector<16xf32>
      %swap3A_682 = vector.shape_cast %add3A_677 : vector<16xf32> to vector<1x16xf32>
      tpu.vector_store %arg8[%swap3A_678, %swap3A_679], %swap3A_682 {strides = array<i32>} : memref<32x1024xf32, #tpu.memory_space<vmem>>, vector<1x16xf32>,
      %get3A_683 = arith.index_cast %scan3A_54 : i32 to index
      %get3A_684 = arith.constant 720 : index
      %get3A_685 = tpu.vector_load %arg8[%get3A_683, %get3A_684] {strides = array<i32>} : memref<32x1024xf32, #tpu.memory_space<vmem>>, vector<1x16xf32>,
      %get3A_686 = vector.shape_cast %get3A_685 : vector<1x16xf32> to vector<16xf32>
      %get3A_687 = arith.index_cast %scan3A_54 : i32 to index
      %get3A_688 = arith.constant 720 : index
      %get3A_689 = tpu.vector_load %arg9[%get3A_687, %get3A_688] {strides = array<i32>} : memref<32x1024xf32, #tpu.memory_space<vmem>>, vector<1x16xf32>,
      %get3A_690 = vector.shape_cast %get3A_689 : vector<1x16xf32> to vector<16xf32>
      %add3A_691 = arith.addf %get3A_686, %get3A_690 : vector<16xf32>
      %swap3A_692 = arith.index_cast %scan3A_54 : i32 to index
      %swap3A_693 = arith.constant 720 : index
      %swap3A_694 = tpu.vector_load %arg8[%swap3A_692, %swap3A_693] {strides = array<i32>} : memref<32x1024xf32, #tpu.memory_space<vmem>>, vector<1x16xf32>,
      %swap3A_695 = vector.shape_cast %swap3A_694 : vector<1x16xf32> to vector<16xf32>
      %swap3A_696 = vector.shape_cast %add3A_691 : vector<16xf32> to vector<1x16xf32>
      tpu.vector_store %arg8[%swap3A_692, %swap3A_693], %swap3A_696 {strides = array<i32>} : memref<32x1024xf32, #tpu.memory_space<vmem>>, vector<1x16xf32>,
      %get3A_697 = arith.index_cast %scan3A_54 : i32 to index
      %get3A_698 = arith.constant 736 : index
      %get3A_699 = tpu.vector_load %arg8[%get3A_697, %get3A_698] {strides = array<i32>} : memref<32x1024xf32, #tpu.memory_space<vmem>>, vector<1x16xf32>,
      %get3A_700 = vector.shape_cast %get3A_699 : vector<1x16xf32> to vector<16xf32>
      %get3A_701 = arith.index_cast %scan3A_54 : i32 to index
      %get3A_702 = arith.constant 736 : index
      %get3A_703 = tpu.vector_load %arg9[%get3A_701, %get3A_702] {strides = array<i32>} : memref<32x1024xf32, #tpu.memory_space<vmem>>, vector<1x16xf32>,
      %get3A_704 = vector.shape_cast %get3A_703 : vector<1x16xf32> to vector<16xf32>
      %add3A_705 = arith.addf %get3A_700, %get3A_704 : vector<16xf32>
      %swap3A_706 = arith.index_cast %scan3A_54 : i32 to index
      %swap3A_707 = arith.constant 736 : index
      %swap3A_708 = tpu.vector_load %arg8[%swap3A_706, %swap3A_707] {strides = array<i32>} : memref<32x1024xf32, #tpu.memory_space<vmem>>, vector<1x16xf32>,
      %swap3A_709 = vector.shape_cast %swap3A_708 : vector<1x16xf32> to vector<16xf32>
      %swap3A_710 = vector.shape_cast %add3A_705 : vector<16xf32> to vector<1x16xf32>
      tpu.vector_store %arg8[%swap3A_706, %swap3A_707], %swap3A_710 {strides = array<i32>} : memref<32x1024xf32, #tpu.memory_space<vmem>>, vector<1x16xf32>,
      %get3A_711 = arith.index_cast %scan3A_54 : i32 to index
      %get3A_712 = arith.constant 752 : index
      %get3A_713 = tpu.vector_load %arg8[%get3A_711, %get3A_712] {strides = array<i32>} : memref<32x1024xf32, #tpu.memory_space<vmem>>, vector<1x16xf32>,
      %get3A_714 = vector.shape_cast %get3A_713 : vector<1x16xf32> to vector<16xf32>
      %get3A_715 = arith.index_cast %scan3A_54 : i32 to index
      %get3A_716 = arith.constant 752 : index
      %get3A_717 = tpu.vector_load %arg9[%get3A_715, %get3A_716] {strides = array<i32>} : memref<32x1024xf32, #tpu.memory_space<vmem>>, vector<1x16xf32>,
      %get3A_718 = vector.shape_cast %get3A_717 : vector<1x16xf32> to vector<16xf32>
      %add3A_719 = arith.addf %get3A_714, %get3A_718 : vector<16xf32>
      %swap3A_720 = arith.index_cast %scan3A_54 : i32 to index
      %swap3A_721 = arith.constant 752 : index
      %swap3A_722 = tpu.vector_load %arg8[%swap3A_720, %swap3A_721] {strides = array<i32>} : memref<32x1024xf32, #tpu.memory_space<vmem>>, vector<1x16xf32>,
      %swap3A_723 = vector.shape_cast %swap3A_722 : vector<1x16xf32> to vector<16xf32>
      %swap3A_724 = vector.shape_cast %add3A_719 : vector<16xf32> to vector<1x16xf32>
      tpu.vector_store %arg8[%swap3A_720, %swap3A_721], %swap3A_724 {strides = array<i32>} : memref<32x1024xf32, #tpu.memory_space<vmem>>, vector<1x16xf32>,
      %get3A_725 = arith.index_cast %scan3A_54 : i32 to index
      %get3A_726 = arith.constant 768 : index
      %get3A_727 = tpu.vector_load %arg8[%get3A_725, %get3A_726] {strides = array<i32>} : memref<32x1024xf32, #tpu.memory_space<vmem>>, vector<1x16xf32>,
      %get3A_728 = vector.shape_cast %get3A_727 : vector<1x16xf32> to vector<16xf32>
      %get3A_729 = arith.index_cast %scan3A_54 : i32 to index
      %get3A_730 = arith.constant 768 : index
      %get3A_731 = tpu.vector_load %arg9[%get3A_729, %get3A_730] {strides = array<i32>} : memref<32x1024xf32, #tpu.memory_space<vmem>>, vector<1x16xf32>,
      %get3A_732 = vector.shape_cast %get3A_731 : vector<1x16xf32> to vector<16xf32>
      %add3A_733 = arith.addf %get3A_728, %get3A_732 : vector<16xf32>
      %swap3A_734 = arith.index_cast %scan3A_54 : i32 to index
      %swap3A_735 = arith.constant 768 : index
      %swap3A_736 = tpu.vector_load %arg8[%swap3A_734, %swap3A_735] {strides = array<i32>} : memref<32x1024xf32, #tpu.memory_space<vmem>>, vector<1x16xf32>,
      %swap3A_737 = vector.shape_cast %swap3A_736 : vector<1x16xf32> to vector<16xf32>
      %swap3A_738 = vector.shape_cast %add3A_733 : vector<16xf32> to vector<1x16xf32>
      tpu.vector_store %arg8[%swap3A_734, %swap3A_735], %swap3A_738 {strides = array<i32>} : memref<32x1024xf32, #tpu.memory_space<vmem>>, vector<1x16xf32>,
      %get3A_739 = arith.index_cast %scan3A_54 : i32 to index
      %get3A_740 = arith.constant 784 : index
      %get3A_741 = tpu.vector_load %arg8[%get3A_739, %get3A_740] {strides = array<i32>} : memref<32x1024xf32, #tpu.memory_space<vmem>>, vector<1x16xf32>,
      %get3A_742 = vector.shape_cast %get3A_741 : vector<1x16xf32> to vector<16xf32>
      %get3A_743 = arith.index_cast %scan3A_54 : i32 to index
      %get3A_744 = arith.constant 784 : index
      %get3A_745 = tpu.vector_load %arg9[%get3A_743, %get3A_744] {strides = array<i32>} : memref<32x1024xf32, #tpu.memory_space<vmem>>, vector<1x16xf32>,
      %get3A_746 = vector.shape_cast %get3A_745 : vector<1x16xf32> to vector<16xf32>
      %add3A_747 = arith.addf %get3A_742, %get3A_746 : vector<16xf32>
      %swap3A_748 = arith.index_cast %scan3A_54 : i32 to index
      %swap3A_749 = arith.constant 784 : index
      %swap3A_750 = tpu.vector_load %arg8[%swap3A_748, %swap3A_749] {strides = array<i32>} : memref<32x1024xf32, #tpu.memory_space<vmem>>, vector<1x16xf32>,
      %swap3A_751 = vector.shape_cast %swap3A_750 : vector<1x16xf32> to vector<16xf32>
      %swap3A_752 = vector.shape_cast %add3A_747 : vector<16xf32> to vector<1x16xf32>
      tpu.vector_store %arg8[%swap3A_748, %swap3A_749], %swap3A_752 {strides = array<i32>} : memref<32x1024xf32, #tpu.memory_space<vmem>>, vector<1x16xf32>,
      %get3A_753 = arith.index_cast %scan3A_54 : i32 to index
      %get3A_754 = arith.constant 800 : index
      %get3A_755 = tpu.vector_load %arg8[%get3A_753, %get3A_754] {strides = array<i32>} : memref<32x1024xf32, #tpu.memory_space<vmem>>, vector<1x16xf32>,
      %get3A_756 = vector.shape_cast %get3A_755 : vector<1x16xf32> to vector<16xf32>
      %get3A_757 = arith.index_cast %scan3A_54 : i32 to index
      %get3A_758 = arith.constant 800 : index
      %get3A_759 = tpu.vector_load %arg9[%get3A_757, %get3A_758] {strides = array<i32>} : memref<32x1024xf32, #tpu.memory_space<vmem>>, vector<1x16xf32>,
      %get3A_760 = vector.shape_cast %get3A_759 : vector<1x16xf32> to vector<16xf32>
      %add3A_761 = arith.addf %get3A_756, %get3A_760 : vector<16xf32>
      %swap3A_762 = arith.index_cast %scan3A_54 : i32 to index
      %swap3A_763 = arith.constant 800 : index
      %swap3A_764 = tpu.vector_load %arg8[%swap3A_762, %swap3A_763] {strides = array<i32>} : memref<32x1024xf32, #tpu.memory_space<vmem>>, vector<1x16xf32>,
      %swap3A_765 = vector.shape_cast %swap3A_764 : vector<1x16xf32> to vector<16xf32>
      %swap3A_766 = vector.shape_cast %add3A_761 : vector<16xf32> to vector<1x16xf32>
      tpu.vector_store %arg8[%swap3A_762, %swap3A_763], %swap3A_766 {strides = array<i32>} : memref<32x1024xf32, #tpu.memory_space<vmem>>, vector<1x16xf32>,
      %get3A_767 = arith.index_cast %scan3A_54 : i32 to index
      %get3A_768 = arith.constant 816 : index
      %get3A_769 = tpu.vector_load %arg8[%get3A_767, %get3A_768] {strides = array<i32>} : memref<32x1024xf32, #tpu.memory_space<vmem>>, vector<1x16xf32>,
      %get3A_770 = vector.shape_cast %get3A_769 : vector<1x16xf32> to vector<16xf32>
      %get3A_771 = arith.index_cast %scan3A_54 : i32 to index
      %get3A_772 = arith.constant 816 : index
      %get3A_773 = tpu.vector_load %arg9[%get3A_771, %get3A_772] {strides = array<i32>} : memref<32x1024xf32, #tpu.memory_space<vmem>>, vector<1x16xf32>,
      %get3A_774 = vector.shape_cast %get3A_773 : vector<1x16xf32> to vector<16xf32>
      %add3A_775 = arith.addf %get3A_770, %get3A_774 : vector<16xf32>
      %swap3A_776 = arith.index_cast %scan3A_54 : i32 to index
      %swap3A_777 = arith.constant 816 : index
      %swap3A_778 = tpu.vector_load %arg8[%swap3A_776, %swap3A_777] {strides = array<i32>} : memref<32x1024xf32, #tpu.memory_space<vmem>>, vector<1x16xf32>,
      %swap3A_779 = vector.shape_cast %swap3A_778 : vector<1x16xf32> to vector<16xf32>
      %swap3A_780 = vector.shape_cast %add3A_775 : vector<16xf32> to vector<1x16xf32>
      tpu.vector_store %arg8[%swap3A_776, %swap3A_777], %swap3A_780 {strides = array<i32>} : memref<32x1024xf32, #tpu.memory_space<vmem>>, vector<1x16xf32>,
      %get3A_781 = arith.index_cast %scan3A_54 : i32 to index
      %get3A_782 = arith.constant 832 : index
      %get3A_783 = tpu.vector_load %arg8[%get3A_781, %get3A_782] {strides = array<i32>} : memref<32x1024xf32, #tpu.memory_space<vmem>>, vector<1x16xf32>,
      %get3A_784 = vector.shape_cast %get3A_783 : vector<1x16xf32> to vector<16xf32>
      %get3A_785 = arith.index_cast %scan3A_54 : i32 to index
      %get3A_786 = arith.constant 832 : index
      %get3A_787 = tpu.vector_load %arg9[%get3A_785, %get3A_786] {strides = array<i32>} : memref<32x1024xf32, #tpu.memory_space<vmem>>, vector<1x16xf32>,
      %get3A_788 = vector.shape_cast %get3A_787 : vector<1x16xf32> to vector<16xf32>
      %add3A_789 = arith.addf %get3A_784, %get3A_788 : vector<16xf32>
      %swap3A_790 = arith.index_cast %scan3A_54 : i32 to index
      %swap3A_791 = arith.constant 832 : index
      %swap3A_792 = tpu.vector_load %arg8[%swap3A_790, %swap3A_791] {strides = array<i32>} : memref<32x1024xf32, #tpu.memory_space<vmem>>, vector<1x16xf32>,
      %swap3A_793 = vector.shape_cast %swap3A_792 : vector<1x16xf32> to vector<16xf32>
      %swap3A_794 = vector.shape_cast %add3A_789 : vector<16xf32> to vector<1x16xf32>
      tpu.vector_store %arg8[%swap3A_790, %swap3A_791], %swap3A_794 {strides = array<i32>} : memref<32x1024xf32, #tpu.memory_space<vmem>>, vector<1x16xf32>,
      %get3A_795 = arith.index_cast %scan3A_54 : i32 to index
      %get3A_796 = arith.constant 848 : index
      %get3A_797 = tpu.vector_load %arg8[%get3A_795, %get3A_796] {strides = array<i32>} : memref<32x1024xf32, #tpu.memory_space<vmem>>, vector<1x16xf32>,
      %get3A_798 = vector.shape_cast %get3A_797 : vector<1x16xf32> to vector<16xf32>
      %get3A_799 = arith.index_cast %scan3A_54 : i32 to index
      %get3A_800 = arith.constant 848 : index
      %get3A_801 = tpu.vector_load %arg9[%get3A_799, %get3A_800] {strides = array<i32>} : memref<32x1024xf32, #tpu.memory_space<vmem>>, vector<1x16xf32>,
      %get3A_802 = vector.shape_cast %get3A_801 : vector<1x16xf32> to vector<16xf32>
      %add3A_803 = arith.addf %get3A_798, %get3A_802 : vector<16xf32>
      %swap3A_804 = arith.index_cast %scan3A_54 : i32 to index
      %swap3A_805 = arith.constant 848 : index
      %swap3A_806 = tpu.vector_load %arg8[%swap3A_804, %swap3A_805] {strides = array<i32>} : memref<32x1024xf32, #tpu.memory_space<vmem>>, vector<1x16xf32>,
      %swap3A_807 = vector.shape_cast %swap3A_806 : vector<1x16xf32> to vector<16xf32>
      %swap3A_808 = vector.shape_cast %add3A_803 : vector<16xf32> to vector<1x16xf32>
      tpu.vector_store %arg8[%swap3A_804, %swap3A_805], %swap3A_808 {strides = array<i32>} : memref<32x1024xf32, #tpu.memory_space<vmem>>, vector<1x16xf32>,
      %get3A_809 = arith.index_cast %scan3A_54 : i32 to index
      %get3A_810 = arith.constant 864 : index
      %get3A_811 = tpu.vector_load %arg8[%get3A_809, %get3A_810] {strides = array<i32>} : memref<32x1024xf32, #tpu.memory_space<vmem>>, vector<1x16xf32>,
      %get3A_812 = vector.shape_cast %get3A_811 : vector<1x16xf32> to vector<16xf32>
      %get3A_813 = arith.index_cast %scan3A_54 : i32 to index
      %get3A_814 = arith.constant 864 : index
      %get3A_815 = tpu.vector_load %arg9[%get3A_813, %get3A_814] {strides = array<i32>} : memref<32x1024xf32, #tpu.memory_space<vmem>>, vector<1x16xf32>,
      %get3A_816 = vector.shape_cast %get3A_815 : vector<1x16xf32> to vector<16xf32>
      %add3A_817 = arith.addf %get3A_812, %get3A_816 : vector<16xf32>
      %swap3A_818 = arith.index_cast %scan3A_54 : i32 to index
      %swap3A_819 = arith.constant 864 : index
      %swap3A_820 = tpu.vector_load %arg8[%swap3A_818, %swap3A_819] {strides = array<i32>} : memref<32x1024xf32, #tpu.memory_space<vmem>>, vector<1x16xf32>,
      %swap3A_821 = vector.shape_cast %swap3A_820 : vector<1x16xf32> to vector<16xf32>
      %swap3A_822 = vector.shape_cast %add3A_817 : vector<16xf32> to vector<1x16xf32>
      tpu.vector_store %arg8[%swap3A_818, %swap3A_819], %swap3A_822 {strides = array<i32>} : memref<32x1024xf32, #tpu.memory_space<vmem>>, vector<1x16xf32>,
      %get3A_823 = arith.index_cast %scan3A_54 : i32 to index
      %get3A_824 = arith.constant 880 : index
      %get3A_825 = tpu.vector_load %arg8[%get3A_823, %get3A_824] {strides = array<i32>} : memref<32x1024xf32, #tpu.memory_space<vmem>>, vector<1x16xf32>,
      %get3A_826 = vector.shape_cast %get3A_825 : vector<1x16xf32> to vector<16xf32>
      %get3A_827 = arith.index_cast %scan3A_54 : i32 to index
      %get3A_828 = arith.constant 880 : index
      %get3A_829 = tpu.vector_load %arg9[%get3A_827, %get3A_828] {strides = array<i32>} : memref<32x1024xf32, #tpu.memory_space<vmem>>, vector<1x16xf32>,
      %get3A_830 = vector.shape_cast %get3A_829 : vector<1x16xf32> to vector<16xf32>
      %add3A_831 = arith.addf %get3A_826, %get3A_830 : vector<16xf32>
      %swap3A_832 = arith.index_cast %scan3A_54 : i32 to index
      %swap3A_833 = arith.constant 880 : index
      %swap3A_834 = tpu.vector_load %arg8[%swap3A_832, %swap3A_833] {strides = array<i32>} : memref<32x1024xf32, #tpu.memory_space<vmem>>, vector<1x16xf32>,
      %swap3A_835 = vector.shape_cast %swap3A_834 : vector<1x16xf32> to vector<16xf32>
      %swap3A_836 = vector.shape_cast %add3A_831 : vector<16xf32> to vector<1x16xf32>
      tpu.vector_store %arg8[%swap3A_832, %swap3A_833], %swap3A_836 {strides = array<i32>} : memref<32x1024xf32, #tpu.memory_space<vmem>>, vector<1x16xf32>,
      %get3A_837 = arith.index_cast %scan3A_54 : i32 to index
      %get3A_838 = arith.constant 896 : index
      %get3A_839 = tpu.vector_load %arg8[%get3A_837, %get3A_838] {strides = array<i32>} : memref<32x1024xf32, #tpu.memory_space<vmem>>, vector<1x16xf32>,
      %get3A_840 = vector.shape_cast %get3A_839 : vector<1x16xf32> to vector<16xf32>
      %get3A_841 = arith.index_cast %scan3A_54 : i32 to index
      %get3A_842 = arith.constant 896 : index
      %get3A_843 = tpu.vector_load %arg9[%get3A_841, %get3A_842] {strides = array<i32>} : memref<32x1024xf32, #tpu.memory_space<vmem>>, vector<1x16xf32>,
      %get3A_844 = vector.shape_cast %get3A_843 : vector<1x16xf32> to vector<16xf32>
      %add3A_845 = arith.addf %get3A_840, %get3A_844 : vector<16xf32>
      %swap3A_846 = arith.index_cast %scan3A_54 : i32 to index
      %swap3A_847 = arith.constant 896 : index
      %swap3A_848 = tpu.vector_load %arg8[%swap3A_846, %swap3A_847] {strides = array<i32>} : memref<32x1024xf32, #tpu.memory_space<vmem>>, vector<1x16xf32>,
      %swap3A_849 = vector.shape_cast %swap3A_848 : vector<1x16xf32> to vector<16xf32>
      %swap3A_850 = vector.shape_cast %add3A_845 : vector<16xf32> to vector<1x16xf32>
      tpu.vector_store %arg8[%swap3A_846, %swap3A_847], %swap3A_850 {strides = array<i32>} : memref<32x1024xf32, #tpu.memory_space<vmem>>, vector<1x16xf32>,
      %get3A_851 = arith.index_cast %scan3A_54 : i32 to index
      %get3A_852 = arith.constant 912 : index
      %get3A_853 = tpu.vector_load %arg8[%get3A_851, %get3A_852] {strides = array<i32>} : memref<32x1024xf32, #tpu.memory_space<vmem>>, vector<1x16xf32>,
      %get3A_854 = vector.shape_cast %get3A_853 : vector<1x16xf32> to vector<16xf32>
      %get3A_855 = arith.index_cast %scan3A_54 : i32 to index
      %get3A_856 = arith.constant 912 : index
      %get3A_857 = tpu.vector_load %arg9[%get3A_855, %get3A_856] {strides = array<i32>} : memref<32x1024xf32, #tpu.memory_space<vmem>>, vector<1x16xf32>,
      %get3A_858 = vector.shape_cast %get3A_857 : vector<1x16xf32> to vector<16xf32>
      %add3A_859 = arith.addf %get3A_854, %get3A_858 : vector<16xf32>
      %swap3A_860 = arith.index_cast %scan3A_54 : i32 to index
      %swap3A_861 = arith.constant 912 : index
      %swap3A_862 = tpu.vector_load %arg8[%swap3A_860, %swap3A_861] {strides = array<i32>} : memref<32x1024xf32, #tpu.memory_space<vmem>>, vector<1x16xf32>,
      %swap3A_863 = vector.shape_cast %swap3A_862 : vector<1x16xf32> to vector<16xf32>
      %swap3A_864 = vector.shape_cast %add3A_859 : vector<16xf32> to vector<1x16xf32>
      tpu.vector_store %arg8[%swap3A_860, %swap3A_861], %swap3A_864 {strides = array<i32>} : memref<32x1024xf32, #tpu.memory_space<vmem>>, vector<1x16xf32>,
      %get3A_865 = arith.index_cast %scan3A_54 : i32 to index
      %get3A_866 = arith.constant 928 : index
      %get3A_867 = tpu.vector_load %arg8[%get3A_865, %get3A_866] {strides = array<i32>} : memref<32x1024xf32, #tpu.memory_space<vmem>>, vector<1x16xf32>,
      %get3A_868 = vector.shape_cast %get3A_867 : vector<1x16xf32> to vector<16xf32>
      %get3A_869 = arith.index_cast %scan3A_54 : i32 to index
      %get3A_870 = arith.constant 928 : index
      %get3A_871 = tpu.vector_load %arg9[%get3A_869, %get3A_870] {strides = array<i32>} : memref<32x1024xf32, #tpu.memory_space<vmem>>, vector<1x16xf32>,
      %get3A_872 = vector.shape_cast %get3A_871 : vector<1x16xf32> to vector<16xf32>
      %add3A_873 = arith.addf %get3A_868, %get3A_872 : vector<16xf32>
      %swap3A_874 = arith.index_cast %scan3A_54 : i32 to index
      %swap3A_875 = arith.constant 928 : index
      %swap3A_876 = tpu.vector_load %arg8[%swap3A_874, %swap3A_875] {strides = array<i32>} : memref<32x1024xf32, #tpu.memory_space<vmem>>, vector<1x16xf32>,
      %swap3A_877 = vector.shape_cast %swap3A_876 : vector<1x16xf32> to vector<16xf32>
      %swap3A_878 = vector.shape_cast %add3A_873 : vector<16xf32> to vector<1x16xf32>
      tpu.vector_store %arg8[%swap3A_874, %swap3A_875], %swap3A_878 {strides = array<i32>} : memref<32x1024xf32, #tpu.memory_space<vmem>>, vector<1x16xf32>,
      %get3A_879 = arith.index_cast %scan3A_54 : i32 to index
      %get3A_880 = arith.constant 944 : index
      %get3A_881 = tpu.vector_load %arg8[%get3A_879, %get3A_880] {strides = array<i32>} : memref<32x1024xf32, #tpu.memory_space<vmem>>, vector<1x16xf32>,
      %get3A_882 = vector.shape_cast %get3A_881 : vector<1x16xf32> to vector<16xf32>
      %get3A_883 = arith.index_cast %scan3A_54 : i32 to index
      %get3A_884 = arith.constant 944 : index
      %get3A_885 = tpu.vector_load %arg9[%get3A_883, %get3A_884] {strides = array<i32>} : memref<32x1024xf32, #tpu.memory_space<vmem>>, vector<1x16xf32>,
      %get3A_886 = vector.shape_cast %get3A_885 : vector<1x16xf32> to vector<16xf32>
      %add3A_887 = arith.addf %get3A_882, %get3A_886 : vector<16xf32>
      %swap3A_888 = arith.index_cast %scan3A_54 : i32 to index
      %swap3A_889 = arith.constant 944 : index
      %swap3A_890 = tpu.vector_load %arg8[%swap3A_888, %swap3A_889] {strides = array<i32>} : memref<32x1024xf32, #tpu.memory_space<vmem>>, vector<1x16xf32>,
      %swap3A_891 = vector.shape_cast %swap3A_890 : vector<1x16xf32> to vector<16xf32>
      %swap3A_892 = vector.shape_cast %add3A_887 : vector<16xf32> to vector<1x16xf32>
      tpu.vector_store %arg8[%swap3A_888, %swap3A_889], %swap3A_892 {strides = array<i32>} : memref<32x1024xf32, #tpu.memory_space<vmem>>, vector<1x16xf32>,
      %get3A_893 = arith.index_cast %scan3A_54 : i32 to index
      %get3A_894 = arith.constant 960 : index
      %get3A_895 = tpu.vector_load %arg8[%get3A_893, %get3A_894] {strides = array<i32>} : memref<32x1024xf32, #tpu.memory_space<vmem>>, vector<1x16xf32>,
      %get3A_896 = vector.shape_cast %get3A_895 : vector<1x16xf32> to vector<16xf32>
      %get3A_897 = arith.index_cast %scan3A_54 : i32 to index
      %get3A_898 = arith.constant 960 : index
      %get3A_899 = tpu.vector_load %arg9[%get3A_897, %get3A_898] {strides = array<i32>} : memref<32x1024xf32, #tpu.memory_space<vmem>>, vector<1x16xf32>,
      %get3A_900 = vector.shape_cast %get3A_899 : vector<1x16xf32> to vector<16xf32>
      %add3A_901 = arith.addf %get3A_896, %get3A_900 : vector<16xf32>
      %swap3A_902 = arith.index_cast %scan3A_54 : i32 to index
      %swap3A_903 = arith.constant 960 : index
      %swap3A_904 = tpu.vector_load %arg8[%swap3A_902, %swap3A_903] {strides = array<i32>} : memref<32x1024xf32, #tpu.memory_space<vmem>>, vector<1x16xf32>,
      %swap3A_905 = vector.shape_cast %swap3A_904 : vector<1x16xf32> to vector<16xf32>
      %swap3A_906 = vector.shape_cast %add3A_901 : vector<16xf32> to vector<1x16xf32>
      tpu.vector_store %arg8[%swap3A_902, %swap3A_903], %swap3A_906 {strides = array<i32>} : memref<32x1024xf32, #tpu.memory_space<vmem>>, vector<1x16xf32>,
      %get3A_907 = arith.index_cast %scan3A_54 : i32 to index
      %get3A_908 = arith.constant 976 : index
      %get3A_909 = tpu.vector_load %arg8[%get3A_907, %get3A_908] {strides = array<i32>} : memref<32x1024xf32, #tpu.memory_space<vmem>>, vector<1x16xf32>,
      %get3A_910 = vector.shape_cast %get3A_909 : vector<1x16xf32> to vector<16xf32>
      %get3A_911 = arith.index_cast %scan3A_54 : i32 to index
      %get3A_912 = arith.constant 976 : index
      %get3A_913 = tpu.vector_load %arg9[%get3A_911, %get3A_912] {strides = array<i32>} : memref<32x1024xf32, #tpu.memory_space<vmem>>, vector<1x16xf32>,
      %get3A_914 = vector.shape_cast %get3A_913 : vector<1x16xf32> to vector<16xf32>
      %add3A_915 = arith.addf %get3A_910, %get3A_914 : vector<16xf32>
      %swap3A_916 = arith.index_cast %scan3A_54 : i32 to index
      %swap3A_917 = arith.constant 976 : index
      %swap3A_918 = tpu.vector_load %arg8[%swap3A_916, %swap3A_917] {strides = array<i32>} : memref<32x1024xf32, #tpu.memory_space<vmem>>, vector<1x16xf32>,
      %swap3A_919 = vector.shape_cast %swap3A_918 : vector<1x16xf32> to vector<16xf32>
      %swap3A_920 = vector.shape_cast %add3A_915 : vector<16xf32> to vector<1x16xf32>
      tpu.vector_store %arg8[%swap3A_916, %swap3A_917], %swap3A_920 {strides = array<i32>} : memref<32x1024xf32, #tpu.memory_space<vmem>>, vector<1x16xf32>,
      %get3A_921 = arith.index_cast %scan3A_54 : i32 to index
      %get3A_922 = arith.constant 992 : index
      %get3A_923 = tpu.vector_load %arg8[%get3A_921, %get3A_922] {strides = array<i32>} : memref<32x1024xf32, #tpu.memory_space<vmem>>, vector<1x16xf32>,
      %get3A_924 = vector.shape_cast %get3A_923 : vector<1x16xf32> to vector<16xf32>
      %get3A_925 = arith.index_cast %scan3A_54 : i32 to index
      %get3A_926 = arith.constant 992 : index
      %get3A_927 = tpu.vector_load %arg9[%get3A_925, %get3A_926] {strides = array<i32>} : memref<32x1024xf32, #tpu.memory_space<vmem>>, vector<1x16xf32>,
      %get3A_928 = vector.shape_cast %get3A_927 : vector<1x16xf32> to vector<16xf32>
      %add3A_929 = arith.addf %get3A_924, %get3A_928 : vector<16xf32>
      %swap3A_930 = arith.index_cast %scan3A_54 : i32 to index
      %swap3A_931 = arith.constant 992 : index
      %swap3A_932 = tpu.vector_load %arg8[%swap3A_930, %swap3A_931] {strides = array<i32>} : memref<32x1024xf32, #tpu.memory_space<vmem>>, vector<1x16xf32>,
      %swap3A_933 = vector.shape_cast %swap3A_932 : vector<1x16xf32> to vector<16xf32>
      %swap3A_934 = vector.shape_cast %add3A_929 : vector<16xf32> to vector<1x16xf32>
      tpu.vector_store %arg8[%swap3A_930, %swap3A_931], %swap3A_934 {strides = array<i32>} : memref<32x1024xf32, #tpu.memory_space<vmem>>, vector<1x16xf32>,
      %get3A_935 = arith.index_cast %scan3A_54 : i32 to index
      %get3A_936 = arith.constant 1008 : index
      %get3A_937 = tpu.vector_load %arg8[%get3A_935, %get3A_936] {strides = array<i32>} : memref<32x1024xf32, #tpu.memory_space<vmem>>, vector<1x16xf32>,
      %get3A_938 = vector.shape_cast %get3A_937 : vector<1x16xf32> to vector<16xf32>
      %get3A_939 = arith.index_cast %scan3A_54 : i32 to index
      %get3A_940 = arith.constant 1008 : index
      %get3A_941 = tpu.vector_load %arg9[%get3A_939, %get3A_940] {strides = array<i32>} : memref<32x1024xf32, #tpu.memory_space<vmem>>, vector<1x16xf32>,
      %get3A_942 = vector.shape_cast %get3A_941 : vector<1x16xf32> to vector<16xf32>
      %add3A_943 = arith.addf %get3A_938, %get3A_942 : vector<16xf32>
      %swap3A_944 = arith.index_cast %scan3A_54 : i32 to index
      %swap3A_945 = arith.constant 1008 : index
      %swap3A_946 = tpu.vector_load %arg8[%swap3A_944, %swap3A_945] {strides = array<i32>} : memref<32x1024xf32, #tpu.memory_space<vmem>>, vector<1x16xf32>,
      %swap3A_947 = vector.shape_cast %swap3A_946 : vector<1x16xf32> to vector<16xf32>
      %swap3A_948 = vector.shape_cast %add3A_943 : vector<16xf32> to vector<1x16xf32>
      tpu.vector_store %arg8[%swap3A_944, %swap3A_945], %swap3A_948 {strides = array<i32>} : memref<32x1024xf32, #tpu.memory_space<vmem>>, vector<1x16xf32>,
    }
    %scan3A_51 = arith.constant 32 : i32
    %add3A_52 = arith.constant 32 : i32
    %add3A_53 = arith.addi %mul3A_2, %add3A_52 : i32
    "tpu.region"() ({
      %run_scoped3A = tpu.sem_alloc : memref<!tpu.dma_semaphore, #tpu.memory_space<semaphore_mem>>
      %dma_start3A_54 = arith.constant 0 : i32
      %dma_start3A_55 = tpu.memref_slice %arg5[%add3A_53, %dma_start3A_54] : memref<2048x1024xf32, #tpu.memory_space<hbm>> -> memref<32x1024xf32, #tpu.memory_space<hbm>>
      %dma_start3A_56 = arith.constant 0 : i32
      %dma_start3A_57 = tpu.memref_slice %arg5[%add3A_53, %dma_start3A_56] : memref<2048x1024xf32, #tpu.memory_space<hbm>> -> memref<32x1024xf32, #tpu.memory_space<hbm>>
      tpu.enqueue_dma source(%arg8 : memref<32x1024xf32, #tpu.memory_space<vmem>>) target(%dma_start3A_57 : memref<32x1024xf32, #tpu.memory_space<hbm>>) target_semaphore(%run_scoped3A : memref<!tpu.dma_semaphore, #tpu.memory_space<semaphore_mem>>)
      %dma_wait3A_58 = arith.constant 0 : i32
      %dma_wait3A_59 = tpu.memref_slice %arg5[%add3A_53, %dma_wait3A_58] : memref<2048x1024xf32, #tpu.memory_space<hbm>> -> memref<32x1024xf32, #tpu.memory_space<hbm>>
      %dma_wait3A_60 = arith.constant 0 : i32
      %dma_wait3A_61 = tpu.memref_slice %arg5[%add3A_53, %dma_wait3A_60] : memref<2048x1024xf32, #tpu.memory_space<hbm>> -> memref<32x1024xf32, #tpu.memory_space<hbm>>
      tpu.wait_dma2 semaphore(%run_scoped3A : memref<!tpu.dma_semaphore, #tpu.memory_space<semaphore_mem>>) src(%arg8 : memref<32x1024xf32, #tpu.memory_space<vmem>>) dst(%dma_wait3A_61 : memref<32x1024xf32, #tpu.memory_space<hbm>>)
      tpu.yield
    }) : () -> ()
    return
  }
}

#map = affine_map<(d0, d1) -> (0)>
#map1 = affine_map<(d0, d1) -> (0, 0)>
module attributes {stable_mosaic.version = 14 : i64} {
  func.func @_dispatch_body(%arg0: i32, %arg1: i32, %arg2: memref<8192xi32, #tpu.memory_space<hbm>>, %arg3: memref<2048x1024xf32, #tpu.memory_space<hbm>>, %arg4: memref<8192x1024xf32, #tpu.memory_space<hbm>>, %arg5: memref<256xi32, #tpu.memory_space<vmem>>, %arg6: memref<32x1024xf32, #tpu.memory_space<vmem>>, %arg7: memref<32x1024xf32, #tpu.memory_space<vmem>>, %arg8: memref<!tpu.dma_semaphore, #tpu.memory_space<semaphore_mem>>, %arg9: memref<!tpu.dma_semaphore, #tpu.memory_space<semaphore_mem>>, %arg10: memref<!tpu.dma_semaphore, #tpu.memory_space<semaphore_mem>>, %arg11: memref<!tpu.dma_semaphore, #tpu.memory_space<semaphore_mem>>) attributes {dimension_semantics = [#tpu.dimension_semantics<core_parallel>, #tpu.dimension_semantics<subcore_parallel>], iteration_bounds = array<i64: 2, 16>, scalar_prefetch = 0 : i64, scratch_operands = 7 : i64, tpu.core_type = #tpu.core_type<sc_vector_subcore>, window_params = [{transform_indices = #map}, {transform_indices = #map1}, {transform_indices = #map1}]} {
    %mul3A = arith.constant 2 : i32
    %mul3A_0 = arith.muli %arg1, %mul3A : i32
    %add3A = arith.addi %mul3A_0, %arg0 : i32
    %mul3A_1 = arith.constant 256 : i32
    %mul3A_2 = arith.muli %add3A, %mul3A_1 : i32
    "tpu.region"() ({
      %run_scoped3A = tpu.sem_alloc : memref<!tpu.dma_semaphore, #tpu.memory_space<semaphore_mem>>
      %dma_start3A_161 = tpu.memref_slice %arg2[%mul3A_2] : memref<8192xi32, #tpu.memory_space<hbm>> -> memref<256xi32, #tpu.memory_space<hbm>>
      %dma_start3A_162 = tpu.memref_slice %arg2[%mul3A_2] : memref<8192xi32, #tpu.memory_space<hbm>> -> memref<256xi32, #tpu.memory_space<hbm>>
      tpu.enqueue_dma source(%dma_start3A_162 : memref<256xi32, #tpu.memory_space<hbm>>) target(%arg5 : memref<256xi32, #tpu.memory_space<vmem>>) target_semaphore(%run_scoped3A : memref<!tpu.dma_semaphore, #tpu.memory_space<semaphore_mem>>)
      %dma_wait3A_163 = tpu.memref_slice %arg2[%mul3A_2] : memref<8192xi32, #tpu.memory_space<hbm>> -> memref<256xi32, #tpu.memory_space<hbm>>
      %dma_wait3A_164 = tpu.memref_slice %arg2[%mul3A_2] : memref<8192xi32, #tpu.memory_space<hbm>> -> memref<256xi32, #tpu.memory_space<hbm>>
      tpu.wait_dma2 semaphore(%run_scoped3A : memref<!tpu.dma_semaphore, #tpu.memory_space<semaphore_mem>>) src(%dma_wait3A_164 : memref<256xi32, #tpu.memory_space<hbm>>) dst(%arg5 : memref<256xi32, #tpu.memory_space<vmem>>)
      tpu.yield
    }) : () -> ()
    %dma_start3A = arith.constant 0 : i32
    %dma_start3A_3 = tpu.memref_slice %arg5[%dma_start3A] : memref<256xi32, #tpu.memory_space<vmem>> -> memref<32xi32, #tpu.memory_space<vmem>>
    %dma_start3A_4 = arith.constant 0 : i32
    %dma_start3A_5 = arith.constant 0 : i32
    %dma_start3A_6 = tpu.memref_slice %arg3[%dma_start3A_4, %dma_start3A_5] : memref<2048x1024xf32, #tpu.memory_space<hbm>> -> memref<2048x1024xf32, #tpu.memory_space<hbm>>
    tpu.enqueue_indirect_dma source(%dma_start3A_6 : memref<2048x1024xf32, #tpu.memory_space<hbm>>) target(%arg6 : memref<32x1024xf32, #tpu.memory_space<vmem>>) offsets(%dma_start3A_3 : memref<32xi32, #tpu.memory_space<vmem>>) semaphore(%arg8 : memref<!tpu.dma_semaphore, #tpu.memory_space<semaphore_mem>>)
    %dma_start3A_7 = arith.constant 32 : i32
    %dma_start3A_8 = tpu.memref_slice %arg5[%dma_start3A_7] : memref<256xi32, #tpu.memory_space<vmem>> -> memref<32xi32, #tpu.memory_space<vmem>>
    %dma_start3A_9 = arith.constant 0 : i32
    %dma_start3A_10 = arith.constant 0 : i32
    %dma_start3A_11 = tpu.memref_slice %arg3[%dma_start3A_9, %dma_start3A_10] : memref<2048x1024xf32, #tpu.memory_space<hbm>> -> memref<2048x1024xf32, #tpu.memory_space<hbm>>
    tpu.enqueue_indirect_dma source(%dma_start3A_11 : memref<2048x1024xf32, #tpu.memory_space<hbm>>) target(%arg7 : memref<32x1024xf32, #tpu.memory_space<vmem>>) offsets(%dma_start3A_8 : memref<32xi32, #tpu.memory_space<vmem>>) semaphore(%arg9 : memref<!tpu.dma_semaphore, #tpu.memory_space<semaphore_mem>>)
    %dma_wait3A = arith.constant 0 : i32
    %dma_wait3A_12 = tpu.memref_slice %arg5[%dma_wait3A] : memref<256xi32, #tpu.memory_space<vmem>> -> memref<32xi32, #tpu.memory_space<vmem>>
    %dma_wait3A_13 = arith.constant 0 : i32
    %dma_wait3A_14 = arith.constant 0 : i32
    %dma_wait3A_15 = tpu.memref_slice %arg3[%dma_wait3A_13, %dma_wait3A_14] : memref<2048x1024xf32, #tpu.memory_space<hbm>> -> memref<2048x1024xf32, #tpu.memory_space<hbm>>
    tpu.wait_indirect_dma semaphore(%arg8 : memref<!tpu.dma_semaphore, #tpu.memory_space<semaphore_mem>>) src(%dma_wait3A_15 : memref<2048x1024xf32, #tpu.memory_space<hbm>>) dst(%arg6 : memref<32x1024xf32, #tpu.memory_space<vmem>>)
    %add3A_16 = arith.constant 0 : i32
    %add3A_17 = arith.addi %mul3A_2, %add3A_16 : i32
    %dma_start3A_18 = arith.constant 0 : i32
    %dma_start3A_19 = tpu.memref_slice %arg4[%add3A_17, %dma_start3A_18] : memref<8192x1024xf32, #tpu.memory_space<hbm>> -> memref<32x1024xf32, #tpu.memory_space<hbm>>
    %dma_start3A_20 = arith.constant 0 : i32
    %dma_start3A_21 = tpu.memref_slice %arg4[%add3A_17, %dma_start3A_20] : memref<8192x1024xf32, #tpu.memory_space<hbm>> -> memref<32x1024xf32, #tpu.memory_space<hbm>>
    tpu.enqueue_dma source(%arg6 : memref<32x1024xf32, #tpu.memory_space<vmem>>) target(%dma_start3A_21 : memref<32x1024xf32, #tpu.memory_space<hbm>>) target_semaphore(%arg10 : memref<!tpu.dma_semaphore, #tpu.memory_space<semaphore_mem>>)
    %dma_wait3A_22 = arith.constant 0 : i32
    %dma_wait3A_23 = tpu.memref_slice %arg4[%add3A_17, %dma_wait3A_22] : memref<8192x1024xf32, #tpu.memory_space<hbm>> -> memref<32x1024xf32, #tpu.memory_space<hbm>>
    %dma_wait3A_24 = arith.constant 0 : i32
    %dma_wait3A_25 = tpu.memref_slice %arg4[%add3A_17, %dma_wait3A_24] : memref<8192x1024xf32, #tpu.memory_space<hbm>> -> memref<32x1024xf32, #tpu.memory_space<hbm>>
    tpu.wait_dma2 semaphore(%arg10 : memref<!tpu.dma_semaphore, #tpu.memory_space<semaphore_mem>>) src(%arg6 : memref<32x1024xf32, #tpu.memory_space<vmem>>) dst(%dma_wait3A_25 : memref<32x1024xf32, #tpu.memory_space<hbm>>)
    %dma_start3A_26 = arith.constant 64 : i32
    %dma_start3A_27 = tpu.memref_slice %arg5[%dma_start3A_26] : memref<256xi32, #tpu.memory_space<vmem>> -> memref<32xi32, #tpu.memory_space<vmem>>
    %dma_start3A_28 = arith.constant 0 : i32
    %dma_start3A_29 = arith.constant 0 : i32
    %dma_start3A_30 = tpu.memref_slice %arg3[%dma_start3A_28, %dma_start3A_29] : memref<2048x1024xf32, #tpu.memory_space<hbm>> -> memref<2048x1024xf32, #tpu.memory_space<hbm>>
    tpu.enqueue_indirect_dma source(%dma_start3A_30 : memref<2048x1024xf32, #tpu.memory_space<hbm>>) target(%arg6 : memref<32x1024xf32, #tpu.memory_space<vmem>>) offsets(%dma_start3A_27 : memref<32xi32, #tpu.memory_space<vmem>>) semaphore(%arg8 : memref<!tpu.dma_semaphore, #tpu.memory_space<semaphore_mem>>)
    %dma_wait3A_31 = arith.constant 32 : i32
    %dma_wait3A_32 = tpu.memref_slice %arg5[%dma_wait3A_31] : memref<256xi32, #tpu.memory_space<vmem>> -> memref<32xi32, #tpu.memory_space<vmem>>
    %dma_wait3A_33 = arith.constant 0 : i32
    %dma_wait3A_34 = arith.constant 0 : i32
    %dma_wait3A_35 = tpu.memref_slice %arg3[%dma_wait3A_33, %dma_wait3A_34] : memref<2048x1024xf32, #tpu.memory_space<hbm>> -> memref<2048x1024xf32, #tpu.memory_space<hbm>>
    tpu.wait_indirect_dma semaphore(%arg9 : memref<!tpu.dma_semaphore, #tpu.memory_space<semaphore_mem>>) src(%dma_wait3A_35 : memref<2048x1024xf32, #tpu.memory_space<hbm>>) dst(%arg7 : memref<32x1024xf32, #tpu.memory_space<vmem>>)
    %add3A_36 = arith.constant 32 : i32
    %add3A_37 = arith.addi %mul3A_2, %add3A_36 : i32
    %dma_start3A_38 = arith.constant 0 : i32
    %dma_start3A_39 = tpu.memref_slice %arg4[%add3A_37, %dma_start3A_38] : memref<8192x1024xf32, #tpu.memory_space<hbm>> -> memref<32x1024xf32, #tpu.memory_space<hbm>>
    %dma_start3A_40 = arith.constant 0 : i32
    %dma_start3A_41 = tpu.memref_slice %arg4[%add3A_37, %dma_start3A_40] : memref<8192x1024xf32, #tpu.memory_space<hbm>> -> memref<32x1024xf32, #tpu.memory_space<hbm>>
    tpu.enqueue_dma source(%arg7 : memref<32x1024xf32, #tpu.memory_space<vmem>>) target(%dma_start3A_41 : memref<32x1024xf32, #tpu.memory_space<hbm>>) target_semaphore(%arg11 : memref<!tpu.dma_semaphore, #tpu.memory_space<semaphore_mem>>)
    %dma_wait3A_42 = arith.constant 0 : i32
    %dma_wait3A_43 = tpu.memref_slice %arg4[%add3A_37, %dma_wait3A_42] : memref<8192x1024xf32, #tpu.memory_space<hbm>> -> memref<32x1024xf32, #tpu.memory_space<hbm>>
    %dma_wait3A_44 = arith.constant 0 : i32
    %dma_wait3A_45 = tpu.memref_slice %arg4[%add3A_37, %dma_wait3A_44] : memref<8192x1024xf32, #tpu.memory_space<hbm>> -> memref<32x1024xf32, #tpu.memory_space<hbm>>
    tpu.wait_dma2 semaphore(%arg11 : memref<!tpu.dma_semaphore, #tpu.memory_space<semaphore_mem>>) src(%arg7 : memref<32x1024xf32, #tpu.memory_space<vmem>>) dst(%dma_wait3A_45 : memref<32x1024xf32, #tpu.memory_space<hbm>>)
    %dma_start3A_46 = arith.constant 96 : i32
    %dma_start3A_47 = tpu.memref_slice %arg5[%dma_start3A_46] : memref<256xi32, #tpu.memory_space<vmem>> -> memref<32xi32, #tpu.memory_space<vmem>>
    %dma_start3A_48 = arith.constant 0 : i32
    %dma_start3A_49 = arith.constant 0 : i32
    %dma_start3A_50 = tpu.memref_slice %arg3[%dma_start3A_48, %dma_start3A_49] : memref<2048x1024xf32, #tpu.memory_space<hbm>> -> memref<2048x1024xf32, #tpu.memory_space<hbm>>
    tpu.enqueue_indirect_dma source(%dma_start3A_50 : memref<2048x1024xf32, #tpu.memory_space<hbm>>) target(%arg7 : memref<32x1024xf32, #tpu.memory_space<vmem>>) offsets(%dma_start3A_47 : memref<32xi32, #tpu.memory_space<vmem>>) semaphore(%arg9 : memref<!tpu.dma_semaphore, #tpu.memory_space<semaphore_mem>>)
    %dma_wait3A_51 = arith.constant 64 : i32
    %dma_wait3A_52 = tpu.memref_slice %arg5[%dma_wait3A_51] : memref<256xi32, #tpu.memory_space<vmem>> -> memref<32xi32, #tpu.memory_space<vmem>>
    %dma_wait3A_53 = arith.constant 0 : i32
    %dma_wait3A_54 = arith.constant 0 : i32
    %dma_wait3A_55 = tpu.memref_slice %arg3[%dma_wait3A_53, %dma_wait3A_54] : memref<2048x1024xf32, #tpu.memory_space<hbm>> -> memref<2048x1024xf32, #tpu.memory_space<hbm>>
    tpu.wait_indirect_dma semaphore(%arg8 : memref<!tpu.dma_semaphore, #tpu.memory_space<semaphore_mem>>) src(%dma_wait3A_55 : memref<2048x1024xf32, #tpu.memory_space<hbm>>) dst(%arg6 : memref<32x1024xf32, #tpu.memory_space<vmem>>)
    %add3A_56 = arith.constant 64 : i32
    %add3A_57 = arith.addi %mul3A_2, %add3A_56 : i32
    %dma_start3A_58 = arith.constant 0 : i32
    %dma_start3A_59 = tpu.memref_slice %arg4[%add3A_57, %dma_start3A_58] : memref<8192x1024xf32, #tpu.memory_space<hbm>> -> memref<32x1024xf32, #tpu.memory_space<hbm>>
    %dma_start3A_60 = arith.constant 0 : i32
    %dma_start3A_61 = tpu.memref_slice %arg4[%add3A_57, %dma_start3A_60] : memref<8192x1024xf32, #tpu.memory_space<hbm>> -> memref<32x1024xf32, #tpu.memory_space<hbm>>
    tpu.enqueue_dma source(%arg6 : memref<32x1024xf32, #tpu.memory_space<vmem>>) target(%dma_start3A_61 : memref<32x1024xf32, #tpu.memory_space<hbm>>) target_semaphore(%arg10 : memref<!tpu.dma_semaphore, #tpu.memory_space<semaphore_mem>>)
    %dma_wait3A_62 = arith.constant 0 : i32
    %dma_wait3A_63 = tpu.memref_slice %arg4[%add3A_57, %dma_wait3A_62] : memref<8192x1024xf32, #tpu.memory_space<hbm>> -> memref<32x1024xf32, #tpu.memory_space<hbm>>
    %dma_wait3A_64 = arith.constant 0 : i32
    %dma_wait3A_65 = tpu.memref_slice %arg4[%add3A_57, %dma_wait3A_64] : memref<8192x1024xf32, #tpu.memory_space<hbm>> -> memref<32x1024xf32, #tpu.memory_space<hbm>>
    tpu.wait_dma2 semaphore(%arg10 : memref<!tpu.dma_semaphore, #tpu.memory_space<semaphore_mem>>) src(%arg6 : memref<32x1024xf32, #tpu.memory_space<vmem>>) dst(%dma_wait3A_65 : memref<32x1024xf32, #tpu.memory_space<hbm>>)
    %dma_start3A_66 = arith.constant 128 : i32
    %dma_start3A_67 = tpu.memref_slice %arg5[%dma_start3A_66] : memref<256xi32, #tpu.memory_space<vmem>> -> memref<32xi32, #tpu.memory_space<vmem>>
    %dma_start3A_68 = arith.constant 0 : i32
    %dma_start3A_69 = arith.constant 0 : i32
    %dma_start3A_70 = tpu.memref_slice %arg3[%dma_start3A_68, %dma_start3A_69] : memref<2048x1024xf32, #tpu.memory_space<hbm>> -> memref<2048x1024xf32, #tpu.memory_space<hbm>>
    tpu.enqueue_indirect_dma source(%dma_start3A_70 : memref<2048x1024xf32, #tpu.memory_space<hbm>>) target(%arg6 : memref<32x1024xf32, #tpu.memory_space<vmem>>) offsets(%dma_start3A_67 : memref<32xi32, #tpu.memory_space<vmem>>) semaphore(%arg8 : memref<!tpu.dma_semaphore, #tpu.memory_space<semaphore_mem>>)
    %dma_wait3A_71 = arith.constant 96 : i32
    %dma_wait3A_72 = tpu.memref_slice %arg5[%dma_wait3A_71] : memref<256xi32, #tpu.memory_space<vmem>> -> memref<32xi32, #tpu.memory_space<vmem>>
    %dma_wait3A_73 = arith.constant 0 : i32
    %dma_wait3A_74 = arith.constant 0 : i32
    %dma_wait3A_75 = tpu.memref_slice %arg3[%dma_wait3A_73, %dma_wait3A_74] : memref<2048x1024xf32, #tpu.memory_space<hbm>> -> memref<2048x1024xf32, #tpu.memory_space<hbm>>
    tpu.wait_indirect_dma semaphore(%arg9 : memref<!tpu.dma_semaphore, #tpu.memory_space<semaphore_mem>>) src(%dma_wait3A_75 : memref<2048x1024xf32, #tpu.memory_space<hbm>>) dst(%arg7 : memref<32x1024xf32, #tpu.memory_space<vmem>>)
    %add3A_76 = arith.constant 96 : i32
    %add3A_77 = arith.addi %mul3A_2, %add3A_76 : i32
    %dma_start3A_78 = arith.constant 0 : i32
    %dma_start3A_79 = tpu.memref_slice %arg4[%add3A_77, %dma_start3A_78] : memref<8192x1024xf32, #tpu.memory_space<hbm>> -> memref<32x1024xf32, #tpu.memory_space<hbm>>
    %dma_start3A_80 = arith.constant 0 : i32
    %dma_start3A_81 = tpu.memref_slice %arg4[%add3A_77, %dma_start3A_80] : memref<8192x1024xf32, #tpu.memory_space<hbm>> -> memref<32x1024xf32, #tpu.memory_space<hbm>>
    tpu.enqueue_dma source(%arg7 : memref<32x1024xf32, #tpu.memory_space<vmem>>) target(%dma_start3A_81 : memref<32x1024xf32, #tpu.memory_space<hbm>>) target_semaphore(%arg11 : memref<!tpu.dma_semaphore, #tpu.memory_space<semaphore_mem>>)
    %dma_wait3A_82 = arith.constant 0 : i32
    %dma_wait3A_83 = tpu.memref_slice %arg4[%add3A_77, %dma_wait3A_82] : memref<8192x1024xf32, #tpu.memory_space<hbm>> -> memref<32x1024xf32, #tpu.memory_space<hbm>>
    %dma_wait3A_84 = arith.constant 0 : i32
    %dma_wait3A_85 = tpu.memref_slice %arg4[%add3A_77, %dma_wait3A_84] : memref<8192x1024xf32, #tpu.memory_space<hbm>> -> memref<32x1024xf32, #tpu.memory_space<hbm>>
    tpu.wait_dma2 semaphore(%arg11 : memref<!tpu.dma_semaphore, #tpu.memory_space<semaphore_mem>>) src(%arg7 : memref<32x1024xf32, #tpu.memory_space<vmem>>) dst(%dma_wait3A_85 : memref<32x1024xf32, #tpu.memory_space<hbm>>)
    %dma_start3A_86 = arith.constant 160 : i32
    %dma_start3A_87 = tpu.memref_slice %arg5[%dma_start3A_86] : memref<256xi32, #tpu.memory_space<vmem>> -> memref<32xi32, #tpu.memory_space<vmem>>
    %dma_start3A_88 = arith.constant 0 : i32
    %dma_start3A_89 = arith.constant 0 : i32
    %dma_start3A_90 = tpu.memref_slice %arg3[%dma_start3A_88, %dma_start3A_89] : memref<2048x1024xf32, #tpu.memory_space<hbm>> -> memref<2048x1024xf32, #tpu.memory_space<hbm>>
    tpu.enqueue_indirect_dma source(%dma_start3A_90 : memref<2048x1024xf32, #tpu.memory_space<hbm>>) target(%arg7 : memref<32x1024xf32, #tpu.memory_space<vmem>>) offsets(%dma_start3A_87 : memref<32xi32, #tpu.memory_space<vmem>>) semaphore(%arg9 : memref<!tpu.dma_semaphore, #tpu.memory_space<semaphore_mem>>)
    %dma_wait3A_91 = arith.constant 128 : i32
    %dma_wait3A_92 = tpu.memref_slice %arg5[%dma_wait3A_91] : memref<256xi32, #tpu.memory_space<vmem>> -> memref<32xi32, #tpu.memory_space<vmem>>
    %dma_wait3A_93 = arith.constant 0 : i32
    %dma_wait3A_94 = arith.constant 0 : i32
    %dma_wait3A_95 = tpu.memref_slice %arg3[%dma_wait3A_93, %dma_wait3A_94] : memref<2048x1024xf32, #tpu.memory_space<hbm>> -> memref<2048x1024xf32, #tpu.memory_space<hbm>>
    tpu.wait_indirect_dma semaphore(%arg8 : memref<!tpu.dma_semaphore, #tpu.memory_space<semaphore_mem>>) src(%dma_wait3A_95 : memref<2048x1024xf32, #tpu.memory_space<hbm>>) dst(%arg6 : memref<32x1024xf32, #tpu.memory_space<vmem>>)
    %add3A_96 = arith.constant 128 : i32
    %add3A_97 = arith.addi %mul3A_2, %add3A_96 : i32
    %dma_start3A_98 = arith.constant 0 : i32
    %dma_start3A_99 = tpu.memref_slice %arg4[%add3A_97, %dma_start3A_98] : memref<8192x1024xf32, #tpu.memory_space<hbm>> -> memref<32x1024xf32, #tpu.memory_space<hbm>>
    %dma_start3A_100 = arith.constant 0 : i32
    %dma_start3A_101 = tpu.memref_slice %arg4[%add3A_97, %dma_start3A_100] : memref<8192x1024xf32, #tpu.memory_space<hbm>> -> memref<32x1024xf32, #tpu.memory_space<hbm>>
    tpu.enqueue_dma source(%arg6 : memref<32x1024xf32, #tpu.memory_space<vmem>>) target(%dma_start3A_101 : memref<32x1024xf32, #tpu.memory_space<hbm>>) target_semaphore(%arg10 : memref<!tpu.dma_semaphore, #tpu.memory_space<semaphore_mem>>)
    %dma_wait3A_102 = arith.constant 0 : i32
    %dma_wait3A_103 = tpu.memref_slice %arg4[%add3A_97, %dma_wait3A_102] : memref<8192x1024xf32, #tpu.memory_space<hbm>> -> memref<32x1024xf32, #tpu.memory_space<hbm>>
    %dma_wait3A_104 = arith.constant 0 : i32
    %dma_wait3A_105 = tpu.memref_slice %arg4[%add3A_97, %dma_wait3A_104] : memref<8192x1024xf32, #tpu.memory_space<hbm>> -> memref<32x1024xf32, #tpu.memory_space<hbm>>
    tpu.wait_dma2 semaphore(%arg10 : memref<!tpu.dma_semaphore, #tpu.memory_space<semaphore_mem>>) src(%arg6 : memref<32x1024xf32, #tpu.memory_space<vmem>>) dst(%dma_wait3A_105 : memref<32x1024xf32, #tpu.memory_space<hbm>>)
    %dma_start3A_106 = arith.constant 192 : i32
    %dma_start3A_107 = tpu.memref_slice %arg5[%dma_start3A_106] : memref<256xi32, #tpu.memory_space<vmem>> -> memref<32xi32, #tpu.memory_space<vmem>>
    %dma_start3A_108 = arith.constant 0 : i32
    %dma_start3A_109 = arith.constant 0 : i32
    %dma_start3A_110 = tpu.memref_slice %arg3[%dma_start3A_108, %dma_start3A_109] : memref<2048x1024xf32, #tpu.memory_space<hbm>> -> memref<2048x1024xf32, #tpu.memory_space<hbm>>
    tpu.enqueue_indirect_dma source(%dma_start3A_110 : memref<2048x1024xf32, #tpu.memory_space<hbm>>) target(%arg6 : memref<32x1024xf32, #tpu.memory_space<vmem>>) offsets(%dma_start3A_107 : memref<32xi32, #tpu.memory_space<vmem>>) semaphore(%arg8 : memref<!tpu.dma_semaphore, #tpu.memory_space<semaphore_mem>>)
    %dma_wait3A_111 = arith.constant 160 : i32
    %dma_wait3A_112 = tpu.memref_slice %arg5[%dma_wait3A_111] : memref<256xi32, #tpu.memory_space<vmem>> -> memref<32xi32, #tpu.memory_space<vmem>>
    %dma_wait3A_113 = arith.constant 0 : i32
    %dma_wait3A_114 = arith.constant 0 : i32
    %dma_wait3A_115 = tpu.memref_slice %arg3[%dma_wait3A_113, %dma_wait3A_114] : memref<2048x1024xf32, #tpu.memory_space<hbm>> -> memref<2048x1024xf32, #tpu.memory_space<hbm>>
    tpu.wait_indirect_dma semaphore(%arg9 : memref<!tpu.dma_semaphore, #tpu.memory_space<semaphore_mem>>) src(%dma_wait3A_115 : memref<2048x1024xf32, #tpu.memory_space<hbm>>) dst(%arg7 : memref<32x1024xf32, #tpu.memory_space<vmem>>)
    %add3A_116 = arith.constant 160 : i32
    %add3A_117 = arith.addi %mul3A_2, %add3A_116 : i32
    %dma_start3A_118 = arith.constant 0 : i32
    %dma_start3A_119 = tpu.memref_slice %arg4[%add3A_117, %dma_start3A_118] : memref<8192x1024xf32, #tpu.memory_space<hbm>> -> memref<32x1024xf32, #tpu.memory_space<hbm>>
    %dma_start3A_120 = arith.constant 0 : i32
    %dma_start3A_121 = tpu.memref_slice %arg4[%add3A_117, %dma_start3A_120] : memref<8192x1024xf32, #tpu.memory_space<hbm>> -> memref<32x1024xf32, #tpu.memory_space<hbm>>
    tpu.enqueue_dma source(%arg7 : memref<32x1024xf32, #tpu.memory_space<vmem>>) target(%dma_start3A_121 : memref<32x1024xf32, #tpu.memory_space<hbm>>) target_semaphore(%arg11 : memref<!tpu.dma_semaphore, #tpu.memory_space<semaphore_mem>>)
    %dma_wait3A_122 = arith.constant 0 : i32
    %dma_wait3A_123 = tpu.memref_slice %arg4[%add3A_117, %dma_wait3A_122] : memref<8192x1024xf32, #tpu.memory_space<hbm>> -> memref<32x1024xf32, #tpu.memory_space<hbm>>
    %dma_wait3A_124 = arith.constant 0 : i32
    %dma_wait3A_125 = tpu.memref_slice %arg4[%add3A_117, %dma_wait3A_124] : memref<8192x1024xf32, #tpu.memory_space<hbm>> -> memref<32x1024xf32, #tpu.memory_space<hbm>>
    tpu.wait_dma2 semaphore(%arg11 : memref<!tpu.dma_semaphore, #tpu.memory_space<semaphore_mem>>) src(%arg7 : memref<32x1024xf32, #tpu.memory_space<vmem>>) dst(%dma_wait3A_125 : memref<32x1024xf32, #tpu.memory_space<hbm>>)
    %dma_start3A_126 = arith.constant 224 : i32
    %dma_start3A_127 = tpu.memref_slice %arg5[%dma_start3A_126] : memref<256xi32, #tpu.memory_space<vmem>> -> memref<32xi32, #tpu.memory_space<vmem>>
    %dma_start3A_128 = arith.constant 0 : i32
    %dma_start3A_129 = arith.constant 0 : i32
    %dma_start3A_130 = tpu.memref_slice %arg3[%dma_start3A_128, %dma_start3A_129] : memref<2048x1024xf32, #tpu.memory_space<hbm>> -> memref<2048x1024xf32, #tpu.memory_space<hbm>>
    tpu.enqueue_indirect_dma source(%dma_start3A_130 : memref<2048x1024xf32, #tpu.memory_space<hbm>>) target(%arg7 : memref<32x1024xf32, #tpu.memory_space<vmem>>) offsets(%dma_start3A_127 : memref<32xi32, #tpu.memory_space<vmem>>) semaphore(%arg9 : memref<!tpu.dma_semaphore, #tpu.memory_space<semaphore_mem>>)
    %dma_wait3A_131 = arith.constant 192 : i32
    %dma_wait3A_132 = tpu.memref_slice %arg5[%dma_wait3A_131] : memref<256xi32, #tpu.memory_space<vmem>> -> memref<32xi32, #tpu.memory_space<vmem>>
    %dma_wait3A_133 = arith.constant 0 : i32
    %dma_wait3A_134 = arith.constant 0 : i32
    %dma_wait3A_135 = tpu.memref_slice %arg3[%dma_wait3A_133, %dma_wait3A_134] : memref<2048x1024xf32, #tpu.memory_space<hbm>> -> memref<2048x1024xf32, #tpu.memory_space<hbm>>
    tpu.wait_indirect_dma semaphore(%arg8 : memref<!tpu.dma_semaphore, #tpu.memory_space<semaphore_mem>>) src(%dma_wait3A_135 : memref<2048x1024xf32, #tpu.memory_space<hbm>>) dst(%arg6 : memref<32x1024xf32, #tpu.memory_space<vmem>>)
    %add3A_136 = arith.constant 192 : i32
    %add3A_137 = arith.addi %mul3A_2, %add3A_136 : i32
    %dma_start3A_138 = arith.constant 0 : i32
    %dma_start3A_139 = tpu.memref_slice %arg4[%add3A_137, %dma_start3A_138] : memref<8192x1024xf32, #tpu.memory_space<hbm>> -> memref<32x1024xf32, #tpu.memory_space<hbm>>
    %dma_start3A_140 = arith.constant 0 : i32
    %dma_start3A_141 = tpu.memref_slice %arg4[%add3A_137, %dma_start3A_140] : memref<8192x1024xf32, #tpu.memory_space<hbm>> -> memref<32x1024xf32, #tpu.memory_space<hbm>>
    tpu.enqueue_dma source(%arg6 : memref<32x1024xf32, #tpu.memory_space<vmem>>) target(%dma_start3A_141 : memref<32x1024xf32, #tpu.memory_space<hbm>>) target_semaphore(%arg10 : memref<!tpu.dma_semaphore, #tpu.memory_space<semaphore_mem>>)
    %dma_wait3A_142 = arith.constant 224 : i32
    %dma_wait3A_143 = tpu.memref_slice %arg5[%dma_wait3A_142] : memref<256xi32, #tpu.memory_space<vmem>> -> memref<32xi32, #tpu.memory_space<vmem>>
    %dma_wait3A_144 = arith.constant 0 : i32
    %dma_wait3A_145 = arith.constant 0 : i32
    %dma_wait3A_146 = tpu.memref_slice %arg3[%dma_wait3A_144, %dma_wait3A_145] : memref<2048x1024xf32, #tpu.memory_space<hbm>> -> memref<2048x1024xf32, #tpu.memory_space<hbm>>
    tpu.wait_indirect_dma semaphore(%arg9 : memref<!tpu.dma_semaphore, #tpu.memory_space<semaphore_mem>>) src(%dma_wait3A_146 : memref<2048x1024xf32, #tpu.memory_space<hbm>>) dst(%arg7 : memref<32x1024xf32, #tpu.memory_space<vmem>>)
    %add3A_147 = arith.constant 224 : i32
    %add3A_148 = arith.addi %mul3A_2, %add3A_147 : i32
    %dma_start3A_149 = arith.constant 0 : i32
    %dma_start3A_150 = tpu.memref_slice %arg4[%add3A_148, %dma_start3A_149] : memref<8192x1024xf32, #tpu.memory_space<hbm>> -> memref<32x1024xf32, #tpu.memory_space<hbm>>
    %dma_start3A_151 = arith.constant 0 : i32
    %dma_start3A_152 = tpu.memref_slice %arg4[%add3A_148, %dma_start3A_151] : memref<8192x1024xf32, #tpu.memory_space<hbm>> -> memref<32x1024xf32, #tpu.memory_space<hbm>>
    tpu.enqueue_dma source(%arg7 : memref<32x1024xf32, #tpu.memory_space<vmem>>) target(%dma_start3A_152 : memref<32x1024xf32, #tpu.memory_space<hbm>>) target_semaphore(%arg11 : memref<!tpu.dma_semaphore, #tpu.memory_space<semaphore_mem>>)
    %dma_wait3A_153 = arith.constant 0 : i32
    %dma_wait3A_154 = tpu.memref_slice %arg4[%add3A_137, %dma_wait3A_153] : memref<8192x1024xf32, #tpu.memory_space<hbm>> -> memref<32x1024xf32, #tpu.memory_space<hbm>>
    %dma_wait3A_155 = arith.constant 0 : i32
    %dma_wait3A_156 = tpu.memref_slice %arg4[%add3A_137, %dma_wait3A_155] : memref<8192x1024xf32, #tpu.memory_space<hbm>> -> memref<32x1024xf32, #tpu.memory_space<hbm>>
    tpu.wait_dma2 semaphore(%arg10 : memref<!tpu.dma_semaphore, #tpu.memory_space<semaphore_mem>>) src(%arg6 : memref<32x1024xf32, #tpu.memory_space<vmem>>) dst(%dma_wait3A_156 : memref<32x1024xf32, #tpu.memory_space<hbm>>)
    %dma_wait3A_157 = arith.constant 0 : i32
    %dma_wait3A_158 = tpu.memref_slice %arg4[%add3A_148, %dma_wait3A_157] : memref<8192x1024xf32, #tpu.memory_space<hbm>> -> memref<32x1024xf32, #tpu.memory_space<hbm>>
    %dma_wait3A_159 = arith.constant 0 : i32
    %dma_wait3A_160 = tpu.memref_slice %arg4[%add3A_148, %dma_wait3A_159] : memref<8192x1024xf32, #tpu.memory_space<hbm>> -> memref<32x1024xf32, #tpu.memory_space<hbm>>
    tpu.wait_dma2 semaphore(%arg11 : memref<!tpu.dma_semaphore, #tpu.memory_space<semaphore_mem>>) src(%arg7 : memref<32x1024xf32, #tpu.memory_space<vmem>>) dst(%dma_wait3A_160 : memref<32x1024xf32, #tpu.memory_space<hbm>>)
    return
  }
}

module attributes {stable_mosaic.version = 14 : i64} {
  func.func @_router_body(%arg0: i32, %arg1: memref<256x1024xf32, #tpu.memory_space<vmem>>, %arg2: memref<64x1024xf32, #tpu.memory_space<vmem>>, %arg3: memref<1x1x256xi32, #tpu.memory_space<vmem>>, %arg4: memref<1x1x256xi32, #tpu.memory_space<vmem>>, %arg5: memref<1x1x256xf32, #tpu.memory_space<vmem>>, %arg6: memref<1x1x256xf32, #tpu.memory_space<vmem>>) attributes {dimension_semantics = [#tpu.dimension_semantics<arbitrary>], iteration_bounds = array<i64: 8>, scalar_prefetch = 0 : i64, scratch_operands = 0 : i64, tpu.core_type = #tpu.core_type<tc>, window_params = [{transform_indices = @transform_0, window_bounds = array<i64: 256, 1024>}, {pipeline_mode = #tpu.pipeline_mode<synchronous>, transform_indices = @transform_1, window_bounds = array<i64: 64, 1024>}, {transform_indices = @transform_2, window_bounds = array<i64: 1, 1, 256>}, {transform_indices = @transform_3, window_bounds = array<i64: 1, 1, 256>}, {transform_indices = @transform_4, window_bounds = array<i64: 1, 1, 256>}, {transform_indices = @transform_5, window_bounds = array<i64: 1, 1, 256>}]} {
    %get3A = arith.constant 0 : index
    %get3A_0 = arith.constant 0 : index
    %get3A_1 = vector.load %arg1[%get3A, %get3A_0] : memref<256x1024xf32, #tpu.memory_space<vmem>>, vector<256x1024xf32>
    %get3A_2 = arith.constant 0 : index
    %get3A_3 = arith.constant 0 : index
    %get3A_4 = vector.load %arg2[%get3A_2, %get3A_3] : memref<64x1024xf32, #tpu.memory_space<vmem>>, vector<64x1024xf32>
    %dot_general3A = arith.constant dense<0.000000e+00> : vector<256x64xf32>
    %dot_general3A_5 = tpu.matmul %get3A_1, %get3A_4, %dot_general3A {dimension_numbers = #tpu.dot_dimension_numbers<[1], [1], [0], [0], [0, 0, 1, 0], [], []>, transpose_lhs_hint = false} : vector<256x1024xf32>, vector<64x1024xf32>, vector<256x64xf32> -> vector<256x64xf32>
    %iota3A = tpu.iota {dimensions = array<i32: 1>} : vector<256x64xi32>
    %reduce_max3A = arith.constant dense<0xFF800000> : vector<256xf32>
    %reduce_max3A_6 = vector.multi_reduction <maximumf>, %dot_general3A_5, %reduce_max3A [1] : vector<256x64xf32> to vector<256xf32>
    %broadcast_in_dim3A = vector.shape_cast %reduce_max3A_6 : vector<256xf32> to vector<256x1xf32>
    %eq3A = vector.broadcast %broadcast_in_dim3A : vector<256x1xf32> to vector<256x64xf32>
    %eq3A_7 = arith.cmpf oeq, %dot_general3A_5, %eq3A : vector<256x64xf32>
    %jit3A = arith.constant 64 : i32
    %broadcast_in_dim3A_8 = vector.broadcast %jit3A : i32 to vector<256x64xi32>
    %select_n3A = arith.select %eq3A_7, %iota3A, %broadcast_in_dim3A_8 : vector<256x64xi1>, vector<256x64xi32>
    %reduce_min3A = arith.constant dense<2147483647> : vector<256xi32>
    %reduce_min3A_9 = vector.multi_reduction <minsi>, %select_n3A, %reduce_min3A [1] : vector<256x64xi32> to vector<256xi32>
    %broadcast_in_dim3A_10 = vector.shape_cast %reduce_min3A_9 : vector<256xi32> to vector<256x1xi32>
    %eq3A_11 = vector.broadcast %broadcast_in_dim3A_10 : vector<256x1xi32> to vector<256x64xi32>
    %eq3A_12 = arith.cmpi eq, %iota3A, %eq3A_11 : vector<256x64xi32>
    %jit3A_13 = arith.constant 0xFF800000 : f32
    %broadcast_in_dim3A_14 = vector.broadcast %jit3A_13 : f32 to vector<256x64xf32>
    %select_n3A_15 = arith.select %eq3A_12, %broadcast_in_dim3A_14, %dot_general3A_5 : vector<256x64xi1>, vector<256x64xf32>
    %reduce_max3A_16 = arith.constant dense<0xFF800000> : vector<256xf32>
    %reduce_max3A_17 = vector.multi_reduction <maximumf>, %select_n3A_15, %reduce_max3A_16 [1] : vector<256x64xf32> to vector<256xf32>
    %broadcast_in_dim3A_18 = vector.shape_cast %reduce_max3A_17 : vector<256xf32> to vector<256x1xf32>
    %eq3A_19 = vector.broadcast %broadcast_in_dim3A_18 : vector<256x1xf32> to vector<256x64xf32>
    %eq3A_20 = arith.cmpf oeq, %select_n3A_15, %eq3A_19 : vector<256x64xf32>
    %jit3A_21 = arith.constant 64 : i32
    %broadcast_in_dim3A_22 = vector.broadcast %jit3A_21 : i32 to vector<256x64xi32>
    %select_n3A_23 = arith.select %eq3A_20, %iota3A, %broadcast_in_dim3A_22 : vector<256x64xi1>, vector<256x64xi32>
    %reduce_min3A_24 = arith.constant dense<2147483647> : vector<256xi32>
    %reduce_min3A_25 = vector.multi_reduction <minsi>, %select_n3A_23, %reduce_min3A_24 [1] : vector<256x64xi32> to vector<256xi32>
    %broadcast_in_dim3A_26 = vector.shape_cast %reduce_min3A_25 : vector<256xi32> to vector<256x1xi32>
    %sub3A = arith.subf %broadcast_in_dim3A_18, %broadcast_in_dim3A : vector<256x1xf32>
    %exp3A = math.exp %sub3A : vector<256x1xf32>
    %add3A = arith.constant 1.000000e+00 : f32
    %add3A_27 = vector.broadcast %add3A : f32 to vector<256x1xf32>
    %add3A_28 = arith.addf %add3A_27, %exp3A : vector<256x1xf32>
    %div3A = arith.constant 1.000000e+00 : f32
    %div3A_29 = vector.broadcast %div3A : f32 to vector<256x1xf32>
    %div3A_30 = arith.divf %div3A_29, %add3A_28 : vector<256x1xf32>
    %squeeze3A = vector.shape_cast %broadcast_in_dim3A_10 : vector<256x1xi32> to vector<256xi32>
    %swap3A = arith.constant 0 : index
    %swap3A_31 = arith.constant 0 : index
    %swap3A_32 = arith.constant 0 : index
    %swap3A_33 = vector.load %arg3[%swap3A, %swap3A_31, %swap3A_32] : memref<1x1x256xi32, #tpu.memory_space<vmem>>, vector<1x1x256xi32>
    %swap3A_34 = vector.shape_cast %swap3A_33 : vector<1x1x256xi32> to vector<256xi32>
    %swap3A_35 = vector.shape_cast %squeeze3A : vector<256xi32> to vector<1x1x256xi32>
    tpu.vector_store %arg3[%swap3A, %swap3A_31, %swap3A_32], %swap3A_35 {strides = array<i32>} : memref<1x1x256xi32, #tpu.memory_space<vmem>>, vector<1x1x256xi32>,
    %squeeze3A_36 = vector.shape_cast %broadcast_in_dim3A_26 : vector<256x1xi32> to vector<256xi32>
    %swap3A_37 = arith.constant 0 : index
    %swap3A_38 = arith.constant 0 : index
    %swap3A_39 = arith.constant 0 : index
    %swap3A_40 = vector.load %arg4[%swap3A_37, %swap3A_38, %swap3A_39] : memref<1x1x256xi32, #tpu.memory_space<vmem>>, vector<1x1x256xi32>
    %swap3A_41 = vector.shape_cast %swap3A_40 : vector<1x1x256xi32> to vector<256xi32>
    %swap3A_42 = vector.shape_cast %squeeze3A_36 : vector<256xi32> to vector<1x1x256xi32>
    tpu.vector_store %arg4[%swap3A_37, %swap3A_38, %swap3A_39], %swap3A_42 {strides = array<i32>} : memref<1x1x256xi32, #tpu.memory_space<vmem>>, vector<1x1x256xi32>,
    %squeeze3A_43 = vector.shape_cast %div3A_30 : vector<256x1xf32> to vector<256xf32>
    %swap3A_44 = arith.constant 0 : index
    %swap3A_45 = arith.constant 0 : index
    %swap3A_46 = arith.constant 0 : index
    %swap3A_47 = vector.load %arg5[%swap3A_44, %swap3A_45, %swap3A_46] : memref<1x1x256xf32, #tpu.memory_space<vmem>>, vector<1x1x256xf32>
    %swap3A_48 = vector.shape_cast %swap3A_47 : vector<1x1x256xf32> to vector<256xf32>
    %swap3A_49 = vector.shape_cast %squeeze3A_43 : vector<256xf32> to vector<1x1x256xf32>
    tpu.vector_store %arg5[%swap3A_44, %swap3A_45, %swap3A_46], %swap3A_49 {strides = array<i32>} : memref<1x1x256xf32, #tpu.memory_space<vmem>>, vector<1x1x256xf32>,
    %mul3A = arith.mulf %exp3A, %div3A_30 : vector<256x1xf32>
    %squeeze3A_50 = vector.shape_cast %mul3A : vector<256x1xf32> to vector<256xf32>
    %swap3A_51 = arith.constant 0 : index
    %swap3A_52 = arith.constant 0 : index
    %swap3A_53 = arith.constant 0 : index
    %swap3A_54 = vector.load %arg6[%swap3A_51, %swap3A_52, %swap3A_53] : memref<1x1x256xf32, #tpu.memory_space<vmem>>, vector<1x1x256xf32>
    %swap3A_55 = vector.shape_cast %swap3A_54 : vector<1x1x256xf32> to vector<256xf32>
    %swap3A_56 = vector.shape_cast %squeeze3A_50 : vector<256xf32> to vector<1x1x256xf32>
    tpu.vector_store %arg6[%swap3A_51, %swap3A_52, %swap3A_53], %swap3A_56 {strides = array<i32>} : memref<1x1x256xf32, #tpu.memory_space<vmem>>, vector<1x1x256xf32>,
    return
  }
  func.func @transform_0(%arg0: i32) -> (i32, i32) {
    %c0_i32 = arith.constant 0 : i32
    %c0_i32_0 = arith.constant 0 : i32
    return %arg0, %c0_i32 : i32, i32
  }
  func.func @transform_1(%arg0: i32) -> (i32, i32) {
    %c0_i32 = arith.constant 0 : i32
    %c0_i32_0 = arith.constant 0 : i32
    %c0_i32_1 = arith.constant 0 : i32
    return %c0_i32, %c0_i32_0 : i32, i32
  }
  func.func @transform_2(%arg0: i32) -> (i32, i32, i32) {
    %c0_i32 = arith.constant 0 : i32
    %c0_i32_0 = arith.constant 0 : i32
    %c0_i32_1 = arith.constant 0 : i32
    return %arg0, %c0_i32, %c0_i32_0 : i32, i32, i32
  }
  func.func @transform_3(%arg0: i32) -> (i32, i32, i32) {
    %c0_i32 = arith.constant 0 : i32
    %c0_i32_0 = arith.constant 0 : i32
    %c0_i32_1 = arith.constant 0 : i32
    return %arg0, %c0_i32, %c0_i32_0 : i32, i32, i32
  }
  func.func @transform_4(%arg0: i32) -> (i32, i32, i32) {
    %c0_i32 = arith.constant 0 : i32
    %c0_i32_0 = arith.constant 0 : i32
    %c0_i32_1 = arith.constant 0 : i32
    return %arg0, %c0_i32, %c0_i32_0 : i32, i32, i32
  }
  func.func @transform_5(%arg0: i32) -> (i32, i32, i32) {
    %c0_i32 = arith.constant 0 : i32
    %c0_i32_0 = arith.constant 0 : i32
    %c0_i32_1 = arith.constant 0 : i32
    return %arg0, %c0_i32, %c0_i32_0 : i32, i32, i32
  }
}

module attributes {stable_mosaic.version = 14 : i64} {
  func.func @_ffn_body(%arg0: i32, %arg1: memref<128xi32, #tpu.memory_space<smem>>, %arg2: memref<64x1024xf32, #tpu.memory_space<vmem>>, %arg3: memref<1x1024x1024xf32, #tpu.memory_space<vmem>>, %arg4: memref<1x1024x512xf32, #tpu.memory_space<vmem>>, %arg5: memref<1x1x64xf32, #tpu.memory_space<vmem>>, %arg6: memref<64x1024xf32, #tpu.memory_space<vmem>>) attributes {dimension_semantics = [#tpu.dimension_semantics<arbitrary>], iteration_bounds = array<i64: 128>, scalar_prefetch = 1 : i64, scratch_operands = 0 : i64, tpu.core_type = #tpu.core_type<tc>, window_params = [{transform_indices = @transform_0, window_bounds = array<i64: 64, 1024>}, {transform_indices = @transform_1, window_bounds = array<i64: 1, 1024, 1024>}, {transform_indices = @transform_2, window_bounds = array<i64: 1, 1024, 512>}, {transform_indices = @transform_3, window_bounds = array<i64: 1, 1, 64>}, {transform_indices = @transform_4, window_bounds = array<i64: 64, 1024>}]} {
    %get3A = arith.constant 0 : index
    %get3A_0 = arith.constant 0 : index
    %get3A_1 = vector.load %arg2[%get3A, %get3A_0] : memref<64x1024xf32, #tpu.memory_space<vmem>>, vector<64x1024xf32>
    %convert_element_type3A = arith.truncf %get3A_1 : vector<64x1024xf32> to vector<64x1024xbf16>
    %get3A_2 = arith.constant 0 : index
    %get3A_3 = arith.constant 0 : index
    %get3A_4 = arith.constant 0 : index
    %get3A_5 = vector.load %arg3[%get3A_2, %get3A_3, %get3A_4] : memref<1x1024x1024xf32, #tpu.memory_space<vmem>>, vector<1x1024x1024xf32>
    %get3A_6 = vector.shape_cast %get3A_5 : vector<1x1024x1024xf32> to vector<1024x1024xf32>
    %convert_element_type3A_7 = arith.truncf %get3A_6 : vector<1024x1024xf32> to vector<1024x1024xbf16>
    %dot_general3A = arith.constant dense<0.000000e+00> : vector<64x1024xf32>
    %dot_general3A_8 = tpu.matmul %convert_element_type3A, %convert_element_type3A_7, %dot_general3A {dimension_numbers = #tpu.dot_dimension_numbers<[1], [1], [0], [0], [0, 0, 1, 0], [], []>, transpose_lhs_hint = false} : vector<64x1024xbf16>, vector<1024x1024xbf16>, vector<64x1024xf32> -> vector<64x1024xf32>
    %slice3A = vector.extract_strided_slice %dot_general3A_8 {offsets = [0, 0], sizes = [64, 512], strides = [1, 1]} : vector<64x1024xf32> to vector<64x512xf32>
    %slice3A_9 = vector.extract_strided_slice %dot_general3A_8 {offsets = [0, 512], sizes = [64, 512], strides = [1, 1]} : vector<64x1024xf32> to vector<64x512xf32>
    %logistic3A = arith.negf %slice3A : vector<64x512xf32>
    %logistic3A_10 = math.exp %logistic3A : vector<64x512xf32>
    %logistic3A_11 = arith.constant 1.000000e+00 : f32
    %logistic3A_12 = vector.broadcast %logistic3A_11 : f32 to vector<64x512xf32>
    %logistic3A_13 = arith.addf %logistic3A_12, %logistic3A_10 : vector<64x512xf32>
    %logistic3A_14 = arith.divf %logistic3A_12, %logistic3A_13 : vector<64x512xf32>
    %mul3A = arith.mulf %slice3A, %logistic3A_14 : vector<64x512xf32>
    %mul3A_15 = arith.mulf %mul3A, %slice3A_9 : vector<64x512xf32>
    %convert_element_type3A_16 = arith.truncf %mul3A_15 : vector<64x512xf32> to vector<64x512xbf16>
    %get3A_17 = arith.constant 0 : index
    %get3A_18 = arith.constant 0 : index
    %get3A_19 = arith.constant 0 : index
    %get3A_20 = vector.load %arg4[%get3A_17, %get3A_18, %get3A_19] : memref<1x1024x512xf32, #tpu.memory_space<vmem>>, vector<1x1024x512xf32>
    %get3A_21 = vector.shape_cast %get3A_20 : vector<1x1024x512xf32> to vector<1024x512xf32>
    %convert_element_type3A_22 = arith.truncf %get3A_21 : vector<1024x512xf32> to vector<1024x512xbf16>
    %dot_general3A_23 = arith.constant dense<0.000000e+00> : vector<64x1024xf32>
    %dot_general3A_24 = tpu.matmul %convert_element_type3A_16, %convert_element_type3A_22, %dot_general3A_23 {dimension_numbers = #tpu.dot_dimension_numbers<[1], [1], [0], [0], [0, 0, 1, 0], [], []>, transpose_lhs_hint = false} : vector<64x512xbf16>, vector<1024x512xbf16>, vector<64x1024xf32> -> vector<64x1024xf32>
    %get3A_25 = arith.constant 0 : index
    %get3A_26 = arith.constant 0 : index
    %get3A_27 = arith.constant 0 : index
    %get3A_28 = vector.load %arg5[%get3A_25, %get3A_26, %get3A_27] : memref<1x1x64xf32, #tpu.memory_space<vmem>>, vector<1x1x64xf32>
    %get3A_29 = vector.shape_cast %get3A_28 : vector<1x1x64xf32> to vector<64xf32>
    %broadcast_in_dim3A = vector.shape_cast %get3A_29 : vector<64xf32> to vector<64x1xf32>
    %mul3A_30 = vector.broadcast %broadcast_in_dim3A : vector<64x1xf32> to vector<64x1024xf32>
    %mul3A_31 = arith.mulf %dot_general3A_24, %mul3A_30 : vector<64x1024xf32>
    %swap3A = arith.constant 0 : index
    %swap3A_32 = arith.constant 0 : index
    %swap3A_33 = vector.load %arg6[%swap3A, %swap3A_32] : memref<64x1024xf32, #tpu.memory_space<vmem>>, vector<64x1024xf32>
    tpu.vector_store %arg6[%swap3A, %swap3A_32], %mul3A_31 {strides = array<i32>} : memref<64x1024xf32, #tpu.memory_space<vmem>>, vector<64x1024xf32>,
    return
  }
  func.func @transform_0(%arg0: i32, %arg1: memref<128xi32, #tpu.memory_space<smem>>) -> (i32, i32) {
    %c0_i32 = arith.constant 0 : i32
    %c0_i32_0 = arith.constant 0 : i32
    return %arg0, %c0_i32 : i32, i32
  }
  func.func @transform_1(%arg0: i32, %arg1: memref<128xi32, #tpu.memory_space<smem>>) -> (i32, i32, i32) {
    %get3A = arith.index_cast %arg0 : i32 to index
    %get3A_0 = memref.load %arg1[%get3A] : memref<128xi32, #tpu.memory_space<smem>>
    %c0_i32 = arith.constant 0 : i32
    %c0_i32_1 = arith.constant 0 : i32
    %c0_i32_2 = arith.constant 0 : i32
    return %get3A_0, %c0_i32, %c0_i32_1 : i32, i32, i32
  }
  func.func @transform_2(%arg0: i32, %arg1: memref<128xi32, #tpu.memory_space<smem>>) -> (i32, i32, i32) {
    %get3A = arith.index_cast %arg0 : i32 to index
    %get3A_0 = memref.load %arg1[%get3A] : memref<128xi32, #tpu.memory_space<smem>>
    %c0_i32 = arith.constant 0 : i32
    %c0_i32_1 = arith.constant 0 : i32
    %c0_i32_2 = arith.constant 0 : i32
    return %get3A_0, %c0_i32, %c0_i32_1 : i32, i32, i32
  }
  func.func @transform_3(%arg0: i32, %arg1: memref<128xi32, #tpu.memory_space<smem>>) -> (i32, i32, i32) {
    %c0_i32 = arith.constant 0 : i32
    %c0_i32_0 = arith.constant 0 : i32
    %c0_i32_1 = arith.constant 0 : i32
    return %arg0, %c0_i32, %c0_i32_0 : i32, i32, i32
  }
  func.func @transform_4(%arg0: i32, %arg1: memref<128xi32, #tpu.memory_space<smem>>) -> (i32, i32) {
    %c0_i32 = arith.constant 0 : i32
    %c0_i32_0 = arith.constant 0 : i32
    return %arg0, %c0_i32 : i32, i32
  }
}

</mosaic_0001>

<sc_bundles>
// kernel: gather_offload_async_start.1
scs
__scs_entry_jumppad:
0x0: {  	(pc) =	sbr.rel $0x88, $3  }
0x1: {  	(tag) =	ssettag $0x0;
	lr =	simm.s32 $0x1  }
0x2: {  	[smem:$0x3F9D] =	sst lr;
	_ =	strace $0xD0000000  }
0x3: {  	_ = 	snop  }
0x4: {  	_ = 	snop  }
0x5: {  	_ = 	snop  }
0x6: {  	_ = 	snop  }
0x7: {  	_ = 	snop  }
__scs_overlays_trampoline_lowered:
0x8: {  	[smem:$0x3FAC] =	sst s0  }
0x9: {  	[smem:$0x3FAD] =	sst s1  }
0xa: {  	[smem:$0x3FAE] =	sst s2  }
0xb: {  	[smem:$0x3FAF] =	sst s3  }
0xc: {  	[smem:$0x3FB0] =	sst s4  }
0xd: {  	[smem:$0x3FB1] =	sst s5  }
0xe: {  	[smem:$0x3FB2] =	sst s6  }
0xf: {  	[smem:$0x3FB3] =	sst s7  }
0x10: {  	[smem:$0x3FB4] =	sst s8  }
0x11: {  	[smem:$0x3FB5] =	sst s9;
	s0 =	simm.s32 @!p0 $0x0  }
0x12: {  	s1 =	sld [smem:$0x3F9B];
	s0 =	simm.s32 @p0 $0x1  }
0x13: {  	[smem:$0x3FB6] =	sst s0;
	s0 =	simm.s32 @!p1 $0x0  }
0x14: {  	s2 =	sld [smem:$0x3F9A];
	s0 =	simm.s32 @p1 $0x1  }
0x15: {  	[smem:$0x3FB7] =	sst s0;
	s0 =	simm.s32 @!p2 $0x0  }
0x16: {  	s3 =	sld [smem:$0x3FDB];
	s0 =	simm.s32 @p2 $0x1  }
0x17: {  	s4 =	simm.s32 $0x1BF5;
	[smem:$0x3FB9] =	sst s0  }
0x18: {  	s0 =	sld [smem:$0x3F9C];
	_ =	swait.ge [sflag:s4], $0x0  }
0x19: {  	s7 =	sld [smem:$0x3F9D]  }
0x1a: {  	s8 =	sadd.s32 $0xFFFFE003, lr  }
0x1b: {  	s9 =	sadd.s32 $0xFFFFFEF7, lr;
	s5 =	simm.s32 $0xFFFFFFFF;
	p2 =	slt.u32 s8, $0xFFFFF086  }
0x1c: {  	p1 =	slt.u32 s9, $0xF7A;
	s5 =	simm.s32 @!p2 $0x0  }
0x1d: {  	s5 =	simm.s32 @p1 $0x1;
	p0 =	seq.s32 s7, s2  }
0x1e: {  	s7 =	smul.u32 @!p0 $0xF7A, s2;
	p2 =	seq.s32 @!p0 s5, $0x0  }
0x1f: {  	s9 =	smul.u32 $0xF7A, s1;
	s8 =	simm.s32 @!p0 $0x1BF5;
	p2 =	por !p2, p0  }
0x20: {  	[sflag:s8] =	ssyncset.s32 @!p0 $0xFFFFF086;
	s6 =	sadd.s32 @!p0 s3, s7;
	s7 =	simm.s32 @!p0 $0x108  }
0x21: {  	s3 =	sadd.s32 s3, s9;
	s6 =	sadd.s32 @!p0 $0x88, s6;
	s7 =	simm.s32 @p2 $0x1082  }
0x22: {  	[simem:s7], [sflag:s8] =	dma.local @!p0 [hbm:s6], $0xF7A  }
0x23: {  	s9 =	sor.u32 $0xD0000000, s2;
	s6 =	simm.s32 $0x108;
	_ =	swait.ge @!p0 [sflag:s8], $0x0  }
0x24: {  	s3 =	sadd.s32 $0x88, s3;
	s6 =	simm.s32 @!p1 $0x1082;
	[sflag:s4] =	ssyncset.s32 $0xFFFFF086  }
0x25: {  	[simem:s6], [sflag:s4] =	dma.local [hbm:s3], $0xF7A  }
0x26: {  	[smem:$0x3F9D] =	sst s1;
	(tag) =	ssettag s2;
	_ =	strace s9  }
0x27: {  	s1 =	sld [smem:$0x3FAD]  }
0x28: {  	s2 =	sld [smem:$0x3FAE]  }
0x29: {  	s4 =	sld [smem:$0x3FB0]  }
0x2a: {  	p0 =	seq.s32 s5, $0x0;
	s5 =	sld [smem:$0x3FB1]  }
0x2b: {  	s6 =	sld [smem:$0x3FB2]  }
0x2c: {  	s7 =	sld [smem:$0x3FB3]  }
0x2d: {  	s3 =	simm.s32 $0x108;
	s8 =	sld [smem:$0x3FB4]  }
0x2e: {  	s3 =	simm.s32 @!p0 $0x1082;
	s9 =	sld [smem:$0x3FB5]  }
0x2f: {  	lr =	sadd.s32 s0, s3;
	s0 =	sld [smem:$0x3FAC]  }
0x30: {  	s3 =	sld [smem:$0x3FAF]  }
0x31: {  	[smem:$0x3FB8] =	sst s10  }
0x32: {  	s10 =	sld [smem:$0x3FB6];
	_ =	sdelay $0x3  }
0x33: {  	p0 =	seq.s32 s10, $0x1;
	s10 =	sld [smem:$0x3FB8];
	_ =	sdelay $0x3  }
0x34: {  	[smem:$0x3FB8] =	sst s10  }
0x35: {  	s10 =	sld [smem:$0x3FB7];
	_ =	sdelay $0x3  }
0x36: {  	p1 =	seq.s32 s10, $0x1;
	s10 =	sld [smem:$0x3FB8];
	_ =	sdelay $0x3  }
0x37: {  	[smem:$0x3FB8] =	sst s10  }
0x38: {  	s10 =	sld [smem:$0x3FB9]  }
0x39: {  	_ = 	snop;
	(pc) =	sbr.ind lr, $3  }
0x3a: {  	_ = 	snop  }
0x3b: {  	_ = 	snop  }
0x3c: {  	p2 =	seq.s32 s10, $0x1;
	s10 =	sld [smem:$0x3FB8]  }
0x3d: {  	_ =	shalt  }
0x3e: {  	_ =	shalt  }
0x3f: {  	_ =	shalt  }
0x40: {  	_ =	shalt  }
0x41: {  	_ =	shalt  }
0x42: {  	_ =	shalt  }
0x43: {  	_ =	shalt  }
0x44: {  	_ =	shalt  }
0x45: {  	_ =	shalt  }
0x46: {  	_ =	shalt  }
0x47: {  	_ =	shalt  }
0x48: {  	_ =	shalt  }
0x49: {  	_ =	shalt  }
0x4a: {  	_ =	shalt  }
0x4b: {  	_ =	shalt  }
0x4c: {  	_ =	shalt  }
0x4d: {  	_ =	shalt  }
0x4e: {  	_ =	shalt  }
0x4f: {  	_ =	shalt  }
0x50: {  	_ =	shalt  }
0x51: {  	_ =	shalt  }
0x52: {  	_ =	shalt  }
0x53: {  	_ =	shalt  }
0x54: {  	_ =	shalt  }
0x55: {  	_ =	shalt  }
0x56: {  	_ =	shalt  }
0x57: {  	_ =	shalt  }
0x58: {  	_ =	shalt  }
0x59: {  	_ =	shalt  }
0x5a: {  	_ =	shalt  }
0x5b: {  	_ =	shalt  }
0x5c: {  	_ =	shalt  }
0x5d: {  	_ =	shalt  }
0x5e: {  	_ =	shalt  }
0x5f: {  	_ =	shalt  }
0x60: {  	_ =	shalt  }
0x61: {  	_ =	shalt  }
0x62: {  	_ =	shalt  }
0x63: {  	_ =	shalt  }
0x64: {  	_ =	shalt  }
0x65: {  	_ =	shalt  }
0x66: {  	_ =	shalt  }
0x67: {  	_ =	shalt  }
0x68: {  	_ =	shalt  }
0x69: {  	_ =	shalt  }
0x6a: {  	_ =	shalt  }
0x6b: {  	_ =	shalt  }
0x6c: {  	_ =	shalt  }
0x6d: {  	_ =	shalt  }
0x6e: {  	_ =	shalt  }
0x6f: {  	_ =	shalt  }
0x70: {  	_ =	shalt  }
0x71: {  	_ =	shalt  }
0x72: {  	_ =	shalt  }
0x73: {  	_ =	shalt  }
0x74: {  	_ =	shalt  }
0x75: {  	_ =	shalt  }
0x76: {  	_ =	shalt  }
0x77: {  	_ =	shalt  }
0x78: {  	_ =	shalt  }
0x79: {  	_ =	shalt  }
0x7a: {  	_ =	shalt  }
0x7b: {  	_ =	shalt  }
0x7c: {  	_ =	shalt  }
0x7d: {  	_ =	shalt  }
0x7e: {  	_ =	shalt  }
0x7f: {  	_ =	shalt  }
0x80: {  	_ =	shalt  }
0x81: {  	_ =	shalt  }
0x82: {  	_ =	shalt  }
0x83: {  	_ =	shalt  }
0x84: {  	_ =	shalt  }
0x85: {  	_ =	shalt  }
0x86: {  	_ =	shalt  }
0x87: {  	_ =	shalt  }
.Lfunc_end0:
.L_simem_size_0:
called_computation.1_lowered:
.L_overlay_start_0:
0x88: {  	s2 =	sld [smem:$0x3FD9]  }
0x89: {  	s3 =	sld [smem:$0x3FFE];
	_ =	sdelay $0x1  }
0x8a: {  	s1 =	srdreg.scid  }
0x8b: {  	s0 =	sand.u32 $0x1, s1  }
0x8c: {  	s16 =	sshll.u32 s0, $0xA;
	s2 =	sadd.s32 s3, s2  }
0x8d: {  	s2 =	sadd.s32 s2, s16  }
0x8e: {  	[smem:$0x3FC4] =	sst s2  }
0x8f: {  	_ = 	snop  }
0x90: {  	(tm) =	ssettm $0x1  }
0x91: {  	s17 =	sld [smem:$0x3FFB];
	_ =	sdelay $0x3  }
0x92: {  	_ =	strace s17  }
0x93: {  	s2 =	sld [smem:$0x3FFC];
	_ =	sdelay $0x3  }
0x94: {  	_ =	strace s2  }
0x95: {  	s2 =	sld [smem:$0x3FFD];
	_ =	sdelay $0x3  }
0x96: {  	_ =	strace s2  }
0x97: {  	_ =	strace $0x8FFFFFFF  }
0x98: {  	s18 =	sld [smem:$0x3FDB];
	_ =	sdelay $0x1  }
0x99: {  	s19 =	simm.s32 $_scs_section_size  }
0x9a: {  	s4 =	simm.s32 $_size__tile_overlayer_lowered;
	s5 =	simm.s32 $_tile_overlayer_lowered  }
0x9b: {  	s22 =	simm.s32 $0x1BFF;
	s21 =	sshll.u32 s5, $0x1;
	s2 =	sadd.s32 s19, s18  }
0x9c: {  	s6 =	simm.s32 $0x0;
	s20 =	sshll.u32 s4, $0x1;
	s4 =	sadd.s32 s21, s2  }
0x9d: {  	[timem:s6], [sflag:s22] =	dma.local [hbm:s4], s20  }
0x9e: {  	_ =	swait.ge [sflag:s22], s20  }
0x9f: {  	s3 =	ssub.s32 $0x0, s20;
	[sflag:s22] =	ssyncset.done $0x0  }
0xa0: {  	[sflag:s22] =	ssyncadd.s32 s3;
	_ =	sdelay $0x1  }
0xa1: {  	s23 =	simm.s32 $0x1B8B  }
0xa2: {  	_ =	swait.ge [sflag:s23], $0x1  }
0xa3: {  	[sflag:s23] =	ssyncset.done $0x0  }
0xa4: {  	s25 =	simm.s32 $0x1B8E;
	s24 =	sld [smem:$0x3FFE];
	[sflag:s23] =	ssyncadd.s32 $0xFFFFFFFF  }
0xa5: {  	s26 =	simm.s32 $execute0_lowered;
	[smem:$0x3FD2] =	sst s25  }
0xa6: {  	s4 =	sshll.u32 s26, $0x1;
	_ =	strace $0x80000049;
	[dreg:$0x1] =	wrdreg $0xFFFFFFFF  }
0xa7: {  	s28 =	simm.s32 $_size_execute0_lowered;
	s2 =	sadd.s32 s2, s4;
	[dreg:$0x0] =	wrdreg $0x0  }
0xa8: {  	s4 =	sshll.u32 s28, $0x1;
	[dreg:$0x2] =	wrdreg s2  }
0xa9: {  	[dreg:$0x3] =	wrdreg s4  }
0xaa: {  	[dreg:$0x4] =	wrdreg $0xC0  }
0xab: {  	_ =	task [dreg:s6], $0x5FFFF  }
0xac: {  	[dreg:$0x1] =	wrdreg $0xFFFFFFFF  }
0xad: {  	[dreg:$0x0] =	wrdreg $0x60  }
0xae: {  	[dreg:$0x2] =	wrdreg s24  }
0xaf: {  	[dreg:$0x3] =	wrdreg $0x9  }
0xb0: {  	_ =	task.clear_ibuf [dreg:s6], $0x4FFFF;
	_ =	strace $0x90000049  }
0xb1: {  	s29 =	simm.s32 $0x9;
	_ =	strace $0x8000004B  }
0xb2: {  	_ =	swait.ge [sflag:s29], $0x1  }
0xb3: {  	[sflag:s29] =	ssyncadd.s32 $0xFFFFFFFF  }
0xb4: {  	_ =	strace $0x9000004B  }
0xb5: {  	_ =	sfence  }
0xb6: {  	s30 =	sld [smem:$0x0];
	_ =	sdelay $0x2  }
0xb7: {  	s31 =	sshll.u32 s1, $0xD;
	s1 =	sshrl.u32 s1, $0x2  }
0xb8: {  	s3 =	sand.u32 $0x4000, s31;
	s1 =	sadd.s32 s1, s30  }
0xb9: {  	s0 =	sor.u32 s3, s0;
	s1 =	sshll.u32 s1, $0x11  }
0xba: {  	s0 =	sor.u32 s1, s0  }
0xbb: {  	s0 =	sadd.s32 $0x8F2B, s0  }
0xbc: {  	[sflag:s0] =	ssyncadd.remote.s32 $0x1  }
0xbd: {  	_ =	sfence.sel $0xFFFF  }
0xbe: {  	[dreg:$0x0] =	wrdreg $0xFFFFFFFF;
	(pc) =	sbr.abs _section_cstart, $3  }
0xbf: {  	[dreg:$0x1] =	wrdreg $0xFFFFFFFF  }
0xc0: {  	_ =	task.clear_ibuf [dreg:s6], $0x2FFFF;
	_ =	strace $0x9FFFFFFF  }
0xc1: {  	(tm) =	ssettm $0x7FFFFFFF  }
tec
execute0_lowered:
.L_overlay_start_1:
0x0: {  	(tag) =	ssettag $0x1  }
0x1: {  	s1 =	srdreg.scid  }
0x2: {  	s0 =	stileid.u32;
	s2 =	rddreg [dreg:$0x0];
	s6 =	simm.s32 $0x1  }
0x3: {  	s9 =	simm.s32 $0x1;
	s10 =	simm.s32 $0x3;
	s1 =	sshll.u32 s1, $0x6  }
0x4: {  	s13 =	simm.s32 $0x0;
	s3 =	sshll.u32 s0, $0x7;
	s4 =	sand.u32 $0x40, s1  }
0x5: {  	s12 =	simm.s32 $0x0;
	s5 =	sadd.s32 $0x200, s2;
	s3 =	sor.u32 s3, s4  }
0x6: {  	s1 =	rddreg [dreg:$0x1];
	_ =	strace $0x8000004A;
	s8 =	ssub.s32 $0x1000, s3  }
.Ltmp0:
0x7: {  	s4 =	sadd.s32 $0x400, s2;
	s7 =	sand.u32 $0x7C0, s8;
	(pc) =	sbr.rel .LBB2_1-.Ltmp0, $4  }
0x8: {  	[sflag:s6] =	ssyncpa.u1 $0x0;
	s11 =	smov.u32 s3;
	p0 =	sne.s32 s7, $0x0  }
0x9: {  	s8 =	sshrl.u32 s8, $0xB;
	s7 =	simm.s32 $0x2;
	s9 =	simm.s32 @!p0 $0x0  }
0xa: {  	[sflag:s7] =	ssyncpa.u1 $0x0;
	p0 =	por $0x0, $0x0;
	s8 =	sadd.s32 s9, s8  }
0xb: {  	vm0 =	vmmov $0xffff;
	[sflag:s10] =	ssyncpa.u1 $0x0;
	s10 =	simm.s32 $0x0;
	s9 =	sadd.s32 $0x1, s8  }
.LBB2_4:
0xc: {  	v2 =	vnsel vm1, $0x0, v2  }
0xd: {  	vm1 =	vgt.s32 v0, $0x0;
	v2 =	vmin.u32 v2, $0xFFF  }
0xe: {  	v0 =	vnsel vm1, $0x0, v0  }
0xf: {  	v0 =	vmin.u32 v0, $0xFFF  }
0x10: {  	[tilespmem:s15], [sflag:$0x1] =	stream.indirect_vreg.gather [hbm4b:s4+s10], $0x1, v1, vm0, $0x4038;
	[tilespmem:$0x100] =	vst v63  }
0x11: {  	(ifvalue) =	ssetifvalue $0x7FFFFFFF  }
0x12: {  	[tilespmem:s16], [sflag:$0x1] =	stream.indirect_vreg.gather [hbm4b:s4+s10], $0x1, v2, vm0, $0x4038;
	[tilespmem:$0x100] =	vst v63  }
0x13: {  	s29 =	sadd.s32 $0x10, s16;
	(ifvalue) =	ssetifvalue $0x7FFFFFFF  }
0x14: {  	[tilespmem:s29], [sflag:$0x1] =	stream.indirect_vreg.gather [hbm4b:s4+s10], $0x1, v0, vm0, $0x4038;
	[tilespmem:$0x100] =	vst v63  }
0x15: {  	_ =	swait.ge [sflag:s6], $0x40  }
0x16: {  	s30 =	sshrl.u32 s13, $0x3;
	[sflag:s6] =	ssyncset.done $0x0  }
0x17: {  	s31 =	sand.u32 $0x7, s13;
	s15 =	sadd.s32 s2, s30;
	[sflag:s6] =	ssyncadd.s32 $0xFFFFFFC0  }
0x18: {  	[hbm4b:s15+s31] =	stream.linear.scatter [tilespmem:s14], [sflag:$0x3], $0x40, $0x38;
	[tilespmem:$0x100] =	vst v63  }
.LBB2_5:
0x19: {  	s15 =	sadd.s32 $0x800, s11  }
0x1a: {  	p2 =	sgt.s32 s15, $0xFFF  }
0x1b: {  	s15 =	smov.u32 @p2 s3;
	p2 =	sne.s32 s12, s9  }
.Ltmp1:
0x1c: {  	p1 =	slt.u32 s12, $0x2;
	(pc) =	sbr.rel @!p2 .LBB2_6-.Ltmp1, $4  }
0x1d: {  	s14 =	simm.s32 @!p1 $0x3  }
0x1e: {  	s16 =	sadd.s32 $0x1, s12;
	_ =	swait.ge @!p1 [sflag:s14], $0x40  }
0x1f: {  	s13 =	smov.u32 s11;
	p0 =	por !p0, !p0;
	[sflag:s14] =	ssyncset.done @!p1 $0x0  }
0x20: {  	s12 =	smov.u32 s16;
	s11 =	smov.u32 s15;
	[sflag:s14] =	ssyncadd.s32 @!p1 $0xFFFFFFC0  }
.LBB2_1:
0x21: {  	p1 =	sge.u32 s12, s8  }
0x22: {  	s14 =	sxor.u32 @!p1 $0xFFFFFFFF, s12  }
0x23: {  	s31 =	sadd.s32 $0xFFFFFFFF, s12;
	s15 =	sshrl.u32 @!p1 s11, $0x3;
	s14 =	sshll.u32 @!p1 s14, $0x6  }
0x24: {  	s16 =	sand.u32 @!p1 $0x7, s11;
	s15 =	sadd.s32 @!p1 s5, s15;
	s14 =	sand.u32 @!p1 $0x40, s14  }
0x25: {  	[tilespmem:s14], [sflag:$0x2] =	stream.linear.gather @!p1 [hbm4b:s15+s16], $0x40, $0x38;
	[tilespmem:$0x100] =	vst v63  }
0x26: {  	p1 =	sge.u32 s31, s8  }
.Ltmp2:
0x27: {  	_ = 	snop;
	(pc) =	sbr.rel @p1 .LBB2_5-.Ltmp2, $1  }
0x28: {  	_ =	sdelay $0x3  }
0x29: {  	s14 =	simm.s32 $0x1  }
0x2a: {  	_ =	swait.ge [sflag:s7], $0x40;
	s14 =	simm.s32 @!p0 $0x0  }
0x2b: {  	[sflag:s7] =	ssyncset.done $0x0;
	s14 =	sshll.u32 s14, $0x6  }
0x2c: {  	[sflag:s7] =	ssyncadd.s32 $0xFFFFFFC0;
	(ifvalue) =	ssetifvalue $0x7FFFFFFF;
	v0 =	vld.msk [tilespmem:s14+$0x0 ss:$0x1], $0xffff;
	_ =	sdelay $0x4  }
0x2d: {  	s15 =	sadd.s32 $0x10, s14;
	vm1 =	vgt.s32 v0, $0x0  }
0x2e: {  	v2 =	vld.msk [tilespmem:s15+$0x0 ss:$0x1], $0xffff;
	v1 =	vnsel vm1, $0x0, v0  }
0x2f: {  	v1 =	vmin.u32 v1, $0xFFF;
	_ =	sdelay $0x1  }
0x30: {  	s16 =	sshll.u32 s12, $0x6;
	s18 =	simm.s32 $0x20  }
0x31: {  	s16 =	sand.u32 $0x40, s16;
	s17 =	sadd.s32 $0x10, s15;
	s15 =	sor.u32 $0x80, s14  }
0x32: {  	s14 =	sor.u32 $0x80, s16;
	s16 =	sadd.s32 $0x10, s15;
	v0 =	vld.msk [tilespmem:s17+$0x0 ss:$0x1], $0xffff;
	vm1 =	vgt.s32 v2, $0x0;
	(ifvalue) =	ssetifvalue $0x7FFFFFFF  }
.LBB2_3:
0x33: {  	[tilespmem:s15], [sflag:$0x1] =	stream.indirect_vreg.gather [hbm4b:s4+s10], $0x1, v1, vm0, $0x4038;
	[tilespmem:$0x100] =	vst v63  }
0x34: {  	s18 =	sadd.s32 $0x10, s18  }
0x35: {  	v2 =	vnsel vm1, $0x0, v2;
	p1 =	slt.u32 s18, $0x30  }
.Ltmp3:
0x36: {  	s15 =	smov.u32 s16;
	v1 =	vmin.u32 v2, $0xFFF;
	(pc) =	sbr.rel @p1 .LBB2_3-.Ltmp3, $3  }
0x37: {  	_ =	sdelay $0x1  }
0x38: {  	s17 =	sadd.s32 $0x10, s17  }
0x39: {  	vm1 =	vgt.s32 v0, $0x0;
	s16 =	sadd.s32 $0x10, s16;
	v2 =	vmov v0;
	(ifvalue) =	ssetifvalue $0x7FFFFFFF;
	v0 =	vld.msk [tilespmem:s17+$0x0 ss:$0x1], $0xffff  }
.Ltmp4:
0x3a: {  	_ = 	snop;
	(pc) =	sbr.rel .LBB2_4-.Ltmp4, $1  }
0x3b: {  	_ =	sdelay $0x3  }
.LBB2_6:
0x3c: {  	_ =	sfence.sel $0x180000  }
0x3d: {  	s2 =	simm.s32 $0x2;
	[bflag:$0x0] =	sbarrier.arrive $0xFFFF  }
0x3e: {  	s30 =	simm.s32 $0x3;
	[sflag:s2] =	ssyncpa.u1 $0x1  }
0x3f: {  	s31 =	simm.s32 $0x1;
	[sflag:s30] =	ssyncpa.u1 $0x1  }
0x40: {  	[sflag:s31] =	ssyncpa.u1 $0x1  }
0x41: {  	p0 =	sne.s32 s0, $0x0;
	_ =	strace $0x9000004A  }
0x42: {  	s0 =	sadd.s32 @!p0 $0x100000, s1;
	[bflag:$0x2] =	sbarrier.arrive $0xFFFF  }
0x43: {  	[sflag:s0] =	ssyncadd.tile.s32 @!p0 $0x1;
	_ =	shalt  }
.Lfunc_end2:
_tile_overlayer_lowered:
.L_overlay_start_2:
0x44: {  	(tag) =	ssettag $0x2  }
0x45: {  	s0 =	rddreg [dreg:$0x0];
	s2 =	stileid.u32  }
0x46: {  	s1 =	rddreg [dreg:$0x1];
	p0 =	sne.s32 s2, $0x0  }
0x47: {  	s3 =	rddreg [dreg:$0x2];
	[bflag:$0x3] =	sbarrier.arrive $0xFFFF;
	s2 =	simm.s32 @!p0 $0x1C01  }
0x48: {  	[timem:s3], [sflag:s2] =	dma.local @!p0 [hbm:s0], s1  }
0x49: {  	s0 =	simm.s32 @!p0 $0x1  }
0x4a: {  	_ =	swait.ge @!p0 [sflag:s0], s1  }
0x4b: {  	s1 =	ssub.s32 @!p0 $0x0, s1;
	[sflag:s0] =	ssyncset.done @!p0 $0x0  }
0x4c: {  	[sflag:s0] =	ssyncadd.s32 @!p0 s1  }
0x4d: {  	[bflag:$0x3] =	sbarrier.arrive $0xFFFF  }
0x4e: {  	_ =	shalt  }

// kernel: gather_offload_async_start
scs
__scs_entry_jumppad:
0x0: {  	(pc) =	sbr.rel $0x88, $3  }
0x1: {  	(tag) =	ssettag $0x0;
	lr =	simm.s32 $0x1  }
0x2: {  	[smem:$0x3F9D] =	sst lr;
	_ =	strace $0xD0000000  }
0x3: {  	_ = 	snop  }
0x4: {  	_ = 	snop  }
0x5: {  	_ = 	snop  }
0x6: {  	_ = 	snop  }
0x7: {  	_ = 	snop  }
__scs_overlays_trampoline_lowered:
0x8: {  	[smem:$0x3FAC] =	sst s0  }
0x9: {  	[smem:$0x3FAD] =	sst s1  }
0xa: {  	[smem:$0x3FAE] =	sst s2  }
0xb: {  	[smem:$0x3FAF] =	sst s3  }
0xc: {  	[smem:$0x3FB0] =	sst s4  }
0xd: {  	[smem:$0x3FB1] =	sst s5  }
0xe: {  	[smem:$0x3FB2] =	sst s6  }
0xf: {  	[smem:$0x3FB3] =	sst s7  }
0x10: {  	[smem:$0x3FB4] =	sst s8  }
0x11: {  	[smem:$0x3FB5] =	sst s9;
	s0 =	simm.s32 @!p0 $0x0  }
0x12: {  	s1 =	sld [smem:$0x3F9B];
	s0 =	simm.s32 @p0 $0x1  }
0x13: {  	[smem:$0x3FB6] =	sst s0;
	s0 =	simm.s32 @!p1 $0x0  }
0x14: {  	s2 =	sld [smem:$0x3F9A];
	s0 =	simm.s32 @p1 $0x1  }
0x15: {  	[smem:$0x3FB7] =	sst s0;
	s0 =	simm.s32 @!p2 $0x0  }
0x16: {  	s3 =	sld [smem:$0x3FDB];
	s0 =	simm.s32 @p2 $0x1  }
0x17: {  	s4 =	simm.s32 $0x1BF5;
	[smem:$0x3FB9] =	sst s0  }
0x18: {  	s0 =	sld [smem:$0x3F9C];
	_ =	swait.ge [sflag:s4], $0x0  }
0x19: {  	s7 =	sld [smem:$0x3F9D]  }
0x1a: {  	s8 =	sadd.s32 $0xFFFFE003, lr  }
0x1b: {  	s9 =	sadd.s32 $0xFFFFFEF7, lr;
	s5 =	simm.s32 $0xFFFFFFFF;
	p2 =	slt.u32 s8, $0xFFFFF086  }
0x1c: {  	p1 =	slt.u32 s9, $0xF7A;
	s5 =	simm.s32 @!p2 $0x0  }
0x1d: {  	s5 =	simm.s32 @p1 $0x1;
	p0 =	seq.s32 s7, s2  }
0x1e: {  	s7 =	smul.u32 @!p0 $0xF7A, s2;
	p2 =	seq.s32 @!p0 s5, $0x0  }
0x1f: {  	s9 =	smul.u32 $0xF7A, s1;
	s8 =	simm.s32 @!p0 $0x1BF5;
	p2 =	por !p2, p0  }
0x20: {  	[sflag:s8] =	ssyncset.s32 @!p0 $0xFFFFF086;
	s6 =	sadd.s32 @!p0 s3, s7;
	s7 =	simm.s32 @!p0 $0x108  }
0x21: {  	s3 =	sadd.s32 s3, s9;
	s6 =	sadd.s32 @!p0 $0x88, s6;
	s7 =	simm.s32 @p2 $0x1082  }
0x22: {  	[simem:s7], [sflag:s8] =	dma.local @!p0 [hbm:s6], $0xF7A  }
0x23: {  	s9 =	sor.u32 $0xD0000000, s2;
	s6 =	simm.s32 $0x108;
	_ =	swait.ge @!p0 [sflag:s8], $0x0  }
0x24: {  	s3 =	sadd.s32 $0x88, s3;
	s6 =	simm.s32 @!p1 $0x1082;
	[sflag:s4] =	ssyncset.s32 $0xFFFFF086  }
0x25: {  	[simem:s6], [sflag:s4] =	dma.local [hbm:s3], $0xF7A  }
0x26: {  	[smem:$0x3F9D] =	sst s1;
	(tag) =	ssettag s2;
	_ =	strace s9  }
0x27: {  	s1 =	sld [smem:$0x3FAD]  }
0x28: {  	s2 =	sld [smem:$0x3FAE]  }
0x29: {  	s4 =	sld [smem:$0x3FB0]  }
0x2a: {  	p0 =	seq.s32 s5, $0x0;
	s5 =	sld [smem:$0x3FB1]  }
0x2b: {  	s6 =	sld [smem:$0x3FB2]  }
0x2c: {  	s7 =	sld [smem:$0x3FB3]  }
0x2d: {  	s3 =	simm.s32 $0x108;
	s8 =	sld [smem:$0x3FB4]  }
0x2e: {  	s3 =	simm.s32 @!p0 $0x1082;
	s9 =	sld [smem:$0x3FB5]  }
0x2f: {  	lr =	sadd.s32 s0, s3;
	s0 =	sld [smem:$0x3FAC]  }
0x30: {  	s3 =	sld [smem:$0x3FAF]  }
0x31: {  	[smem:$0x3FB8] =	sst s10  }
0x32: {  	s10 =	sld [smem:$0x3FB6];
	_ =	sdelay $0x3  }
0x33: {  	p0 =	seq.s32 s10, $0x1;
	s10 =	sld [smem:$0x3FB8];
	_ =	sdelay $0x3  }
0x34: {  	[smem:$0x3FB8] =	sst s10  }
0x35: {  	s10 =	sld [smem:$0x3FB7];
	_ =	sdelay $0x3  }
0x36: {  	p1 =	seq.s32 s10, $0x1;
	s10 =	sld [smem:$0x3FB8];
	_ =	sdelay $0x3  }
0x37: {  	[smem:$0x3FB8] =	sst s10  }
0x38: {  	s10 =	sld [smem:$0x3FB9]  }
0x39: {  	_ = 	snop;
	(pc) =	sbr.ind lr, $3  }
0x3a: {  	_ = 	snop  }
0x3b: {  	_ = 	snop  }
0x3c: {  	p2 =	seq.s32 s10, $0x1;
	s10 =	sld [smem:$0x3FB8]  }
0x3d: {  	_ =	shalt  }
0x3e: {  	_ =	shalt  }
0x3f: {  	_ =	shalt  }
0x40: {  	_ =	shalt  }
0x41: {  	_ =	shalt  }
0x42: {  	_ =	shalt  }
0x43: {  	_ =	shalt  }
0x44: {  	_ =	shalt  }
0x45: {  	_ =	shalt  }
0x46: {  	_ =	shalt  }
0x47: {  	_ =	shalt  }
0x48: {  	_ =	shalt  }
0x49: {  	_ =	shalt  }
0x4a: {  	_ =	shalt  }
0x4b: {  	_ =	shalt  }
0x4c: {  	_ =	shalt  }
0x4d: {  	_ =	shalt  }
0x4e: {  	_ =	shalt  }
0x4f: {  	_ =	shalt  }
0x50: {  	_ =	shalt  }
0x51: {  	_ =	shalt  }
0x52: {  	_ =	shalt  }
0x53: {  	_ =	shalt  }
0x54: {  	_ =	shalt  }
0x55: {  	_ =	shalt  }
0x56: {  	_ =	shalt  }
0x57: {  	_ =	shalt  }
0x58: {  	_ =	shalt  }
0x59: {  	_ =	shalt  }
0x5a: {  	_ =	shalt  }
0x5b: {  	_ =	shalt  }
0x5c: {  	_ =	shalt  }
0x5d: {  	_ =	shalt  }
0x5e: {  	_ =	shalt  }
0x5f: {  	_ =	shalt  }
0x60: {  	_ =	shalt  }
0x61: {  	_ =	shalt  }
0x62: {  	_ =	shalt  }
0x63: {  	_ =	shalt  }
0x64: {  	_ =	shalt  }
0x65: {  	_ =	shalt  }
0x66: {  	_ =	shalt  }
0x67: {  	_ =	shalt  }
0x68: {  	_ =	shalt  }
0x69: {  	_ =	shalt  }
0x6a: {  	_ =	shalt  }
0x6b: {  	_ =	shalt  }
0x6c: {  	_ =	shalt  }
0x6d: {  	_ =	shalt  }
0x6e: {  	_ =	shalt  }
0x6f: {  	_ =	shalt  }
0x70: {  	_ =	shalt  }
0x71: {  	_ =	shalt  }
0x72: {  	_ =	shalt  }
0x73: {  	_ =	shalt  }
0x74: {  	_ =	shalt  }
0x75: {  	_ =	shalt  }
0x76: {  	_ =	shalt  }
0x77: {  	_ =	shalt  }
0x78: {  	_ =	shalt  }
0x79: {  	_ =	shalt  }
0x7a: {  	_ =	shalt  }
0x7b: {  	_ =	shalt  }
0x7c: {  	_ =	shalt  }
0x7d: {  	_ =	shalt  }
0x7e: {  	_ =	shalt  }
0x7f: {  	_ =	shalt  }
0x80: {  	_ =	shalt  }
0x81: {  	_ =	shalt  }
0x82: {  	_ =	shalt  }
0x83: {  	_ =	shalt  }
0x84: {  	_ =	shalt  }
0x85: {  	_ =	shalt  }
0x86: {  	_ =	shalt  }
0x87: {  	_ =	shalt  }
.Lfunc_end0:
.L_simem_size_0:
called_computation_lowered:
.L_overlay_start_0:
0x88: {  	s2 =	sld [smem:$0x3FD9]  }
0x89: {  	s3 =	sld [smem:$0x3FFE];
	_ =	sdelay $0x1  }
0x8a: {  	s1 =	srdreg.scid  }
0x8b: {  	s0 =	sand.u32 $0x1, s1  }
0x8c: {  	s17 =	sshll.u32 s0, $0xA;
	s2 =	sadd.s32 s3, s2  }
0x8d: {  	s2 =	sadd.s32 s2, s17  }
0x8e: {  	[smem:$0x3FC4] =	sst s2  }
0x8f: {  	_ = 	snop  }
0x90: {  	s2 =	sld [smem:$0x3FD0];
	(tm) =	ssettm $0x1  }
0x91: {  	s18 =	sld [smem:$0x3FFB];
	_ =	sdelay $0x3  }
0x92: {  	_ =	strace s18  }
0x93: {  	s3 =	sld [smem:$0x3FFC];
	_ =	sdelay $0x3  }
0x94: {  	_ =	strace s3  }
0x95: {  	s3 =	sld [smem:$0x3FFD];
	_ =	sdelay $0x3  }
0x96: {  	_ =	strace s3  }
0x97: {  	_ =	strace $0x8FFFFFFF  }
0x98: {  	s19 =	sld [smem:$0x3FDB];
	_ =	sdelay $0x1  }
0x99: {  	s4 =	simm.s32 $_scs_section_size  }
0x9a: {  	s5 =	simm.s32 $_size__tile_overlayer_lowered;
	s6 =	simm.s32 $_tile_overlayer_lowered  }
0x9b: {  	s22 =	simm.s32 $0x1BFF;
	s21 =	sshll.u32 s6, $0x1;
	s3 =	sadd.s32 s4, s19  }
0x9c: {  	s7 =	simm.s32 $0x0;
	s20 =	sshll.u32 s5, $0x1;
	s5 =	sadd.s32 s21, s3  }
0x9d: {  	[timem:s7], [sflag:s22] =	dma.local [hbm:s5], s20  }
0x9e: {  	_ =	swait.ge [sflag:s22], s20  }
0x9f: {  	s4 =	ssub.s32 $0x0, s20;
	[sflag:s22] =	ssyncset.done $0x0  }
0xa0: {  	[sflag:s22] =	ssyncadd.s32 s4;
	_ =	sdelay $0x1  }
0xa1: {  	s23 =	simm.s32 $0x1B8B  }
0xa2: {  	_ =	swait.ge [sflag:s23], $0x1  }
0xa3: {  	[sflag:s23] =	ssyncset.done $0x0  }
0xa4: {  	s25 =	simm.s32 $0x1B8E;
	s24 =	sld [smem:$0x3FFE];
	[sflag:s23] =	ssyncadd.s32 $0xFFFFFFFF  }
0xa5: {  	s26 =	simm.s32 $execute0_lowered;
	[smem:$0x3FD2] =	sst s25  }
0xa6: {  	s5 =	sshll.u32 s26, $0x1;
	_ =	strace $0x80000046;
	[dreg:$0x1] =	wrdreg $0xFFFFFFFF  }
0xa7: {  	s28 =	simm.s32 $_size_execute0_lowered;
	s3 =	sadd.s32 s3, s5;
	[dreg:$0x0] =	wrdreg $0x0  }
0xa8: {  	s5 =	sshll.u32 s28, $0x1;
	[dreg:$0x2] =	wrdreg s3  }
0xa9: {  	[dreg:$0x3] =	wrdreg s5  }
0xaa: {  	[dreg:$0x4] =	wrdreg $0xC0  }
0xab: {  	_ =	task [dreg:s7], $0x5FFFF  }
0xac: {  	[dreg:$0x1] =	wrdreg $0xFFFFFFFF  }
0xad: {  	[dreg:$0x0] =	wrdreg $0x60  }
0xae: {  	[dreg:$0x2] =	wrdreg s24  }
0xaf: {  	[dreg:$0x3] =	wrdreg s2  }
0xb0: {  	[dreg:$0x4] =	wrdreg $0x9  }
0xb1: {  	_ =	task.clear_ibuf [dreg:s7], $0x5FFFF;
	_ =	strace $0x90000046  }
0xb2: {  	s29 =	simm.s32 $0x9;
	_ =	strace $0x80000048  }
0xb3: {  	_ =	swait.ge [sflag:s29], $0x1  }
0xb4: {  	[sflag:s29] =	ssyncadd.s32 $0xFFFFFFFF  }
0xb5: {  	_ =	strace $0x90000048  }
0xb6: {  	_ =	sfence  }
0xb7: {  	s30 =	sld [smem:$0x0];
	_ =	sdelay $0x2  }
0xb8: {  	s31 =	sshll.u32 s1, $0xD;
	s1 =	sshrl.u32 s1, $0x2  }
0xb9: {  	s3 =	sand.u32 $0x4000, s31;
	s1 =	sadd.s32 s1, s30  }
0xba: {  	s0 =	sor.u32 s3, s0;
	s1 =	sshll.u32 s1, $0x11  }
0xbb: {  	s0 =	sor.u32 s1, s0  }
0xbc: {  	s0 =	sadd.s32 $0x8F2B, s0  }
0xbd: {  	[sflag:s0] =	ssyncadd.remote.s32 $0x1  }
0xbe: {  	_ =	sfence.sel $0xFFFF  }
0xbf: {  	[dreg:$0x0] =	wrdreg $0xFFFFFFFF;
	(pc) =	sbr.abs _section_cstart, $3  }
0xc0: {  	[dreg:$0x1] =	wrdreg $0xFFFFFFFF  }
0xc1: {  	_ =	task.clear_ibuf [dreg:s7], $0x2FFFF;
	_ =	strace $0x9FFFFFFF  }
0xc2: {  	(tm) =	ssettm $0x7FFFFFFF  }
0xc3: {  	_ =	shalt  }
tec
execute0_lowered:
.L_overlay_start_1:
0x0: {  	(tag) =	ssettag $0x1  }
0x1: {  	s1 =	srdreg.scid;
	s2 =	rddreg [dreg:$0x0]  }
0x2: {  	s0 =	stileid.u32;
	s3 =	rddreg [dreg:$0x1]  }
0x3: {  	s6 =	simm.s32 $0x1;
	s9 =	simm.s32 $0x1;
	s1 =	sshll.u32 s1, $0x6  }
0x4: {  	s10 =	simm.s32 $0x3;
	s4 =	sshll.u32 s0, $0x7;
	s5 =	sand.u32 $0x40, s1  }
0x5: {  	s13 =	simm.s32 $0x0;
	s12 =	simm.s32 $0x0;
	s4 =	sor.u32 s4, s5  }
0x6: {  	s1 =	rddreg [dreg:$0x2];
	_ =	strace $0x80000047;
	s8 =	ssub.s32 $0x1000, s4  }
.Ltmp0:
0x7: {  	s5 =	sadd.s32 $0x200, s2;
	s7 =	sand.u32 $0x7C0, s8;
	(pc) =	sbr.rel .LBB2_1-.Ltmp0, $4  }
0x8: {  	[sflag:s6] =	ssyncpa.u1 $0x0;
	s11 =	smov.u32 s4;
	p0 =	sne.s32 s7, $0x0  }
0x9: {  	s8 =	sshrl.u32 s8, $0xB;
	s7 =	simm.s32 $0x2;
	s9 =	simm.s32 @!p0 $0x0  }
0xa: {  	[sflag:s7] =	ssyncpa.u1 $0x0;
	p0 =	por $0x0, $0x0;
	s8 =	sadd.s32 s9, s8  }
0xb: {  	vm0 =	vmmov $0xffff;
	[sflag:s10] =	ssyncpa.u1 $0x0;
	s10 =	simm.s32 $0x0;
	s9 =	sadd.s32 $0x1, s8  }
.LBB2_4:
0xc: {  	v2 =	vnsel vm1, $0x0, v2  }
0xd: {  	vm1 =	vgt.s32 v0, $0x0;
	v2 =	vmin.u32 v2, $0xFFF  }
0xe: {  	v0 =	vnsel vm1, $0x0, v0  }
0xf: {  	v0 =	vmin.u32 v0, $0xFFF  }
0x10: {  	[tilespmem:s15], [sflag:$0x1] =	stream.indirect_vreg.gather [hbm4b:s2+s10], $0x1, v1, vm0, $0x4038;
	[tilespmem:$0x100] =	vst v63  }
0x11: {  	(ifvalue) =	ssetifvalue $0x7FFFFFFF  }
0x12: {  	[tilespmem:s16], [sflag:$0x1] =	stream.indirect_vreg.gather [hbm4b:s2+s10], $0x1, v2, vm0, $0x4038;
	[tilespmem:$0x100] =	vst v63  }
0x13: {  	s29 =	sadd.s32 $0x10, s16;
	(ifvalue) =	ssetifvalue $0x7FFFFFFF  }
0x14: {  	[tilespmem:s29], [sflag:$0x1] =	stream.indirect_vreg.gather [hbm4b:s2+s10], $0x1, v0, vm0, $0x4038;
	[tilespmem:$0x100] =	vst v63  }
0x15: {  	_ =	swait.ge [sflag:s6], $0x40  }
0x16: {  	s30 =	sshrl.u32 s13, $0x3;
	[sflag:s6] =	ssyncset.done $0x0  }
0x17: {  	s31 =	sand.u32 $0x7, s13;
	s15 =	sadd.s32 s3, s30;
	[sflag:s6] =	ssyncadd.s32 $0xFFFFFFC0  }
0x18: {  	[hbm4b:s15+s31] =	stream.linear.scatter [tilespmem:s14], [sflag:$0x3], $0x40, $0x38;
	[tilespmem:$0x100] =	vst v63  }
.LBB2_5:
0x19: {  	s15 =	sadd.s32 $0x800, s11  }
0x1a: {  	p2 =	sgt.s32 s15, $0xFFF  }
0x1b: {  	s15 =	smov.u32 @p2 s4;
	p2 =	sne.s32 s12, s9  }
.Ltmp1:
0x1c: {  	p1 =	slt.u32 s12, $0x2;
	(pc) =	sbr.rel @!p2 .LBB2_6-.Ltmp1, $4  }
0x1d: {  	s14 =	simm.s32 @!p1 $0x3  }
0x1e: {  	s16 =	sadd.s32 $0x1, s12;
	_ =	swait.ge @!p1 [sflag:s14], $0x40  }
0x1f: {  	s13 =	smov.u32 s11;
	p0 =	por !p0, !p0;
	[sflag:s14] =	ssyncset.done @!p1 $0x0  }
0x20: {  	s12 =	smov.u32 s16;
	s11 =	smov.u32 s15;
	[sflag:s14] =	ssyncadd.s32 @!p1 $0xFFFFFFC0  }
.LBB2_1:
0x21: {  	p1 =	sge.u32 s12, s8  }
0x22: {  	s14 =	sxor.u32 @!p1 $0xFFFFFFFF, s12  }
0x23: {  	s31 =	sadd.s32 $0xFFFFFFFF, s12;
	s15 =	sshrl.u32 @!p1 s11, $0x3;
	s14 =	sshll.u32 @!p1 s14, $0x6  }
0x24: {  	s16 =	sand.u32 @!p1 $0x7, s11;
	s15 =	sadd.s32 @!p1 s5, s15;
	s14 =	sand.u32 @!p1 $0x40, s14  }
0x25: {  	[tilespmem:s14], [sflag:$0x2] =	stream.linear.gather @!p1 [hbm4b:s15+s16], $0x40, $0x38;
	[tilespmem:$0x100] =	vst v63  }
0x26: {  	p1 =	sge.u32 s31, s8  }
.Ltmp2:
0x27: {  	_ = 	snop;
	(pc) =	sbr.rel @p1 .LBB2_5-.Ltmp2, $1  }
0x28: {  	_ =	sdelay $0x3  }
0x29: {  	s14 =	simm.s32 $0x1  }
0x2a: {  	_ =	swait.ge [sflag:s7], $0x40;
	s14 =	simm.s32 @!p0 $0x0  }
0x2b: {  	[sflag:s7] =	ssyncset.done $0x0;
	s14 =	sshll.u32 s14, $0x6  }
0x2c: {  	[sflag:s7] =	ssyncadd.s32 $0xFFFFFFC0;
	(ifvalue) =	ssetifvalue $0x7FFFFFFF;
	v0 =	vld.msk [tilespmem:s14+$0x0 ss:$0x1], $0xffff;
	_ =	sdelay $0x4  }
0x2d: {  	s15 =	sadd.s32 $0x10, s14;
	vm1 =	vgt.s32 v0, $0x0  }
0x2e: {  	v2 =	vld.msk [tilespmem:s15+$0x0 ss:$0x1], $0xffff;
	v1 =	vnsel vm1, $0x0, v0  }
0x2f: {  	v1 =	vmin.u32 v1, $0xFFF;
	_ =	sdelay $0x1  }
0x30: {  	s16 =	sshll.u32 s12, $0x6;
	s18 =	simm.s32 $0x20  }
0x31: {  	s16 =	sand.u32 $0x40, s16;
	s17 =	sadd.s32 $0x10, s15;
	s15 =	sor.u32 $0x80, s14  }
0x32: {  	s14 =	sor.u32 $0x80, s16;
	s16 =	sadd.s32 $0x10, s15;
	v0 =	vld.msk [tilespmem:s17+$0x0 ss:$0x1], $0xffff;
	vm1 =	vgt.s32 v2, $0x0;
	(ifvalue) =	ssetifvalue $0x7FFFFFFF  }
.LBB2_3:
0x33: {  	[tilespmem:s15], [sflag:$0x1] =	stream.indirect_vreg.gather [hbm4b:s2+s10], $0x1, v1, vm0, $0x4038;
	[tilespmem:$0x100] =	vst v63  }
0x34: {  	s18 =	sadd.s32 $0x10, s18  }
0x35: {  	v2 =	vnsel vm1, $0x0, v2;
	p1 =	slt.u32 s18, $0x30  }
.Ltmp3:
0x36: {  	s15 =	smov.u32 s16;
	v1 =	vmin.u32 v2, $0xFFF;
	(pc) =	sbr.rel @p1 .LBB2_3-.Ltmp3, $3  }
0x37: {  	_ =	sdelay $0x1  }
0x38: {  	s17 =	sadd.s32 $0x10, s17  }
0x39: {  	vm1 =	vgt.s32 v0, $0x0;
	s16 =	sadd.s32 $0x10, s16;
	v2 =	vmov v0;
	(ifvalue) =	ssetifvalue $0x7FFFFFFF;
	v0 =	vld.msk [tilespmem:s17+$0x0 ss:$0x1], $0xffff  }
.Ltmp4:
0x3a: {  	_ = 	snop;
	(pc) =	sbr.rel .LBB2_4-.Ltmp4, $1  }
0x3b: {  	_ =	sdelay $0x3  }
.LBB2_6:
0x3c: {  	_ =	sfence.sel $0x180000  }
0x3d: {  	s2 =	simm.s32 $0x2;
	[bflag:$0x0] =	sbarrier.arrive $0xFFFF  }
0x3e: {  	s30 =	simm.s32 $0x3;
	[sflag:s2] =	ssyncpa.u1 $0x1  }
0x3f: {  	s31 =	simm.s32 $0x1;
	[sflag:s30] =	ssyncpa.u1 $0x1  }
0x40: {  	[sflag:s31] =	ssyncpa.u1 $0x1  }
0x41: {  	p0 =	sne.s32 s0, $0x0;
	_ =	strace $0x90000047  }
0x42: {  	s0 =	sadd.s32 @!p0 $0x100000, s1;
	[bflag:$0x2] =	sbarrier.arrive $0xFFFF  }
0x43: {  	[sflag:s0] =	ssyncadd.tile.s32 @!p0 $0x1;
	_ =	shalt  }
.Lfunc_end2:
_tile_overlayer_lowered:
.L_overlay_start_2:
0x44: {  	(tag) =	ssettag $0x2  }
0x45: {  	s0 =	rddreg [dreg:$0x0];
	s2 =	stileid.u32  }
0x46: {  	s1 =	rddreg [dreg:$0x1];
	p0 =	sne.s32 s2, $0x0  }
0x47: {  	s3 =	rddreg [dreg:$0x2];
	[bflag:$0x3] =	sbarrier.arrive $0xFFFF;
	s2 =	simm.s32 @!p0 $0x1C01  }
0x48: {  	[timem:s3], [sflag:s2] =	dma.local @!p0 [hbm:s0], s1  }
0x49: {  	s0 =	simm.s32 @!p0 $0x1  }
0x4a: {  	_ =	swait.ge @!p0 [sflag:s0], s1  }
0x4b: {  	s1 =	ssub.s32 @!p0 $0x0, s1;
	[sflag:s0] =	ssyncset.done @!p0 $0x0  }
0x4c: {  	[sflag:s0] =	ssyncadd.s32 @!p0 s1  }
0x4d: {  	[bflag:$0x3] =	sbarrier.arrive $0xFFFF  }
0x4e: {  	_ =	shalt  }

// kernel: kernel.6.cloned.1.call-start
scs
__scs_entry_jumppad:
0x0: {  	(pc) =	sbr.rel $0x88, $3  }
0x1: {  	(tag) =	ssettag $0x0;
	lr =	simm.s32 $0x1  }
0x2: {  	[smem:$0x3F9D] =	sst lr;
	_ =	strace $0xD0000000  }
0x3: {  	_ = 	snop  }
0x4: {  	_ = 	snop  }
0x5: {  	_ = 	snop  }
0x6: {  	_ = 	snop  }
0x7: {  	_ = 	snop  }
__scs_overlays_trampoline_lowered:
0x8: {  	[smem:$0x3FAC] =	sst s0  }
0x9: {  	[smem:$0x3FAD] =	sst s1  }
0xa: {  	[smem:$0x3FAE] =	sst s2  }
0xb: {  	[smem:$0x3FAF] =	sst s3  }
0xc: {  	[smem:$0x3FB0] =	sst s4  }
0xd: {  	[smem:$0x3FB1] =	sst s5  }
0xe: {  	[smem:$0x3FB2] =	sst s6  }
0xf: {  	[smem:$0x3FB3] =	sst s7  }
0x10: {  	[smem:$0x3FB4] =	sst s8  }
0x11: {  	[smem:$0x3FB5] =	sst s9;
	s0 =	simm.s32 @!p0 $0x0  }
0x12: {  	s1 =	sld [smem:$0x3F9B];
	s0 =	simm.s32 @p0 $0x1  }
0x13: {  	[smem:$0x3FB6] =	sst s0;
	s0 =	simm.s32 @!p1 $0x0  }
0x14: {  	s2 =	sld [smem:$0x3F9A];
	s0 =	simm.s32 @p1 $0x1  }
0x15: {  	[smem:$0x3FB7] =	sst s0;
	s0 =	simm.s32 @!p2 $0x0  }
0x16: {  	s3 =	sld [smem:$0x3FDB];
	s0 =	simm.s32 @p2 $0x1  }
0x17: {  	s4 =	simm.s32 $0x1BF5;
	[smem:$0x3FB9] =	sst s0  }
0x18: {  	s0 =	sld [smem:$0x3F9C];
	_ =	swait.ge [sflag:s4], $0x0  }
0x19: {  	s7 =	sld [smem:$0x3F9D]  }
0x1a: {  	s8 =	sadd.s32 $0xFFFFE003, lr  }
0x1b: {  	s9 =	sadd.s32 $0xFFFFFEF7, lr;
	s5 =	simm.s32 $0xFFFFFFFF;
	p2 =	slt.u32 s8, $0xFFFFF086  }
0x1c: {  	p1 =	slt.u32 s9, $0xF7A;
	s5 =	simm.s32 @!p2 $0x0  }
0x1d: {  	s5 =	simm.s32 @p1 $0x1;
	p0 =	seq.s32 s7, s2  }
0x1e: {  	s7 =	smul.u32 @!p0 $0xF7A, s2;
	p2 =	seq.s32 @!p0 s5, $0x0  }
0x1f: {  	s9 =	smul.u32 $0xF7A, s1;
	s8 =	simm.s32 @!p0 $0x1BF5;
	p2 =	por !p2, p0  }
0x20: {  	[sflag:s8] =	ssyncset.s32 @!p0 $0xFFFFF086;
	s6 =	sadd.s32 @!p0 s3, s7;
	s7 =	simm.s32 @!p0 $0x108  }
0x21: {  	s3 =	sadd.s32 s3, s9;
	s6 =	sadd.s32 @!p0 $0x88, s6;
	s7 =	simm.s32 @p2 $0x1082  }
0x22: {  	[simem:s7], [sflag:s8] =	dma.local @!p0 [hbm:s6], $0xF7A  }
0x23: {  	s9 =	sor.u32 $0xD0000000, s2;
	s6 =	simm.s32 $0x108;
	_ =	swait.ge @!p0 [sflag:s8], $0x0  }
0x24: {  	s3 =	sadd.s32 $0x88, s3;
	s6 =	simm.s32 @!p1 $0x1082;
	[sflag:s4] =	ssyncset.s32 $0xFFFFF086  }
0x25: {  	[simem:s6], [sflag:s4] =	dma.local [hbm:s3], $0xF7A  }
0x26: {  	[smem:$0x3F9D] =	sst s1;
	(tag) =	ssettag s2;
	_ =	strace s9  }
0x27: {  	s1 =	sld [smem:$0x3FAD]  }
0x28: {  	s2 =	sld [smem:$0x3FAE]  }
0x29: {  	s4 =	sld [smem:$0x3FB0]  }
0x2a: {  	p0 =	seq.s32 s5, $0x0;
	s5 =	sld [smem:$0x3FB1]  }
0x2b: {  	s6 =	sld [smem:$0x3FB2]  }
0x2c: {  	s7 =	sld [smem:$0x3FB3]  }
0x2d: {  	s3 =	simm.s32 $0x108;
	s8 =	sld [smem:$0x3FB4]  }
0x2e: {  	s3 =	simm.s32 @!p0 $0x1082;
	s9 =	sld [smem:$0x3FB5]  }
0x2f: {  	lr =	sadd.s32 s0, s3;
	s0 =	sld [smem:$0x3FAC]  }
0x30: {  	s3 =	sld [smem:$0x3FAF]  }
0x31: {  	[smem:$0x3FB8] =	sst s10  }
0x32: {  	s10 =	sld [smem:$0x3FB6];
	_ =	sdelay $0x3  }
0x33: {  	p0 =	seq.s32 s10, $0x1;
	s10 =	sld [smem:$0x3FB8];
	_ =	sdelay $0x3  }
0x34: {  	[smem:$0x3FB8] =	sst s10  }
0x35: {  	s10 =	sld [smem:$0x3FB7];
	_ =	sdelay $0x3  }
0x36: {  	p1 =	seq.s32 s10, $0x1;
	s10 =	sld [smem:$0x3FB8];
	_ =	sdelay $0x3  }
0x37: {  	[smem:$0x3FB8] =	sst s10  }
0x38: {  	s10 =	sld [smem:$0x3FB9]  }
0x39: {  	_ = 	snop;
	(pc) =	sbr.ind lr, $3  }
0x3a: {  	_ = 	snop  }
0x3b: {  	_ = 	snop  }
0x3c: {  	p2 =	seq.s32 s10, $0x1;
	s10 =	sld [smem:$0x3FB8]  }
0x3d: {  	_ =	shalt  }
0x3e: {  	_ =	shalt  }
0x3f: {  	_ =	shalt  }
0x40: {  	_ =	shalt  }
0x41: {  	_ =	shalt  }
0x42: {  	_ =	shalt  }
0x43: {  	_ =	shalt  }
0x44: {  	_ =	shalt  }
0x45: {  	_ =	shalt  }
0x46: {  	_ =	shalt  }
0x47: {  	_ =	shalt  }
0x48: {  	_ =	shalt  }
0x49: {  	_ =	shalt  }
0x4a: {  	_ =	shalt  }
0x4b: {  	_ =	shalt  }
0x4c: {  	_ =	shalt  }
0x4d: {  	_ =	shalt  }
0x4e: {  	_ =	shalt  }
0x4f: {  	_ =	shalt  }
0x50: {  	_ =	shalt  }
0x51: {  	_ =	shalt  }
0x52: {  	_ =	shalt  }
0x53: {  	_ =	shalt  }
0x54: {  	_ =	shalt  }
0x55: {  	_ =	shalt  }
0x56: {  	_ =	shalt  }
0x57: {  	_ =	shalt  }
0x58: {  	_ =	shalt  }
0x59: {  	_ =	shalt  }
0x5a: {  	_ =	shalt  }
0x5b: {  	_ =	shalt  }
0x5c: {  	_ =	shalt  }
0x5d: {  	_ =	shalt  }
0x5e: {  	_ =	shalt  }
0x5f: {  	_ =	shalt  }
0x60: {  	_ =	shalt  }
0x61: {  	_ =	shalt  }
0x62: {  	_ =	shalt  }
0x63: {  	_ =	shalt  }
0x64: {  	_ =	shalt  }
0x65: {  	_ =	shalt  }
0x66: {  	_ =	shalt  }
0x67: {  	_ =	shalt  }
0x68: {  	_ =	shalt  }
0x69: {  	_ =	shalt  }
0x6a: {  	_ =	shalt  }
0x6b: {  	_ =	shalt  }
0x6c: {  	_ =	shalt  }
0x6d: {  	_ =	shalt  }
0x6e: {  	_ =	shalt  }
0x6f: {  	_ =	shalt  }
0x70: {  	_ =	shalt  }
0x71: {  	_ =	shalt  }
0x72: {  	_ =	shalt  }
0x73: {  	_ =	shalt  }
0x74: {  	_ =	shalt  }
0x75: {  	_ =	shalt  }
0x76: {  	_ =	shalt  }
0x77: {  	_ =	shalt  }
0x78: {  	_ =	shalt  }
0x79: {  	_ =	shalt  }
0x7a: {  	_ =	shalt  }
0x7b: {  	_ =	shalt  }
0x7c: {  	_ =	shalt  }
0x7d: {  	_ =	shalt  }
0x7e: {  	_ =	shalt  }
0x7f: {  	_ =	shalt  }
0x80: {  	_ =	shalt  }
0x81: {  	_ =	shalt  }
0x82: {  	_ =	shalt  }
0x83: {  	_ =	shalt  }
0x84: {  	_ =	shalt  }
0x85: {  	_ =	shalt  }
0x86: {  	_ =	shalt  }
0x87: {  	_ =	shalt  }
.Lfunc_end0:
.L_simem_size_0:
called_computation.2_lowered:
.L_overlay_start_0:
0x88: {  	s2 =	sld [smem:$0x3FD9]  }
0x89: {  	s3 =	sld [smem:$0x3FFE];
	_ =	sdelay $0x1  }
0x8a: {  	s1 =	srdreg.scid  }
0x8b: {  	s0 =	sand.u32 $0x1, s1  }
0x8c: {  	s17 =	sshll.u32 s0, $0xA;
	s2 =	sadd.s32 s3, s2  }
0x8d: {  	s2 =	sadd.s32 s2, s17  }
0x8e: {  	[smem:$0x3FC4] =	sst s2  }
0x8f: {  	_ = 	snop  }
0x90: {  	s18 =	sld [smem:$0x3FC9]  }
0x91: {  	s4 =	sld [smem:$0x3FD0];
	(tm) =	ssettm $0x1  }
0x92: {  	s19 =	sld [smem:$0x3FFB];
	_ =	sdelay $0x3  }
0x93: {  	_ =	strace s19  }
0x94: {  	s2 =	sld [smem:$0x3FFC];
	_ =	sdelay $0x3  }
0x95: {  	_ =	strace s2  }
0x96: {  	s2 =	sld [smem:$0x3FFD];
	_ =	sdelay $0x3  }
0x97: {  	_ =	strace s2  }
0x98: {  	_ =	strace $0x8FFFFFFF  }
0x99: {  	s20 =	sld [smem:$0x3FDB];
	_ =	sdelay $0x1  }
0x9a: {  	s5 =	simm.s32 $_scs_section_size  }
0x9b: {  	s6 =	simm.s32 $_size__tile_overlayer_lowered;
	s7 =	simm.s32 $_tile_overlayer_lowered  }
0x9c: {  	s8 =	simm.s32 $0x1BFF;
	s21 =	sshll.u32 s7, $0x1;
	s5 =	sadd.s32 s5, s20  }
0x9d: {  	s22 =	simm.s32 $0x0;
	s6 =	sshll.u32 s6, $0x1;
	s7 =	sadd.s32 s21, s5  }
0x9e: {  	[timem:s22], [sflag:s8] =	dma.local [hbm:s7], s6  }
0x9f: {  	_ =	swait.ge [sflag:s8], s6  }
0xa0: {  	s6 =	ssub.s32 $0x0, s6;
	[sflag:s8] =	ssyncset.done $0x0  }
0xa1: {  	[sflag:s8] =	ssyncadd.s32 s6;
	_ =	sdelay $0x1  }
0xa2: {  	s23 =	simm.s32 $0x1B8B  }
0xa3: {  	_ =	swait.ge [sflag:s23], $0x1  }
0xa4: {  	[sflag:s23] =	ssyncset.done $0x0  }
0xa5: {  	[sflag:s23] =	ssyncadd.s32 $0xFFFFFFFF  }
0xa6: {  	s6 =	sld [smem:$0x0]  }
0xa7: {  	s7 =	sand.u32 $0xFFFFFFFE, s1  }
0xa8: {  	p0 =	sne.s32 s1, s7  }
0xa9: {  	s7 =	sshll.u32 @p0 s7, $0xE  }
0xaa: {  	s7 =	sadd.s32 @p0 $0x11B8D, s7;
	s8 =	sshll.u32 @p0 s6, $0x11  }
0xab: {  	s7 =	sor.u32 @p0 s8, s7  }
0xac: {  	[sflag:s7] =	ssyncadd.remote.s32 @p0 $0x1;
	_ =	sdelay $0x1  }
0xad: {  	s7 =	simm.s32 @p0 $0x1B8D  }
0xae: {  	_ =	swait.eq @p0 [sflag:s7], $0x1  }
0xaf: {  	[sflag:s7] =	ssyncadd.s32 @p0 $0xFFFFFFFF  }
0xb0: {  	s8 =	sshll.u32 @!p0 s1, $0xE  }
0xb1: {  	s8 =	sor.u32 @!p0 $0x4000, s8;
	s7 =	simm.s32 @!p0 $0x1B8D  }
0xb2: {  	s6 =	sshll.u32 @!p0 s6, $0x11;
	s8 =	sadd.s32 @!p0 $0x11B8D, s8;
	_ =	swait.eq @!p0 [sflag:s7], $0x1  }
0xb3: {  	s6 =	sor.u32 @!p0 s6, s8;
	[sflag:s7] =	ssyncadd.s32 @!p0 $0xFFFFFFFF  }
0xb4: {  	s25 =	simm.s32 $0x1B8E;
	s24 =	sld [smem:$0x3FFE];
	[sflag:s6] =	ssyncadd.remote.s32 @!p0 $0x1  }
0xb5: {  	s26 =	simm.s32 $execute0_lowered;
	[smem:$0x3FD2] =	sst s25  }
0xb6: {  	s7 =	sshll.u32 s26, $0x1;
	_ =	strace $0x8000004C;
	[dreg:$0x1] =	wrdreg $0xFFFFFFFF  }
0xb7: {  	s28 =	simm.s32 $_size_execute0_lowered;
	s5 =	sadd.s32 s5, s7;
	[dreg:$0x0] =	wrdreg $0x0  }
0xb8: {  	s7 =	sshll.u32 s28, $0x1;
	[dreg:$0x2] =	wrdreg s5  }
0xb9: {  	[dreg:$0x3] =	wrdreg s7  }
0xba: {  	[dreg:$0x4] =	wrdreg $0xC0  }
0xbb: {  	_ =	task [dreg:s22], $0x5FFFF  }
0xbc: {  	[dreg:$0x1] =	wrdreg $0xFFFFFFFF  }
0xbd: {  	[dreg:$0x0] =	wrdreg $0x60  }
0xbe: {  	[dreg:$0x2] =	wrdreg s4  }
0xbf: {  	[dreg:$0x3] =	wrdreg s18  }
0xc0: {  	[dreg:$0x4] =	wrdreg s24  }
0xc1: {  	[dreg:$0x5] =	wrdreg $0xA  }
0xc2: {  	_ =	task.clear_ibuf [dreg:s22], $0x6FFFF;
	_ =	strace $0x9000004C  }
0xc3: {  	s29 =	simm.s32 $0xA;
	_ =	strace $0x8000004E  }
0xc4: {  	_ =	swait.ge [sflag:s29], $0x1  }
0xc5: {  	[sflag:s29] =	ssyncadd.s32 $0xFFFFFFFF  }
0xc6: {  	_ =	strace $0x9000004E  }
0xc7: {  	_ =	sfence  }
0xc8: {  	s30 =	sld [smem:$0x0];
	_ =	sdelay $0x2  }
0xc9: {  	s31 =	sshll.u32 s1, $0xD;
	s1 =	sshrl.u32 s1, $0x2  }
0xca: {  	s4 =	sand.u32 $0x4000, s31;
	s1 =	sadd.s32 s1, s30  }
0xcb: {  	s0 =	sor.u32 s4, s0;
	s1 =	sshll.u32 s1, $0x11  }
0xcc: {  	s0 =	sor.u32 s1, s0  }
0xcd: {  	s0 =	sadd.s32 $0x8F2B, s0  }
0xce: {  	[sflag:s0] =	ssyncadd.remote.s32 $0x1  }
0xcf: {  	_ =	sfence.sel $0xFFFF  }
0xd0: {  	[dreg:$0x0] =	wrdreg $0xFFFFFFFF;
	(pc) =	sbr.abs _section_cstart, $3  }
0xd1: {  	[dreg:$0x1] =	wrdreg $0xFFFFFFFF  }
0xd2: {  	_ =	task.clear_ibuf [dreg:s22], $0x2FFFF;
	_ =	strace $0x9FFFFFFF  }
0xd3: {  	(tm) =	ssettm $0x7FFFFFFF  }
tec
execute0_lowered:
.L_overlay_start_1:
0x0: {  	(tag) =	ssettag $0x1  }
0x1: {  	s0 =	rddreg [dreg:$0x0]  }
0x2: {  	s1 =	srdreg.scid;
	s2 =	rddreg [dreg:$0x1]  }
0x3: {  	s3 =	stileid.u32;
	s4 =	rddreg [dreg:$0x2];
	s9 =	simm.s32 $0x100  }
0x4: {  	s17 =	simm.s32 $0x1;
	s28 =	simm.s32 $0x2900;
	s29 =	simm.s32 $0x3100  }
0x5: {  	s30 =	simm.s32 $0x3900;
	s31 =	simm.s32 $0x4100;
	s15 =	simm.s32 $0x5100  }
0x6: {  	s8 =	simm.s32 $0x5900;
	s10 =	simm.s32 $0x6100;
	s1 =	sand.u32 $0x1, s1  }
0x7: {  	s11 =	simm.s32 $0x6900;
	s5 =	sshll.u32 s3, $0x9;
	s6 =	sshll.u32 s1, $0x8  }
0x8: {  	s12 =	simm.s32 $0x7100;
	s13 =	simm.s32 $0x7900;
	s5 =	sor.u32 s6, s5  }
0x9: {  	s3 =	simm.s32 $0x0;
	s6 =	sshll.u32 s5, $0x7;
	s5 =	sshrl.u32 s5, $0x3  }
0xa: {  	[smem:$0x7FF] =	sst s3;
	s7 =	sadd.s32 s6, s4;
	s0 =	sadd.s32 s0, s5  }
0xb: {  	_ =	strace $0x8000004D;
	[dreg:$0x4] =	wrdreg s0;
	s18 =	sadd.s32 $0x600, s7  }
0xc: {  	s1 =	ssub.s32 $0x2, s1;
	s19 =	sadd.s32 $0x1600, s7;
	[dreg:$0x5] =	wrdreg s18  }
0xd: {  	s21 =	sshrl.u32 s1, $0x1;
	s20 =	sadd.s32 $0x2600, s7;
	[dreg:$0x6] =	wrdreg s19  }
0xe: {  	s1 =	ssub.s32 s1, s21;
	s22 =	sadd.s32 $0x3600, s7;
	[dreg:$0x7] =	wrdreg s20  }
0xf: {  	s4 =	sadd.s32 $0x100, s2;
	s23 =	sadd.s32 $0x4600, s7;
	[dreg:$0x8] =	wrdreg s22  }
0x10: {  	s5 =	sadd.s32 $0x200, s2;
	s24 =	sadd.s32 $0x5600, s7;
	[dreg:$0x9] =	wrdreg s23  }
0x11: {  	s6 =	sadd.s32 $0x300, s2;
	s25 =	sadd.s32 $0x6600, s7;
	[dreg:$0xa] =	wrdreg s24  }
0x12: {  	s26 =	sadd.s32 $0x7600, s7;
	s7 =	smax.u32 s1, $0x1;
	[dreg:$0xb] =	wrdreg s25  }
0x13: {  	v2 =	vlaneseq.u32;
	[dreg:$0xc] =	wrdreg s26;
	s25 =	simm.s32 $0x8100;
	s18 =	simm.s32 $0x3  }
0x14: {  	vm0 =	vmmov $0xffff;
	v1 =	vshrl.u32 v2, $0x3;
	s19 =	simm.s32 $0x2;
	s20 =	simm.s32 $0x4;
	s22 =	simm.s32 $0x900  }
0x15: {  	v0 =	vand.u32 $0x7, v2;
	v2 =	vor.u32 $0x8, v2;
	v1 =	vmul.u32 $0x8, v1;
	s23 =	simm.s32 $0x1100;
	s24 =	simm.s32 $0x1900;
	s26 =	simm.s32 $0x2100  }
.LBB2_1:
0x16: {  	s21 =	rddreg [dreg:$0x4];
	s14 =	simm.s32 $0x5  }
0x17: {  	[tilespmem:s3], [sflag:$0x5] =	stream.linear.gather [hbm4b:s21+s3], $0x100, $0x38;
	[tilespmem:$0x10100] =	vst v63  }
0x18: {  	_ =	swait.ge [sflag:s14], $0x100  }
0x19: {  	[sflag:s14] =	ssyncset.done $0x0  }
0x1a: {  	[sflag:s14] =	ssyncadd.s32 $0xFFFFFF00  }
0x1b: {  	v3 =	vld [tilespmem:$0x0];
	_ =	sdelay $0x4  }
0x1c: {  	v4 =	vshll.u32 v3, $0x3  }
0x1d: {  	v3 =	vand.u32 $0x7, v3;
	v4 =	vand.u32 $0xFFFFFFC0, v4  }
0x1e: {  	v3 =	vor.u32 v3, v4  }
0x1f: {  	v4 =	vperm.xlane v3, v0;
	_ =	sdelay $0x1  }
0x20: {  	v4 =	vadd.s32 v1, v4;
	_ =	sdelay $0x4  }
0x21: {  	[tilespmem:s9], [sflag:$0x1] =	stream.indirect_vreg.gather [hbm4b:s2+s3], $0x80, v4, vm0, $0xb8;
	[tilespmem:$0x10100] =	vst v63  }
0x22: {  	v3 =	vperm.xlane v3, v2  }
0x23: {  	[tilespmem:s22], [sflag:$0x1] =	stream.indirect_vreg.gather [hbm4b:s4+s3], $0x80, v4, vm0, $0xb8;
	[tilespmem:$0x10100] =	vst v63  }
0x24: {  	v3 =	vadd.s32 v1, v3  }
0x25: {  	[tilespmem:s23], [sflag:$0x1] =	stream.indirect_vreg.gather [hbm4b:s5+s3], $0x80, v4, vm0, $0xb8;
	[tilespmem:$0x10100] =	vst v63  }
0x26: {  	_ = 	snop  }
0x27: {  	[tilespmem:s24], [sflag:$0x1] =	stream.indirect_vreg.gather [hbm4b:s6+s3], $0x80, v4, vm0, $0xb8;
	[tilespmem:$0x10100] =	vst v63  }
0x28: {  	_ = 	snop  }
0x29: {  	[tilespmem:s26], [sflag:$0x1] =	stream.indirect_vreg.gather [hbm4b:s2+s3], $0x80, v3, vm0, $0xb8;
	[tilespmem:$0x10100] =	vst v63  }
0x2a: {  	_ = 	snop  }
0x2b: {  	[tilespmem:s28], [sflag:$0x1] =	stream.indirect_vreg.gather [hbm4b:s4+s3], $0x80, v3, vm0, $0xb8;
	[tilespmem:$0x10100] =	vst v63  }
0x2c: {  	_ = 	snop  }
0x2d: {  	[tilespmem:s29], [sflag:$0x1] =	stream.indirect_vreg.gather [hbm4b:s5+s3], $0x80, v3, vm0, $0xb8;
	[tilespmem:$0x10100] =	vst v63  }
0x2e: {  	_ = 	snop  }
0x2f: {  	[tilespmem:s30], [sflag:$0x1] =	stream.indirect_vreg.gather [hbm4b:s6+s3], $0x80, v3, vm0, $0xb8;
	[tilespmem:$0x10100] =	vst v63  }
0x30: {  	v3 =	vld [tilespmem:$0x10];
	_ =	sdelay $0x4  }
0x31: {  	v49 =	vshll.u32 v3, $0x3  }
0x32: {  	v3 =	vand.u32 $0x7, v3;
	v4 =	vand.u32 $0xFFFFFFC0, v49  }
0x33: {  	v3 =	vor.u32 v3, v4  }
0x34: {  	v4 =	vperm.xlane v3, v0;
	_ =	sdelay $0x1  }
0x35: {  	v4 =	vadd.s32 v1, v4;
	_ =	sdelay $0x4  }
0x36: {  	[tilespmem:s31], [sflag:$0x1] =	stream.indirect_vreg.gather [hbm4b:s2+s3], $0x80, v4, vm0, $0xb8;
	[tilespmem:$0x10100] =	vst v63  }
0x37: {  	s1 =	simm.s32 $0x4900;
	v3 =	vperm.xlane v3, v2  }
0x38: {  	[tilespmem:s1], [sflag:$0x1] =	stream.indirect_vreg.gather [hbm4b:s4+s3], $0x80, v4, vm0, $0xb8;
	[tilespmem:$0x10100] =	vst v63  }
0x39: {  	v3 =	vadd.s32 v1, v3  }
0x3a: {  	[tilespmem:s15], [sflag:$0x1] =	stream.indirect_vreg.gather [hbm4b:s5+s3], $0x80, v4, vm0, $0xb8;
	[tilespmem:$0x10100] =	vst v63  }
0x3b: {  	_ = 	snop  }
0x3c: {  	[tilespmem:s8], [sflag:$0x1] =	stream.indirect_vreg.gather [hbm4b:s6+s3], $0x80, v4, vm0, $0xb8;
	[tilespmem:$0x10100] =	vst v63  }
0x3d: {  	_ = 	snop  }
0x3e: {  	[tilespmem:s10], [sflag:$0x1] =	stream.indirect_vreg.gather [hbm4b:s2+s3], $0x80, v3, vm0, $0xb8;
	[tilespmem:$0x10100] =	vst v63  }
0x3f: {  	_ = 	snop  }
0x40: {  	[tilespmem:s11], [sflag:$0x1] =	stream.indirect_vreg.gather [hbm4b:s4+s3], $0x80, v3, vm0, $0xb8;
	[tilespmem:$0x10100] =	vst v63  }
0x41: {  	_ = 	snop  }
0x42: {  	[tilespmem:s12], [sflag:$0x1] =	stream.indirect_vreg.gather [hbm4b:s5+s3], $0x80, v3, vm0, $0xb8;
	[tilespmem:$0x10100] =	vst v63  }
0x43: {  	_ = 	snop  }
0x44: {  	[tilespmem:s13], [sflag:$0x1] =	stream.indirect_vreg.gather [hbm4b:s6+s3], $0x80, v3, vm0, $0xb8;
	[tilespmem:$0x10100] =	vst v63  }
0x45: {  	v3 =	vld [tilespmem:$0x20];
	_ =	sdelay $0x4  }
0x46: {  	v50 =	vshll.u32 v3, $0x3  }
0x47: {  	v3 =	vand.u32 $0x7, v3;
	v4 =	vand.u32 $0xFFFFFFC0, v50  }
0x48: {  	v3 =	vor.u32 v3, v4  }
0x49: {  	v4 =	vperm.xlane v3, v0;
	_ =	sdelay $0x1  }
0x4a: {  	v4 =	vadd.s32 v1, v4;
	_ =	sdelay $0x4  }
0x4b: {  	[tilespmem:s25], [sflag:$0x2] =	stream.indirect_vreg.gather [hbm4b:s2+s3], $0x80, v4, vm0, $0xb8;
	[tilespmem:$0x10100] =	vst v63  }
0x4c: {  	s14 =	simm.s32 $0x8900;
	v3 =	vperm.xlane v3, v2  }
0x4d: {  	[tilespmem:s14], [sflag:$0x2] =	stream.indirect_vreg.gather [hbm4b:s4+s3], $0x80, v4, vm0, $0xb8;
	[tilespmem:$0x10100] =	vst v63  }
0x4e: {  	s16 =	simm.s32 $0x9100;
	v3 =	vadd.s32 v1, v3  }
0x4f: {  	[tilespmem:s16], [sflag:$0x2] =	stream.indirect_vreg.gather [hbm4b:s5+s3], $0x80, v4, vm0, $0xb8;
	[tilespmem:$0x10100] =	vst v63  }
0x50: {  	s21 =	simm.s32 $0x9900  }
0x51: {  	[tilespmem:s21], [sflag:$0x2] =	stream.indirect_vreg.gather [hbm4b:s6+s3], $0x80, v4, vm0, $0xb8;
	[tilespmem:$0x10100] =	vst v63  }
0x52: {  	s16 =	simm.s32 $0xA100  }
0x53: {  	[tilespmem:s16], [sflag:$0x2] =	stream.indirect_vreg.gather [hbm4b:s2+s3], $0x80, v3, vm0, $0xb8;
	[tilespmem:$0x10100] =	vst v63  }
0x54: {  	s14 =	simm.s32 $0xA900  }
0x55: {  	[tilespmem:s14], [sflag:$0x2] =	stream.indirect_vreg.gather [hbm4b:s4+s3], $0x80, v3, vm0, $0xb8;
	[tilespmem:$0x10100] =	vst v63  }
0x56: {  	s16 =	simm.s32 $0xB100  }
0x57: {  	[tilespmem:s16], [sflag:$0x2] =	stream.indirect_vreg.gather [hbm4b:s5+s3], $0x80, v3, vm0, $0xb8;
	[tilespmem:$0x10100] =	vst v63  }
0x58: {  	s14 =	simm.s32 $0xB900  }
0x59: {  	[tilespmem:s14], [sflag:$0x2] =	stream.indirect_vreg.gather [hbm4b:s6+s3], $0x80, v3, vm0, $0xb8;
	[tilespmem:$0x10100] =	vst v63  }
0x5a: {  	v3 =	vld [tilespmem:$0x30];
	_ =	sdelay $0x4  }
0x5b: {  	v51 =	vshll.u32 v3, $0x3  }
0x5c: {  	v3 =	vand.u32 $0x7, v3;
	v4 =	vand.u32 $0xFFFFFFC0, v51  }
0x5d: {  	v3 =	vor.u32 v3, v4  }
0x5e: {  	v4 =	vperm.xlane v3, v0;
	_ =	sdelay $0x1  }
0x5f: {  	v4 =	vadd.s32 v1, v4;
	_ =	sdelay $0x3  }
0x60: {  	s16 =	simm.s32 $0xC100  }
0x61: {  	[tilespmem:s16], [sflag:$0x2] =	stream.indirect_vreg.gather [hbm4b:s2+s3], $0x80, v4, vm0, $0xb8;
	[tilespmem:$0x10100] =	vst v63  }
0x62: {  	s21 =	simm.s32 $0xC900;
	v3 =	vperm.xlane v3, v2  }
0x63: {  	[tilespmem:s21], [sflag:$0x2] =	stream.indirect_vreg.gather [hbm4b:s4+s3], $0x80, v4, vm0, $0xb8;
	[tilespmem:$0x10100] =	vst v63  }
0x64: {  	v3 =	vadd.s32 v1, v3;
	s21 =	simm.s32 $0xD100  }
0x65: {  	[tilespmem:s21], [sflag:$0x2] =	stream.indirect_vreg.gather [hbm4b:s5+s3], $0x80, v4, vm0, $0xb8;
	[tilespmem:$0x10100] =	vst v63  }
0x66: {  	s21 =	simm.s32 $0xD900  }
0x67: {  	[tilespmem:s21], [sflag:$0x2] =	stream.indirect_vreg.gather [hbm4b:s6+s3], $0x80, v4, vm0, $0xb8;
	[tilespmem:$0x10100] =	vst v63  }
0x68: {  	s21 =	simm.s32 $0xE100  }
0x69: {  	[tilespmem:s21], [sflag:$0x2] =	stream.indirect_vreg.gather [hbm4b:s2+s3], $0x80, v3, vm0, $0xb8;
	[tilespmem:$0x10100] =	vst v63  }
0x6a: {  	s21 =	simm.s32 $0xE900  }
0x6b: {  	[tilespmem:s21], [sflag:$0x2] =	stream.indirect_vreg.gather [hbm4b:s4+s3], $0x80, v3, vm0, $0xb8;
	[tilespmem:$0x10100] =	vst v63  }
0x6c: {  	s21 =	simm.s32 $0xF100  }
0x6d: {  	[tilespmem:s21], [sflag:$0x2] =	stream.indirect_vreg.gather [hbm4b:s5+s3], $0x80, v3, vm0, $0xb8;
	[tilespmem:$0x10100] =	vst v63  }
0x6e: {  	s21 =	simm.s32 $0xF900  }
0x6f: {  	[tilespmem:s21], [sflag:$0x2] =	stream.indirect_vreg.gather [hbm4b:s6+s3], $0x80, v3, vm0, $0xb8;
	[tilespmem:$0x10100] =	vst v63  }
0x70: {  	_ =	swait.ge [sflag:s17], $0x8000  }
0x71: {  	[sflag:s17] =	ssyncset.done $0x0  }
0x72: {  	s21 =	rddreg [dreg:$0x5];
	[sflag:s17] =	ssyncadd.s32 $0xFFFF8000  }
0x73: {  	[hbm4b:s21+s3] =	stream.linear.scatter [tilespmem:s9], [sflag:$0x3], $0x8000, $0x38;
	[tilespmem:$0x10100] =	vst v63  }
0x74: {  	_ =	swait.ge [sflag:s18], $0x8000  }
0x75: {  	[sflag:s18] =	ssyncset.done $0x0  }
0x76: {  	[sflag:s18] =	ssyncadd.s32 $0xFFFF8000  }
0x77: {  	v3 =	vld [tilespmem:$0x40];
	_ =	sdelay $0x4  }
0x78: {  	v52 =	vshll.u32 v3, $0x3  }
0x79: {  	v3 =	vand.u32 $0x7, v3;
	v4 =	vand.u32 $0xFFFFFFC0, v52  }
0x7a: {  	v3 =	vor.u32 v3, v4  }
0x7b: {  	v4 =	vperm.xlane v3, v0;
	_ =	sdelay $0x1  }
0x7c: {  	v4 =	vadd.s32 v1, v4;
	_ =	sdelay $0x4  }
0x7d: {  	[tilespmem:s9], [sflag:$0x1] =	stream.indirect_vreg.gather [hbm4b:s2+s3], $0x80, v4, vm0, $0xb8;
	[tilespmem:$0x10100] =	vst v63  }
0x7e: {  	v3 =	vperm.xlane v3, v2  }
0x7f: {  	[tilespmem:s22], [sflag:$0x1] =	stream.indirect_vreg.gather [hbm4b:s4+s3], $0x80, v4, vm0, $0xb8;
	[tilespmem:$0x10100] =	vst v63  }
0x80: {  	v3 =	vadd.s32 v1, v3  }
0x81: {  	[tilespmem:s23], [sflag:$0x1] =	stream.indirect_vreg.gather [hbm4b:s5+s3], $0x80, v4, vm0, $0xb8;
	[tilespmem:$0x10100] =	vst v63  }
0x82: {  	_ = 	snop  }
0x83: {  	[tilespmem:s24], [sflag:$0x1] =	stream.indirect_vreg.gather [hbm4b:s6+s3], $0x80, v4, vm0, $0xb8;
	[tilespmem:$0x10100] =	vst v63  }
0x84: {  	_ = 	snop  }
0x85: {  	[tilespmem:s26], [sflag:$0x1] =	stream.indirect_vreg.gather [hbm4b:s2+s3], $0x80, v3, vm0, $0xb8;
	[tilespmem:$0x10100] =	vst v63  }
0x86: {  	_ = 	snop  }
0x87: {  	[tilespmem:s28], [sflag:$0x1] =	stream.indirect_vreg.gather [hbm4b:s4+s3], $0x80, v3, vm0, $0xb8;
	[tilespmem:$0x10100] =	vst v63  }
0x88: {  	_ = 	snop  }
0x89: {  	[tilespmem:s29], [sflag:$0x1] =	stream.indirect_vreg.gather [hbm4b:s5+s3], $0x80, v3, vm0, $0xb8;
	[tilespmem:$0x10100] =	vst v63  }
0x8a: {  	_ = 	snop  }
0x8b: {  	[tilespmem:s30], [sflag:$0x1] =	stream.indirect_vreg.gather [hbm4b:s6+s3], $0x80, v3, vm0, $0xb8;
	[tilespmem:$0x10100] =	vst v63  }
0x8c: {  	v3 =	vld [tilespmem:$0x50];
	_ =	sdelay $0x4  }
0x8d: {  	v53 =	vshll.u32 v3, $0x3  }
0x8e: {  	v3 =	vand.u32 $0x7, v3;
	v4 =	vand.u32 $0xFFFFFFC0, v53  }
0x8f: {  	v3 =	vor.u32 v3, v4  }
0x90: {  	v4 =	vperm.xlane v3, v0;
	_ =	sdelay $0x1  }
0x91: {  	v4 =	vadd.s32 v1, v4;
	_ =	sdelay $0x4  }
0x92: {  	[tilespmem:s31], [sflag:$0x1] =	stream.indirect_vreg.gather [hbm4b:s2+s3], $0x80, v4, vm0, $0xb8;
	[tilespmem:$0x10100] =	vst v63  }
0x93: {  	v3 =	vperm.xlane v3, v2  }
0x94: {  	[tilespmem:s1], [sflag:$0x1] =	stream.indirect_vreg.gather [hbm4b:s4+s3], $0x80, v4, vm0, $0xb8;
	[tilespmem:$0x10100] =	vst v63  }
0x95: {  	v3 =	vadd.s32 v1, v3  }
0x96: {  	[tilespmem:s15], [sflag:$0x1] =	stream.indirect_vreg.gather [hbm4b:s5+s3], $0x80, v4, vm0, $0xb8;
	[tilespmem:$0x10100] =	vst v63  }
0x97: {  	_ = 	snop  }
0x98: {  	[tilespmem:s8], [sflag:$0x1] =	stream.indirect_vreg.gather [hbm4b:s6+s3], $0x80, v4, vm0, $0xb8;
	[tilespmem:$0x10100] =	vst v63  }
0x99: {  	_ = 	snop  }
0x9a: {  	[tilespmem:s10], [sflag:$0x1] =	stream.indirect_vreg.gather [hbm4b:s2+s3], $0x80, v3, vm0, $0xb8;
	[tilespmem:$0x10100] =	vst v63  }
0x9b: {  	_ = 	snop  }
0x9c: {  	[tilespmem:s11], [sflag:$0x1] =	stream.indirect_vreg.gather [hbm4b:s4+s3], $0x80, v3, vm0, $0xb8;
	[tilespmem:$0x10100] =	vst v63  }
0x9d: {  	_ = 	snop  }
0x9e: {  	[tilespmem:s12], [sflag:$0x1] =	stream.indirect_vreg.gather [hbm4b:s5+s3], $0x80, v3, vm0, $0xb8;
	[tilespmem:$0x10100] =	vst v63  }
0x9f: {  	_ = 	snop  }
0xa0: {  	[tilespmem:s13], [sflag:$0x1] =	stream.indirect_vreg.gather [hbm4b:s6+s3], $0x80, v3, vm0, $0xb8;
	[tilespmem:$0x10100] =	vst v63  }
0xa1: {  	_ =	swait.ge [sflag:s19], $0x8000  }
0xa2: {  	[sflag:s19] =	ssyncset.done $0x0  }
0xa3: {  	s21 =	rddreg [dreg:$0x6];
	[sflag:s19] =	ssyncadd.s32 $0xFFFF8000  }
0xa4: {  	[hbm4b:s21+s3] =	stream.linear.scatter [tilespmem:s25], [sflag:$0x4], $0x8000, $0x38;
	[tilespmem:$0x10100] =	vst v63  }
0xa5: {  	_ =	swait.ge [sflag:s20], $0x8000  }
0xa6: {  	[sflag:s20] =	ssyncset.done $0x0  }
0xa7: {  	[sflag:s20] =	ssyncadd.s32 $0xFFFF8000  }
0xa8: {  	v3 =	vld [tilespmem:$0x60];
	_ =	sdelay $0x4  }
0xa9: {  	v54 =	vshll.u32 v3, $0x3  }
0xaa: {  	v3 =	vand.u32 $0x7, v3;
	v4 =	vand.u32 $0xFFFFFFC0, v54  }
0xab: {  	v3 =	vor.u32 v3, v4  }
0xac: {  	v4 =	vperm.xlane v3, v0;
	_ =	sdelay $0x1  }
0xad: {  	v4 =	vadd.s32 v1, v4;
	_ =	sdelay $0x4  }
0xae: {  	[tilespmem:s25], [sflag:$0x2] =	stream.indirect_vreg.gather [hbm4b:s2+s3], $0x80, v4, vm0, $0xb8;
	[tilespmem:$0x10100] =	vst v63  }
0xaf: {  	s0 =	simm.s32 $0x8900;
	v3 =	vperm.xlane v3, v2  }
0xb0: {  	[tilespmem:s0], [sflag:$0x2] =	stream.indirect_vreg.gather [hbm4b:s4+s3], $0x80, v4, vm0, $0xb8;
	[tilespmem:$0x10100] =	vst v63  }
0xb1: {  	v3 =	vadd.s32 v1, v3;
	s0 =	simm.s32 $0x9100  }
0xb2: {  	[tilespmem:s0], [sflag:$0x2] =	stream.indirect_vreg.gather [hbm4b:s5+s3], $0x80, v4, vm0, $0xb8;
	[tilespmem:$0x10100] =	vst v63  }
0xb3: {  	s21 =	simm.s32 $0x9900  }
0xb4: {  	[tilespmem:s21], [sflag:$0x2] =	stream.indirect_vreg.gather [hbm4b:s6+s3], $0x80, v4, vm0, $0xb8;
	[tilespmem:$0x10100] =	vst v63  }
0xb5: {  	s21 =	simm.s32 $0xA100  }
0xb6: {  	[tilespmem:s21], [sflag:$0x2] =	stream.indirect_vreg.gather [hbm4b:s2+s3], $0x80, v3, vm0, $0xb8;
	[tilespmem:$0x10100] =	vst v63  }
0xb7: {  	s21 =	simm.s32 $0xA900  }
0xb8: {  	[tilespmem:s21], [sflag:$0x2] =	stream.indirect_vreg.gather [hbm4b:s4+s3], $0x80, v3, vm0, $0xb8;
	[tilespmem:$0x10100] =	vst v63  }
0xb9: {  	s21 =	simm.s32 $0xB100  }
0xba: {  	[tilespmem:s21], [sflag:$0x2] =	stream.indirect_vreg.gather [hbm4b:s5+s3], $0x80, v3, vm0, $0xb8;
	[tilespmem:$0x10100] =	vst v63  }
0xbb: {  	s14 =	simm.s32 $0xB900  }
0xbc: {  	[tilespmem:s14], [sflag:$0x2] =	stream.indirect_vreg.gather [hbm4b:s6+s3], $0x80, v3, vm0, $0xb8;
	[tilespmem:$0x10100] =	vst v63  }
0xbd: {  	v3 =	vld [tilespmem:$0x70];
	_ =	sdelay $0x4  }
0xbe: {  	v55 =	vshll.u32 v3, $0x3  }
0xbf: {  	v3 =	vand.u32 $0x7, v3;
	v4 =	vand.u32 $0xFFFFFFC0, v55  }
0xc0: {  	v3 =	vor.u32 v3, v4  }
0xc1: {  	v4 =	vperm.xlane v3, v0;
	_ =	sdelay $0x1  }
0xc2: {  	v4 =	vadd.s32 v1, v4;
	_ =	sdelay $0x3  }
0xc3: {  	s16 =	simm.s32 $0xC100  }
0xc4: {  	[tilespmem:s16], [sflag:$0x2] =	stream.indirect_vreg.gather [hbm4b:s2+s3], $0x80, v4, vm0, $0xb8;
	[tilespmem:$0x10100] =	vst v63  }
0xc5: {  	s21 =	simm.s32 $0xC900;
	v3 =	vperm.xlane v3, v2  }
0xc6: {  	[tilespmem:s21], [sflag:$0x2] =	stream.indirect_vreg.gather [hbm4b:s4+s3], $0x80, v4, vm0, $0xb8;
	[tilespmem:$0x10100] =	vst v63  }
0xc7: {  	v3 =	vadd.s32 v1, v3;
	s16 =	simm.s32 $0xD100  }
0xc8: {  	[tilespmem:s16], [sflag:$0x2] =	stream.indirect_vreg.gather [hbm4b:s5+s3], $0x80, v4, vm0, $0xb8;
	[tilespmem:$0x10100] =	vst v63  }
0xc9: {  	s21 =	simm.s32 $0xD900  }
0xca: {  	[tilespmem:s21], [sflag:$0x2] =	stream.indirect_vreg.gather [hbm4b:s6+s3], $0x80, v4, vm0, $0xb8;
	[tilespmem:$0x10100] =	vst v63  }
0xcb: {  	s16 =	simm.s32 $0xE100  }
0xcc: {  	[tilespmem:s16], [sflag:$0x2] =	stream.indirect_vreg.gather [hbm4b:s2+s3], $0x80, v3, vm0, $0xb8;
	[tilespmem:$0x10100] =	vst v63  }
0xcd: {  	s21 =	simm.s32 $0xE900  }
0xce: {  	[tilespmem:s21], [sflag:$0x2] =	stream.indirect_vreg.gather [hbm4b:s4+s3], $0x80, v3, vm0, $0xb8;
	[tilespmem:$0x10100] =	vst v63  }
0xcf: {  	s16 =	simm.s32 $0xF100  }
0xd0: {  	[tilespmem:s16], [sflag:$0x2] =	stream.indirect_vreg.gather [hbm4b:s5+s3], $0x80, v3, vm0, $0xb8;
	[tilespmem:$0x10100] =	vst v63  }
0xd1: {  	s21 =	simm.s32 $0xF900  }
0xd2: {  	[tilespmem:s21], [sflag:$0x2] =	stream.indirect_vreg.gather [hbm4b:s6+s3], $0x80, v3, vm0, $0xb8;
	[tilespmem:$0x10100] =	vst v63  }
0xd3: {  	_ =	swait.ge [sflag:s17], $0x8000  }
0xd4: {  	[sflag:s17] =	ssyncset.done $0x0  }
0xd5: {  	s16 =	rddreg [dreg:$0x7];
	[sflag:s17] =	ssyncadd.s32 $0xFFFF8000  }
0xd6: {  	[hbm4b:s16+s3] =	stream.linear.scatter [tilespmem:s9], [sflag:$0x3], $0x8000, $0x38;
	[tilespmem:$0x10100] =	vst v63  }
0xd7: {  	_ =	swait.ge [sflag:s18], $0x8000  }
0xd8: {  	[sflag:s18] =	ssyncset.done $0x0  }
0xd9: {  	[sflag:s18] =	ssyncadd.s32 $0xFFFF8000  }
0xda: {  	v3 =	vld [tilespmem:$0x80];
	_ =	sdelay $0x4  }
0xdb: {  	v56 =	vshll.u32 v3, $0x3  }
0xdc: {  	v3 =	vand.u32 $0x7, v3;
	v4 =	vand.u32 $0xFFFFFFC0, v56  }
0xdd: {  	v3 =	vor.u32 v3, v4  }
0xde: {  	v4 =	vperm.xlane v3, v0;
	_ =	sdelay $0x1  }
0xdf: {  	v4 =	vadd.s32 v1, v4;
	_ =	sdelay $0x4  }
0xe0: {  	[tilespmem:s9], [sflag:$0x1] =	stream.indirect_vreg.gather [hbm4b:s2+s3], $0x80, v4, vm0, $0xb8;
	[tilespmem:$0x10100] =	vst v63  }
0xe1: {  	v3 =	vperm.xlane v3, v2  }
0xe2: {  	[tilespmem:s22], [sflag:$0x1] =	stream.indirect_vreg.gather [hbm4b:s4+s3], $0x80, v4, vm0, $0xb8;
	[tilespmem:$0x10100] =	vst v63  }
0xe3: {  	v3 =	vadd.s32 v1, v3  }
0xe4: {  	[tilespmem:s23], [sflag:$0x1] =	stream.indirect_vreg.gather [hbm4b:s5+s3], $0x80, v4, vm0, $0xb8;
	[tilespmem:$0x10100] =	vst v63  }
0xe5: {  	_ = 	snop  }
0xe6: {  	[tilespmem:s24], [sflag:$0x1] =	stream.indirect_vreg.gather [hbm4b:s6+s3], $0x80, v4, vm0, $0xb8;
	[tilespmem:$0x10100] =	vst v63  }
0xe7: {  	_ = 	snop  }
0xe8: {  	[tilespmem:s26], [sflag:$0x1] =	stream.indirect_vreg.gather [hbm4b:s2+s3], $0x80, v3, vm0, $0xb8;
	[tilespmem:$0x10100] =	vst v63  }
0xe9: {  	_ = 	snop  }
0xea: {  	[tilespmem:s28], [sflag:$0x1] =	stream.indirect_vreg.gather [hbm4b:s4+s3], $0x80, v3, vm0, $0xb8;
	[tilespmem:$0x10100] =	vst v63  }
0xeb: {  	_ = 	snop  }
0xec: {  	[tilespmem:s29], [sflag:$0x1] =	stream.indirect_vreg.gather [hbm4b:s5+s3], $0x80, v3, vm0, $0xb8;
	[tilespmem:$0x10100] =	vst v63  }
0xed: {  	_ = 	snop  }
0xee: {  	[tilespmem:s30], [sflag:$0x1] =	stream.indirect_vreg.gather [hbm4b:s6+s3], $0x80, v3, vm0, $0xb8;
	[tilespmem:$0x10100] =	vst v63  }
0xef: {  	v3 =	vld [tilespmem:$0x90];
	_ =	sdelay $0x4  }
0xf0: {  	v57 =	vshll.u32 v3, $0x3  }
0xf1: {  	v3 =	vand.u32 $0x7, v3;
	v4 =	vand.u32 $0xFFFFFFC0, v57  }
0xf2: {  	v3 =	vor.u32 v3, v4  }
0xf3: {  	v4 =	vperm.xlane v3, v0;
	_ =	sdelay $0x1  }
0xf4: {  	v4 =	vadd.s32 v1, v4;
	_ =	sdelay $0x4  }
0xf5: {  	[tilespmem:s31], [sflag:$0x1] =	stream.indirect_vreg.gather [hbm4b:s2+s3], $0x80, v4, vm0, $0xb8;
	[tilespmem:$0x10100] =	vst v63  }
0xf6: {  	v3 =	vperm.xlane v3, v2  }
0xf7: {  	[tilespmem:s1], [sflag:$0x1] =	stream.indirect_vreg.gather [hbm4b:s4+s3], $0x80, v4, vm0, $0xb8;
	[tilespmem:$0x10100] =	vst v63  }
0xf8: {  	v3 =	vadd.s32 v1, v3  }
0xf9: {  	[tilespmem:s15], [sflag:$0x1] =	stream.indirect_vreg.gather [hbm4b:s5+s3], $0x80, v4, vm0, $0xb8;
	[tilespmem:$0x10100] =	vst v63  }
0xfa: {  	_ = 	snop  }
0xfb: {  	[tilespmem:s8], [sflag:$0x1] =	stream.indirect_vreg.gather [hbm4b:s6+s3], $0x80, v4, vm0, $0xb8;
	[tilespmem:$0x10100] =	vst v63  }
0xfc: {  	_ = 	snop  }
0xfd: {  	[tilespmem:s10], [sflag:$0x1] =	stream.indirect_vreg.gather [hbm4b:s2+s3], $0x80, v3, vm0, $0xb8;
	[tilespmem:$0x10100] =	vst v63  }
0xfe: {  	_ = 	snop  }
0xff: {  	[tilespmem:s11], [sflag:$0x1] =	stream.indirect_vreg.gather [hbm4b:s4+s3], $0x80, v3, vm0, $0xb8;
	[tilespmem:$0x10100] =	vst v63  }
0x100: {  	_ = 	snop  }
0x101: {  	[tilespmem:s12], [sflag:$0x1] =	stream.indirect_vreg.gather [hbm4b:s5+s3], $0x80, v3, vm0, $0xb8;
	[tilespmem:$0x10100] =	vst v63  }
0x102: {  	_ = 	snop  }
0x103: {  	[tilespmem:s13], [sflag:$0x1] =	stream.indirect_vreg.gather [hbm4b:s6+s3], $0x80, v3, vm0, $0xb8;
	[tilespmem:$0x10100] =	vst v63  }
0x104: {  	_ =	swait.ge [sflag:s19], $0x8000  }
0x105: {  	[sflag:s19] =	ssyncset.done $0x0  }
0x106: {  	s14 =	rddreg [dreg:$0x8];
	[sflag:s19] =	ssyncadd.s32 $0xFFFF8000  }
0x107: {  	[hbm4b:s14+s3] =	stream.linear.scatter [tilespmem:s25], [sflag:$0x4], $0x8000, $0x38;
	[tilespmem:$0x10100] =	vst v63  }
0x108: {  	_ =	swait.ge [sflag:s20], $0x8000  }
0x109: {  	[sflag:s20] =	ssyncset.done $0x0  }
0x10a: {  	[sflag:s20] =	ssyncadd.s32 $0xFFFF8000  }
0x10b: {  	v3 =	vld [tilespmem:$0xA0];
	_ =	sdelay $0x4  }
0x10c: {  	v58 =	vshll.u32 v3, $0x3  }
0x10d: {  	v3 =	vand.u32 $0x7, v3;
	v4 =	vand.u32 $0xFFFFFFC0, v58  }
0x10e: {  	v3 =	vor.u32 v3, v4  }
0x10f: {  	v4 =	vperm.xlane v3, v0;
	_ =	sdelay $0x1  }
0x110: {  	v4 =	vadd.s32 v1, v4;
	_ =	sdelay $0x4  }
0x111: {  	[tilespmem:s25], [sflag:$0x2] =	stream.indirect_vreg.gather [hbm4b:s2+s3], $0x80, v4, vm0, $0xb8;
	[tilespmem:$0x10100] =	vst v63  }
0x112: {  	s16 =	simm.s32 $0x8900;
	v3 =	vperm.xlane v3, v2  }
0x113: {  	[tilespmem:s16], [sflag:$0x2] =	stream.indirect_vreg.gather [hbm4b:s4+s3], $0x80, v4, vm0, $0xb8;
	[tilespmem:$0x10100] =	vst v63  }
0x114: {  	v3 =	vadd.s32 v1, v3  }
0x115: {  	[tilespmem:s0], [sflag:$0x2] =	stream.indirect_vreg.gather [hbm4b:s5+s3], $0x80, v4, vm0, $0xb8;
	[tilespmem:$0x10100] =	vst v63  }
0x116: {  	s21 =	simm.s32 $0x9900  }
0x117: {  	[tilespmem:s21], [sflag:$0x2] =	stream.indirect_vreg.gather [hbm4b:s6+s3], $0x80, v4, vm0, $0xb8;
	[tilespmem:$0x10100] =	vst v63  }
0x118: {  	s16 =	simm.s32 $0xA100  }
0x119: {  	[tilespmem:s16], [sflag:$0x2] =	stream.indirect_vreg.gather [hbm4b:s2+s3], $0x80, v3, vm0, $0xb8;
	[tilespmem:$0x10100] =	vst v63  }
0x11a: {  	s21 =	simm.s32 $0xA900  }
0x11b: {  	[tilespmem:s21], [sflag:$0x2] =	stream.indirect_vreg.gather [hbm4b:s4+s3], $0x80, v3, vm0, $0xb8;
	[tilespmem:$0x10100] =	vst v63  }
0x11c: {  	s21 =	simm.s32 $0xB100  }
0x11d: {  	[tilespmem:s21], [sflag:$0x2] =	stream.indirect_vreg.gather [hbm4b:s5+s3], $0x80, v3, vm0, $0xb8;
	[tilespmem:$0x10100] =	vst v63  }
0x11e: {  	s21 =	simm.s32 $0xB900  }
0x11f: {  	[tilespmem:s21], [sflag:$0x2] =	stream.indirect_vreg.gather [hbm4b:s6+s3], $0x80, v3, vm0, $0xb8;
	[tilespmem:$0x10100] =	vst v63  }
0x120: {  	v3 =	vld [tilespmem:$0xB0];
	_ =	sdelay $0x4  }
0x121: {  	v59 =	vshll.u32 v3, $0x3  }
0x122: {  	v3 =	vand.u32 $0x7, v3;
	v4 =	vand.u32 $0xFFFFFFC0, v59  }
0x123: {  	v3 =	vor.u32 v3, v4  }
0x124: {  	v4 =	vperm.xlane v3, v0;
	_ =	sdelay $0x1  }
0x125: {  	v4 =	vadd.s32 v1, v4;
	_ =	sdelay $0x3  }
0x126: {  	s21 =	simm.s32 $0xC100  }
0x127: {  	[tilespmem:s21], [sflag:$0x2] =	stream.indirect_vreg.gather [hbm4b:s2+s3], $0x80, v4, vm0, $0xb8;
	[tilespmem:$0x10100] =	vst v63  }
0x128: {  	v3 =	vperm.xlane v3, v2;
	s21 =	simm.s32 $0xC900  }
0x129: {  	[tilespmem:s21], [sflag:$0x2] =	stream.indirect_vreg.gather [hbm4b:s4+s3], $0x80, v4, vm0, $0xb8;
	[tilespmem:$0x10100] =	vst v63  }
0x12a: {  	v3 =	vadd.s32 v1, v3;
	s21 =	simm.s32 $0xD100  }
0x12b: {  	[tilespmem:s21], [sflag:$0x2] =	stream.indirect_vreg.gather [hbm4b:s5+s3], $0x80, v4, vm0, $0xb8;
	[tilespmem:$0x10100] =	vst v63  }
0x12c: {  	s21 =	simm.s32 $0xD900  }
0x12d: {  	[tilespmem:s21], [sflag:$0x2] =	stream.indirect_vreg.gather [hbm4b:s6+s3], $0x80, v4, vm0, $0xb8;
	[tilespmem:$0x10100] =	vst v63  }
0x12e: {  	s21 =	simm.s32 $0xE100  }
0x12f: {  	[tilespmem:s21], [sflag:$0x2] =	stream.indirect_vreg.gather [hbm4b:s2+s3], $0x80, v3, vm0, $0xb8;
	[tilespmem:$0x10100] =	vst v63  }
0x130: {  	s21 =	simm.s32 $0xE900  }
0x131: {  	[tilespmem:s21], [sflag:$0x2] =	stream.indirect_vreg.gather [hbm4b:s4+s3], $0x80, v3, vm0, $0xb8;
	[tilespmem:$0x10100] =	vst v63  }
0x132: {  	s21 =	simm.s32 $0xF100  }
0x133: {  	[tilespmem:s21], [sflag:$0x2] =	stream.indirect_vreg.gather [hbm4b:s5+s3], $0x80, v3, vm0, $0xb8;
	[tilespmem:$0x10100] =	vst v63  }
0x134: {  	s21 =	simm.s32 $0xF900  }
0x135: {  	[tilespmem:s21], [sflag:$0x2] =	stream.indirect_vreg.gather [hbm4b:s6+s3], $0x80, v3, vm0, $0xb8;
	[tilespmem:$0x10100] =	vst v63  }
0x136: {  	_ =	swait.ge [sflag:s17], $0x8000  }
0x137: {  	[sflag:s17] =	ssyncset.done $0x0  }
0x138: {  	s21 =	rddreg [dreg:$0x9];
	[sflag:s17] =	ssyncadd.s32 $0xFFFF8000  }
0x139: {  	[hbm4b:s21+s3] =	stream.linear.scatter [tilespmem:s9], [sflag:$0x3], $0x8000, $0x38;
	[tilespmem:$0x10100] =	vst v63  }
0x13a: {  	_ =	swait.ge [sflag:s18], $0x8000  }
0x13b: {  	[sflag:s18] =	ssyncset.done $0x0  }
0x13c: {  	[sflag:s18] =	ssyncadd.s32 $0xFFFF8000  }
0x13d: {  	v3 =	vld [tilespmem:$0xC0];
	_ =	sdelay $0x4  }
0x13e: {  	v60 =	vshll.u32 v3, $0x3  }
0x13f: {  	v3 =	vand.u32 $0x7, v3;
	v4 =	vand.u32 $0xFFFFFFC0, v60  }
0x140: {  	v3 =	vor.u32 v3, v4  }
0x141: {  	v4 =	vperm.xlane v3, v0;
	_ =	sdelay $0x1  }
0x142: {  	v4 =	vadd.s32 v1, v4;
	_ =	sdelay $0x4  }
0x143: {  	[tilespmem:s9], [sflag:$0x1] =	stream.indirect_vreg.gather [hbm4b:s2+s3], $0x80, v4, vm0, $0xb8;
	[tilespmem:$0x10100] =	vst v63  }
0x144: {  	v3 =	vperm.xlane v3, v2  }
0x145: {  	[tilespmem:s22], [sflag:$0x1] =	stream.indirect_vreg.gather [hbm4b:s4+s3], $0x80, v4, vm0, $0xb8;
	[tilespmem:$0x10100] =	vst v63  }
0x146: {  	v3 =	vadd.s32 v1, v3  }
0x147: {  	[tilespmem:s23], [sflag:$0x1] =	stream.indirect_vreg.gather [hbm4b:s5+s3], $0x80, v4, vm0, $0xb8;
	[tilespmem:$0x10100] =	vst v63  }
0x148: {  	_ = 	snop  }
0x149: {  	[tilespmem:s24], [sflag:$0x1] =	stream.indirect_vreg.gather [hbm4b:s6+s3], $0x80, v4, vm0, $0xb8;
	[tilespmem:$0x10100] =	vst v63  }
0x14a: {  	_ = 	snop  }
0x14b: {  	[tilespmem:s26], [sflag:$0x1] =	stream.indirect_vreg.gather [hbm4b:s2+s3], $0x80, v3, vm0, $0xb8;
	[tilespmem:$0x10100] =	vst v63  }
0x14c: {  	_ = 	snop  }
0x14d: {  	[tilespmem:s28], [sflag:$0x1] =	stream.indirect_vreg.gather [hbm4b:s4+s3], $0x80, v3, vm0, $0xb8;
	[tilespmem:$0x10100] =	vst v63  }
0x14e: {  	_ = 	snop  }
0x14f: {  	[tilespmem:s29], [sflag:$0x1] =	stream.indirect_vreg.gather [hbm4b:s5+s3], $0x80, v3, vm0, $0xb8;
	[tilespmem:$0x10100] =	vst v63  }
0x150: {  	_ = 	snop  }
0x151: {  	[tilespmem:s30], [sflag:$0x1] =	stream.indirect_vreg.gather [hbm4b:s6+s3], $0x80, v3, vm0, $0xb8;
	[tilespmem:$0x10100] =	vst v63  }
0x152: {  	v3 =	vld [tilespmem:$0xD0];
	_ =	sdelay $0x4  }
0x153: {  	v61 =	vshll.u32 v3, $0x3  }
0x154: {  	v3 =	vand.u32 $0x7, v3;
	v4 =	vand.u32 $0xFFFFFFC0, v61  }
0x155: {  	v3 =	vor.u32 v3, v4  }
0x156: {  	v4 =	vperm.xlane v3, v0;
	_ =	sdelay $0x1  }
0x157: {  	v4 =	vadd.s32 v1, v4;
	_ =	sdelay $0x4  }
0x158: {  	[tilespmem:s31], [sflag:$0x1] =	stream.indirect_vreg.gather [hbm4b:s2+s3], $0x80, v4, vm0, $0xb8;
	[tilespmem:$0x10100] =	vst v63  }
0x159: {  	v3 =	vperm.xlane v3, v2  }
0x15a: {  	[tilespmem:s1], [sflag:$0x1] =	stream.indirect_vreg.gather [hbm4b:s4+s3], $0x80, v4, vm0, $0xb8;
	[tilespmem:$0x10100] =	vst v63  }
0x15b: {  	v3 =	vadd.s32 v1, v3  }
0x15c: {  	[tilespmem:s15], [sflag:$0x1] =	stream.indirect_vreg.gather [hbm4b:s5+s3], $0x80, v4, vm0, $0xb8;
	[tilespmem:$0x10100] =	vst v63  }
0x15d: {  	_ = 	snop  }
0x15e: {  	[tilespmem:s8], [sflag:$0x1] =	stream.indirect_vreg.gather [hbm4b:s6+s3], $0x80, v4, vm0, $0xb8;
	[tilespmem:$0x10100] =	vst v63  }
0x15f: {  	_ = 	snop  }
0x160: {  	[tilespmem:s10], [sflag:$0x1] =	stream.indirect_vreg.gather [hbm4b:s2+s3], $0x80, v3, vm0, $0xb8;
	[tilespmem:$0x10100] =	vst v63  }
0x161: {  	_ = 	snop  }
0x162: {  	[tilespmem:s11], [sflag:$0x1] =	stream.indirect_vreg.gather [hbm4b:s4+s3], $0x80, v3, vm0, $0xb8;
	[tilespmem:$0x10100] =	vst v63  }
0x163: {  	_ = 	snop  }
0x164: {  	[tilespmem:s12], [sflag:$0x1] =	stream.indirect_vreg.gather [hbm4b:s5+s3], $0x80, v3, vm0, $0xb8;
	[tilespmem:$0x10100] =	vst v63  }
0x165: {  	_ = 	snop  }
0x166: {  	[tilespmem:s13], [sflag:$0x1] =	stream.indirect_vreg.gather [hbm4b:s6+s3], $0x80, v3, vm0, $0xb8;
	[tilespmem:$0x10100] =	vst v63  }
0x167: {  	_ =	swait.ge [sflag:s19], $0x8000  }
0x168: {  	[sflag:s19] =	ssyncset.done $0x0  }
0x169: {  	s1 =	rddreg [dreg:$0xa];
	[sflag:s19] =	ssyncadd.s32 $0xFFFF8000  }
0x16a: {  	[hbm4b:s1+s3] =	stream.linear.scatter [tilespmem:s25], [sflag:$0x4], $0x8000, $0x38;
	[tilespmem:$0x10100] =	vst v63  }
0x16b: {  	_ =	swait.ge [sflag:s20], $0x8000  }
0x16c: {  	[sflag:s20] =	ssyncset.done $0x0  }
0x16d: {  	[sflag:s20] =	ssyncadd.s32 $0xFFFF8000  }
0x16e: {  	v3 =	vld [tilespmem:$0xE0];
	_ =	sdelay $0x4  }
0x16f: {  	v62 =	vshll.u32 v3, $0x3  }
0x170: {  	v3 =	vand.u32 $0x7, v3;
	v4 =	vand.u32 $0xFFFFFFC0, v62  }
0x171: {  	v3 =	vor.u32 v3, v4  }
0x172: {  	v4 =	vperm.xlane v3, v0;
	_ =	sdelay $0x1  }
0x173: {  	v4 =	vadd.s32 v1, v4;
	_ =	sdelay $0x4  }
0x174: {  	[tilespmem:s25], [sflag:$0x2] =	stream.indirect_vreg.gather [hbm4b:s2+s3], $0x80, v4, vm0, $0xb8;
	[tilespmem:$0x10100] =	vst v63  }
0x175: {  	s21 =	simm.s32 $0x8900;
	v3 =	vperm.xlane v3, v2  }
0x176: {  	[tilespmem:s21], [sflag:$0x2] =	stream.indirect_vreg.gather [hbm4b:s4+s3], $0x80, v4, vm0, $0xb8;
	[tilespmem:$0x10100] =	vst v63  }
0x177: {  	s0 =	simm.s32 $0x9100;
	v3 =	vadd.s32 v1, v3  }
0x178: {  	[tilespmem:s0], [sflag:$0x2] =	stream.indirect_vreg.gather [hbm4b:s5+s3], $0x80, v4, vm0, $0xb8;
	[tilespmem:$0x10100] =	vst v63  }
0x179: {  	s1 =	simm.s32 $0x9900  }
0x17a: {  	[tilespmem:s1], [sflag:$0x2] =	stream.indirect_vreg.gather [hbm4b:s6+s3], $0x80, v4, vm0, $0xb8;
	[tilespmem:$0x10100] =	vst v63  }
0x17b: {  	s14 =	simm.s32 $0xA100  }
0x17c: {  	[tilespmem:s14], [sflag:$0x2] =	stream.indirect_vreg.gather [hbm4b:s2+s3], $0x80, v3, vm0, $0xb8;
	[tilespmem:$0x10100] =	vst v63  }
0x17d: {  	s16 =	simm.s32 $0xA900  }
0x17e: {  	[tilespmem:s16], [sflag:$0x2] =	stream.indirect_vreg.gather [hbm4b:s4+s3], $0x80, v3, vm0, $0xb8;
	[tilespmem:$0x10100] =	vst v63  }
0x17f: {  	s21 =	simm.s32 $0xB100  }
0x180: {  	[tilespmem:s21], [sflag:$0x2] =	stream.indirect_vreg.gather [hbm4b:s5+s3], $0x80, v3, vm0, $0xb8;
	[tilespmem:$0x10100] =	vst v63  }
0x181: {  	s1 =	simm.s32 $0xB900  }
0x182: {  	[tilespmem:s1], [sflag:$0x2] =	stream.indirect_vreg.gather [hbm4b:s6+s3], $0x80, v3, vm0, $0xb8;
	[tilespmem:$0x10100] =	vst v63  }
0x183: {  	v3 =	vld [tilespmem:$0xF0];
	_ =	sdelay $0x4  }
0x184: {  	v63 =	vshll.u32 v3, $0x3  }
0x185: {  	v3 =	vand.u32 $0x7, v3;
	v4 =	vand.u32 $0xFFFFFFC0, v63  }
0x186: {  	v3 =	vor.u32 v3, v4  }
0x187: {  	v4 =	vperm.xlane v3, v0;
	_ =	sdelay $0x1  }
0x188: {  	v4 =	vadd.s32 v1, v4;
	_ =	sdelay $0x3  }
0x189: {  	s14 =	simm.s32 $0xC100  }
0x18a: {  	[tilespmem:s14], [sflag:$0x2] =	stream.indirect_vreg.gather [hbm4b:s2+s3], $0x80, v4, vm0, $0xb8;
	[tilespmem:$0x10100] =	vst v63  }
0x18b: {  	s16 =	simm.s32 $0xC900;
	v3 =	vperm.xlane v3, v2  }
0x18c: {  	[tilespmem:s16], [sflag:$0x2] =	stream.indirect_vreg.gather [hbm4b:s4+s3], $0x80, v4, vm0, $0xb8;
	[tilespmem:$0x10100] =	vst v63  }
0x18d: {  	s21 =	simm.s32 $0xD100;
	v3 =	vadd.s32 v1, v3  }
0x18e: {  	[tilespmem:s21], [sflag:$0x2] =	stream.indirect_vreg.gather [hbm4b:s5+s3], $0x80, v4, vm0, $0xb8;
	[tilespmem:$0x10100] =	vst v63  }
0x18f: {  	s1 =	simm.s32 $0xD900  }
0x190: {  	[tilespmem:s1], [sflag:$0x2] =	stream.indirect_vreg.gather [hbm4b:s6+s3], $0x80, v4, vm0, $0xb8;
	[tilespmem:$0x10100] =	vst v63  }
0x191: {  	s14 =	simm.s32 $0xE100  }
0x192: {  	[tilespmem:s14], [sflag:$0x2] =	stream.indirect_vreg.gather [hbm4b:s2+s3], $0x80, v3, vm0, $0xb8;
	[tilespmem:$0x10100] =	vst v63  }
0x193: {  	s16 =	simm.s32 $0xE900  }
0x194: {  	[tilespmem:s16], [sflag:$0x2] =	stream.indirect_vreg.gather [hbm4b:s4+s3], $0x80, v3, vm0, $0xb8;
	[tilespmem:$0x10100] =	vst v63  }
0x195: {  	s21 =	simm.s32 $0xF100  }
0x196: {  	[tilespmem:s21], [sflag:$0x2] =	stream.indirect_vreg.gather [hbm4b:s5+s3], $0x80, v3, vm0, $0xb8;
	[tilespmem:$0x10100] =	vst v63  }
0x197: {  	s1 =	simm.s32 $0xF900  }
0x198: {  	[tilespmem:s1], [sflag:$0x2] =	stream.indirect_vreg.gather [hbm4b:s6+s3], $0x80, v3, vm0, $0xb8;
	[tilespmem:$0x10100] =	vst v63  }
0x199: {  	_ =	swait.ge [sflag:s17], $0x8000  }
0x19a: {  	[sflag:s17] =	ssyncset.done $0x0  }
0x19b: {  	s14 =	rddreg [dreg:$0xb];
	[sflag:s17] =	ssyncadd.s32 $0xFFFF8000  }
0x19c: {  	[hbm4b:s14+s3] =	stream.linear.scatter [tilespmem:s9], [sflag:$0x3], $0x8000, $0x38;
	[tilespmem:$0x10100] =	vst v63  }
0x19d: {  	_ =	swait.ge [sflag:s19], $0x8000  }
0x19e: {  	[sflag:s19] =	ssyncset.done $0x0  }
0x19f: {  	s16 =	rddreg [dreg:$0xc];
	[sflag:s19] =	ssyncadd.s32 $0xFFFF8000  }
0x1a0: {  	[hbm4b:s16+s3] =	stream.linear.scatter [tilespmem:s25], [sflag:$0x4], $0x8000, $0x38;
	[tilespmem:$0x10100] =	vst v63  }
0x1a1: {  	p0 =	sne.s32 s7, $0x1;
	_ =	swait.ge [sflag:s18], $0x8000  }
.Ltmp0:
0x1a2: {  	[sflag:s18] =	ssyncset.done $0x0;
	(pc) =	sbr.rel @p0 .LBB2_1-.Ltmp0, $4  }
0x1a3: {  	[sflag:s18] =	ssyncadd.s32 $0xFFFF8000  }
0x1a4: {  	_ =	swait.ge [sflag:s20], $0x8000  }
0x1a5: {  	[sflag:s20] =	ssyncset.done $0x0  }
0x1a6: {  	s7 =	sadd.s32 $0xFFFFFFFF, s7;
	[sflag:s20] =	ssyncadd.s32 $0xFFFF8000  }
0x1a7: {  	_ =	sfence.sel $0x180000  }
0x1a8: {  	[bflag:$0x0] =	sbarrier.arrive $0xFFFF  }
0x1a9: {  	_ =	strace $0x9000004D  }
0x1aa: {  	s0 =	stileid.u32;
	[bflag:$0x2] =	sbarrier.arrive $0xFFFF  }
0x1ab: {  	p0 =	sne.s32 s0, $0x0;
	s0 =	rddreg [dreg:$0x3]  }
0x1ac: {  	s0 =	sadd.s32 @!p0 $0x100000, s0  }
0x1ad: {  	[sflag:s0] =	ssyncadd.tile.s32 @!p0 $0x1;
	_ =	shalt  }
.Lfunc_end2:
_tile_overlayer_lowered:
.L_overlay_start_2:
0x1ae: {  	(tag) =	ssettag $0x2  }
0x1af: {  	s0 =	rddreg [dreg:$0x0];
	s2 =	stileid.u32  }
0x1b0: {  	s1 =	rddreg [dreg:$0x1];
	p0 =	sne.s32 s2, $0x0  }
0x1b1: {  	s3 =	rddreg [dreg:$0x2];
	[bflag:$0x3] =	sbarrier.arrive $0xFFFF;
	s2 =	simm.s32 @!p0 $0x1C05  }
0x1b2: {  	[timem:s3], [sflag:s2] =	dma.local @!p0 [hbm:s0], s1  }
0x1b3: {  	s0 =	simm.s32 @!p0 $0x5  }
0x1b4: {  	_ =	swait.ge @!p0 [sflag:s0], s1  }
0x1b5: {  	s1 =	ssub.s32 @!p0 $0x0, s1;
	[sflag:s0] =	ssyncset.done @!p0 $0x0  }
0x1b6: {  	[sflag:s0] =	ssyncadd.s32 @!p0 s1  }
0x1b7: {  	[bflag:$0x3] =	sbarrier.arrive $0xFFFF  }
0x1b8: {  	_ =	shalt  }

// kernel: kernel.9.cloned.1.call-start
scs
__scs_entry_jumppad:
0x0: {  	(pc) =	sbr.rel $0x88, $3  }
0x1: {  	(tag) =	ssettag $0x0;
	lr =	simm.s32 $0x1  }
0x2: {  	[smem:$0x3F9D] =	sst lr;
	_ =	strace $0xD0000000  }
0x3: {  	_ = 	snop  }
0x4: {  	_ = 	snop  }
0x5: {  	_ = 	snop  }
0x6: {  	_ = 	snop  }
0x7: {  	_ = 	snop  }
__scs_overlays_trampoline_lowered:
0x8: {  	[smem:$0x3FAC] =	sst s0  }
0x9: {  	[smem:$0x3FAD] =	sst s1  }
0xa: {  	[smem:$0x3FAE] =	sst s2  }
0xb: {  	[smem:$0x3FAF] =	sst s3  }
0xc: {  	[smem:$0x3FB0] =	sst s4  }
0xd: {  	[smem:$0x3FB1] =	sst s5  }
0xe: {  	[smem:$0x3FB2] =	sst s6  }
0xf: {  	[smem:$0x3FB3] =	sst s7  }
0x10: {  	[smem:$0x3FB4] =	sst s8  }
0x11: {  	[smem:$0x3FB5] =	sst s9;
	s0 =	simm.s32 @!p0 $0x0  }
0x12: {  	s1 =	sld [smem:$0x3F9B];
	s0 =	simm.s32 @p0 $0x1  }
0x13: {  	[smem:$0x3FB6] =	sst s0;
	s0 =	simm.s32 @!p1 $0x0  }
0x14: {  	s2 =	sld [smem:$0x3F9A];
	s0 =	simm.s32 @p1 $0x1  }
0x15: {  	[smem:$0x3FB7] =	sst s0;
	s0 =	simm.s32 @!p2 $0x0  }
0x16: {  	s3 =	sld [smem:$0x3FDB];
	s0 =	simm.s32 @p2 $0x1  }
0x17: {  	s4 =	simm.s32 $0x1BF5;
	[smem:$0x3FB9] =	sst s0  }
0x18: {  	s0 =	sld [smem:$0x3F9C];
	_ =	swait.ge [sflag:s4], $0x0  }
0x19: {  	s7 =	sld [smem:$0x3F9D]  }
0x1a: {  	s8 =	sadd.s32 $0xFFFFE003, lr  }
0x1b: {  	s9 =	sadd.s32 $0xFFFFFEF7, lr;
	s5 =	simm.s32 $0xFFFFFFFF;
	p2 =	slt.u32 s8, $0xFFFFF086  }
0x1c: {  	p1 =	slt.u32 s9, $0xF7A;
	s5 =	simm.s32 @!p2 $0x0  }
0x1d: {  	s5 =	simm.s32 @p1 $0x1;
	p0 =	seq.s32 s7, s2  }
0x1e: {  	s7 =	smul.u32 @!p0 $0xF7A, s2;
	p2 =	seq.s32 @!p0 s5, $0x0  }
0x1f: {  	s9 =	smul.u32 $0xF7A, s1;
	s8 =	simm.s32 @!p0 $0x1BF5;
	p2 =	por !p2, p0  }
0x20: {  	[sflag:s8] =	ssyncset.s32 @!p0 $0xFFFFF086;
	s6 =	sadd.s32 @!p0 s3, s7;
	s7 =	simm.s32 @!p0 $0x108  }
0x21: {  	s3 =	sadd.s32 s3, s9;
	s6 =	sadd.s32 @!p0 $0x88, s6;
	s7 =	simm.s32 @p2 $0x1082  }
0x22: {  	[simem:s7], [sflag:s8] =	dma.local @!p0 [hbm:s6], $0xF7A  }
0x23: {  	s9 =	sor.u32 $0xD0000000, s2;
	s6 =	simm.s32 $0x108;
	_ =	swait.ge @!p0 [sflag:s8], $0x0  }
0x24: {  	s3 =	sadd.s32 $0x88, s3;
	s6 =	simm.s32 @!p1 $0x1082;
	[sflag:s4] =	ssyncset.s32 $0xFFFFF086  }
0x25: {  	[simem:s6], [sflag:s4] =	dma.local [hbm:s3], $0xF7A  }
0x26: {  	[smem:$0x3F9D] =	sst s1;
	(tag) =	ssettag s2;
	_ =	strace s9  }
0x27: {  	s1 =	sld [smem:$0x3FAD]  }
0x28: {  	s2 =	sld [smem:$0x3FAE]  }
0x29: {  	s4 =	sld [smem:$0x3FB0]  }
0x2a: {  	p0 =	seq.s32 s5, $0x0;
	s5 =	sld [smem:$0x3FB1]  }
0x2b: {  	s6 =	sld [smem:$0x3FB2]  }
0x2c: {  	s7 =	sld [smem:$0x3FB3]  }
0x2d: {  	s3 =	simm.s32 $0x108;
	s8 =	sld [smem:$0x3FB4]  }
0x2e: {  	s3 =	simm.s32 @!p0 $0x1082;
	s9 =	sld [smem:$0x3FB5]  }
0x2f: {  	lr =	sadd.s32 s0, s3;
	s0 =	sld [smem:$0x3FAC]  }
0x30: {  	s3 =	sld [smem:$0x3FAF]  }
0x31: {  	[smem:$0x3FB8] =	sst s10  }
0x32: {  	s10 =	sld [smem:$0x3FB6];
	_ =	sdelay $0x3  }
0x33: {  	p0 =	seq.s32 s10, $0x1;
	s10 =	sld [smem:$0x3FB8];
	_ =	sdelay $0x3  }
0x34: {  	[smem:$0x3FB8] =	sst s10  }
0x35: {  	s10 =	sld [smem:$0x3FB7];
	_ =	sdelay $0x3  }
0x36: {  	p1 =	seq.s32 s10, $0x1;
	s10 =	sld [smem:$0x3FB8];
	_ =	sdelay $0x3  }
0x37: {  	[smem:$0x3FB8] =	sst s10  }
0x38: {  	s10 =	sld [smem:$0x3FB9]  }
0x39: {  	_ = 	snop;
	(pc) =	sbr.ind lr, $3  }
0x3a: {  	_ = 	snop  }
0x3b: {  	_ = 	snop  }
0x3c: {  	p2 =	seq.s32 s10, $0x1;
	s10 =	sld [smem:$0x3FB8]  }
0x3d: {  	_ =	shalt  }
0x3e: {  	_ =	shalt  }
0x3f: {  	_ =	shalt  }
0x40: {  	_ =	shalt  }
0x41: {  	_ =	shalt  }
0x42: {  	_ =	shalt  }
0x43: {  	_ =	shalt  }
0x44: {  	_ =	shalt  }
0x45: {  	_ =	shalt  }
0x46: {  	_ =	shalt  }
0x47: {  	_ =	shalt  }
0x48: {  	_ =	shalt  }
0x49: {  	_ =	shalt  }
0x4a: {  	_ =	shalt  }
0x4b: {  	_ =	shalt  }
0x4c: {  	_ =	shalt  }
0x4d: {  	_ =	shalt  }
0x4e: {  	_ =	shalt  }
0x4f: {  	_ =	shalt  }
0x50: {  	_ =	shalt  }
0x51: {  	_ =	shalt  }
0x52: {  	_ =	shalt  }
0x53: {  	_ =	shalt  }
0x54: {  	_ =	shalt  }
0x55: {  	_ =	shalt  }
0x56: {  	_ =	shalt  }
0x57: {  	_ =	shalt  }
0x58: {  	_ =	shalt  }
0x59: {  	_ =	shalt  }
0x5a: {  	_ =	shalt  }
0x5b: {  	_ =	shalt  }
0x5c: {  	_ =	shalt  }
0x5d: {  	_ =	shalt  }
0x5e: {  	_ =	shalt  }
0x5f: {  	_ =	shalt  }
0x60: {  	_ =	shalt  }
0x61: {  	_ =	shalt  }
0x62: {  	_ =	shalt  }
0x63: {  	_ =	shalt  }
0x64: {  	_ =	shalt  }
0x65: {  	_ =	shalt  }
0x66: {  	_ =	shalt  }
0x67: {  	_ =	shalt  }
0x68: {  	_ =	shalt  }
0x69: {  	_ =	shalt  }
0x6a: {  	_ =	shalt  }
0x6b: {  	_ =	shalt  }
0x6c: {  	_ =	shalt  }
0x6d: {  	_ =	shalt  }
0x6e: {  	_ =	shalt  }
0x6f: {  	_ =	shalt  }
0x70: {  	_ =	shalt  }
0x71: {  	_ =	shalt  }
0x72: {  	_ =	shalt  }
0x73: {  	_ =	shalt  }
0x74: {  	_ =	shalt  }
0x75: {  	_ =	shalt  }
0x76: {  	_ =	shalt  }
0x77: {  	_ =	shalt  }
0x78: {  	_ =	shalt  }
0x79: {  	_ =	shalt  }
0x7a: {  	_ =	shalt  }
0x7b: {  	_ =	shalt  }
0x7c: {  	_ =	shalt  }
0x7d: {  	_ =	shalt  }
0x7e: {  	_ =	shalt  }
0x7f: {  	_ =	shalt  }
0x80: {  	_ =	shalt  }
0x81: {  	_ =	shalt  }
0x82: {  	_ =	shalt  }
0x83: {  	_ =	shalt  }
0x84: {  	_ =	shalt  }
0x85: {  	_ =	shalt  }
0x86: {  	_ =	shalt  }
0x87: {  	_ =	shalt  }
.Lfunc_end0:
.L_simem_size_0:
called_computation.3_lowered:
.L_overlay_start_0:
0x88: {  	s2 =	sld [smem:$0x3FD9]  }
0x89: {  	s3 =	sld [smem:$0x3FFE];
	_ =	sdelay $0x1  }
0x8a: {  	s1 =	srdreg.scid  }
0x8b: {  	s0 =	sand.u32 $0x1, s1  }
0x8c: {  	s17 =	sshll.u32 s0, $0xA;
	s2 =	sadd.s32 s3, s2  }
0x8d: {  	s2 =	sadd.s32 s2, s17  }
0x8e: {  	[smem:$0x3FC4] =	sst s2  }
0x8f: {  	_ = 	snop  }
0x90: {  	s2 =	sld [smem:$0x3FD0];
	(tm) =	ssettm $0x1  }
0x91: {  	s18 =	sld [smem:$0x3FFB];
	_ =	sdelay $0x3  }
0x92: {  	_ =	strace s18  }
0x93: {  	s3 =	sld [smem:$0x3FFC];
	_ =	sdelay $0x3  }
0x94: {  	_ =	strace s3  }
0x95: {  	s3 =	sld [smem:$0x3FFD];
	_ =	sdelay $0x3  }
0x96: {  	_ =	strace s3  }
0x97: {  	_ =	strace $0x8FFFFFFF  }
0x98: {  	s19 =	sld [smem:$0x3FDB];
	_ =	sdelay $0x1  }
0x99: {  	s4 =	simm.s32 $_scs_section_size  }
0x9a: {  	s5 =	simm.s32 $_size__tile_overlayer_lowered;
	s6 =	simm.s32 $_tile_overlayer_lowered  }
0x9b: {  	s22 =	simm.s32 $0x1BFF;
	s21 =	sshll.u32 s6, $0x1;
	s3 =	sadd.s32 s4, s19  }
0x9c: {  	s7 =	simm.s32 $0x0;
	s20 =	sshll.u32 s5, $0x1;
	s5 =	sadd.s32 s21, s3  }
0x9d: {  	[timem:s7], [sflag:s22] =	dma.local [hbm:s5], s20  }
0x9e: {  	_ =	swait.ge [sflag:s22], s20  }
0x9f: {  	s4 =	ssub.s32 $0x0, s20;
	[sflag:s22] =	ssyncset.done $0x0  }
0xa0: {  	[sflag:s22] =	ssyncadd.s32 s4;
	_ =	sdelay $0x1  }
0xa1: {  	s23 =	simm.s32 $0x1B8B  }
0xa2: {  	_ =	swait.ge [sflag:s23], $0x1  }
0xa3: {  	[sflag:s23] =	ssyncset.done $0x0  }
0xa4: {  	s25 =	simm.s32 $0x1B8E;
	s24 =	sld [smem:$0x3FFE];
	[sflag:s23] =	ssyncadd.s32 $0xFFFFFFFF  }
0xa5: {  	s26 =	simm.s32 $execute0_lowered;
	[smem:$0x3FD2] =	sst s25  }
0xa6: {  	s5 =	sshll.u32 s26, $0x1;
	_ =	strace $0x8000004F;
	[dreg:$0x1] =	wrdreg $0xFFFFFFFF  }
0xa7: {  	s28 =	simm.s32 $_size_execute0_lowered;
	s3 =	sadd.s32 s3, s5;
	[dreg:$0x0] =	wrdreg $0x0  }
0xa8: {  	s5 =	sshll.u32 s28, $0x1;
	[dreg:$0x2] =	wrdreg s3  }
0xa9: {  	[dreg:$0x3] =	wrdreg s5  }
0xaa: {  	[dreg:$0x4] =	wrdreg $0xC0  }
0xab: {  	_ =	task [dreg:s7], $0x5FFFF  }
0xac: {  	[dreg:$0x1] =	wrdreg $0xFFFFFFFF  }
0xad: {  	[dreg:$0x0] =	wrdreg $0x60  }
0xae: {  	[dreg:$0x2] =	wrdreg s24  }
0xaf: {  	[dreg:$0x3] =	wrdreg s2  }
0xb0: {  	[dreg:$0x4] =	wrdreg $0x9  }
0xb1: {  	_ =	task.clear_ibuf [dreg:s7], $0x5FFFF;
	_ =	strace $0x9000004F  }
0xb2: {  	s29 =	simm.s32 $0x9;
	_ =	strace $0x80000051  }
0xb3: {  	_ =	swait.ge [sflag:s29], $0x1  }
0xb4: {  	[sflag:s29] =	ssyncadd.s32 $0xFFFFFFFF  }
0xb5: {  	_ =	strace $0x90000051  }
0xb6: {  	_ =	sfence  }
0xb7: {  	s30 =	sld [smem:$0x0];
	_ =	sdelay $0x2  }
0xb8: {  	s31 =	sshll.u32 s1, $0xD;
	s1 =	sshrl.u32 s1, $0x2  }
0xb9: {  	s3 =	sand.u32 $0x4000, s31;
	s1 =	sadd.s32 s1, s30  }
0xba: {  	s0 =	sor.u32 s3, s0;
	s1 =	sshll.u32 s1, $0x11  }
0xbb: {  	s0 =	sor.u32 s1, s0  }
0xbc: {  	s0 =	sadd.s32 $0x8F2B, s0  }
0xbd: {  	[sflag:s0] =	ssyncadd.remote.s32 $0x1  }
0xbe: {  	_ =	sfence.sel $0xFFFF  }
0xbf: {  	[dreg:$0x0] =	wrdreg $0xFFFFFFFF;
	(pc) =	sbr.abs _section_cstart, $3  }
0xc0: {  	[dreg:$0x1] =	wrdreg $0xFFFFFFFF  }
0xc1: {  	_ =	task.clear_ibuf [dreg:s7], $0x2FFFF;
	_ =	strace $0x9FFFFFFF  }
0xc2: {  	(tm) =	ssettm $0x7FFFFFFF  }
0xc3: {  	_ =	shalt  }
tec
execute0_lowered:
.L_overlay_start_1:
0x0: {  	(tag) =	ssettag $0x1  }
0x1: {  	s0 =	rddreg [dreg:$0x0]  }
0x2: {  	s1 =	rddreg [dreg:$0x1];
	s2 =	srdreg.scid  }
0x3: {  	s4 =	stileid.u32;
	s12 =	simm.s32 $0x2;
	s14 =	simm.s32 $0x100  }
0x4: {  	s31 =	simm.s32 $0x1;
	s13 =	simm.s32 $0x9100;
	s15 =	simm.s32 $0x9900  }
0x5: {  	s16 =	simm.s32 $0xA900;
	s17 =	simm.s32 $0xB900;
	s18 =	simm.s32 $0xC100  }
0x6: {  	s19 =	simm.s32 $0xC900;
	s20 =	simm.s32 $0xD100;
	s21 =	simm.s32 $0xD900  }
0x7: {  	s22 =	simm.s32 $0xE100;
	s10 =	simm.s32 $0xE900;
	s23 =	simm.s32 $0xF100  }
0x8: {  	s11 =	simm.s32 $0xF900;
	s3 =	sand.u32 $0x1, s2;
	s2 =	simm.s32 $0x0  }
0x9: {  	s4 =	sshll.u32 s4, $0x7;
	s9 =	sadd.s32 $0x100D00, s0;
	s5 =	sshll.u32 s3, $0x6  }
0xa: {  	[smem:$0x7FF] =	sst s2;
	s24 =	ssub.s32 $0x2, s3;
	s3 =	sadd.s32 $0x100A00, s0  }
0xb: {  	s4 =	sor.u32 s5, s4;
	_ =	strace $0x80000050;
	s6 =	sshrl.u32 s24, $0x1  }
0xc: {  	s25 =	sshrl.u32 s4, $0x3;
	s5 =	ssub.s32 s24, s6;
	s4 =	sshll.u32 s4, $0x7  }
0xd: {  	s6 =	sadd.s32 $0x100B00, s0;
	s7 =	sadd.s32 s25, s0;
	s30 =	smax.u32 s5, $0x1  }
0xe: {  	s24 =	simm.s32 $0x0;
	s26 =	sadd.s32 $0x100800, s7;
	[dreg:$0x6] =	wrdreg s30  }
0xf: {  	v2 =	vlaneseq.u32;
	s8 =	sadd.s32 s1, s4;
	s28 =	sadd.s32 $0x100600, s7;
	[dreg:$0x3] =	wrdreg s26  }
0x10: {  	vm0 =	vmmov $0xffff;
	v1 =	vshrl.u32 v2, $0x3;
	s4 =	simm.s32 $0xA100;
	s29 =	sadd.s32 $0x1000, s8;
	[dreg:$0x4] =	wrdreg s28  }
0x11: {  	v0 =	vand.u32 $0x7, v2;
	v2 =	vor.u32 $0x8, v2;
	v1 =	vmul.u32 $0x8, v1;
	s5 =	simm.s32 $0xB100;
	s7 =	sadd.s32 $0x100C00, s0;
	[dreg:$0x5] =	wrdreg s29  }
.LBB2_1:
0x12: {  	s0 =	rddreg [dreg:$0x3]  }
0x13: {  	[tilespmem:s2], [sflag:$0x2] =	stream.linear.gather [hbm4b:s0+s2], $0x40, $0x38;
	[tilespmem:$0x10100] =	vst v63  }
0x14: {  	_ =	swait.ge [sflag:s12], $0x40  }
0x15: {  	[sflag:s12] =	ssyncset.done $0x0  }
0x16: {  	s1 =	simm.s32 $0x80;
	s26 =	rddreg [dreg:$0x4];
	[sflag:s12] =	ssyncadd.s32 $0xFFFFFFC0  }
0x17: {  	[tilespmem:s1], [sflag:$0x2] =	stream.linear.gather [hbm4b:s26+s2], $0x40, $0x38;
	[tilespmem:$0x10100] =	vst v63  }
0x18: {  	_ =	swait.ge [sflag:s12], $0x40  }
0x19: {  	[sflag:s12] =	ssyncset.done $0x0  }
0x1a: {  	[sflag:s12] =	ssyncadd.s32 $0xFFFFFFC0  }
0x1b: {  	v3 =	vld [tilespmem:$0x0];
	_ =	sdelay $0x4  }
0x1c: {  	v4 =	vshll.u32 v3, $0x3  }
0x1d: {  	v3 =	vand.u32 $0x7, v3;
	v4 =	vand.u32 $0xFFFFFFC0, v4  }
0x1e: {  	v3 =	vor.u32 v3, v4  }
0x1f: {  	v4 =	vperm.xlane v3, v0;
	_ =	sdelay $0x1  }
0x20: {  	v4 =	vadd.s32 v1, v4;
	_ =	sdelay $0x4  }
0x21: {  	[tilespmem:s14], [sflag:$0x1] =	stream.indirect_vreg.gather [hbm4b:s3+s2], $0x80, v4, vm0, $0xb8;
	[tilespmem:$0x10100] =	vst v63  }
0x22: {  	s30 =	simm.s32 $0x900;
	v3 =	vperm.xlane v3, v2  }
0x23: {  	[tilespmem:s30], [sflag:$0x1] =	stream.indirect_vreg.gather [hbm4b:s6+s2], $0x80, v4, vm0, $0xb8;
	[tilespmem:$0x10100] =	vst v63  }
0x24: {  	s1 =	simm.s32 $0x1100;
	v3 =	vadd.s32 v1, v3  }
0x25: {  	[tilespmem:s1], [sflag:$0x1] =	stream.indirect_vreg.gather [hbm4b:s7+s2], $0x80, v4, vm0, $0xb8;
	[tilespmem:$0x10100] =	vst v63  }
0x26: {  	s25 =	simm.s32 $0x1900  }
0x27: {  	[tilespmem:s25], [sflag:$0x1] =	stream.indirect_vreg.gather [hbm4b:s9+s2], $0x80, v4, vm0, $0xb8;
	[tilespmem:$0x10100] =	vst v63  }
0x28: {  	s26 =	simm.s32 $0x2100  }
0x29: {  	[tilespmem:s26], [sflag:$0x1] =	stream.indirect_vreg.gather [hbm4b:s3+s2], $0x80, v3, vm0, $0xb8;
	[tilespmem:$0x10100] =	vst v63  }
0x2a: {  	s30 =	simm.s32 $0x2900  }
0x2b: {  	[tilespmem:s30], [sflag:$0x1] =	stream.indirect_vreg.gather [hbm4b:s6+s2], $0x80, v3, vm0, $0xb8;
	[tilespmem:$0x10100] =	vst v63  }
0x2c: {  	s1 =	simm.s32 $0x3100  }
0x2d: {  	[tilespmem:s1], [sflag:$0x1] =	stream.indirect_vreg.gather [hbm4b:s7+s2], $0x80, v3, vm0, $0xb8;
	[tilespmem:$0x10100] =	vst v63  }
0x2e: {  	s25 =	simm.s32 $0x3900  }
0x2f: {  	[tilespmem:s25], [sflag:$0x1] =	stream.indirect_vreg.gather [hbm4b:s9+s2], $0x80, v3, vm0, $0xb8;
	[tilespmem:$0x10100] =	vst v63  }
0x30: {  	v3 =	vld [tilespmem:$0x10];
	_ =	sdelay $0x4  }
0x31: {  	v61 =	vshll.u32 v3, $0x3  }
0x32: {  	v3 =	vand.u32 $0x7, v3;
	v4 =	vand.u32 $0xFFFFFFC0, v61  }
0x33: {  	v3 =	vor.u32 v3, v4  }
0x34: {  	v4 =	vperm.xlane v3, v0;
	_ =	sdelay $0x1  }
0x35: {  	v4 =	vadd.s32 v1, v4;
	_ =	sdelay $0x3  }
0x36: {  	s26 =	simm.s32 $0x4100  }
0x37: {  	[tilespmem:s26], [sflag:$0x1] =	stream.indirect_vreg.gather [hbm4b:s3+s2], $0x80, v4, vm0, $0xb8;
	[tilespmem:$0x10100] =	vst v63  }
0x38: {  	s30 =	simm.s32 $0x4900;
	v3 =	vperm.xlane v3, v2  }
0x39: {  	[tilespmem:s30], [sflag:$0x1] =	stream.indirect_vreg.gather [hbm4b:s6+s2], $0x80, v4, vm0, $0xb8;
	[tilespmem:$0x10100] =	vst v63  }
0x3a: {  	s1 =	simm.s32 $0x5100;
	v3 =	vadd.s32 v1, v3  }
0x3b: {  	[tilespmem:s1], [sflag:$0x1] =	stream.indirect_vreg.gather [hbm4b:s7+s2], $0x80, v4, vm0, $0xb8;
	[tilespmem:$0x10100] =	vst v63  }
0x3c: {  	s25 =	simm.s32 $0x5900  }
0x3d: {  	[tilespmem:s25], [sflag:$0x1] =	stream.indirect_vreg.gather [hbm4b:s9+s2], $0x80, v4, vm0, $0xb8;
	[tilespmem:$0x10100] =	vst v63  }
0x3e: {  	s26 =	simm.s32 $0x6100  }
0x3f: {  	[tilespmem:s26], [sflag:$0x1] =	stream.indirect_vreg.gather [hbm4b:s3+s2], $0x80, v3, vm0, $0xb8;
	[tilespmem:$0x10100] =	vst v63  }
0x40: {  	s30 =	simm.s32 $0x6900  }
0x41: {  	[tilespmem:s30], [sflag:$0x1] =	stream.indirect_vreg.gather [hbm4b:s6+s2], $0x80, v3, vm0, $0xb8;
	[tilespmem:$0x10100] =	vst v63  }
0x42: {  	s1 =	simm.s32 $0x7100  }
0x43: {  	[tilespmem:s1], [sflag:$0x1] =	stream.indirect_vreg.gather [hbm4b:s7+s2], $0x80, v3, vm0, $0xb8;
	[tilespmem:$0x10100] =	vst v63  }
0x44: {  	s25 =	simm.s32 $0x7900  }
0x45: {  	[tilespmem:s25], [sflag:$0x1] =	stream.indirect_vreg.gather [hbm4b:s9+s2], $0x80, v3, vm0, $0xb8;
	[tilespmem:$0x10100] =	vst v63  }
0x46: {  	_ =	swait.ge [sflag:s31], $0x8000  }
0x47: {  	[sflag:s31] =	ssyncset.done $0x0  }
0x48: {  	[sflag:s31] =	ssyncadd.s32 $0xFFFF8000  }
0x49: {  	v3 =	vld [tilespmem:$0x80];
	_ =	sdelay $0x4  }
0x4a: {  	v62 =	vshll.u32 v3, $0x3  }
0x4b: {  	v3 =	vand.u32 $0x7, v3;
	v4 =	vand.u32 $0xFFFFFFC0, v62  }
0x4c: {  	v3 =	vor.u32 v3, v4  }
0x4d: {  	v4 =	vperm.xlane v3, v0;
	_ =	sdelay $0x1  }
0x4e: {  	v4 =	vadd.s32 v1, v4;
	_ =	sdelay $0x3  }
0x4f: {  	s26 =	simm.s32 $0x8100  }
0x50: {  	[tilespmem:s26], [sflag:$0x1] =	stream.indirect_vreg.gather [hbm4b:s3+s2], $0x80, v4, vm0, $0xb8;
	[tilespmem:$0x10100] =	vst v63  }
0x51: {  	s30 =	simm.s32 $0x8900;
	v3 =	vperm.xlane v3, v2  }
0x52: {  	[tilespmem:s30], [sflag:$0x1] =	stream.indirect_vreg.gather [hbm4b:s6+s2], $0x80, v4, vm0, $0xb8;
	[tilespmem:$0x10100] =	vst v63  }
0x53: {  	v3 =	vadd.s32 v1, v3  }
0x54: {  	[tilespmem:s13], [sflag:$0x1] =	stream.indirect_vreg.gather [hbm4b:s7+s2], $0x80, v4, vm0, $0xb8;
	[tilespmem:$0x10100] =	vst v63  }
0x55: {  	_ = 	snop  }
0x56: {  	[tilespmem:s15], [sflag:$0x1] =	stream.indirect_vreg.gather [hbm4b:s9+s2], $0x80, v4, vm0, $0xb8;
	[tilespmem:$0x10100] =	vst v63  }
0x57: {  	_ = 	snop  }
0x58: {  	[tilespmem:s4], [sflag:$0x1] =	stream.indirect_vreg.gather [hbm4b:s3+s2], $0x80, v3, vm0, $0xb8;
	[tilespmem:$0x10100] =	vst v63  }
0x59: {  	_ = 	snop  }
0x5a: {  	[tilespmem:s16], [sflag:$0x1] =	stream.indirect_vreg.gather [hbm4b:s6+s2], $0x80, v3, vm0, $0xb8;
	[tilespmem:$0x10100] =	vst v63  }
0x5b: {  	_ = 	snop  }
0x5c: {  	[tilespmem:s5], [sflag:$0x1] =	stream.indirect_vreg.gather [hbm4b:s7+s2], $0x80, v3, vm0, $0xb8;
	[tilespmem:$0x10100] =	vst v63  }
0x5d: {  	_ = 	snop  }
0x5e: {  	[tilespmem:s17], [sflag:$0x1] =	stream.indirect_vreg.gather [hbm4b:s9+s2], $0x80, v3, vm0, $0xb8;
	[tilespmem:$0x10100] =	vst v63  }
0x5f: {  	v3 =	vld [tilespmem:$0x90];
	_ =	sdelay $0x4  }
0x60: {  	v63 =	vshll.u32 v3, $0x3  }
0x61: {  	v3 =	vand.u32 $0x7, v3;
	v4 =	vand.u32 $0xFFFFFFC0, v63  }
0x62: {  	v3 =	vor.u32 v3, v4  }
0x63: {  	v4 =	vperm.xlane v3, v0;
	_ =	sdelay $0x1  }
0x64: {  	v4 =	vadd.s32 v1, v4;
	_ =	sdelay $0x4  }
0x65: {  	[tilespmem:s18], [sflag:$0x1] =	stream.indirect_vreg.gather [hbm4b:s3+s2], $0x80, v4, vm0, $0xb8;
	[tilespmem:$0x10100] =	vst v63  }
0x66: {  	v3 =	vperm.xlane v3, v2  }
0x67: {  	[tilespmem:s19], [sflag:$0x1] =	stream.indirect_vreg.gather [hbm4b:s6+s2], $0x80, v4, vm0, $0xb8;
	[tilespmem:$0x10100] =	vst v63  }
0x68: {  	v3 =	vadd.s32 v1, v3  }
0x69: {  	[tilespmem:s20], [sflag:$0x1] =	stream.indirect_vreg.gather [hbm4b:s7+s2], $0x80, v4, vm0, $0xb8;
	[tilespmem:$0x10100] =	vst v63  }
0x6a: {  	_ = 	snop  }
0x6b: {  	[tilespmem:s21], [sflag:$0x1] =	stream.indirect_vreg.gather [hbm4b:s9+s2], $0x80, v4, vm0, $0xb8;
	[tilespmem:$0x10100] =	vst v63  }
0x6c: {  	_ = 	snop  }
0x6d: {  	[tilespmem:s22], [sflag:$0x1] =	stream.indirect_vreg.gather [hbm4b:s3+s2], $0x80, v3, vm0, $0xb8;
	[tilespmem:$0x10100] =	vst v63  }
0x6e: {  	_ = 	snop  }
0x6f: {  	[tilespmem:s10], [sflag:$0x1] =	stream.indirect_vreg.gather [hbm4b:s6+s2], $0x80, v3, vm0, $0xb8;
	[tilespmem:$0x10100] =	vst v63  }
0x70: {  	_ = 	snop  }
0x71: {  	[tilespmem:s23], [sflag:$0x1] =	stream.indirect_vreg.gather [hbm4b:s7+s2], $0x80, v3, vm0, $0xb8;
	[tilespmem:$0x10100] =	vst v63  }
0x72: {  	_ = 	snop  }
0x73: {  	[tilespmem:s11], [sflag:$0x1] =	stream.indirect_vreg.gather [hbm4b:s9+s2], $0x80, v3, vm0, $0xb8;
	[tilespmem:$0x10100] =	vst v63  }
0x74: {  	_ =	swait.ge [sflag:s31], $0x8000  }
0x75: {  	s28 =	simm.s32 $0x0;
	s29 =	simm.s32 $0x0;
	[sflag:s31] =	ssyncset.done $0x0  }
0x76: {  	s25 =	simm.s32 $0xFFFF8000;
	s26 =	simm.s32 $0x0;
	[sflag:s31] =	ssyncadd.s32 $0xFFFF8000  }
.LBB2_2:
0x77: {  	s30 =	sadd.s32 $0x8000, s25  }
0x78: {  	s0 =	sand.u32 $0x380, s29;
	s30 =	sand.u32 $0x6000, s30  }
0x79: {  	s30 =	sor.u32 s0, s30  }
0x7a: {  	v3 =	vld [tilespmem:s30+$0x100]  }
0x7b: {  	v4 =	vld [tilespmem:s30+$0x8100]  }
0x7c: {  	v5 =	vld [tilespmem:s30+$0x110]  }
0x7d: {  	v6 =	vld [tilespmem:s30+$0x8110]  }
0x7e: {  	v7 =	vld [tilespmem:s30+$0x120]  }
0x7f: {  	v8 =	vld [tilespmem:s30+$0x8120]  }
0x80: {  	v9 =	vld [tilespmem:s30+$0x130]  }
0x81: {  	v10 =	vld [tilespmem:s30+$0x8130]  }
0x82: {  	v11 =	vld [tilespmem:s30+$0x140]  }
0x83: {  	v12 =	vld [tilespmem:s30+$0x8140]  }
0x84: {  	v13 =	vld [tilespmem:s30+$0x150]  }
0x85: {  	v14 =	vld [tilespmem:s30+$0x8150]  }
0x86: {  	v15 =	vld [tilespmem:s30+$0x160]  }
0x87: {  	v16 =	vld [tilespmem:s30+$0x8160]  }
0x88: {  	v17 =	vld [tilespmem:s30+$0x170]  }
0x89: {  	v18 =	vld [tilespmem:s30+$0x8170]  }
0x8a: {  	v19 =	vld [tilespmem:s30+$0x500]  }
0x8b: {  	v20 =	vld [tilespmem:s30+$0x8500]  }
0x8c: {  	v21 =	vld [tilespmem:s30+$0x510]  }
0x8d: {  	v22 =	vld [tilespmem:s30+$0x8510]  }
0x8e: {  	v23 =	vld [tilespmem:s30+$0x520]  }
0x8f: {  	v24 =	vld [tilespmem:s30+$0x8520]  }
0x90: {  	v25 =	vld [tilespmem:s30+$0x530]  }
0x91: {  	v26 =	vld [tilespmem:s30+$0x8530]  }
0x92: {  	v27 =	vld [tilespmem:s30+$0x540]  }
0x93: {  	v28 =	vld [tilespmem:s30+$0x8540]  }
0x94: {  	v29 =	vld [tilespmem:s30+$0x550]  }
0x95: {  	v30 =	vld [tilespmem:s30+$0x8550]  }
0x96: {  	v31 =	vld [tilespmem:s30+$0x560]  }
0x97: {  	v32 =	vld [tilespmem:s30+$0x8560]  }
0x98: {  	v33 =	vld [tilespmem:s30+$0x570]  }
0x99: {  	v34 =	vld [tilespmem:s30+$0x8570]  }
0x9a: {  	v35 =	vld [tilespmem:s30+$0x900]  }
0x9b: {  	v36 =	vld [tilespmem:s30+$0x8900]  }
0x9c: {  	v37 =	vld [tilespmem:s30+$0x910]  }
0x9d: {  	v38 =	vld [tilespmem:s30+$0x8910]  }
0x9e: {  	v39 =	vld [tilespmem:s30+$0x920]  }
0x9f: {  	v40 =	vld [tilespmem:s30+$0x8920]  }
0xa0: {  	v41 =	vld [tilespmem:s30+$0x930]  }
0xa1: {  	v42 =	vld [tilespmem:s30+$0x8930]  }
0xa2: {  	v43 =	vld [tilespmem:s30+$0x940]  }
0xa3: {  	v44 =	vld [tilespmem:s30+$0x8940]  }
0xa4: {  	v45 =	vld [tilespmem:s30+$0x950]  }
0xa5: {  	v46 =	vld [tilespmem:s30+$0x8950]  }
0xa6: {  	v47 =	vld [tilespmem:s30+$0x960]  }
0xa7: {  	v48 =	vld [tilespmem:s30+$0x8960]  }
0xa8: {  	v49 =	vld [tilespmem:s30+$0x970]  }
0xa9: {  	v50 =	vld [tilespmem:s30+$0x8970]  }
0xaa: {  	v51 =	vld [tilespmem:s30+$0xD00]  }
0xab: {  	v52 =	vld [tilespmem:s30+$0x8D00]  }
0xac: {  	v53 =	vld [tilespmem:s30+$0xD10]  }
0xad: {  	v54 =	vld [tilespmem:s30+$0x8D10]  }
0xae: {  	v55 =	vld [tilespmem:s30+$0xD20]  }
0xaf: {  	v56 =	vld [tilespmem:s30+$0x8D20]  }
0xb0: {  	v57 =	vld [tilespmem:s30+$0xD30]  }
0xb1: {  	v58 =	vld [tilespmem:s30+$0x8D30]  }
0xb2: {  	v59 =	vld [tilespmem:s30+$0xD40]  }
0xb3: {  	v60 =	vld [tilespmem:s30+$0x8D40]  }
0xb4: {  	v61 =	vld [tilespmem:s30+$0xD50]  }
0xb5: {  	v62 =	vld [tilespmem:s30+$0x8D50]  }
0xb6: {  	v63 =	vld [tilespmem:s30+$0xD60]  }
0xb7: {  	v3 =	vadd.f32 v4, v3;
	v4 =	vld [tilespmem:s30+$0x8D60]  }
0xb8: {  	v5 =	vadd.f32 v6, v5;
	v6 =	vld [tilespmem:s30+$0xD70]  }
0xb9: {  	v14 =	vadd.f32 v14, v13;
	v13 =	vld [tilespmem:s30+$0x9120];
	[tilespmem:s30+$0x100] =	vst v3;
	v3 =	vadd.f32 v8, v7  }
0xba: {  	v18 =	vadd.f32 v18, v17;
	v17 =	vld [tilespmem:s30+$0x9140];
	[tilespmem:s30+$0x110] =	vst v5  }
0xbb: {  	v22 =	vadd.f32 v22, v21;
	v21 =	vld [tilespmem:s30+$0x9160];
	[tilespmem:s30+$0x120] =	vst v3;
	v3 =	vadd.f32 v12, v11  }
0xbc: {  	v7 =	vld [tilespmem:s30+$0x8D70];
	[tilespmem:s30+$0x150] =	vst v14  }
0xbd: {  	v8 =	vld [tilespmem:s30+$0x1100];
	[tilespmem:s30+$0x140] =	vst v3;
	v3 =	vadd.f32 v16, v15  }
0xbe: {  	v5 =	vadd.f32 v10, v9;
	v9 =	vld [tilespmem:s30+$0x9100];
	[tilespmem:s30+$0x170] =	vst v18  }
0xbf: {  	v10 =	vld [tilespmem:s30+$0x1110];
	[tilespmem:s30+$0x160] =	vst v3;
	v3 =	vadd.f32 v20, v19  }
0xc0: {  	v26 =	vadd.f32 v26, v25;
	v14 =	vld [tilespmem:s30+$0x1130];
	[tilespmem:s30+$0x510] =	vst v22  }
0xc1: {  	v18 =	vld [tilespmem:s30+$0x1150];
	[tilespmem:s30+$0x500] =	vst v3;
	v3 =	vadd.f32 v24, v23  }
0xc2: {  	v30 =	vadd.f32 v30, v29;
	[tilespmem:s30+$0x530] =	vst v26;
	v22 =	vld [tilespmem:s30+$0x1170]  }
0xc3: {  	v19 =	vld [tilespmem:s30+$0x9150];
	[tilespmem:s30+$0x520] =	vst v3;
	v3 =	vadd.f32 v28, v27  }
0xc4: {  	v34 =	vadd.f32 v34, v33;
	[tilespmem:s30+$0x550] =	vst v30;
	v11 =	vld [tilespmem:s30+$0x9110]  }
0xc5: {  	v12 =	vld [tilespmem:s30+$0x1120];
	[tilespmem:s30+$0x540] =	vst v3;
	v3 =	vadd.f32 v32, v31  }
0xc6: {  	[tilespmem:s30+$0x570] =	vst v34;
	v15 =	vld [tilespmem:s30+$0x9130]  }
0xc7: {  	v16 =	vld [tilespmem:s30+$0x1140];
	[tilespmem:s30+$0x560] =	vst v3;
	v3 =	vadd.f32 v36, v35  }
0xc8: {  	[tilespmem:s30+$0x130] =	vst v5;
	v20 =	vld [tilespmem:s30+$0x1160];
	v19 =	vadd.f32 v19, v18  }
0xc9: {  	v24 =	vld [tilespmem:s30+$0x1500];
	[tilespmem:s30+$0x900] =	vst v3;
	v3 =	vadd.f32 v40, v39  }
0xca: {  	[tilespmem:s30+$0x1150] =	vst v19;
	v36 =	vadd.f32 v38, v37;
	v37 =	vld [tilespmem:s30+$0x9170]  }
0xcb: {  	v38 =	vadd.f32 v42, v41;
	v41 =	vld [tilespmem:s30+$0x1510];
	[tilespmem:s30+$0x920] =	vst v3;
	v3 =	vadd.f32 v44, v43  }
0xcc: {  	v42 =	vld [tilespmem:s30+$0x9510];
	[tilespmem:s30+$0x910] =	vst v36  }
0xcd: {  	v35 =	vld [tilespmem:s30+$0x1910];
	[tilespmem:s30+$0x940] =	vst v3;
	v3 =	vadd.f32 v48, v47  }
0xce: {  	v39 =	vld [tilespmem:s30+$0x9500];
	[tilespmem:s30+$0x930] =	vst v38;
	v40 =	vadd.f32 v46, v45  }
0xcf: {  	v45 =	vld [tilespmem:s30+$0x9520];
	[tilespmem:s30+$0x960] =	vst v3;
	v3 =	vadd.f32 v52, v51  }
0xd0: {  	v46 =	vadd.f32 v54, v53;
	v53 =	vld [tilespmem:s30+$0x1550];
	[tilespmem:s30+$0x950] =	vst v40  }
0xd1: {  	v54 =	vld [tilespmem:s30+$0x9550];
	[tilespmem:s30+$0xD00] =	vst v3;
	v3 =	vadd.f32 v56, v55  }
0xd2: {  	v36 =	vld [tilespmem:s30+$0x9910];
	v43 =	vadd.f32 v50, v49;
	[tilespmem:s30+$0xD10] =	vst v46  }
0xd3: {  	v38 =	vld [tilespmem:s30+$0x1920];
	[tilespmem:s30+$0xD20] =	vst v3;
	v3 =	vadd.f32 v60, v59  }
0xd4: {  	v44 =	vld [tilespmem:s30+$0x1520];
	v49 =	vadd.f32 v58, v57;
	[tilespmem:s30+$0x970] =	vst v43  }
0xd5: {  	v50 =	vld [tilespmem:s30+$0x1540];
	[tilespmem:s30+$0xD40] =	vst v3;
	v3 =	vadd.f32 v4, v63  }
0xd6: {  	v57 =	vld [tilespmem:s30+$0x9560];
	v58 =	vadd.f32 v11, v10;
	[tilespmem:s30+$0xD30] =	vst v49  }
0xd7: {  	v46 =	vld [tilespmem:s30+$0x9950];
	[tilespmem:s30+$0xD60] =	vst v3;
	v3 =	vadd.f32 v9, v8  }
0xd8: {  	v37 =	vadd.f32 v37, v22;
	v40 =	vadd.f32 v42, v41;
	v41 =	vld [tilespmem:s30+$0x1930];
	[tilespmem:s30+$0x1110] =	vst v58  }
0xd9: {  	v42 =	vld [tilespmem:s30+$0x9930];
	[tilespmem:s30+$0x1100] =	vst v3;
	v3 =	vadd.f32 v13, v12  }
0xda: {  	v47 =	vld [tilespmem:s30+$0x1530];
	[tilespmem:s30+$0x1170] =	vst v37  }
0xdb: {  	v48 =	vld [tilespmem:s30+$0x9530];
	[tilespmem:s30+$0x1120] =	vst v3;
	v3 =	vadd.f32 v17, v16  }
0xdc: {  	v49 =	vld [tilespmem:s30+$0x9960];
	[tilespmem:s30+$0x1510] =	vst v40;
	v52 =	vadd.f32 v62, v61  }
0xdd: {  	v51 =	vld [tilespmem:s30+$0x9540];
	[tilespmem:s30+$0x1140] =	vst v3;
	v3 =	vadd.f32 v21, v20  }
0xde: {  	v61 =	vadd.f32 v15, v14;
	v62 =	vld [tilespmem:s30+$0x1900];
	[tilespmem:s30+$0xD50] =	vst v52  }
0xdf: {  	v56 =	vld [tilespmem:s30+$0x1560];
	[tilespmem:s30+$0x1160] =	vst v3;
	v3 =	vadd.f32 v39, v24  }
0xe0: {  	v55 =	vadd.f32 v7, v6;
	[tilespmem:s30+$0x1130] =	vst v61;
	v52 =	vld [tilespmem:s30+$0x9970]  }
0xe1: {  	v43 =	vadd.f32 v48, v47;
	v47 =	vld [tilespmem:s30+$0x1960];
	[tilespmem:s30+$0x1500] =	vst v3;
	v3 =	vadd.f32 v45, v44  }
0xe2: {  	[tilespmem:s30+$0xD70] =	vst v55;
	v63 =	vld [tilespmem:s30+$0x9900]  }
0xe3: {  	v59 =	vld [tilespmem:s30+$0x1570];
	[tilespmem:s30+$0x1520] =	vst v3;
	v3 =	vadd.f32 v51, v50  }
0xe4: {  	[tilespmem:s30+$0x1530] =	vst v43;
	v4 =	vadd.f32 v54, v53;
	v39 =	vld [tilespmem:s30+$0x9920]  }
0xe5: {  	v60 =	vld [tilespmem:s30+$0x9570];
	[tilespmem:s30+$0x1540] =	vst v3;
	v3 =	vadd.f32 v57, v56  }
0xe6: {  	v54 =	vadd.f32 v42, v41;
	[tilespmem:s30+$0x1550] =	vst v4;
	v45 =	vld [tilespmem:s30+$0x1950]  }
0xe7: {  	v53 =	vld [tilespmem:s30+$0x9940];
	[tilespmem:s30+$0x1560] =	vst v3;
	v3 =	vadd.f32 v63, v62  }
0xe8: {  	[tilespmem:s30+$0x1930] =	vst v54;
	v55 =	vadd.f32 v49, v47;
	v50 =	vld [tilespmem:s30+$0x1970]  }
0xe9: {  	v44 =	vld [tilespmem:s30+$0x1940];
	[tilespmem:s30+$0x1900] =	vst v3;
	v3 =	vadd.f32 v39, v38  }
0xea: {  	v48 =	vadd.f32 v60, v59;
	[tilespmem:s30+$0x1960] =	vst v55  }
0xeb: {  	[tilespmem:s30+$0x1920] =	vst v3;
	v3 =	vadd.f32 v46, v45  }
0xec: {  	s1 =	sand.u32 $0x7, s26;
	[tilespmem:s30+$0x1570] =	vst v48;
	v51 =	vadd.f32 v36, v35  }
0xed: {  	s0 =	sshll.u32 s1, $0x7;
	[tilespmem:s30+$0x1950] =	vst v3;
	v3 =	vadd.f32 v52, v50  }
0xee: {  	s0 =	sadd.s32 s0, s28;
	[tilespmem:s30+$0x1910] =	vst v51;
	v56 =	vadd.f32 v53, v44  }
0xef: {  	s1 =	sor.u32 $0x1C00, s0;
	[tilespmem:s30+$0x1970] =	vst v3  }
0xf0: {  	[tilespmem:s30+$0x1940] =	vst v56;
	v3 =	vld [tilespmem:s1+$0x100]  }
0xf1: {  	v4 =	vld [tilespmem:s1+$0x8100];
	_ =	sdelay $0x4  }
0xf2: {  	v3 =	vadd.f32 v4, v3;
	_ =	sdelay $0x1  }
0xf3: {  	s30 =	sor.u32 $0x1C10, s0;
	[tilespmem:s1+$0x100] =	vst v3  }
0xf4: {  	v3 =	vld [tilespmem:s30+$0x100]  }
0xf5: {  	v57 =	vld [tilespmem:s30+$0x8100];
	_ =	sdelay $0x4  }
0xf6: {  	v3 =	vadd.f32 v57, v3;
	_ =	sdelay $0x1  }
0xf7: {  	[tilespmem:s30+$0x100] =	vst v3;
	s30 =	sor.u32 $0x1C20, s0  }
0xf8: {  	v3 =	vld [tilespmem:s30+$0x100]  }
0xf9: {  	v58 =	vld [tilespmem:s30+$0x8100];
	_ =	sdelay $0x4  }
0xfa: {  	v3 =	vadd.f32 v58, v3;
	_ =	sdelay $0x1  }
0xfb: {  	[tilespmem:s30+$0x100] =	vst v3;
	s30 =	sor.u32 $0x1C30, s0  }
0xfc: {  	v3 =	vld [tilespmem:s30+$0x100]  }
0xfd: {  	v59 =	vld [tilespmem:s30+$0x8100];
	_ =	sdelay $0x4  }
0xfe: {  	v3 =	vadd.f32 v59, v3;
	_ =	sdelay $0x1  }
0xff: {  	[tilespmem:s30+$0x100] =	vst v3;
	s30 =	sor.u32 $0x1C40, s0  }
0x100: {  	v3 =	vld [tilespmem:s30+$0x100]  }
0x101: {  	v60 =	vld [tilespmem:s30+$0x8100];
	_ =	sdelay $0x4  }
0x102: {  	v3 =	vadd.f32 v60, v3;
	_ =	sdelay $0x1  }
0x103: {  	[tilespmem:s30+$0x100] =	vst v3;
	s30 =	sor.u32 $0x1C50, s0  }
0x104: {  	v3 =	vld [tilespmem:s30+$0x100]  }
0x105: {  	v61 =	vld [tilespmem:s30+$0x8100];
	_ =	sdelay $0x4  }
0x106: {  	v3 =	vadd.f32 v61, v3;
	_ =	sdelay $0x1  }
0x107: {  	[tilespmem:s30+$0x100] =	vst v3;
	s30 =	sor.u32 $0x1C60, s0  }
0x108: {  	v3 =	vld [tilespmem:s30+$0x100]  }
0x109: {  	v62 =	vld [tilespmem:s30+$0x8100];
	_ =	sdelay $0x4  }
0x10a: {  	v3 =	vadd.f32 v62, v3;
	_ =	sdelay $0x1  }
0x10b: {  	s0 =	sor.u32 $0x1C70, s0;
	[tilespmem:s30+$0x100] =	vst v3  }
0x10c: {  	v3 =	vld [tilespmem:s0+$0x100]  }
0x10d: {  	v63 =	vld [tilespmem:s0+$0x8100];
	_ =	sdelay $0x1  }
0x10e: {  	p0 =	sne.s32 s29, $0xF80  }
.Ltmp0:
0x10f: {  	_ = 	snop;
	(pc) =	sbr.rel @p0 .LBB2_2-.Ltmp0, $4  }
0x110: {  	_ = 	snop  }
0x111: {  	v3 =	vadd.f32 v63, v3  }
0x112: {  	s26 =	sadd.s32 $0x1, s26  }
0x113: {  	s25 =	sadd.s32 $0x400, s25;
	s29 =	sadd.s32 $0x80, s29;
	s28 =	sadd.s32 $0x400, s28;
	[tilespmem:s0+$0x100] =	vst v3  }
0x114: {  	s25 =	simm.s32 $0x0  }
0x115: {  	[hbm4b:s8+s25] =	stream.linear.scatter [tilespmem:s14], [sflag:$0x2], $0x8000, $0x38;
	[tilespmem:$0x10100] =	vst v63  }
0x116: {  	_ =	swait.ge [sflag:s12], $0x8000  }
0x117: {  	[sflag:s12] =	ssyncset.done $0x0  }
0x118: {  	[sflag:s12] =	ssyncadd.s32 $0xFFFF8000  }
0x119: {  	v3 =	vld [tilespmem:$0x20];
	_ =	sdelay $0x4  }
0x11a: {  	v4 =	vshll.u32 v3, $0x3  }
0x11b: {  	v3 =	vand.u32 $0x7, v3;
	v4 =	vand.u32 $0xFFFFFFC0, v4  }
0x11c: {  	v3 =	vor.u32 v3, v4  }
0x11d: {  	v4 =	vperm.xlane v3, v0;
	_ =	sdelay $0x1  }
0x11e: {  	v4 =	vadd.s32 v1, v4;
	_ =	sdelay $0x4  }
0x11f: {  	[tilespmem:s14], [sflag:$0x1] =	stream.indirect_vreg.gather [hbm4b:s3+s25], $0x80, v4, vm0, $0xb8;
	[tilespmem:$0x10100] =	vst v63  }
0x120: {  	s0 =	simm.s32 $0x900;
	v3 =	vperm.xlane v3, v2  }
0x121: {  	[tilespmem:s0], [sflag:$0x1] =	stream.indirect_vreg.gather [hbm4b:s6+s25], $0x80, v4, vm0, $0xb8;
	[tilespmem:$0x10100] =	vst v63  }
0x122: {  	s30 =	simm.s32 $0x1100;
	v3 =	vadd.s32 v1, v3  }
0x123: {  	[tilespmem:s30], [sflag:$0x1] =	stream.indirect_vreg.gather [hbm4b:s7+s25], $0x80, v4, vm0, $0xb8;
	[tilespmem:$0x10100] =	vst v63  }
0x124: {  	s1 =	simm.s32 $0x1900  }
0x125: {  	[tilespmem:s1], [sflag:$0x1] =	stream.indirect_vreg.gather [hbm4b:s9+s25], $0x80, v4, vm0, $0xb8;
	[tilespmem:$0x10100] =	vst v63  }
0x126: {  	s26 =	simm.s32 $0x2100  }
0x127: {  	[tilespmem:s26], [sflag:$0x1] =	stream.indirect_vreg.gather [hbm4b:s3+s25], $0x80, v3, vm0, $0xb8;
	[tilespmem:$0x10100] =	vst v63  }
0x128: {  	s30 =	simm.s32 $0x2900  }
0x129: {  	[tilespmem:s30], [sflag:$0x1] =	stream.indirect_vreg.gather [hbm4b:s6+s25], $0x80, v3, vm0, $0xb8;
	[tilespmem:$0x10100] =	vst v63  }
0x12a: {  	s1 =	simm.s32 $0x3100  }
0x12b: {  	[tilespmem:s1], [sflag:$0x1] =	stream.indirect_vreg.gather [hbm4b:s7+s25], $0x80, v3, vm0, $0xb8;
	[tilespmem:$0x10100] =	vst v63  }
0x12c: {  	s26 =	simm.s32 $0x3900  }
0x12d: {  	[tilespmem:s26], [sflag:$0x1] =	stream.indirect_vreg.gather [hbm4b:s9+s25], $0x80, v3, vm0, $0xb8;
	[tilespmem:$0x10100] =	vst v63  }
0x12e: {  	v3 =	vld [tilespmem:$0x30];
	_ =	sdelay $0x4  }
0x12f: {  	v61 =	vshll.u32 v3, $0x3  }
0x130: {  	v3 =	vand.u32 $0x7, v3;
	v4 =	vand.u32 $0xFFFFFFC0, v61  }
0x131: {  	v3 =	vor.u32 v3, v4  }
0x132: {  	v4 =	vperm.xlane v3, v0;
	_ =	sdelay $0x1  }
0x133: {  	v4 =	vadd.s32 v1, v4;
	_ =	sdelay $0x3  }
0x134: {  	s30 =	simm.s32 $0x4100  }
0x135: {  	[tilespmem:s30], [sflag:$0x1] =	stream.indirect_vreg.gather [hbm4b:s3+s25], $0x80, v4, vm0, $0xb8;
	[tilespmem:$0x10100] =	vst v63  }
0x136: {  	s1 =	simm.s32 $0x4900;
	v3 =	vperm.xlane v3, v2  }
0x137: {  	[tilespmem:s1], [sflag:$0x1] =	stream.indirect_vreg.gather [hbm4b:s6+s25], $0x80, v4, vm0, $0xb8;
	[tilespmem:$0x10100] =	vst v63  }
0x138: {  	s26 =	simm.s32 $0x5100;
	v3 =	vadd.s32 v1, v3  }
0x139: {  	[tilespmem:s26], [sflag:$0x1] =	stream.indirect_vreg.gather [hbm4b:s7+s25], $0x80, v4, vm0, $0xb8;
	[tilespmem:$0x10100] =	vst v63  }
0x13a: {  	s30 =	simm.s32 $0x5900  }
0x13b: {  	[tilespmem:s30], [sflag:$0x1] =	stream.indirect_vreg.gather [hbm4b:s9+s25], $0x80, v4, vm0, $0xb8;
	[tilespmem:$0x10100] =	vst v63  }
0x13c: {  	s1 =	simm.s32 $0x6100  }
0x13d: {  	[tilespmem:s1], [sflag:$0x1] =	stream.indirect_vreg.gather [hbm4b:s3+s25], $0x80, v3, vm0, $0xb8;
	[tilespmem:$0x10100] =	vst v63  }
0x13e: {  	s26 =	simm.s32 $0x6900  }
0x13f: {  	[tilespmem:s26], [sflag:$0x1] =	stream.indirect_vreg.gather [hbm4b:s6+s25], $0x80, v3, vm0, $0xb8;
	[tilespmem:$0x10100] =	vst v63  }
0x140: {  	s30 =	simm.s32 $0x7100  }
0x141: {  	[tilespmem:s30], [sflag:$0x1] =	stream.indirect_vreg.gather [hbm4b:s7+s25], $0x80, v3, vm0, $0xb8;
	[tilespmem:$0x10100] =	vst v63  }
0x142: {  	s1 =	simm.s32 $0x7900  }
0x143: {  	[tilespmem:s1], [sflag:$0x1] =	stream.indirect_vreg.gather [hbm4b:s9+s25], $0x80, v3, vm0, $0xb8;
	[tilespmem:$0x10100] =	vst v63  }
0x144: {  	_ =	swait.ge [sflag:s31], $0x8000  }
0x145: {  	[sflag:s31] =	ssyncset.done $0x0  }
0x146: {  	[sflag:s31] =	ssyncadd.s32 $0xFFFF8000  }
0x147: {  	v3 =	vld [tilespmem:$0xA0];
	_ =	sdelay $0x4  }
0x148: {  	v62 =	vshll.u32 v3, $0x3  }
0x149: {  	v3 =	vand.u32 $0x7, v3;
	v4 =	vand.u32 $0xFFFFFFC0, v62  }
0x14a: {  	v3 =	vor.u32 v3, v4  }
0x14b: {  	v4 =	vperm.xlane v3, v0;
	_ =	sdelay $0x1  }
0x14c: {  	v4 =	vadd.s32 v1, v4;
	_ =	sdelay $0x3  }
0x14d: {  	s26 =	simm.s32 $0x8100  }
0x14e: {  	[tilespmem:s26], [sflag:$0x1] =	stream.indirect_vreg.gather [hbm4b:s3+s25], $0x80, v4, vm0, $0xb8;
	[tilespmem:$0x10100] =	vst v63  }
0x14f: {  	s30 =	simm.s32 $0x8900;
	v3 =	vperm.xlane v3, v2  }
0x150: {  	[tilespmem:s30], [sflag:$0x1] =	stream.indirect_vreg.gather [hbm4b:s6+s25], $0x80, v4, vm0, $0xb8;
	[tilespmem:$0x10100] =	vst v63  }
0x151: {  	v3 =	vadd.s32 v1, v3  }
0x152: {  	[tilespmem:s13], [sflag:$0x1] =	stream.indirect_vreg.gather [hbm4b:s7+s25], $0x80, v4, vm0, $0xb8;
	[tilespmem:$0x10100] =	vst v63  }
0x153: {  	_ = 	snop  }
0x154: {  	[tilespmem:s15], [sflag:$0x1] =	stream.indirect_vreg.gather [hbm4b:s9+s25], $0x80, v4, vm0, $0xb8;
	[tilespmem:$0x10100] =	vst v63  }
0x155: {  	_ = 	snop  }
0x156: {  	[tilespmem:s4], [sflag:$0x1] =	stream.indirect_vreg.gather [hbm4b:s3+s25], $0x80, v3, vm0, $0xb8;
	[tilespmem:$0x10100] =	vst v63  }
0x157: {  	_ = 	snop  }
0x158: {  	[tilespmem:s16], [sflag:$0x1] =	stream.indirect_vreg.gather [hbm4b:s6+s25], $0x80, v3, vm0, $0xb8;
	[tilespmem:$0x10100] =	vst v63  }
0x159: {  	_ = 	snop  }
0x15a: {  	[tilespmem:s5], [sflag:$0x1] =	stream.indirect_vreg.gather [hbm4b:s7+s25], $0x80, v3, vm0, $0xb8;
	[tilespmem:$0x10100] =	vst v63  }
0x15b: {  	_ = 	snop  }
0x15c: {  	[tilespmem:s17], [sflag:$0x1] =	stream.indirect_vreg.gather [hbm4b:s9+s25], $0x80, v3, vm0, $0xb8;
	[tilespmem:$0x10100] =	vst v63  }
0x15d: {  	v3 =	vld [tilespmem:$0xB0];
	_ =	sdelay $0x4  }
0x15e: {  	v63 =	vshll.u32 v3, $0x3  }
0x15f: {  	v3 =	vand.u32 $0x7, v3;
	v4 =	vand.u32 $0xFFFFFFC0, v63  }
0x160: {  	v3 =	vor.u32 v3, v4  }
0x161: {  	v4 =	vperm.xlane v3, v0;
	_ =	sdelay $0x1  }
0x162: {  	v4 =	vadd.s32 v1, v4;
	_ =	sdelay $0x4  }
0x163: {  	[tilespmem:s18], [sflag:$0x1] =	stream.indirect_vreg.gather [hbm4b:s3+s25], $0x80, v4, vm0, $0xb8;
	[tilespmem:$0x10100] =	vst v63  }
0x164: {  	v3 =	vperm.xlane v3, v2  }
0x165: {  	[tilespmem:s19], [sflag:$0x1] =	stream.indirect_vreg.gather [hbm4b:s6+s25], $0x80, v4, vm0, $0xb8;
	[tilespmem:$0x10100] =	vst v63  }
0x166: {  	v3 =	vadd.s32 v1, v3  }
0x167: {  	[tilespmem:s20], [sflag:$0x1] =	stream.indirect_vreg.gather [hbm4b:s7+s25], $0x80, v4, vm0, $0xb8;
	[tilespmem:$0x10100] =	vst v63  }
0x168: {  	_ = 	snop  }
0x169: {  	[tilespmem:s21], [sflag:$0x1] =	stream.indirect_vreg.gather [hbm4b:s9+s25], $0x80, v4, vm0, $0xb8;
	[tilespmem:$0x10100] =	vst v63  }
0x16a: {  	_ = 	snop  }
0x16b: {  	[tilespmem:s22], [sflag:$0x1] =	stream.indirect_vreg.gather [hbm4b:s3+s25], $0x80, v3, vm0, $0xb8;
	[tilespmem:$0x10100] =	vst v63  }
0x16c: {  	_ = 	snop  }
0x16d: {  	[tilespmem:s10], [sflag:$0x1] =	stream.indirect_vreg.gather [hbm4b:s6+s25], $0x80, v3, vm0, $0xb8;
	[tilespmem:$0x10100] =	vst v63  }
0x16e: {  	_ = 	snop  }
0x16f: {  	[tilespmem:s23], [sflag:$0x1] =	stream.indirect_vreg.gather [hbm4b:s7+s25], $0x80, v3, vm0, $0xb8;
	[tilespmem:$0x10100] =	vst v63  }
0x170: {  	_ = 	snop  }
0x171: {  	[tilespmem:s11], [sflag:$0x1] =	stream.indirect_vreg.gather [hbm4b:s9+s25], $0x80, v3, vm0, $0xb8;
	[tilespmem:$0x10100] =	vst v63  }
0x172: {  	_ =	swait.ge [sflag:s31], $0x8000  }
0x173: {  	s28 =	simm.s32 $0x0;
	[sflag:s31] =	ssyncset.done $0x0  }
0x174: {  	s29 =	simm.s32 $0x0;
	s26 =	simm.s32 $0xFFFF8000;
	[sflag:s31] =	ssyncadd.s32 $0xFFFF8000  }
.LBB2_4:
0x175: {  	s0 =	sadd.s32 $0x8000, s26  }
0x176: {  	s1 =	sand.u32 $0x380, s29;
	s0 =	sand.u32 $0x6000, s0  }
0x177: {  	s30 =	sor.u32 s1, s0  }
0x178: {  	v3 =	vld [tilespmem:s30+$0x100]  }
0x179: {  	v4 =	vld [tilespmem:s30+$0x8100]  }
0x17a: {  	v5 =	vld [tilespmem:s30+$0x110]  }
0x17b: {  	v6 =	vld [tilespmem:s30+$0x8110]  }
0x17c: {  	v7 =	vld [tilespmem:s30+$0x120]  }
0x17d: {  	v8 =	vld [tilespmem:s30+$0x8120]  }
0x17e: {  	v9 =	vld [tilespmem:s30+$0x130]  }
0x17f: {  	v10 =	vld [tilespmem:s30+$0x8130]  }
0x180: {  	v11 =	vld [tilespmem:s30+$0x140]  }
0x181: {  	v12 =	vld [tilespmem:s30+$0x8140]  }
0x182: {  	v13 =	vld [tilespmem:s30+$0x150]  }
0x183: {  	v14 =	vld [tilespmem:s30+$0x8150]  }
0x184: {  	v15 =	vld [tilespmem:s30+$0x160]  }
0x185: {  	v16 =	vld [tilespmem:s30+$0x8160]  }
0x186: {  	v17 =	vld [tilespmem:s30+$0x170]  }
0x187: {  	v18 =	vld [tilespmem:s30+$0x8170]  }
0x188: {  	v19 =	vld [tilespmem:s30+$0x500]  }
0x189: {  	v20 =	vld [tilespmem:s30+$0x8500]  }
0x18a: {  	v21 =	vld [tilespmem:s30+$0x510]  }
0x18b: {  	v22 =	vld [tilespmem:s30+$0x8510]  }
0x18c: {  	v23 =	vld [tilespmem:s30+$0x520]  }
0x18d: {  	v24 =	vld [tilespmem:s30+$0x8520]  }
0x18e: {  	v25 =	vld [tilespmem:s30+$0x530]  }
0x18f: {  	v26 =	vld [tilespmem:s30+$0x8530]  }
0x190: {  	v27 =	vld [tilespmem:s30+$0x540]  }
0x191: {  	v28 =	vld [tilespmem:s30+$0x8540]  }
0x192: {  	v29 =	vld [tilespmem:s30+$0x550]  }
0x193: {  	v30 =	vld [tilespmem:s30+$0x8550]  }
0x194: {  	v31 =	vld [tilespmem:s30+$0x560]  }
0x195: {  	v32 =	vld [tilespmem:s30+$0x8560]  }
0x196: {  	v33 =	vld [tilespmem:s30+$0x570]  }
0x197: {  	v34 =	vld [tilespmem:s30+$0x8570]  }
0x198: {  	v35 =	vld [tilespmem:s30+$0x900]  }
0x199: {  	v36 =	vld [tilespmem:s30+$0x8900]  }
0x19a: {  	v37 =	vld [tilespmem:s30+$0x910]  }
0x19b: {  	v38 =	vld [tilespmem:s30+$0x8910]  }
0x19c: {  	v39 =	vld [tilespmem:s30+$0x920]  }
0x19d: {  	v40 =	vld [tilespmem:s30+$0x8920]  }
0x19e: {  	v41 =	vld [tilespmem:s30+$0x930]  }
0x19f: {  	v42 =	vld [tilespmem:s30+$0x8930]  }
0x1a0: {  	v43 =	vld [tilespmem:s30+$0x940]  }
0x1a1: {  	v44 =	vld [tilespmem:s30+$0x8940]  }
0x1a2: {  	v45 =	vld [tilespmem:s30+$0x950]  }
0x1a3: {  	v46 =	vld [tilespmem:s30+$0x8950]  }
0x1a4: {  	v47 =	vld [tilespmem:s30+$0x960]  }
0x1a5: {  	v48 =	vld [tilespmem:s30+$0x8960]  }
0x1a6: {  	v49 =	vld [tilespmem:s30+$0x970]  }
0x1a7: {  	v50 =	vld [tilespmem:s30+$0x8970]  }
0x1a8: {  	v51 =	vld [tilespmem:s30+$0xD00]  }
0x1a9: {  	v52 =	vld [tilespmem:s30+$0x8D00]  }
0x1aa: {  	v53 =	vld [tilespmem:s30+$0xD10]  }
0x1ab: {  	v54 =	vld [tilespmem:s30+$0x8D10]  }
0x1ac: {  	v55 =	vld [tilespmem:s30+$0xD20]  }
0x1ad: {  	v56 =	vld [tilespmem:s30+$0x8D20]  }
0x1ae: {  	v57 =	vld [tilespmem:s30+$0xD30]  }
0x1af: {  	v58 =	vld [tilespmem:s30+$0x8D30]  }
0x1b0: {  	v59 =	vld [tilespmem:s30+$0xD40]  }
0x1b1: {  	v60 =	vld [tilespmem:s30+$0x8D40]  }
0x1b2: {  	v61 =	vld [tilespmem:s30+$0xD50]  }
0x1b3: {  	v62 =	vld [tilespmem:s30+$0x8D50]  }
0x1b4: {  	v63 =	vld [tilespmem:s30+$0xD60]  }
0x1b5: {  	v3 =	vadd.f32 v4, v3;
	v4 =	vld [tilespmem:s30+$0x8D60]  }
0x1b6: {  	v5 =	vadd.f32 v6, v5;
	v6 =	vld [tilespmem:s30+$0xD70]  }
0x1b7: {  	v14 =	vadd.f32 v14, v13;
	v13 =	vld [tilespmem:s30+$0x9120];
	[tilespmem:s30+$0x100] =	vst v3;
	v3 =	vadd.f32 v8, v7  }
0x1b8: {  	v18 =	vadd.f32 v18, v17;
	v17 =	vld [tilespmem:s30+$0x9140];
	[tilespmem:s30+$0x110] =	vst v5  }
0x1b9: {  	v22 =	vadd.f32 v22, v21;
	v21 =	vld [tilespmem:s30+$0x9160];
	[tilespmem:s30+$0x120] =	vst v3;
	v3 =	vadd.f32 v12, v11  }
0x1ba: {  	v7 =	vld [tilespmem:s30+$0x8D70];
	[tilespmem:s30+$0x150] =	vst v14  }
0x1bb: {  	v8 =	vld [tilespmem:s30+$0x1100];
	[tilespmem:s30+$0x140] =	vst v3;
	v3 =	vadd.f32 v16, v15  }
0x1bc: {  	v5 =	vadd.f32 v10, v9;
	v9 =	vld [tilespmem:s30+$0x9100];
	[tilespmem:s30+$0x170] =	vst v18  }
0x1bd: {  	v10 =	vld [tilespmem:s30+$0x1110];
	[tilespmem:s30+$0x160] =	vst v3;
	v3 =	vadd.f32 v20, v19  }
0x1be: {  	v26 =	vadd.f32 v26, v25;
	v14 =	vld [tilespmem:s30+$0x1130];
	[tilespmem:s30+$0x510] =	vst v22  }
0x1bf: {  	v18 =	vld [tilespmem:s30+$0x1150];
	[tilespmem:s30+$0x500] =	vst v3;
	v3 =	vadd.f32 v24, v23  }
0x1c0: {  	v30 =	vadd.f32 v30, v29;
	[tilespmem:s30+$0x530] =	vst v26;
	v22 =	vld [tilespmem:s30+$0x1170]  }
0x1c1: {  	v19 =	vld [tilespmem:s30+$0x9150];
	[tilespmem:s30+$0x520] =	vst v3;
	v3 =	vadd.f32 v28, v27  }
0x1c2: {  	v34 =	vadd.f32 v34, v33;
	[tilespmem:s30+$0x550] =	vst v30;
	v11 =	vld [tilespmem:s30+$0x9110]  }
0x1c3: {  	v12 =	vld [tilespmem:s30+$0x1120];
	[tilespmem:s30+$0x540] =	vst v3;
	v3 =	vadd.f32 v32, v31  }
0x1c4: {  	[tilespmem:s30+$0x570] =	vst v34;
	v15 =	vld [tilespmem:s30+$0x9130]  }
0x1c5: {  	v16 =	vld [tilespmem:s30+$0x1140];
	[tilespmem:s30+$0x560] =	vst v3;
	v3 =	vadd.f32 v36, v35  }
0x1c6: {  	[tilespmem:s30+$0x130] =	vst v5;
	v20 =	vld [tilespmem:s30+$0x1160];
	v19 =	vadd.f32 v19, v18  }
0x1c7: {  	v24 =	vld [tilespmem:s30+$0x1500];
	[tilespmem:s30+$0x900] =	vst v3;
	v3 =	vadd.f32 v40, v39  }
0x1c8: {  	[tilespmem:s30+$0x1150] =	vst v19;
	v36 =	vadd.f32 v38, v37;
	v37 =	vld [tilespmem:s30+$0x9170]  }
0x1c9: {  	v38 =	vadd.f32 v42, v41;
	v41 =	vld [tilespmem:s30+$0x1510];
	[tilespmem:s30+$0x920] =	vst v3;
	v3 =	vadd.f32 v44, v43  }
0x1ca: {  	v42 =	vld [tilespmem:s30+$0x9510];
	[tilespmem:s30+$0x910] =	vst v36  }
0x1cb: {  	v35 =	vld [tilespmem:s30+$0x1910];
	[tilespmem:s30+$0x940] =	vst v3;
	v3 =	vadd.f32 v48, v47  }
0x1cc: {  	v39 =	vld [tilespmem:s30+$0x9500];
	[tilespmem:s30+$0x930] =	vst v38;
	v40 =	vadd.f32 v46, v45  }
0x1cd: {  	v45 =	vld [tilespmem:s30+$0x9520];
	[tilespmem:s30+$0x960] =	vst v3;
	v3 =	vadd.f32 v52, v51  }
0x1ce: {  	v46 =	vadd.f32 v54, v53;
	v53 =	vld [tilespmem:s30+$0x1550];
	[tilespmem:s30+$0x950] =	vst v40  }
0x1cf: {  	v54 =	vld [tilespmem:s30+$0x9550];
	[tilespmem:s30+$0xD00] =	vst v3;
	v3 =	vadd.f32 v56, v55  }
0x1d0: {  	v36 =	vld [tilespmem:s30+$0x9910];
	v43 =	vadd.f32 v50, v49;
	[tilespmem:s30+$0xD10] =	vst v46  }
0x1d1: {  	v38 =	vld [tilespmem:s30+$0x1920];
	[tilespmem:s30+$0xD20] =	vst v3;
	v3 =	vadd.f32 v60, v59  }
0x1d2: {  	v44 =	vld [tilespmem:s30+$0x1520];
	v49 =	vadd.f32 v58, v57;
	[tilespmem:s30+$0x970] =	vst v43  }
0x1d3: {  	v50 =	vld [tilespmem:s30+$0x1540];
	[tilespmem:s30+$0xD40] =	vst v3;
	v3 =	vadd.f32 v4, v63  }
0x1d4: {  	v57 =	vld [tilespmem:s30+$0x9560];
	v58 =	vadd.f32 v11, v10;
	[tilespmem:s30+$0xD30] =	vst v49  }
0x1d5: {  	v46 =	vld [tilespmem:s30+$0x9950];
	[tilespmem:s30+$0xD60] =	vst v3;
	v3 =	vadd.f32 v9, v8  }
0x1d6: {  	v37 =	vadd.f32 v37, v22;
	v40 =	vadd.f32 v42, v41;
	v41 =	vld [tilespmem:s30+$0x1930];
	[tilespmem:s30+$0x1110] =	vst v58  }
0x1d7: {  	v42 =	vld [tilespmem:s30+$0x9930];
	[tilespmem:s30+$0x1100] =	vst v3;
	v3 =	vadd.f32 v13, v12  }
0x1d8: {  	v47 =	vld [tilespmem:s30+$0x1530];
	[tilespmem:s30+$0x1170] =	vst v37  }
0x1d9: {  	v48 =	vld [tilespmem:s30+$0x9530];
	[tilespmem:s30+$0x1120] =	vst v3;
	v3 =	vadd.f32 v17, v16  }
0x1da: {  	v49 =	vld [tilespmem:s30+$0x9960];
	[tilespmem:s30+$0x1510] =	vst v40;
	v52 =	vadd.f32 v62, v61  }
0x1db: {  	v51 =	vld [tilespmem:s30+$0x9540];
	[tilespmem:s30+$0x1140] =	vst v3;
	v3 =	vadd.f32 v21, v20  }
0x1dc: {  	v61 =	vadd.f32 v15, v14;
	v62 =	vld [tilespmem:s30+$0x1900];
	[tilespmem:s30+$0xD50] =	vst v52  }
0x1dd: {  	v56 =	vld [tilespmem:s30+$0x1560];
	[tilespmem:s30+$0x1160] =	vst v3;
	v3 =	vadd.f32 v39, v24  }
0x1de: {  	v55 =	vadd.f32 v7, v6;
	[tilespmem:s30+$0x1130] =	vst v61;
	v52 =	vld [tilespmem:s30+$0x9970]  }
0x1df: {  	v43 =	vadd.f32 v48, v47;
	v47 =	vld [tilespmem:s30+$0x1960];
	[tilespmem:s30+$0x1500] =	vst v3;
	v3 =	vadd.f32 v45, v44  }
0x1e0: {  	[tilespmem:s30+$0xD70] =	vst v55;
	v63 =	vld [tilespmem:s30+$0x9900]  }
0x1e1: {  	v59 =	vld [tilespmem:s30+$0x1570];
	[tilespmem:s30+$0x1520] =	vst v3;
	v3 =	vadd.f32 v51, v50  }
0x1e2: {  	[tilespmem:s30+$0x1530] =	vst v43;
	v4 =	vadd.f32 v54, v53;
	v39 =	vld [tilespmem:s30+$0x9920]  }
0x1e3: {  	v60 =	vld [tilespmem:s30+$0x9570];
	[tilespmem:s30+$0x1540] =	vst v3;
	v3 =	vadd.f32 v57, v56  }
0x1e4: {  	v54 =	vadd.f32 v42, v41;
	[tilespmem:s30+$0x1550] =	vst v4;
	v45 =	vld [tilespmem:s30+$0x1950]  }
0x1e5: {  	v53 =	vld [tilespmem:s30+$0x9940];
	[tilespmem:s30+$0x1560] =	vst v3;
	v3 =	vadd.f32 v63, v62  }
0x1e6: {  	[tilespmem:s30+$0x1930] =	vst v54;
	v55 =	vadd.f32 v49, v47;
	v50 =	vld [tilespmem:s30+$0x1970]  }
0x1e7: {  	v44 =	vld [tilespmem:s30+$0x1940];
	[tilespmem:s30+$0x1900] =	vst v3;
	v3 =	vadd.f32 v39, v38  }
0x1e8: {  	v48 =	vadd.f32 v60, v59;
	[tilespmem:s30+$0x1960] =	vst v55  }
0x1e9: {  	[tilespmem:s30+$0x1920] =	vst v3;
	v3 =	vadd.f32 v46, v45  }
0x1ea: {  	s1 =	sand.u32 $0x7, s25;
	[tilespmem:s30+$0x1570] =	vst v48;
	v51 =	vadd.f32 v36, v35  }
0x1eb: {  	s0 =	sshll.u32 s1, $0x7;
	[tilespmem:s30+$0x1950] =	vst v3;
	v3 =	vadd.f32 v52, v50  }
0x1ec: {  	s0 =	sadd.s32 s0, s28;
	[tilespmem:s30+$0x1910] =	vst v51;
	v56 =	vadd.f32 v53, v44  }
0x1ed: {  	s1 =	sor.u32 $0x1C00, s0;
	[tilespmem:s30+$0x1970] =	vst v3  }
0x1ee: {  	[tilespmem:s30+$0x1940] =	vst v56;
	v3 =	vld [tilespmem:s1+$0x100]  }
0x1ef: {  	v4 =	vld [tilespmem:s1+$0x8100];
	_ =	sdelay $0x4  }
0x1f0: {  	v3 =	vadd.f32 v4, v3;
	_ =	sdelay $0x1  }
0x1f1: {  	s30 =	sor.u32 $0x1C10, s0;
	[tilespmem:s1+$0x100] =	vst v3  }
0x1f2: {  	v3 =	vld [tilespmem:s30+$0x100]  }
0x1f3: {  	v57 =	vld [tilespmem:s30+$0x8100];
	_ =	sdelay $0x4  }
0x1f4: {  	v3 =	vadd.f32 v57, v3;
	_ =	sdelay $0x1  }
0x1f5: {  	[tilespmem:s30+$0x100] =	vst v3;
	s30 =	sor.u32 $0x1C20, s0  }
0x1f6: {  	v3 =	vld [tilespmem:s30+$0x100]  }
0x1f7: {  	v58 =	vld [tilespmem:s30+$0x8100];
	_ =	sdelay $0x4  }
0x1f8: {  	v3 =	vadd.f32 v58, v3;
	_ =	sdelay $0x1  }
0x1f9: {  	[tilespmem:s30+$0x100] =	vst v3;
	s30 =	sor.u32 $0x1C30, s0  }
0x1fa: {  	v3 =	vld [tilespmem:s30+$0x100]  }
0x1fb: {  	v59 =	vld [tilespmem:s30+$0x8100];
	_ =	sdelay $0x4  }
0x1fc: {  	v3 =	vadd.f32 v59, v3;
	_ =	sdelay $0x1  }
0x1fd: {  	[tilespmem:s30+$0x100] =	vst v3;
	s30 =	sor.u32 $0x1C40, s0  }
0x1fe: {  	v3 =	vld [tilespmem:s30+$0x100]  }
0x1ff: {  	v60 =	vld [tilespmem:s30+$0x8100];
	_ =	sdelay $0x4  }
0x200: {  	v3 =	vadd.f32 v60, v3;
	_ =	sdelay $0x1  }
0x201: {  	[tilespmem:s30+$0x100] =	vst v3;
	s30 =	sor.u32 $0x1C50, s0  }
0x202: {  	v3 =	vld [tilespmem:s30+$0x100]  }
0x203: {  	v61 =	vld [tilespmem:s30+$0x8100];
	_ =	sdelay $0x4  }
0x204: {  	v3 =	vadd.f32 v61, v3;
	_ =	sdelay $0x1  }
0x205: {  	[tilespmem:s30+$0x100] =	vst v3;
	s30 =	sor.u32 $0x1C60, s0  }
0x206: {  	v3 =	vld [tilespmem:s30+$0x100]  }
0x207: {  	v62 =	vld [tilespmem:s30+$0x8100];
	_ =	sdelay $0x4  }
0x208: {  	v3 =	vadd.f32 v62, v3;
	_ =	sdelay $0x1  }
0x209: {  	s0 =	sor.u32 $0x1C70, s0;
	[tilespmem:s30+$0x100] =	vst v3  }
0x20a: {  	v3 =	vld [tilespmem:s0+$0x100]  }
0x20b: {  	v63 =	vld [tilespmem:s0+$0x8100];
	_ =	sdelay $0x1  }
0x20c: {  	p0 =	sne.s32 s29, $0xF80  }
.Ltmp1:
0x20d: {  	_ = 	snop;
	(pc) =	sbr.rel @p0 .LBB2_4-.Ltmp1, $4  }
0x20e: {  	_ = 	snop  }
0x20f: {  	v3 =	vadd.f32 v63, v3  }
0x210: {  	s26 =	sadd.s32 $0x400, s26  }
0x211: {  	s29 =	sadd.s32 $0x80, s29;
	s25 =	sadd.s32 $0x1, s25;
	s28 =	sadd.s32 $0x400, s28;
	[tilespmem:s0+$0x100] =	vst v3  }
0x212: {  	s0 =	rddreg [dreg:$0x5]  }
0x213: {  	[hbm4b:s0+s2] =	stream.linear.scatter [tilespmem:s14], [sflag:$0x2], $0x8000, $0x38;
	[tilespmem:$0x10100] =	vst v63  }
0x214: {  	_ =	swait.ge [sflag:s12], $0x8000  }
0x215: {  	s24 =	sadd.s32 $0x1, s24;
	s30 =	rddreg [dreg:$0x6]  }
0x216: {  	p0 =	sne.s32 s24, s30  }
.Ltmp2:
0x217: {  	_ = 	snop;
	(pc) =	sbr.rel @p0 .LBB2_1-.Ltmp2, $3  }
0x218: {  	_ =	sdelay $0x1  }
0x219: {  	[sflag:s12] =	ssyncset.done $0x0  }
0x21a: {  	[sflag:s12] =	ssyncadd.s32 $0xFFFF8000  }
0x21b: {  	_ =	sfence.sel $0x180000  }
0x21c: {  	[bflag:$0x0] =	sbarrier.arrive $0xFFFF  }
0x21d: {  	_ =	strace $0x90000050  }
0x21e: {  	s0 =	stileid.u32;
	[bflag:$0x2] =	sbarrier.arrive $0xFFFF  }
0x21f: {  	p0 =	sne.s32 s0, $0x0;
	s0 =	rddreg [dreg:$0x2]  }
0x220: {  	s0 =	sadd.s32 @!p0 $0x100000, s0  }
0x221: {  	[sflag:s0] =	ssyncadd.tile.s32 @!p0 $0x1;
	_ =	shalt  }
.Lfunc_end2:
_tile_overlayer_lowered:
.L_overlay_start_2:
0x222: {  	(tag) =	ssettag $0x2  }
0x223: {  	s0 =	rddreg [dreg:$0x0];
	s2 =	stileid.u32  }
0x224: {  	s1 =	rddreg [dreg:$0x1];
	p0 =	sne.s32 s2, $0x0  }
0x225: {  	s3 =	rddreg [dreg:$0x2];
	[bflag:$0x3] =	sbarrier.arrive $0xFFFF;
	s2 =	simm.s32 @!p0 $0x1C02  }
0x226: {  	[timem:s3], [sflag:s2] =	dma.local @!p0 [hbm:s0], s1  }
0x227: {  	s0 =	simm.s32 @!p0 $0x2  }
0x228: {  	_ =	swait.ge @!p0 [sflag:s0], s1  }
0x229: {  	s1 =	ssub.s32 @!p0 $0x0, s1;
	[sflag:s0] =	ssyncset.done @!p0 $0x0  }
0x22a: {  	[sflag:s0] =	ssyncadd.s32 @!p0 s1  }
0x22b: {  	[bflag:$0x3] =	sbarrier.arrive $0xFFFF  }
0x22c: {  	_ =	shalt  }

</sc_bundles>
